<compile_context>
chip_gen: v7x
topology: tpu7x:2x2x1
jax: 0.10.2.dev20260603
libtpu: 0.0.44.dev20260713+nightly
codegen_flags: <defaults>
</compile_context>

<pallas_src>
import jax
import jax.numpy as jnp
from jax import lax
from jax.experimental import pallas as pl
from jax.experimental.pallas import tpu as pltpu
from jax.experimental.pallas import tpu_sc as plsc

N = 10000
E = 320000
D = 128
DE = 16
G = 256
H = 128

NC = 2
NS = 16
NW = NC * NS
EP = E // NW
CW = 80
NCH = EP // CW
EB = 2000
NB = EP // EB
SB = EB // CW
XCH = N // CW


def _sc_segment_sums(x, col, edge_attr, batch2d):
    mesh = plsc.VectorSubcoreMesh(core_axis_name="c", subcore_axis_name="s")

    XK = (XCH + NW - 1) // NW

    def body(x_hbm, col_hbm, ea_hbm, batch2_hbm,
             node_out, edge_out,
             acc_node, acc_edge,
             batch_2, col_v, seg_v, ebuf, xbuf, zrow, zrow_e,
             blsem, clsem, elsem, essem, xlsem, xssem):
        cid = lax.axis_index("c")
        sid = lax.axis_index("s")
        wid = cid * NS + sid

        def eload(b, p, sem):
            return pltpu.make_async_copy(
                ea_hbm.at[pl.ds(wid * EP + b * EB, EB)], ebuf.at[p], sem)

        def xload(k, p, sem):
            c = wid + NW * k
            off = pl.multiple_of(c * CW, CW)
            return pltpu.make_async_copy(x_hbm.at[pl.ds(off, CW)],
                                         xbuf.at[p], sem)

        pltpu.async_copy(batch2_hbm, batch_2, blsem)
        pltpu.async_copy(col_hbm.at[pl.ds(wid * EP, EP)], col_v, clsem)
        for b in range(2):
            eload(b, b, elsem.at[b]).start()
        for k in range(2):
            xload(k, k, xlsem.at[k]).start()

        z16 = jnp.zeros((16,), jnp.float32)
        for r in range(16):
            for o in range(D // 16):
                zrow[r, pl.ds(o * 16, 16)] = z16
            zrow_e[r, pl.ds(0, DE)] = z16
        pltpu.sync_copy(zrow, acc_node.at[pl.ds(sid * 16, 16)])
        pltpu.sync_copy(zrow_e, acc_edge.at[pl.ds(sid * 16, 16)])

        pltpu.make_async_copy(batch2_hbm, batch_2, blsem).wait()
        pltpu.make_async_copy(col_hbm.at[pl.ds(wid * EP, EP)], col_v,
                              clsem).wait()

        def seg_body(r, carry):
            for o in range(CW // 16):
                cv = col_v[pl.ds(pl.multiple_of(r * CW + o * 16, 16), 16)]
                sv = plsc.load_gather(batch_2, [cv // CW, cv % CW])
                seg_v[r, pl.ds(o * 16, 16)] = sv
            return carry
        lax.fori_loop(0, NCH, seg_body, 0)

        plsc.subcore_barrier()

        for b in range(NB):
            p = b % 2
            eload(b, p, elsem.at[p]).wait()

            def sc_fire(s, carry):
                off = pl.multiple_of(s * CW, CW)
                pltpu.async_copy(ebuf.at[p, pl.ds(off, CW)],
                                 acc_edge.at[seg_v.at[b * SB + s]],
                                 essem.at[p], add=True)
                return carry
            lax.fori_loop(0, SB, sc_fire, 0)

            def sc_drain(s, carry):
                off = pl.multiple_of(s * CW, CW)
                pltpu.make_async_copy(ebuf.at[p, pl.ds(off, CW)],
                                      acc_edge.at[seg_v.at[b * SB + s]],
                                      essem.at[p]).wait()
                return carry
            lax.fori_loop(0, SB, sc_drain, 0)
            if b + 2 < NB:
                eload(b + 2, p, elsem.at[p]).start()

        for k in range(XK):
            p = k % 2
            c = wid + NW * k

            @pl.when(c < XCH)
            def _():
                xload(k, p, xlsem.at[p]).wait()
                pltpu.async_copy(xbuf.at[p], acc_node.at[batch_2.at[c]],
                                 xssem.at[p], add=True)
                pltpu.make_async_copy(xbuf.at[p], acc_node.at[batch_2.at[c]],
                                      xssem.at[p]).wait()
            if k + 2 < XK:

                @pl.when(wid + NW * (k + 2) < XCH)
                def _():
                    xload(k + 2, p, xlsem.at[p]).start()

        plsc.subcore_barrier()

        pltpu.sync_copy(acc_node.at[pl.ds(sid * 16, 16)],
                        node_out.at[cid, pl.ds(sid * 16, 16)])
        pltpu.sync_copy(acc_edge.at[pl.ds(sid * 16, 16)],
                        edge_out.at[cid, pl.ds(sid * 16, 16)])

    f = pl.kernel(
        body,
        out_type=(jax.ShapeDtypeStruct((NC, G, D), jnp.float32),
                  jax.ShapeDtypeStruct((NC, G, DE), jnp.float32)),
        mesh=mesh,
        compiler_params=pltpu.CompilerParams(needs_layout_passes=False,
                                             use_tc_tiling_on_sc=False),
        scratch_types=[
            pltpu.VMEM_SHARED((G, D), jnp.float32),
            pltpu.VMEM_SHARED((G, DE), jnp.float32),
            pltpu.VMEM((XCH, CW), jnp.int32),
            pltpu.VMEM((EP,), jnp.int32),
            pltpu.VMEM((NCH, CW), jnp.int32),
            pltpu.VMEM((2, EB, DE), jnp.float32),
            pltpu.VMEM((2, CW, D), jnp.float32),
            pltpu.VMEM((16, D), jnp.float32),
            pltpu.VMEM((16, DE), jnp.float32),
            pltpu.SemaphoreType.DMA,
            pltpu.SemaphoreType.DMA,
            pltpu.SemaphoreType.DMA((2,)),
            pltpu.SemaphoreType.DMA((2,)),
            pltpu.SemaphoreType.DMA((2,)),
            pltpu.SemaphoreType.DMA((2,)),
        ],
    )
    return f(x, col, edge_attr, batch2d)


def _tc_mlp(node_part, edge_part, W1n, W1e, b1, g1, be1, W2, b2, g2, be2,
            W3, b3):
    def body(np_ref, ep_ref, w1n_ref, w1e_ref, b1_ref, g1_ref, be1_ref,
             w2_ref, b2_ref, g2_ref, be2_ref, w3_ref, b3_ref, o_ref):
        na = np_ref[0] + np_ref[1]
        ea = ep_ref[0] + ep_ref[1]
        h = jnp.dot(na, w1n_ref[...], preferred_element_type=jnp.float32)
        h = h + jnp.dot(ea, w1e_ref[...], preferred_element_type=jnp.float32)
        h = h + b1_ref[...]
        h = jnp.where(h >= 0, h, 0.01 * h)
        mean = jnp.mean(h, axis=0, keepdims=True)
        var = jnp.mean((h - mean) ** 2, axis=0, keepdims=True)
        h = (h - mean) / jnp.sqrt(var + 1e-5) * g1_ref[...] + be1_ref[...]
        h = jnp.dot(h, w2_ref[...], preferred_element_type=jnp.float32)
        h = h + b2_ref[...]
        h = jnp.where(h >= 0, h, 0.01 * h)
        mean = jnp.mean(h, axis=0, keepdims=True)
        var = jnp.mean((h - mean) ** 2, axis=0, keepdims=True)
        h = (h - mean) / jnp.sqrt(var + 1e-5) * g2_ref[...] + be2_ref[...]
        h = jnp.dot(h, w3_ref[...], preferred_element_type=jnp.float32)
        o_ref[...] = h + b3_ref[...]

    return pl.pallas_call(
        body,
        out_shape=jax.ShapeDtypeStruct((G, H), jnp.float32),
    )(node_part, edge_part, W1n, W1e, b1, g1, be1, W2, b2, g2, be2, W3, b3)


def kernel(x, edge_index, edge_attr, u, batch, W1, b1, g1, be1, W2, b2, g2,
           be2, W3, b3):
    del u
    col = edge_index[1]
    batch2d = batch.reshape(XCH, CW)
    node_part, edge_part = _sc_segment_sums(x, col, edge_attr, batch2d)
    return _tc_mlp(node_part, edge_part,
                   W1[:D], W1[D:],
                   b1.reshape(1, H), g1.reshape(1, H), be1.reshape(1, H),
                   W2, b2.reshape(1, H), g2.reshape(1, H), be2.reshape(1, H),
                   W3, b3.reshape(1, H))

# --- scband reference (transcript-rebuilt; emitter-appended) ---
"""Pipeline reference for scband-global-model-24275155157632 (READ-ONLY COPY).

The authoritative reference and input builder live on the scoring server;
editing this copy changes nothing except your own understanding.
"""

import jax, jax.numpy as jnp
import numpy as np

N = 10000
E = 320000
D = 128
DE = 16
G = 256
H = 128
OUT = 128


def _xavier(key, fan_in, fan_out):
    limit = float(np.sqrt(6.0 / (fan_in + fan_out)))
    return jax.random.uniform(key, (fan_in, fan_out), dtype=jnp.float32, minval=-limit, maxval=limit)


def setup_inputs(seed: int = 0) -> dict:
    key = jax.random.key(seed)
    ks = jax.random.split(key, 8)
    x = jax.random.normal(ks[0], (N, D), dtype=jnp.float32)
    edge_index = jax.random.randint(ks[1], (2, E), 0, N, dtype=jnp.int32)
    edge_attr = jax.random.normal(ks[2], (E, DE), dtype=jnp.float32)
    u = jax.random.normal(ks[3], (G, 128), dtype=jnp.float32)
    batch = jnp.sort(jax.random.randint(ks[4], (N,), 0, G, dtype=jnp.int32))
    W1 = _xavier(ks[5], D + DE, H)
    b1 = jnp.full((H,), 0.01, dtype=jnp.float32)
    g1 = jnp.ones((H,), dtype=jnp.float32)
    be1 = jnp.zeros((H,), dtype=jnp.float32)
    W2 = _xavier(ks[6], H, H)
    b2 = jnp.full((H,), 0.01, dtype=jnp.float32)
    g2 = jnp.ones((H,), dtype=jnp.float32)
    be2 = jnp.zeros((H,), dtype=jnp.float32)
    W3 = _xavier(ks[7], H, OUT)
    b3 = jnp.full((OUT,), 0.01, dtype=jnp.float32)
    return {"x": x, "edge_index": edge_index, "edge_attr": edge_attr, "u": u, "batch": batch,
            "W1": W1, "b1": b1, "g1": g1, "be1": be1,
            "W2": W2, "b2": b2, "g2": g2, "be2": be2,
            "W3": W3, "b3": b3}


def _leaky_relu(h):
    return jnp.where(h >= 0, h, 0.01 * h)


def _batchnorm(h, gamma, beta, eps=1e-5):
    mean = jnp.mean(h, axis=0, keepdims=True)
    var = jnp.mean((h - mean) ** 2, axis=0, keepdims=True)
    return (h - mean) / jnp.sqrt(var + eps) * gamma + beta


def reference(x, edge_index, edge_attr, u, batch, W1, b1, g1, be1, W2, b2, g2, be2, W3, b3):
    col = edge_index[1]
    node_aggregate = jax.ops.segment_sum(x, batch, num_segments=G)
    edge_aggregate = jax.ops.segment_sum(edge_attr, batch[col], num_segments=G)
    out = jnp.concatenate([node_aggregate, edge_aggregate], axis=1)
    h = out @ W1 + b1
    h = _leaky_relu(h)
    h = _batchnorm(h, g1, be1)
    h = h @ W2 + b2
    h = _leaky_relu(h)
    h = _batchnorm(h, g2, be2)
    h = h @ W3 + b3
    return h

if __name__ == "__main__":
    import jax
    _d = setup_inputs()
    print(jax.jit(kernel)(*tuple(_d.values())))

</pallas_src>

<mosaic_0001>
#map = affine_map<(d0, d1) -> (0, 0)>
#map1 = affine_map<(d0, d1) -> (0)>
#map2 = affine_map<(d0, d1) -> (0, 0, 0)>
module attributes {stable_mosaic.version = 14 : i64} {
  func.func @body(%arg0: i32, %arg1: i32, %arg2: memref<10000x128xf32, #tpu.memory_space<hbm>>, %arg3: memref<320000xi32, #tpu.memory_space<hbm>>, %arg4: memref<320000x16xf32, #tpu.memory_space<hbm>>, %arg5: memref<125x80xi32, #tpu.memory_space<hbm>>, %arg6: memref<2x256x128xf32, #tpu.memory_space<hbm>>, %arg7: memref<2x256x16xf32, #tpu.memory_space<hbm>>, %arg8: memref<256x128xf32, #tpu.memory_space<vmem_shared>>, %arg9: memref<256x16xf32, #tpu.memory_space<vmem_shared>>, %arg10: memref<125x80xi32, #tpu.memory_space<vmem>>, %arg11: memref<10000xi32, #tpu.memory_space<vmem>>, %arg12: memref<125x80xi32, #tpu.memory_space<vmem>>, %arg13: memref<2x2000x16xf32, #tpu.memory_space<vmem>>, %arg14: memref<2x80x128xf32, #tpu.memory_space<vmem>>, %arg15: memref<16x128xf32, #tpu.memory_space<vmem>>, %arg16: memref<16x16xf32, #tpu.memory_space<vmem>>, %arg17: memref<!tpu.dma_semaphore, #tpu.memory_space<semaphore_mem>>, %arg18: memref<!tpu.dma_semaphore, #tpu.memory_space<semaphore_mem>>, %arg19: memref<2x!tpu.dma_semaphore, #tpu.memory_space<semaphore_mem>>, %arg20: memref<2x!tpu.dma_semaphore, #tpu.memory_space<semaphore_mem>>, %arg21: memref<2x!tpu.dma_semaphore, #tpu.memory_space<semaphore_mem>>, %arg22: memref<2x!tpu.dma_semaphore, #tpu.memory_space<semaphore_mem>>) attributes {dimension_semantics = [#tpu.dimension_semantics<core_parallel>, #tpu.dimension_semantics<subcore_parallel>], iteration_bounds = array<i64: 2, 16>, scalar_prefetch = 0 : i64, scratch_operands = 15 : i64, tpu.core_type = #tpu.core_type<sc_vector_subcore>, window_params = [{transform_indices = #map}, {transform_indices = #map1}, {transform_indices = #map}, {transform_indices = #map}, {transform_indices = #map2}, {transform_indices = #map2}]} {
    %mul3A = arith.constant 16 : i32
    %mul3A_0 = arith.muli %arg0, %mul3A : i32
    %add3A = arith.addi %mul3A_0, %arg1 : i32
    tpu.enqueue_dma source(%arg5 : memref<125x80xi32, #tpu.memory_space<hbm>>) target(%arg10 : memref<125x80xi32, #tpu.memory_space<vmem>>) target_semaphore(%arg17 : memref<!tpu.dma_semaphore, #tpu.memory_space<semaphore_mem>>)
    %mul3A_1 = arith.constant 10000 : i32
    %mul3A_2 = arith.muli %add3A, %mul3A_1 : i32
    %dma_start3A = tpu.memref_slice %arg3[%mul3A_2] : memref<320000xi32, #tpu.memory_space<hbm>> -> memref<10000xi32, #tpu.memory_space<hbm>>
    %dma_start3A_3 = tpu.memref_slice %arg3[%mul3A_2] : memref<320000xi32, #tpu.memory_space<hbm>> -> memref<10000xi32, #tpu.memory_space<hbm>>
    tpu.enqueue_dma source(%dma_start3A_3 : memref<10000xi32, #tpu.memory_space<hbm>>) target(%arg11 : memref<10000xi32, #tpu.memory_space<vmem>>) target_semaphore(%arg18 : memref<!tpu.dma_semaphore, #tpu.memory_space<semaphore_mem>>)
    %mul3A_4 = arith.constant 10000 : i32
    %mul3A_5 = arith.muli %add3A, %mul3A_4 : i32
    %add3A_6 = arith.constant 0 : i32
    %add3A_7 = arith.addi %mul3A_5, %add3A_6 : i32
    %dma_start3A_8 = arith.constant 0 : i32
    %dma_start3A_9 = arith.constant 0 : i32
    %dma_start3A_10 = arith.constant 0 : i32
    %dma_start3A_11 = arith.constant 0 : i32
    %dma_start3A_12 = tpu.memref_slice %arg13[%dma_start3A_8, %dma_start3A_10, %dma_start3A_11] : memref<2x2000x16xf32, #tpu.memory_space<vmem>> -> memref<1x2000x16xf32, #tpu.memory_space<vmem>>
    %dma_start3A_13 = tpu.memref_squeeze %dma_start3A_12 : memref<1x2000x16xf32, #tpu.memory_space<vmem>> -> memref<2000x16xf32, #tpu.memory_space<vmem>>
    %dma_start3A_14 = arith.constant 0 : i32
    %dma_start3A_15 = tpu.memref_slice %arg4[%add3A_7, %dma_start3A_14] : memref<320000x16xf32, #tpu.memory_space<hbm>> -> memref<2000x16xf32, #tpu.memory_space<hbm>>
    %dma_start3A_16 = tpu.memref_slice %arg19[%dma_start3A_9] : memref<2x!tpu.dma_semaphore, #tpu.memory_space<semaphore_mem>> -> memref<1x!tpu.dma_semaphore, #tpu.memory_space<semaphore_mem>>
    %dma_start3A_17 = tpu.memref_squeeze %dma_start3A_16 : memref<1x!tpu.dma_semaphore, #tpu.memory_space<semaphore_mem>> -> memref<!tpu.dma_semaphore, #tpu.memory_space<semaphore_mem>>
    %dma_start3A_18 = arith.constant 0 : i32
    %dma_start3A_19 = arith.constant 0 : i32
    %dma_start3A_20 = tpu.memref_slice %arg13[%dma_start3A_8, %dma_start3A_18, %dma_start3A_19] : memref<2x2000x16xf32, #tpu.memory_space<vmem>> -> memref<1x2000x16xf32, #tpu.memory_space<vmem>>
    %dma_start3A_21 = tpu.memref_squeeze %dma_start3A_20 : memref<1x2000x16xf32, #tpu.memory_space<vmem>> -> memref<2000x16xf32, #tpu.memory_space<vmem>>
    %dma_start3A_22 = arith.constant 0 : i32
    %dma_start3A_23 = tpu.memref_slice %arg4[%add3A_7, %dma_start3A_22] : memref<320000x16xf32, #tpu.memory_space<hbm>> -> memref<2000x16xf32, #tpu.memory_space<hbm>>
    tpu.enqueue_dma source(%dma_start3A_23 : memref<2000x16xf32, #tpu.memory_space<hbm>>) target(%dma_start3A_21 : memref<2000x16xf32, #tpu.memory_space<vmem>>) target_semaphore(%dma_start3A_17 : memref<!tpu.dma_semaphore, #tpu.memory_space<semaphore_mem>>)
    %mul3A_24 = arith.constant 10000 : i32
    %mul3A_25 = arith.muli %add3A, %mul3A_24 : i32
    %add3A_26 = arith.constant 2000 : i32
    %add3A_27 = arith.addi %mul3A_25, %add3A_26 : i32
    %dma_start3A_28 = arith.constant 1 : i32
    %dma_start3A_29 = arith.constant 1 : i32
    %dma_start3A_30 = arith.constant 0 : i32
    %dma_start3A_31 = arith.constant 0 : i32
    %dma_start3A_32 = tpu.memref_slice %arg13[%dma_start3A_28, %dma_start3A_30, %dma_start3A_31] : memref<2x2000x16xf32, #tpu.memory_space<vmem>> -> memref<1x2000x16xf32, #tpu.memory_space<vmem>>
    %dma_start3A_33 = tpu.memref_squeeze %dma_start3A_32 : memref<1x2000x16xf32, #tpu.memory_space<vmem>> -> memref<2000x16xf32, #tpu.memory_space<vmem>>
    %dma_start3A_34 = arith.constant 0 : i32
    %dma_start3A_35 = tpu.memref_slice %arg4[%add3A_27, %dma_start3A_34] : memref<320000x16xf32, #tpu.memory_space<hbm>> -> memref<2000x16xf32, #tpu.memory_space<hbm>>
    %dma_start3A_36 = tpu.memref_slice %arg19[%dma_start3A_29] : memref<2x!tpu.dma_semaphore, #tpu.memory_space<semaphore_mem>> -> memref<1x!tpu.dma_semaphore, #tpu.memory_space<semaphore_mem>>
    %dma_start3A_37 = tpu.memref_squeeze %dma_start3A_36 : memref<1x!tpu.dma_semaphore, #tpu.memory_space<semaphore_mem>> -> memref<!tpu.dma_semaphore, #tpu.memory_space<semaphore_mem>>
    %dma_start3A_38 = arith.constant 0 : i32
    %dma_start3A_39 = arith.constant 0 : i32
    %dma_start3A_40 = tpu.memref_slice %arg13[%dma_start3A_28, %dma_start3A_38, %dma_start3A_39] : memref<2x2000x16xf32, #tpu.memory_space<vmem>> -> memref<1x2000x16xf32, #tpu.memory_space<vmem>>
    %dma_start3A_41 = tpu.memref_squeeze %dma_start3A_40 : memref<1x2000x16xf32, #tpu.memory_space<vmem>> -> memref<2000x16xf32, #tpu.memory_space<vmem>>
    %dma_start3A_42 = arith.constant 0 : i32
    %dma_start3A_43 = tpu.memref_slice %arg4[%add3A_27, %dma_start3A_42] : memref<320000x16xf32, #tpu.memory_space<hbm>> -> memref<2000x16xf32, #tpu.memory_space<hbm>>
    tpu.enqueue_dma source(%dma_start3A_43 : memref<2000x16xf32, #tpu.memory_space<hbm>>) target(%dma_start3A_41 : memref<2000x16xf32, #tpu.memory_space<vmem>>) target_semaphore(%dma_start3A_37 : memref<!tpu.dma_semaphore, #tpu.memory_space<semaphore_mem>>)
    %add3A_44 = arith.constant 0 : i32
    %add3A_45 = arith.addi %add3A, %add3A_44 : i32
    %mul3A_46 = arith.constant 80 : i32
    %mul3A_47 = arith.muli %add3A_45, %mul3A_46 : i32
    %multiple_of3A = tpu.assume_multiple %mul3A_47, 80 : i32
    %dma_start3A_48 = arith.constant 0 : i32
    %dma_start3A_49 = arith.constant 0 : i32
    %dma_start3A_50 = arith.constant 0 : i32
    %dma_start3A_51 = arith.constant 0 : i32
    %dma_start3A_52 = tpu.memref_slice %arg14[%dma_start3A_48, %dma_start3A_50, %dma_start3A_51] : memref<2x80x128xf32, #tpu.memory_space<vmem>> -> memref<1x80x128xf32, #tpu.memory_space<vmem>>
    %dma_start3A_53 = tpu.memref_squeeze %dma_start3A_52 : memref<1x80x128xf32, #tpu.memory_space<vmem>> -> memref<80x128xf32, #tpu.memory_space<vmem>>
    %dma_start3A_54 = arith.constant 0 : i32
    %dma_start3A_55 = tpu.memref_slice %arg2[%multiple_of3A, %dma_start3A_54] : memref<10000x128xf32, #tpu.memory_space<hbm>> -> memref<80x128xf32, #tpu.memory_space<hbm>>
    %dma_start3A_56 = tpu.memref_slice %arg21[%dma_start3A_49] : memref<2x!tpu.dma_semaphore, #tpu.memory_space<semaphore_mem>> -> memref<1x!tpu.dma_semaphore, #tpu.memory_space<semaphore_mem>>
    %dma_start3A_57 = tpu.memref_squeeze %dma_start3A_56 : memref<1x!tpu.dma_semaphore, #tpu.memory_space<semaphore_mem>> -> memref<!tpu.dma_semaphore, #tpu.memory_space<semaphore_mem>>
    %dma_start3A_58 = arith.constant 0 : i32
    %dma_start3A_59 = arith.constant 0 : i32
    %dma_start3A_60 = tpu.memref_slice %arg14[%dma_start3A_48, %dma_start3A_58, %dma_start3A_59] : memref<2x80x128xf32, #tpu.memory_space<vmem>> -> memref<1x80x128xf32, #tpu.memory_space<vmem>>
    %dma_start3A_61 = tpu.memref_squeeze %dma_start3A_60 : memref<1x80x128xf32, #tpu.memory_space<vmem>> -> memref<80x128xf32, #tpu.memory_space<vmem>>
    %dma_start3A_62 = arith.constant 0 : i32
    %dma_start3A_63 = tpu.memref_slice %arg2[%multiple_of3A, %dma_start3A_62] : memref<10000x128xf32, #tpu.memory_space<hbm>> -> memref<80x128xf32, #tpu.memory_space<hbm>>
    tpu.enqueue_dma source(%dma_start3A_63 : memref<80x128xf32, #tpu.memory_space<hbm>>) target(%dma_start3A_61 : memref<80x128xf32, #tpu.memory_space<vmem>>) target_semaphore(%dma_start3A_57 : memref<!tpu.dma_semaphore, #tpu.memory_space<semaphore_mem>>)
    %add3A_64 = arith.constant 32 : i32
    %add3A_65 = arith.addi %add3A, %add3A_64 : i32
    %mul3A_66 = arith.constant 80 : i32
    %mul3A_67 = arith.muli %add3A_65, %mul3A_66 : i32
    %multiple_of3A_68 = tpu.assume_multiple %mul3A_67, 80 : i32
    %dma_start3A_69 = arith.constant 1 : i32
    %dma_start3A_70 = arith.constant 1 : i32
    %dma_start3A_71 = arith.constant 0 : i32
    %dma_start3A_72 = arith.constant 0 : i32
    %dma_start3A_73 = tpu.memref_slice %arg14[%dma_start3A_69, %dma_start3A_71, %dma_start3A_72] : memref<2x80x128xf32, #tpu.memory_space<vmem>> -> memref<1x80x128xf32, #tpu.memory_space<vmem>>
    %dma_start3A_74 = tpu.memref_squeeze %dma_start3A_73 : memref<1x80x128xf32, #tpu.memory_space<vmem>> -> memref<80x128xf32, #tpu.memory_space<vmem>>
    %dma_start3A_75 = arith.constant 0 : i32
    %dma_start3A_76 = tpu.memref_slice %arg2[%multiple_of3A_68, %dma_start3A_75] : memref<10000x128xf32, #tpu.memory_space<hbm>> -> memref<80x128xf32, #tpu.memory_space<hbm>>
    %dma_start3A_77 = tpu.memref_slice %arg21[%dma_start3A_70] : memref<2x!tpu.dma_semaphore, #tpu.memory_space<semaphore_mem>> -> memref<1x!tpu.dma_semaphore, #tpu.memory_space<semaphore_mem>>
    %dma_start3A_78 = tpu.memref_squeeze %dma_start3A_77 : memref<1x!tpu.dma_semaphore, #tpu.memory_space<semaphore_mem>> -> memref<!tpu.dma_semaphore, #tpu.memory_space<semaphore_mem>>
    %dma_start3A_79 = arith.constant 0 : i32
    %dma_start3A_80 = arith.constant 0 : i32
    %dma_start3A_81 = tpu.memref_slice %arg14[%dma_start3A_69, %dma_start3A_79, %dma_start3A_80] : memref<2x80x128xf32, #tpu.memory_space<vmem>> -> memref<1x80x128xf32, #tpu.memory_space<vmem>>
    %dma_start3A_82 = tpu.memref_squeeze %dma_start3A_81 : memref<1x80x128xf32, #tpu.memory_space<vmem>> -> memref<80x128xf32, #tpu.memory_space<vmem>>
    %dma_start3A_83 = arith.constant 0 : i32
    %dma_start3A_84 = tpu.memref_slice %arg2[%multiple_of3A_68, %dma_start3A_83] : memref<10000x128xf32, #tpu.memory_space<hbm>> -> memref<80x128xf32, #tpu.memory_space<hbm>>
    tpu.enqueue_dma source(%dma_start3A_84 : memref<80x128xf32, #tpu.memory_space<hbm>>) target(%dma_start3A_82 : memref<80x128xf32, #tpu.memory_space<vmem>>) target_semaphore(%dma_start3A_78 : memref<!tpu.dma_semaphore, #tpu.memory_space<semaphore_mem>>)
    %broadcast_in_dim3A = arith.constant 0.000000e+00 : f32
    %broadcast_in_dim3A_85 = vector.broadcast %broadcast_in_dim3A : f32 to vector<16xf32>
    %swap3A = arith.constant 0 : i32
    %swap3A_86 = arith.index_cast %swap3A : i32 to index
    %swap3A_87 = arith.constant 0 : index
    %swap3A_88 = tpu.vector_load %arg15[%swap3A_86, %swap3A_87] {strides = array<i32>} : memref<16x128xf32, #tpu.memory_space<vmem>>, vector<16xf32>,
    tpu.vector_store %arg15[%swap3A_86, %swap3A_87], %broadcast_in_dim3A_85 {strides = array<i32>} : memref<16x128xf32, #tpu.memory_space<vmem>>, vector<16xf32>,
    %swap3A_89 = arith.constant 0 : i32
    %swap3A_90 = arith.index_cast %swap3A_89 : i32 to index
    %swap3A_91 = arith.constant 16 : index
    %swap3A_92 = tpu.vector_load %arg15[%swap3A_90, %swap3A_91] {strides = array<i32>} : memref<16x128xf32, #tpu.memory_space<vmem>>, vector<16xf32>,
    tpu.vector_store %arg15[%swap3A_90, %swap3A_91], %broadcast_in_dim3A_85 {strides = array<i32>} : memref<16x128xf32, #tpu.memory_space<vmem>>, vector<16xf32>,
    %swap3A_93 = arith.constant 0 : i32
    %swap3A_94 = arith.index_cast %swap3A_93 : i32 to index
    %swap3A_95 = arith.constant 32 : index
    %swap3A_96 = tpu.vector_load %arg15[%swap3A_94, %swap3A_95] {strides = array<i32>} : memref<16x128xf32, #tpu.memory_space<vmem>>, vector<16xf32>,
    tpu.vector_store %arg15[%swap3A_94, %swap3A_95], %broadcast_in_dim3A_85 {strides = array<i32>} : memref<16x128xf32, #tpu.memory_space<vmem>>, vector<16xf32>,
    %swap3A_97 = arith.constant 0 : i32
    %swap3A_98 = arith.index_cast %swap3A_97 : i32 to index
    %swap3A_99 = arith.constant 48 : index
    %swap3A_100 = tpu.vector_load %arg15[%swap3A_98, %swap3A_99] {strides = array<i32>} : memref<16x128xf32, #tpu.memory_space<vmem>>, vector<16xf32>,
    tpu.vector_store %arg15[%swap3A_98, %swap3A_99], %broadcast_in_dim3A_85 {strides = array<i32>} : memref<16x128xf32, #tpu.memory_space<vmem>>, vector<16xf32>,
    %swap3A_101 = arith.constant 0 : i32
    %swap3A_102 = arith.index_cast %swap3A_101 : i32 to index
    %swap3A_103 = arith.constant 64 : index
    %swap3A_104 = tpu.vector_load %arg15[%swap3A_102, %swap3A_103] {strides = array<i32>} : memref<16x128xf32, #tpu.memory_space<vmem>>, vector<16xf32>,
    tpu.vector_store %arg15[%swap3A_102, %swap3A_103], %broadcast_in_dim3A_85 {strides = array<i32>} : memref<16x128xf32, #tpu.memory_space<vmem>>, vector<16xf32>,
    %swap3A_105 = arith.constant 0 : i32
    %swap3A_106 = arith.index_cast %swap3A_105 : i32 to index
    %swap3A_107 = arith.constant 80 : index
    %swap3A_108 = tpu.vector_load %arg15[%swap3A_106, %swap3A_107] {strides = array<i32>} : memref<16x128xf32, #tpu.memory_space<vmem>>, vector<16xf32>,
    tpu.vector_store %arg15[%swap3A_106, %swap3A_107], %broadcast_in_dim3A_85 {strides = array<i32>} : memref<16x128xf32, #tpu.memory_space<vmem>>, vector<16xf32>,
    %swap3A_109 = arith.constant 0 : i32
    %swap3A_110 = arith.index_cast %swap3A_109 : i32 to index
    %swap3A_111 = arith.constant 96 : index
    %swap3A_112 = tpu.vector_load %arg15[%swap3A_110, %swap3A_111] {strides = array<i32>} : memref<16x128xf32, #tpu.memory_space<vmem>>, vector<16xf32>,
    tpu.vector_store %arg15[%swap3A_110, %swap3A_111], %broadcast_in_dim3A_85 {strides = array<i32>} : memref<16x128xf32, #tpu.memory_space<vmem>>, vector<16xf32>,
    %swap3A_113 = arith.constant 0 : i32
    %swap3A_114 = arith.index_cast %swap3A_113 : i32 to index
    %swap3A_115 = arith.constant 112 : index
    %swap3A_116 = tpu.vector_load %arg15[%swap3A_114, %swap3A_115] {strides = array<i32>} : memref<16x128xf32, #tpu.memory_space<vmem>>, vector<16xf32>,
    tpu.vector_store %arg15[%swap3A_114, %swap3A_115], %broadcast_in_dim3A_85 {strides = array<i32>} : memref<16x128xf32, #tpu.memory_space<vmem>>, vector<16xf32>,
    %swap3A_117 = arith.constant 0 : i32
    %swap3A_118 = arith.index_cast %swap3A_117 : i32 to index
    %swap3A_119 = arith.constant 0 : index
    %swap3A_120 = tpu.vector_load %arg16[%swap3A_118, %swap3A_119] {strides = array<i32>} : memref<16x16xf32, #tpu.memory_space<vmem>>, vector<16xf32>,
    tpu.vector_store %arg16[%swap3A_118, %swap3A_119], %broadcast_in_dim3A_85 {strides = array<i32>} : memref<16x16xf32, #tpu.memory_space<vmem>>, vector<16xf32>,
    %swap3A_121 = arith.constant 1 : i32
    %swap3A_122 = arith.index_cast %swap3A_121 : i32 to index
    %swap3A_123 = arith.constant 0 : index
    %swap3A_124 = tpu.vector_load %arg15[%swap3A_122, %swap3A_123] {strides = array<i32>} : memref<16x128xf32, #tpu.memory_space<vmem>>, vector<16xf32>,
    tpu.vector_store %arg15[%swap3A_122, %swap3A_123], %broadcast_in_dim3A_85 {strides = array<i32>} : memref<16x128xf32, #tpu.memory_space<vmem>>, vector<16xf32>,
    %swap3A_125 = arith.constant 1 : i32
    %swap3A_126 = arith.index_cast %swap3A_125 : i32 to index
    %swap3A_127 = arith.constant 16 : index
    %swap3A_128 = tpu.vector_load %arg15[%swap3A_126, %swap3A_127] {strides = array<i32>} : memref<16x128xf32, #tpu.memory_space<vmem>>, vector<16xf32>,
    tpu.vector_store %arg15[%swap3A_126, %swap3A_127], %broadcast_in_dim3A_85 {strides = array<i32>} : memref<16x128xf32, #tpu.memory_space<vmem>>, vector<16xf32>,
    %swap3A_129 = arith.constant 1 : i32
    %swap3A_130 = arith.index_cast %swap3A_129 : i32 to index
    %swap3A_131 = arith.constant 32 : index
    %swap3A_132 = tpu.vector_load %arg15[%swap3A_130, %swap3A_131] {strides = array<i32>} : memref<16x128xf32, #tpu.memory_space<vmem>>, vector<16xf32>,
    tpu.vector_store %arg15[%swap3A_130, %swap3A_131], %broadcast_in_dim3A_85 {strides = array<i32>} : memref<16x128xf32, #tpu.memory_space<vmem>>, vector<16xf32>,
    %swap3A_133 = arith.constant 1 : i32
    %swap3A_134 = arith.index_cast %swap3A_133 : i32 to index
    %swap3A_135 = arith.constant 48 : index
    %swap3A_136 = tpu.vector_load %arg15[%swap3A_134, %swap3A_135] {strides = array<i32>} : memref<16x128xf32, #tpu.memory_space<vmem>>, vector<16xf32>,
    tpu.vector_store %arg15[%swap3A_134, %swap3A_135], %broadcast_in_dim3A_85 {strides = array<i32>} : memref<16x128xf32, #tpu.memory_space<vmem>>, vector<16xf32>,
    %swap3A_137 = arith.constant 1 : i32
    %swap3A_138 = arith.index_cast %swap3A_137 : i32 to index
    %swap3A_139 = arith.constant 64 : index
    %swap3A_140 = tpu.vector_load %arg15[%swap3A_138, %swap3A_139] {strides = array<i32>} : memref<16x128xf32, #tpu.memory_space<vmem>>, vector<16xf32>,
    tpu.vector_store %arg15[%swap3A_138, %swap3A_139], %broadcast_in_dim3A_85 {strides = array<i32>} : memref<16x128xf32, #tpu.memory_space<vmem>>, vector<16xf32>,
    %swap3A_141 = arith.constant 1 : i32
    %swap3A_142 = arith.index_cast %swap3A_141 : i32 to index
    %swap3A_143 = arith.constant 80 : index
    %swap3A_144 = tpu.vector_load %arg15[%swap3A_142, %swap3A_143] {strides = array<i32>} : memref<16x128xf32, #tpu.memory_space<vmem>>, vector<16xf32>,
    tpu.vector_store %arg15[%swap3A_142, %swap3A_143], %broadcast_in_dim3A_85 {strides = array<i32>} : memref<16x128xf32, #tpu.memory_space<vmem>>, vector<16xf32>,
    %swap3A_145 = arith.constant 1 : i32
    %swap3A_146 = arith.index_cast %swap3A_145 : i32 to index
    %swap3A_147 = arith.constant 96 : index
    %swap3A_148 = tpu.vector_load %arg15[%swap3A_146, %swap3A_147] {strides = array<i32>} : memref<16x128xf32, #tpu.memory_space<vmem>>, vector<16xf32>,
    tpu.vector_store %arg15[%swap3A_146, %swap3A_147], %broadcast_in_dim3A_85 {strides = array<i32>} : memref<16x128xf32, #tpu.memory_space<vmem>>, vector<16xf32>,
    %swap3A_149 = arith.constant 1 : i32
    %swap3A_150 = arith.index_cast %swap3A_149 : i32 to index
    %swap3A_151 = arith.constant 112 : index
    %swap3A_152 = tpu.vector_load %arg15[%swap3A_150, %swap3A_151] {strides = array<i32>} : memref<16x128xf32, #tpu.memory_space<vmem>>, vector<16xf32>,
    tpu.vector_store %arg15[%swap3A_150, %swap3A_151], %broadcast_in_dim3A_85 {strides = array<i32>} : memref<16x128xf32, #tpu.memory_space<vmem>>, vector<16xf32>,
    %swap3A_153 = arith.constant 1 : i32
    %swap3A_154 = arith.index_cast %swap3A_153 : i32 to index
    %swap3A_155 = arith.constant 0 : index
    %swap3A_156 = tpu.vector_load %arg16[%swap3A_154, %swap3A_155] {strides = array<i32>} : memref<16x16xf32, #tpu.memory_space<vmem>>, vector<16xf32>,
    tpu.vector_store %arg16[%swap3A_154, %swap3A_155], %broadcast_in_dim3A_85 {strides = array<i32>} : memref<16x16xf32, #tpu.memory_space<vmem>>, vector<16xf32>,
    %swap3A_157 = arith.constant 2 : i32
    %swap3A_158 = arith.index_cast %swap3A_157 : i32 to index
    %swap3A_159 = arith.constant 0 : index
    %swap3A_160 = tpu.vector_load %arg15[%swap3A_158, %swap3A_159] {strides = array<i32>} : memref<16x128xf32, #tpu.memory_space<vmem>>, vector<16xf32>,
    tpu.vector_store %arg15[%swap3A_158, %swap3A_159], %broadcast_in_dim3A_85 {strides = array<i32>} : memref<16x128xf32, #tpu.memory_space<vmem>>, vector<16xf32>,
    %swap3A_161 = arith.constant 2 : i32
    %swap3A_162 = arith.index_cast %swap3A_161 : i32 to index
    %swap3A_163 = arith.constant 16 : index
    %swap3A_164 = tpu.vector_load %arg15[%swap3A_162, %swap3A_163] {strides = array<i32>} : memref<16x128xf32, #tpu.memory_space<vmem>>, vector<16xf32>,
    tpu.vector_store %arg15[%swap3A_162, %swap3A_163], %broadcast_in_dim3A_85 {strides = array<i32>} : memref<16x128xf32, #tpu.memory_space<vmem>>, vector<16xf32>,
    %swap3A_165 = arith.constant 2 : i32
    %swap3A_166 = arith.index_cast %swap3A_165 : i32 to index
    %swap3A_167 = arith.constant 32 : index
    %swap3A_168 = tpu.vector_load %arg15[%swap3A_166, %swap3A_167] {strides = array<i32>} : memref<16x128xf32, #tpu.memory_space<vmem>>, vector<16xf32>,
    tpu.vector_store %arg15[%swap3A_166, %swap3A_167], %broadcast_in_dim3A_85 {strides = array<i32>} : memref<16x128xf32, #tpu.memory_space<vmem>>, vector<16xf32>,
    %swap3A_169 = arith.constant 2 : i32
    %swap3A_170 = arith.index_cast %swap3A_169 : i32 to index
    %swap3A_171 = arith.constant 48 : index
    %swap3A_172 = tpu.vector_load %arg15[%swap3A_170, %swap3A_171] {strides = array<i32>} : memref<16x128xf32, #tpu.memory_space<vmem>>, vector<16xf32>,
    tpu.vector_store %arg15[%swap3A_170, %swap3A_171], %broadcast_in_dim3A_85 {strides = array<i32>} : memref<16x128xf32, #tpu.memory_space<vmem>>, vector<16xf32>,
    %swap3A_173 = arith.constant 2 : i32
    %swap3A_174 = arith.index_cast %swap3A_173 : i32 to index
    %swap3A_175 = arith.constant 64 : index
    %swap3A_176 = tpu.vector_load %arg15[%swap3A_174, %swap3A_175] {strides = array<i32>} : memref<16x128xf32, #tpu.memory_space<vmem>>, vector<16xf32>,
    tpu.vector_store %arg15[%swap3A_174, %swap3A_175], %broadcast_in_dim3A_85 {strides = array<i32>} : memref<16x128xf32, #tpu.memory_space<vmem>>, vector<16xf32>,
    %swap3A_177 = arith.constant 2 : i32
    %swap3A_178 = arith.index_cast %swap3A_177 : i32 to index
    %swap3A_179 = arith.constant 80 : index
    %swap3A_180 = tpu.vector_load %arg15[%swap3A_178, %swap3A_179] {strides = array<i32>} : memref<16x128xf32, #tpu.memory_space<vmem>>, vector<16xf32>,
    tpu.vector_store %arg15[%swap3A_178, %swap3A_179], %broadcast_in_dim3A_85 {strides = array<i32>} : memref<16x128xf32, #tpu.memory_space<vmem>>, vector<16xf32>,
    %swap3A_181 = arith.constant 2 : i32
    %swap3A_182 = arith.index_cast %swap3A_181 : i32 to index
    %swap3A_183 = arith.constant 96 : index
    %swap3A_184 = tpu.vector_load %arg15[%swap3A_182, %swap3A_183] {strides = array<i32>} : memref<16x128xf32, #tpu.memory_space<vmem>>, vector<16xf32>,
    tpu.vector_store %arg15[%swap3A_182, %swap3A_183], %broadcast_in_dim3A_85 {strides = array<i32>} : memref<16x128xf32, #tpu.memory_space<vmem>>, vector<16xf32>,
    %swap3A_185 = arith.constant 2 : i32
    %swap3A_186 = arith.index_cast %swap3A_185 : i32 to index
    %swap3A_187 = arith.constant 112 : index
    %swap3A_188 = tpu.vector_load %arg15[%swap3A_186, %swap3A_187] {strides = array<i32>} : memref<16x128xf32, #tpu.memory_space<vmem>>, vector<16xf32>,
    tpu.vector_store %arg15[%swap3A_186, %swap3A_187], %broadcast_in_dim3A_85 {strides = array<i32>} : memref<16x128xf32, #tpu.memory_space<vmem>>, vector<16xf32>,
    %swap3A_189 = arith.constant 2 : i32
    %swap3A_190 = arith.index_cast %swap3A_189 : i32 to index
    %swap3A_191 = arith.constant 0 : index
    %swap3A_192 = tpu.vector_load %arg16[%swap3A_190, %swap3A_191] {strides = array<i32>} : memref<16x16xf32, #tpu.memory_space<vmem>>, vector<16xf32>,
    tpu.vector_store %arg16[%swap3A_190, %swap3A_191], %broadcast_in_dim3A_85 {strides = array<i32>} : memref<16x16xf32, #tpu.memory_space<vmem>>, vector<16xf32>,
    %swap3A_193 = arith.constant 3 : i32
    %swap3A_194 = arith.index_cast %swap3A_193 : i32 to index
    %swap3A_195 = arith.constant 0 : index
    %swap3A_196 = tpu.vector_load %arg15[%swap3A_194, %swap3A_195] {strides = array<i32>} : memref<16x128xf32, #tpu.memory_space<vmem>>, vector<16xf32>,
    tpu.vector_store %arg15[%swap3A_194, %swap3A_195], %broadcast_in_dim3A_85 {strides = array<i32>} : memref<16x128xf32, #tpu.memory_space<vmem>>, vector<16xf32>,
    %swap3A_197 = arith.constant 3 : i32
    %swap3A_198 = arith.index_cast %swap3A_197 : i32 to index
    %swap3A_199 = arith.constant 16 : index
    %swap3A_200 = tpu.vector_load %arg15[%swap3A_198, %swap3A_199] {strides = array<i32>} : memref<16x128xf32, #tpu.memory_space<vmem>>, vector<16xf32>,
    tpu.vector_store %arg15[%swap3A_198, %swap3A_199], %broadcast_in_dim3A_85 {strides = array<i32>} : memref<16x128xf32, #tpu.memory_space<vmem>>, vector<16xf32>,
    %swap3A_201 = arith.constant 3 : i32
    %swap3A_202 = arith.index_cast %swap3A_201 : i32 to index
    %swap3A_203 = arith.constant 32 : index
    %swap3A_204 = tpu.vector_load %arg15[%swap3A_202, %swap3A_203] {strides = array<i32>} : memref<16x128xf32, #tpu.memory_space<vmem>>, vector<16xf32>,
    tpu.vector_store %arg15[%swap3A_202, %swap3A_203], %broadcast_in_dim3A_85 {strides = array<i32>} : memref<16x128xf32, #tpu.memory_space<vmem>>, vector<16xf32>,
    %swap3A_205 = arith.constant 3 : i32
    %swap3A_206 = arith.index_cast %swap3A_205 : i32 to index
    %swap3A_207 = arith.constant 48 : index
    %swap3A_208 = tpu.vector_load %arg15[%swap3A_206, %swap3A_207] {strides = array<i32>} : memref<16x128xf32, #tpu.memory_space<vmem>>, vector<16xf32>,
    tpu.vector_store %arg15[%swap3A_206, %swap3A_207], %broadcast_in_dim3A_85 {strides = array<i32>} : memref<16x128xf32, #tpu.memory_space<vmem>>, vector<16xf32>,
    %swap3A_209 = arith.constant 3 : i32
    %swap3A_210 = arith.index_cast %swap3A_209 : i32 to index
    %swap3A_211 = arith.constant 64 : index
    %swap3A_212 = tpu.vector_load %arg15[%swap3A_210, %swap3A_211] {strides = array<i32>} : memref<16x128xf32, #tpu.memory_space<vmem>>, vector<16xf32>,
    tpu.vector_store %arg15[%swap3A_210, %swap3A_211], %broadcast_in_dim3A_85 {strides = array<i32>} : memref<16x128xf32, #tpu.memory_space<vmem>>, vector<16xf32>,
    %swap3A_213 = arith.constant 3 : i32
    %swap3A_214 = arith.index_cast %swap3A_213 : i32 to index
    %swap3A_215 = arith.constant 80 : index
    %swap3A_216 = tpu.vector_load %arg15[%swap3A_214, %swap3A_215] {strides = array<i32>} : memref<16x128xf32, #tpu.memory_space<vmem>>, vector<16xf32>,
    tpu.vector_store %arg15[%swap3A_214, %swap3A_215], %broadcast_in_dim3A_85 {strides = array<i32>} : memref<16x128xf32, #tpu.memory_space<vmem>>, vector<16xf32>,
    %swap3A_217 = arith.constant 3 : i32
    %swap3A_218 = arith.index_cast %swap3A_217 : i32 to index
    %swap3A_219 = arith.constant 96 : index
    %swap3A_220 = tpu.vector_load %arg15[%swap3A_218, %swap3A_219] {strides = array<i32>} : memref<16x128xf32, #tpu.memory_space<vmem>>, vector<16xf32>,
    tpu.vector_store %arg15[%swap3A_218, %swap3A_219], %broadcast_in_dim3A_85 {strides = array<i32>} : memref<16x128xf32, #tpu.memory_space<vmem>>, vector<16xf32>,
    %swap3A_221 = arith.constant 3 : i32
    %swap3A_222 = arith.index_cast %swap3A_221 : i32 to index
    %swap3A_223 = arith.constant 112 : index
    %swap3A_224 = tpu.vector_load %arg15[%swap3A_222, %swap3A_223] {strides = array<i32>} : memref<16x128xf32, #tpu.memory_space<vmem>>, vector<16xf32>,
    tpu.vector_store %arg15[%swap3A_222, %swap3A_223], %broadcast_in_dim3A_85 {strides = array<i32>} : memref<16x128xf32, #tpu.memory_space<vmem>>, vector<16xf32>,
    %swap3A_225 = arith.constant 3 : i32
    %swap3A_226 = arith.index_cast %swap3A_225 : i32 to index
    %swap3A_227 = arith.constant 0 : index
    %swap3A_228 = tpu.vector_load %arg16[%swap3A_226, %swap3A_227] {strides = array<i32>} : memref<16x16xf32, #tpu.memory_space<vmem>>, vector<16xf32>,
    tpu.vector_store %arg16[%swap3A_226, %swap3A_227], %broadcast_in_dim3A_85 {strides = array<i32>} : memref<16x16xf32, #tpu.memory_space<vmem>>, vector<16xf32>,
    %swap3A_229 = arith.constant 4 : i32
    %swap3A_230 = arith.index_cast %swap3A_229 : i32 to index
    %swap3A_231 = arith.constant 0 : index
    %swap3A_232 = tpu.vector_load %arg15[%swap3A_230, %swap3A_231] {strides = array<i32>} : memref<16x128xf32, #tpu.memory_space<vmem>>, vector<16xf32>,
    tpu.vector_store %arg15[%swap3A_230, %swap3A_231], %broadcast_in_dim3A_85 {strides = array<i32>} : memref<16x128xf32, #tpu.memory_space<vmem>>, vector<16xf32>,
    %swap3A_233 = arith.constant 4 : i32
    %swap3A_234 = arith.index_cast %swap3A_233 : i32 to index
    %swap3A_235 = arith.constant 16 : index
    %swap3A_236 = tpu.vector_load %arg15[%swap3A_234, %swap3A_235] {strides = array<i32>} : memref<16x128xf32, #tpu.memory_space<vmem>>, vector<16xf32>,
    tpu.vector_store %arg15[%swap3A_234, %swap3A_235], %broadcast_in_dim3A_85 {strides = array<i32>} : memref<16x128xf32, #tpu.memory_space<vmem>>, vector<16xf32>,
    %swap3A_237 = arith.constant 4 : i32
    %swap3A_238 = arith.index_cast %swap3A_237 : i32 to index
    %swap3A_239 = arith.constant 32 : index
    %swap3A_240 = tpu.vector_load %arg15[%swap3A_238, %swap3A_239] {strides = array<i32>} : memref<16x128xf32, #tpu.memory_space<vmem>>, vector<16xf32>,
    tpu.vector_store %arg15[%swap3A_238, %swap3A_239], %broadcast_in_dim3A_85 {strides = array<i32>} : memref<16x128xf32, #tpu.memory_space<vmem>>, vector<16xf32>,
    %swap3A_241 = arith.constant 4 : i32
    %swap3A_242 = arith.index_cast %swap3A_241 : i32 to index
    %swap3A_243 = arith.constant 48 : index
    %swap3A_244 = tpu.vector_load %arg15[%swap3A_242, %swap3A_243] {strides = array<i32>} : memref<16x128xf32, #tpu.memory_space<vmem>>, vector<16xf32>,
    tpu.vector_store %arg15[%swap3A_242, %swap3A_243], %broadcast_in_dim3A_85 {strides = array<i32>} : memref<16x128xf32, #tpu.memory_space<vmem>>, vector<16xf32>,
    %swap3A_245 = arith.constant 4 : i32
    %swap3A_246 = arith.index_cast %swap3A_245 : i32 to index
    %swap3A_247 = arith.constant 64 : index
    %swap3A_248 = tpu.vector_load %arg15[%swap3A_246, %swap3A_247] {strides = array<i32>} : memref<16x128xf32, #tpu.memory_space<vmem>>, vector<16xf32>,
    tpu.vector_store %arg15[%swap3A_246, %swap3A_247], %broadcast_in_dim3A_85 {strides = array<i32>} : memref<16x128xf32, #tpu.memory_space<vmem>>, vector<16xf32>,
    %swap3A_249 = arith.constant 4 : i32
    %swap3A_250 = arith.index_cast %swap3A_249 : i32 to index
    %swap3A_251 = arith.constant 80 : index
    %swap3A_252 = tpu.vector_load %arg15[%swap3A_250, %swap3A_251] {strides = array<i32>} : memref<16x128xf32, #tpu.memory_space<vmem>>, vector<16xf32>,
    tpu.vector_store %arg15[%swap3A_250, %swap3A_251], %broadcast_in_dim3A_85 {strides = array<i32>} : memref<16x128xf32, #tpu.memory_space<vmem>>, vector<16xf32>,
    %swap3A_253 = arith.constant 4 : i32
    %swap3A_254 = arith.index_cast %swap3A_253 : i32 to index
    %swap3A_255 = arith.constant 96 : index
    %swap3A_256 = tpu.vector_load %arg15[%swap3A_254, %swap3A_255] {strides = array<i32>} : memref<16x128xf32, #tpu.memory_space<vmem>>, vector<16xf32>,
    tpu.vector_store %arg15[%swap3A_254, %swap3A_255], %broadcast_in_dim3A_85 {strides = array<i32>} : memref<16x128xf32, #tpu.memory_space<vmem>>, vector<16xf32>,
    %swap3A_257 = arith.constant 4 : i32
    %swap3A_258 = arith.index_cast %swap3A_257 : i32 to index
    %swap3A_259 = arith.constant 112 : index
    %swap3A_260 = tpu.vector_load %arg15[%swap3A_258, %swap3A_259] {strides = array<i32>} : memref<16x128xf32, #tpu.memory_space<vmem>>, vector<16xf32>,
    tpu.vector_store %arg15[%swap3A_258, %swap3A_259], %broadcast_in_dim3A_85 {strides = array<i32>} : memref<16x128xf32, #tpu.memory_space<vmem>>, vector<16xf32>,
    %swap3A_261 = arith.constant 4 : i32
    %swap3A_262 = arith.index_cast %swap3A_261 : i32 to index
    %swap3A_263 = arith.constant 0 : index
    %swap3A_264 = tpu.vector_load %arg16[%swap3A_262, %swap3A_263] {strides = array<i32>} : memref<16x16xf32, #tpu.memory_space<vmem>>, vector<16xf32>,
    tpu.vector_store %arg16[%swap3A_262, %swap3A_263], %broadcast_in_dim3A_85 {strides = array<i32>} : memref<16x16xf32, #tpu.memory_space<vmem>>, vector<16xf32>,
    %swap3A_265 = arith.constant 5 : i32
    %swap3A_266 = arith.index_cast %swap3A_265 : i32 to index
    %swap3A_267 = arith.constant 0 : index
    %swap3A_268 = tpu.vector_load %arg15[%swap3A_266, %swap3A_267] {strides = array<i32>} : memref<16x128xf32, #tpu.memory_space<vmem>>, vector<16xf32>,
    tpu.vector_store %arg15[%swap3A_266, %swap3A_267], %broadcast_in_dim3A_85 {strides = array<i32>} : memref<16x128xf32, #tpu.memory_space<vmem>>, vector<16xf32>,
    %swap3A_269 = arith.constant 5 : i32
    %swap3A_270 = arith.index_cast %swap3A_269 : i32 to index
    %swap3A_271 = arith.constant 16 : index
    %swap3A_272 = tpu.vector_load %arg15[%swap3A_270, %swap3A_271] {strides = array<i32>} : memref<16x128xf32, #tpu.memory_space<vmem>>, vector<16xf32>,
    tpu.vector_store %arg15[%swap3A_270, %swap3A_271], %broadcast_in_dim3A_85 {strides = array<i32>} : memref<16x128xf32, #tpu.memory_space<vmem>>, vector<16xf32>,
    %swap3A_273 = arith.constant 5 : i32
    %swap3A_274 = arith.index_cast %swap3A_273 : i32 to index
    %swap3A_275 = arith.constant 32 : index
    %swap3A_276 = tpu.vector_load %arg15[%swap3A_274, %swap3A_275] {strides = array<i32>} : memref<16x128xf32, #tpu.memory_space<vmem>>, vector<16xf32>,
    tpu.vector_store %arg15[%swap3A_274, %swap3A_275], %broadcast_in_dim3A_85 {strides = array<i32>} : memref<16x128xf32, #tpu.memory_space<vmem>>, vector<16xf32>,
    %swap3A_277 = arith.constant 5 : i32
    %swap3A_278 = arith.index_cast %swap3A_277 : i32 to index
    %swap3A_279 = arith.constant 48 : index
    %swap3A_280 = tpu.vector_load %arg15[%swap3A_278, %swap3A_279] {strides = array<i32>} : memref<16x128xf32, #tpu.memory_space<vmem>>, vector<16xf32>,
    tpu.vector_store %arg15[%swap3A_278, %swap3A_279], %broadcast_in_dim3A_85 {strides = array<i32>} : memref<16x128xf32, #tpu.memory_space<vmem>>, vector<16xf32>,
    %swap3A_281 = arith.constant 5 : i32
    %swap3A_282 = arith.index_cast %swap3A_281 : i32 to index
    %swap3A_283 = arith.constant 64 : index
    %swap3A_284 = tpu.vector_load %arg15[%swap3A_282, %swap3A_283] {strides = array<i32>} : memref<16x128xf32, #tpu.memory_space<vmem>>, vector<16xf32>,
    tpu.vector_store %arg15[%swap3A_282, %swap3A_283], %broadcast_in_dim3A_85 {strides = array<i32>} : memref<16x128xf32, #tpu.memory_space<vmem>>, vector<16xf32>,
    %swap3A_285 = arith.constant 5 : i32
    %swap3A_286 = arith.index_cast %swap3A_285 : i32 to index
    %swap3A_287 = arith.constant 80 : index
    %swap3A_288 = tpu.vector_load %arg15[%swap3A_286, %swap3A_287] {strides = array<i32>} : memref<16x128xf32, #tpu.memory_space<vmem>>, vector<16xf32>,
    tpu.vector_store %arg15[%swap3A_286, %swap3A_287], %broadcast_in_dim3A_85 {strides = array<i32>} : memref<16x128xf32, #tpu.memory_space<vmem>>, vector<16xf32>,
    %swap3A_289 = arith.constant 5 : i32
    %swap3A_290 = arith.index_cast %swap3A_289 : i32 to index
    %swap3A_291 = arith.constant 96 : index
    %swap3A_292 = tpu.vector_load %arg15[%swap3A_290, %swap3A_291] {strides = array<i32>} : memref<16x128xf32, #tpu.memory_space<vmem>>, vector<16xf32>,
    tpu.vector_store %arg15[%swap3A_290, %swap3A_291], %broadcast_in_dim3A_85 {strides = array<i32>} : memref<16x128xf32, #tpu.memory_space<vmem>>, vector<16xf32>,
    %swap3A_293 = arith.constant 5 : i32
    %swap3A_294 = arith.index_cast %swap3A_293 : i32 to index
    %swap3A_295 = arith.constant 112 : index
    %swap3A_296 = tpu.vector_load %arg15[%swap3A_294, %swap3A_295] {strides = array<i32>} : memref<16x128xf32, #tpu.memory_space<vmem>>, vector<16xf32>,
    tpu.vector_store %arg15[%swap3A_294, %swap3A_295], %broadcast_in_dim3A_85 {strides = array<i32>} : memref<16x128xf32, #tpu.memory_space<vmem>>, vector<16xf32>,
    %swap3A_297 = arith.constant 5 : i32
    %swap3A_298 = arith.index_cast %swap3A_297 : i32 to index
    %swap3A_299 = arith.constant 0 : index
    %swap3A_300 = tpu.vector_load %arg16[%swap3A_298, %swap3A_299] {strides = array<i32>} : memref<16x16xf32, #tpu.memory_space<vmem>>, vector<16xf32>,
    tpu.vector_store %arg16[%swap3A_298, %swap3A_299], %broadcast_in_dim3A_85 {strides = array<i32>} : memref<16x16xf32, #tpu.memory_space<vmem>>, vector<16xf32>,
    %swap3A_301 = arith.constant 6 : i32
    %swap3A_302 = arith.index_cast %swap3A_301 : i32 to index
    %swap3A_303 = arith.constant 0 : index
    %swap3A_304 = tpu.vector_load %arg15[%swap3A_302, %swap3A_303] {strides = array<i32>} : memref<16x128xf32, #tpu.memory_space<vmem>>, vector<16xf32>,
    tpu.vector_store %arg15[%swap3A_302, %swap3A_303], %broadcast_in_dim3A_85 {strides = array<i32>} : memref<16x128xf32, #tpu.memory_space<vmem>>, vector<16xf32>,
    %swap3A_305 = arith.constant 6 : i32
    %swap3A_306 = arith.index_cast %swap3A_305 : i32 to index
    %swap3A_307 = arith.constant 16 : index
    %swap3A_308 = tpu.vector_load %arg15[%swap3A_306, %swap3A_307] {strides = array<i32>} : memref<16x128xf32, #tpu.memory_space<vmem>>, vector<16xf32>,
    tpu.vector_store %arg15[%swap3A_306, %swap3A_307], %broadcast_in_dim3A_85 {strides = array<i32>} : memref<16x128xf32, #tpu.memory_space<vmem>>, vector<16xf32>,
    %swap3A_309 = arith.constant 6 : i32
    %swap3A_310 = arith.index_cast %swap3A_309 : i32 to index
    %swap3A_311 = arith.constant 32 : index
    %swap3A_312 = tpu.vector_load %arg15[%swap3A_310, %swap3A_311] {strides = array<i32>} : memref<16x128xf32, #tpu.memory_space<vmem>>, vector<16xf32>,
    tpu.vector_store %arg15[%swap3A_310, %swap3A_311], %broadcast_in_dim3A_85 {strides = array<i32>} : memref<16x128xf32, #tpu.memory_space<vmem>>, vector<16xf32>,
    %swap3A_313 = arith.constant 6 : i32
    %swap3A_314 = arith.index_cast %swap3A_313 : i32 to index
    %swap3A_315 = arith.constant 48 : index
    %swap3A_316 = tpu.vector_load %arg15[%swap3A_314, %swap3A_315] {strides = array<i32>} : memref<16x128xf32, #tpu.memory_space<vmem>>, vector<16xf32>,
    tpu.vector_store %arg15[%swap3A_314, %swap3A_315], %broadcast_in_dim3A_85 {strides = array<i32>} : memref<16x128xf32, #tpu.memory_space<vmem>>, vector<16xf32>,
    %swap3A_317 = arith.constant 6 : i32
    %swap3A_318 = arith.index_cast %swap3A_317 : i32 to index
    %swap3A_319 = arith.constant 64 : index
    %swap3A_320 = tpu.vector_load %arg15[%swap3A_318, %swap3A_319] {strides = array<i32>} : memref<16x128xf32, #tpu.memory_space<vmem>>, vector<16xf32>,
    tpu.vector_store %arg15[%swap3A_318, %swap3A_319], %broadcast_in_dim3A_85 {strides = array<i32>} : memref<16x128xf32, #tpu.memory_space<vmem>>, vector<16xf32>,
    %swap3A_321 = arith.constant 6 : i32
    %swap3A_322 = arith.index_cast %swap3A_321 : i32 to index
    %swap3A_323 = arith.constant 80 : index
    %swap3A_324 = tpu.vector_load %arg15[%swap3A_322, %swap3A_323] {strides = array<i32>} : memref<16x128xf32, #tpu.memory_space<vmem>>, vector<16xf32>,
    tpu.vector_store %arg15[%swap3A_322, %swap3A_323], %broadcast_in_dim3A_85 {strides = array<i32>} : memref<16x128xf32, #tpu.memory_space<vmem>>, vector<16xf32>,
    %swap3A_325 = arith.constant 6 : i32
    %swap3A_326 = arith.index_cast %swap3A_325 : i32 to index
    %swap3A_327 = arith.constant 96 : index
    %swap3A_328 = tpu.vector_load %arg15[%swap3A_326, %swap3A_327] {strides = array<i32>} : memref<16x128xf32, #tpu.memory_space<vmem>>, vector<16xf32>,
    tpu.vector_store %arg15[%swap3A_326, %swap3A_327], %broadcast_in_dim3A_85 {strides = array<i32>} : memref<16x128xf32, #tpu.memory_space<vmem>>, vector<16xf32>,
    %swap3A_329 = arith.constant 6 : i32
    %swap3A_330 = arith.index_cast %swap3A_329 : i32 to index
    %swap3A_331 = arith.constant 112 : index
    %swap3A_332 = tpu.vector_load %arg15[%swap3A_330, %swap3A_331] {strides = array<i32>} : memref<16x128xf32, #tpu.memory_space<vmem>>, vector<16xf32>,
    tpu.vector_store %arg15[%swap3A_330, %swap3A_331], %broadcast_in_dim3A_85 {strides = array<i32>} : memref<16x128xf32, #tpu.memory_space<vmem>>, vector<16xf32>,
    %swap3A_333 = arith.constant 6 : i32
    %swap3A_334 = arith.index_cast %swap3A_333 : i32 to index
    %swap3A_335 = arith.constant 0 : index
    %swap3A_336 = tpu.vector_load %arg16[%swap3A_334, %swap3A_335] {strides = array<i32>} : memref<16x16xf32, #tpu.memory_space<vmem>>, vector<16xf32>,
    tpu.vector_store %arg16[%swap3A_334, %swap3A_335], %broadcast_in_dim3A_85 {strides = array<i32>} : memref<16x16xf32, #tpu.memory_space<vmem>>, vector<16xf32>,
    %swap3A_337 = arith.constant 7 : i32
    %swap3A_338 = arith.index_cast %swap3A_337 : i32 to index
    %swap3A_339 = arith.constant 0 : index
    %swap3A_340 = tpu.vector_load %arg15[%swap3A_338, %swap3A_339] {strides = array<i32>} : memref<16x128xf32, #tpu.memory_space<vmem>>, vector<16xf32>,
    tpu.vector_store %arg15[%swap3A_338, %swap3A_339], %broadcast_in_dim3A_85 {strides = array<i32>} : memref<16x128xf32, #tpu.memory_space<vmem>>, vector<16xf32>,
    %swap3A_341 = arith.constant 7 : i32
    %swap3A_342 = arith.index_cast %swap3A_341 : i32 to index
    %swap3A_343 = arith.constant 16 : index
    %swap3A_344 = tpu.vector_load %arg15[%swap3A_342, %swap3A_343] {strides = array<i32>} : memref<16x128xf32, #tpu.memory_space<vmem>>, vector<16xf32>,
    tpu.vector_store %arg15[%swap3A_342, %swap3A_343], %broadcast_in_dim3A_85 {strides = array<i32>} : memref<16x128xf32, #tpu.memory_space<vmem>>, vector<16xf32>,
    %swap3A_345 = arith.constant 7 : i32
    %swap3A_346 = arith.index_cast %swap3A_345 : i32 to index
    %swap3A_347 = arith.constant 32 : index
    %swap3A_348 = tpu.vector_load %arg15[%swap3A_346, %swap3A_347] {strides = array<i32>} : memref<16x128xf32, #tpu.memory_space<vmem>>, vector<16xf32>,
    tpu.vector_store %arg15[%swap3A_346, %swap3A_347], %broadcast_in_dim3A_85 {strides = array<i32>} : memref<16x128xf32, #tpu.memory_space<vmem>>, vector<16xf32>,
    %swap3A_349 = arith.constant 7 : i32
    %swap3A_350 = arith.index_cast %swap3A_349 : i32 to index
    %swap3A_351 = arith.constant 48 : index
    %swap3A_352 = tpu.vector_load %arg15[%swap3A_350, %swap3A_351] {strides = array<i32>} : memref<16x128xf32, #tpu.memory_space<vmem>>, vector<16xf32>,
    tpu.vector_store %arg15[%swap3A_350, %swap3A_351], %broadcast_in_dim3A_85 {strides = array<i32>} : memref<16x128xf32, #tpu.memory_space<vmem>>, vector<16xf32>,
    %swap3A_353 = arith.constant 7 : i32
    %swap3A_354 = arith.index_cast %swap3A_353 : i32 to index
    %swap3A_355 = arith.constant 64 : index
    %swap3A_356 = tpu.vector_load %arg15[%swap3A_354, %swap3A_355] {strides = array<i32>} : memref<16x128xf32, #tpu.memory_space<vmem>>, vector<16xf32>,
    tpu.vector_store %arg15[%swap3A_354, %swap3A_355], %broadcast_in_dim3A_85 {strides = array<i32>} : memref<16x128xf32, #tpu.memory_space<vmem>>, vector<16xf32>,
    %swap3A_357 = arith.constant 7 : i32
    %swap3A_358 = arith.index_cast %swap3A_357 : i32 to index
    %swap3A_359 = arith.constant 80 : index
    %swap3A_360 = tpu.vector_load %arg15[%swap3A_358, %swap3A_359] {strides = array<i32>} : memref<16x128xf32, #tpu.memory_space<vmem>>, vector<16xf32>,
    tpu.vector_store %arg15[%swap3A_358, %swap3A_359], %broadcast_in_dim3A_85 {strides = array<i32>} : memref<16x128xf32, #tpu.memory_space<vmem>>, vector<16xf32>,
    %swap3A_361 = arith.constant 7 : i32
    %swap3A_362 = arith.index_cast %swap3A_361 : i32 to index
    %swap3A_363 = arith.constant 96 : index
    %swap3A_364 = tpu.vector_load %arg15[%swap3A_362, %swap3A_363] {strides = array<i32>} : memref<16x128xf32, #tpu.memory_space<vmem>>, vector<16xf32>,
    tpu.vector_store %arg15[%swap3A_362, %swap3A_363], %broadcast_in_dim3A_85 {strides = array<i32>} : memref<16x128xf32, #tpu.memory_space<vmem>>, vector<16xf32>,
    %swap3A_365 = arith.constant 7 : i32
    %swap3A_366 = arith.index_cast %swap3A_365 : i32 to index
    %swap3A_367 = arith.constant 112 : index
    %swap3A_368 = tpu.vector_load %arg15[%swap3A_366, %swap3A_367] {strides = array<i32>} : memref<16x128xf32, #tpu.memory_space<vmem>>, vector<16xf32>,
    tpu.vector_store %arg15[%swap3A_366, %swap3A_367], %broadcast_in_dim3A_85 {strides = array<i32>} : memref<16x128xf32, #tpu.memory_space<vmem>>, vector<16xf32>,
    %swap3A_369 = arith.constant 7 : i32
    %swap3A_370 = arith.index_cast %swap3A_369 : i32 to index
    %swap3A_371 = arith.constant 0 : index
    %swap3A_372 = tpu.vector_load %arg16[%swap3A_370, %swap3A_371] {strides = array<i32>} : memref<16x16xf32, #tpu.memory_space<vmem>>, vector<16xf32>,
    tpu.vector_store %arg16[%swap3A_370, %swap3A_371], %broadcast_in_dim3A_85 {strides = array<i32>} : memref<16x16xf32, #tpu.memory_space<vmem>>, vector<16xf32>,
    %swap3A_373 = arith.constant 8 : i32
    %swap3A_374 = arith.index_cast %swap3A_373 : i32 to index
    %swap3A_375 = arith.constant 0 : index
    %swap3A_376 = tpu.vector_load %arg15[%swap3A_374, %swap3A_375] {strides = array<i32>} : memref<16x128xf32, #tpu.memory_space<vmem>>, vector<16xf32>,
    tpu.vector_store %arg15[%swap3A_374, %swap3A_375], %broadcast_in_dim3A_85 {strides = array<i32>} : memref<16x128xf32, #tpu.memory_space<vmem>>, vector<16xf32>,
    %swap3A_377 = arith.constant 8 : i32
    %swap3A_378 = arith.index_cast %swap3A_377 : i32 to index
    %swap3A_379 = arith.constant 16 : index
    %swap3A_380 = tpu.vector_load %arg15[%swap3A_378, %swap3A_379] {strides = array<i32>} : memref<16x128xf32, #tpu.memory_space<vmem>>, vector<16xf32>,
    tpu.vector_store %arg15[%swap3A_378, %swap3A_379], %broadcast_in_dim3A_85 {strides = array<i32>} : memref<16x128xf32, #tpu.memory_space<vmem>>, vector<16xf32>,
    %swap3A_381 = arith.constant 8 : i32
    %swap3A_382 = arith.index_cast %swap3A_381 : i32 to index
    %swap3A_383 = arith.constant 32 : index
    %swap3A_384 = tpu.vector_load %arg15[%swap3A_382, %swap3A_383] {strides = array<i32>} : memref<16x128xf32, #tpu.memory_space<vmem>>, vector<16xf32>,
    tpu.vector_store %arg15[%swap3A_382, %swap3A_383], %broadcast_in_dim3A_85 {strides = array<i32>} : memref<16x128xf32, #tpu.memory_space<vmem>>, vector<16xf32>,
    %swap3A_385 = arith.constant 8 : i32
    %swap3A_386 = arith.index_cast %swap3A_385 : i32 to index
    %swap3A_387 = arith.constant 48 : index
    %swap3A_388 = tpu.vector_load %arg15[%swap3A_386, %swap3A_387] {strides = array<i32>} : memref<16x128xf32, #tpu.memory_space<vmem>>, vector<16xf32>,
    tpu.vector_store %arg15[%swap3A_386, %swap3A_387], %broadcast_in_dim3A_85 {strides = array<i32>} : memref<16x128xf32, #tpu.memory_space<vmem>>, vector<16xf32>,
    %swap3A_389 = arith.constant 8 : i32
    %swap3A_390 = arith.index_cast %swap3A_389 : i32 to index
    %swap3A_391 = arith.constant 64 : index
    %swap3A_392 = tpu.vector_load %arg15[%swap3A_390, %swap3A_391] {strides = array<i32>} : memref<16x128xf32, #tpu.memory_space<vmem>>, vector<16xf32>,
    tpu.vector_store %arg15[%swap3A_390, %swap3A_391], %broadcast_in_dim3A_85 {strides = array<i32>} : memref<16x128xf32, #tpu.memory_space<vmem>>, vector<16xf32>,
    %swap3A_393 = arith.constant 8 : i32
    %swap3A_394 = arith.index_cast %swap3A_393 : i32 to index
    %swap3A_395 = arith.constant 80 : index
    %swap3A_396 = tpu.vector_load %arg15[%swap3A_394, %swap3A_395] {strides = array<i32>} : memref<16x128xf32, #tpu.memory_space<vmem>>, vector<16xf32>,
    tpu.vector_store %arg15[%swap3A_394, %swap3A_395], %broadcast_in_dim3A_85 {strides = array<i32>} : memref<16x128xf32, #tpu.memory_space<vmem>>, vector<16xf32>,
    %swap3A_397 = arith.constant 8 : i32
    %swap3A_398 = arith.index_cast %swap3A_397 : i32 to index
    %swap3A_399 = arith.constant 96 : index
    %swap3A_400 = tpu.vector_load %arg15[%swap3A_398, %swap3A_399] {strides = array<i32>} : memref<16x128xf32, #tpu.memory_space<vmem>>, vector<16xf32>,
    tpu.vector_store %arg15[%swap3A_398, %swap3A_399], %broadcast_in_dim3A_85 {strides = array<i32>} : memref<16x128xf32, #tpu.memory_space<vmem>>, vector<16xf32>,
    %swap3A_401 = arith.constant 8 : i32
    %swap3A_402 = arith.index_cast %swap3A_401 : i32 to index
    %swap3A_403 = arith.constant 112 : index
    %swap3A_404 = tpu.vector_load %arg15[%swap3A_402, %swap3A_403] {strides = array<i32>} : memref<16x128xf32, #tpu.memory_space<vmem>>, vector<16xf32>,
    tpu.vector_store %arg15[%swap3A_402, %swap3A_403], %broadcast_in_dim3A_85 {strides = array<i32>} : memref<16x128xf32, #tpu.memory_space<vmem>>, vector<16xf32>,
    %swap3A_405 = arith.constant 8 : i32
    %swap3A_406 = arith.index_cast %swap3A_405 : i32 to index
    %swap3A_407 = arith.constant 0 : index
    %swap3A_408 = tpu.vector_load %arg16[%swap3A_406, %swap3A_407] {strides = array<i32>} : memref<16x16xf32, #tpu.memory_space<vmem>>, vector<16xf32>,
    tpu.vector_store %arg16[%swap3A_406, %swap3A_407], %broadcast_in_dim3A_85 {strides = array<i32>} : memref<16x16xf32, #tpu.memory_space<vmem>>, vector<16xf32>,
    %swap3A_409 = arith.constant 9 : i32
    %swap3A_410 = arith.index_cast %swap3A_409 : i32 to index
    %swap3A_411 = arith.constant 0 : index
    %swap3A_412 = tpu.vector_load %arg15[%swap3A_410, %swap3A_411] {strides = array<i32>} : memref<16x128xf32, #tpu.memory_space<vmem>>, vector<16xf32>,
    tpu.vector_store %arg15[%swap3A_410, %swap3A_411], %broadcast_in_dim3A_85 {strides = array<i32>} : memref<16x128xf32, #tpu.memory_space<vmem>>, vector<16xf32>,
    %swap3A_413 = arith.constant 9 : i32
    %swap3A_414 = arith.index_cast %swap3A_413 : i32 to index
    %swap3A_415 = arith.constant 16 : index
    %swap3A_416 = tpu.vector_load %arg15[%swap3A_414, %swap3A_415] {strides = array<i32>} : memref<16x128xf32, #tpu.memory_space<vmem>>, vector<16xf32>,
    tpu.vector_store %arg15[%swap3A_414, %swap3A_415], %broadcast_in_dim3A_85 {strides = array<i32>} : memref<16x128xf32, #tpu.memory_space<vmem>>, vector<16xf32>,
    %swap3A_417 = arith.constant 9 : i32
    %swap3A_418 = arith.index_cast %swap3A_417 : i32 to index
    %swap3A_419 = arith.constant 32 : index
    %swap3A_420 = tpu.vector_load %arg15[%swap3A_418, %swap3A_419] {strides = array<i32>} : memref<16x128xf32, #tpu.memory_space<vmem>>, vector<16xf32>,
    tpu.vector_store %arg15[%swap3A_418, %swap3A_419], %broadcast_in_dim3A_85 {strides = array<i32>} : memref<16x128xf32, #tpu.memory_space<vmem>>, vector<16xf32>,
    %swap3A_421 = arith.constant 9 : i32
    %swap3A_422 = arith.index_cast %swap3A_421 : i32 to index
    %swap3A_423 = arith.constant 48 : index
    %swap3A_424 = tpu.vector_load %arg15[%swap3A_422, %swap3A_423] {strides = array<i32>} : memref<16x128xf32, #tpu.memory_space<vmem>>, vector<16xf32>,
    tpu.vector_store %arg15[%swap3A_422, %swap3A_423], %broadcast_in_dim3A_85 {strides = array<i32>} : memref<16x128xf32, #tpu.memory_space<vmem>>, vector<16xf32>,
    %swap3A_425 = arith.constant 9 : i32
    %swap3A_426 = arith.index_cast %swap3A_425 : i32 to index
    %swap3A_427 = arith.constant 64 : index
    %swap3A_428 = tpu.vector_load %arg15[%swap3A_426, %swap3A_427] {strides = array<i32>} : memref<16x128xf32, #tpu.memory_space<vmem>>, vector<16xf32>,
    tpu.vector_store %arg15[%swap3A_426, %swap3A_427], %broadcast_in_dim3A_85 {strides = array<i32>} : memref<16x128xf32, #tpu.memory_space<vmem>>, vector<16xf32>,
    %swap3A_429 = arith.constant 9 : i32
    %swap3A_430 = arith.index_cast %swap3A_429 : i32 to index
    %swap3A_431 = arith.constant 80 : index
    %swap3A_432 = tpu.vector_load %arg15[%swap3A_430, %swap3A_431] {strides = array<i32>} : memref<16x128xf32, #tpu.memory_space<vmem>>, vector<16xf32>,
    tpu.vector_store %arg15[%swap3A_430, %swap3A_431], %broadcast_in_dim3A_85 {strides = array<i32>} : memref<16x128xf32, #tpu.memory_space<vmem>>, vector<16xf32>,
    %swap3A_433 = arith.constant 9 : i32
    %swap3A_434 = arith.index_cast %swap3A_433 : i32 to index
    %swap3A_435 = arith.constant 96 : index
    %swap3A_436 = tpu.vector_load %arg15[%swap3A_434, %swap3A_435] {strides = array<i32>} : memref<16x128xf32, #tpu.memory_space<vmem>>, vector<16xf32>,
    tpu.vector_store %arg15[%swap3A_434, %swap3A_435], %broadcast_in_dim3A_85 {strides = array<i32>} : memref<16x128xf32, #tpu.memory_space<vmem>>, vector<16xf32>,
    %swap3A_437 = arith.constant 9 : i32
    %swap3A_438 = arith.index_cast %swap3A_437 : i32 to index
    %swap3A_439 = arith.constant 112 : index
    %swap3A_440 = tpu.vector_load %arg15[%swap3A_438, %swap3A_439] {strides = array<i32>} : memref<16x128xf32, #tpu.memory_space<vmem>>, vector<16xf32>,
    tpu.vector_store %arg15[%swap3A_438, %swap3A_439], %broadcast_in_dim3A_85 {strides = array<i32>} : memref<16x128xf32, #tpu.memory_space<vmem>>, vector<16xf32>,
    %swap3A_441 = arith.constant 9 : i32
    %swap3A_442 = arith.index_cast %swap3A_441 : i32 to index
    %swap3A_443 = arith.constant 0 : index
    %swap3A_444 = tpu.vector_load %arg16[%swap3A_442, %swap3A_443] {strides = array<i32>} : memref<16x16xf32, #tpu.memory_space<vmem>>, vector<16xf32>,
    tpu.vector_store %arg16[%swap3A_442, %swap3A_443], %broadcast_in_dim3A_85 {strides = array<i32>} : memref<16x16xf32, #tpu.memory_space<vmem>>, vector<16xf32>,
    %swap3A_445 = arith.constant 10 : i32
    %swap3A_446 = arith.index_cast %swap3A_445 : i32 to index
    %swap3A_447 = arith.constant 0 : index
    %swap3A_448 = tpu.vector_load %arg15[%swap3A_446, %swap3A_447] {strides = array<i32>} : memref<16x128xf32, #tpu.memory_space<vmem>>, vector<16xf32>,
    tpu.vector_store %arg15[%swap3A_446, %swap3A_447], %broadcast_in_dim3A_85 {strides = array<i32>} : memref<16x128xf32, #tpu.memory_space<vmem>>, vector<16xf32>,
    %swap3A_449 = arith.constant 10 : i32
    %swap3A_450 = arith.index_cast %swap3A_449 : i32 to index
    %swap3A_451 = arith.constant 16 : index
    %swap3A_452 = tpu.vector_load %arg15[%swap3A_450, %swap3A_451] {strides = array<i32>} : memref<16x128xf32, #tpu.memory_space<vmem>>, vector<16xf32>,
    tpu.vector_store %arg15[%swap3A_450, %swap3A_451], %broadcast_in_dim3A_85 {strides = array<i32>} : memref<16x128xf32, #tpu.memory_space<vmem>>, vector<16xf32>,
    %swap3A_453 = arith.constant 10 : i32
    %swap3A_454 = arith.index_cast %swap3A_453 : i32 to index
    %swap3A_455 = arith.constant 32 : index
    %swap3A_456 = tpu.vector_load %arg15[%swap3A_454, %swap3A_455] {strides = array<i32>} : memref<16x128xf32, #tpu.memory_space<vmem>>, vector<16xf32>,
    tpu.vector_store %arg15[%swap3A_454, %swap3A_455], %broadcast_in_dim3A_85 {strides = array<i32>} : memref<16x128xf32, #tpu.memory_space<vmem>>, vector<16xf32>,
    %swap3A_457 = arith.constant 10 : i32
    %swap3A_458 = arith.index_cast %swap3A_457 : i32 to index
    %swap3A_459 = arith.constant 48 : index
    %swap3A_460 = tpu.vector_load %arg15[%swap3A_458, %swap3A_459] {strides = array<i32>} : memref<16x128xf32, #tpu.memory_space<vmem>>, vector<16xf32>,
    tpu.vector_store %arg15[%swap3A_458, %swap3A_459], %broadcast_in_dim3A_85 {strides = array<i32>} : memref<16x128xf32, #tpu.memory_space<vmem>>, vector<16xf32>,
    %swap3A_461 = arith.constant 10 : i32
    %swap3A_462 = arith.index_cast %swap3A_461 : i32 to index
    %swap3A_463 = arith.constant 64 : index
    %swap3A_464 = tpu.vector_load %arg15[%swap3A_462, %swap3A_463] {strides = array<i32>} : memref<16x128xf32, #tpu.memory_space<vmem>>, vector<16xf32>,
    tpu.vector_store %arg15[%swap3A_462, %swap3A_463], %broadcast_in_dim3A_85 {strides = array<i32>} : memref<16x128xf32, #tpu.memory_space<vmem>>, vector<16xf32>,
    %swap3A_465 = arith.constant 10 : i32
    %swap3A_466 = arith.index_cast %swap3A_465 : i32 to index
    %swap3A_467 = arith.constant 80 : index
    %swap3A_468 = tpu.vector_load %arg15[%swap3A_466, %swap3A_467] {strides = array<i32>} : memref<16x128xf32, #tpu.memory_space<vmem>>, vector<16xf32>,
    tpu.vector_store %arg15[%swap3A_466, %swap3A_467], %broadcast_in_dim3A_85 {strides = array<i32>} : memref<16x128xf32, #tpu.memory_space<vmem>>, vector<16xf32>,
    %swap3A_469 = arith.constant 10 : i32
    %swap3A_470 = arith.index_cast %swap3A_469 : i32 to index
    %swap3A_471 = arith.constant 96 : index
    %swap3A_472 = tpu.vector_load %arg15[%swap3A_470, %swap3A_471] {strides = array<i32>} : memref<16x128xf32, #tpu.memory_space<vmem>>, vector<16xf32>,
    tpu.vector_store %arg15[%swap3A_470, %swap3A_471], %broadcast_in_dim3A_85 {strides = array<i32>} : memref<16x128xf32, #tpu.memory_space<vmem>>, vector<16xf32>,
    %swap3A_473 = arith.constant 10 : i32
    %swap3A_474 = arith.index_cast %swap3A_473 : i32 to index
    %swap3A_475 = arith.constant 112 : index
    %swap3A_476 = tpu.vector_load %arg15[%swap3A_474, %swap3A_475] {strides = array<i32>} : memref<16x128xf32, #tpu.memory_space<vmem>>, vector<16xf32>,
    tpu.vector_store %arg15[%swap3A_474, %swap3A_475], %broadcast_in_dim3A_85 {strides = array<i32>} : memref<16x128xf32, #tpu.memory_space<vmem>>, vector<16xf32>,
    %swap3A_477 = arith.constant 10 : i32
    %swap3A_478 = arith.index_cast %swap3A_477 : i32 to index
    %swap3A_479 = arith.constant 0 : index
    %swap3A_480 = tpu.vector_load %arg16[%swap3A_478, %swap3A_479] {strides = array<i32>} : memref<16x16xf32, #tpu.memory_space<vmem>>, vector<16xf32>,
    tpu.vector_store %arg16[%swap3A_478, %swap3A_479], %broadcast_in_dim3A_85 {strides = array<i32>} : memref<16x16xf32, #tpu.memory_space<vmem>>, vector<16xf32>,
    %swap3A_481 = arith.constant 11 : i32
    %swap3A_482 = arith.index_cast %swap3A_481 : i32 to index
    %swap3A_483 = arith.constant 0 : index
    %swap3A_484 = tpu.vector_load %arg15[%swap3A_482, %swap3A_483] {strides = array<i32>} : memref<16x128xf32, #tpu.memory_space<vmem>>, vector<16xf32>,
    tpu.vector_store %arg15[%swap3A_482, %swap3A_483], %broadcast_in_dim3A_85 {strides = array<i32>} : memref<16x128xf32, #tpu.memory_space<vmem>>, vector<16xf32>,
    %swap3A_485 = arith.constant 11 : i32
    %swap3A_486 = arith.index_cast %swap3A_485 : i32 to index
    %swap3A_487 = arith.constant 16 : index
    %swap3A_488 = tpu.vector_load %arg15[%swap3A_486, %swap3A_487] {strides = array<i32>} : memref<16x128xf32, #tpu.memory_space<vmem>>, vector<16xf32>,
    tpu.vector_store %arg15[%swap3A_486, %swap3A_487], %broadcast_in_dim3A_85 {strides = array<i32>} : memref<16x128xf32, #tpu.memory_space<vmem>>, vector<16xf32>,
    %swap3A_489 = arith.constant 11 : i32
    %swap3A_490 = arith.index_cast %swap3A_489 : i32 to index
    %swap3A_491 = arith.constant 32 : index
    %swap3A_492 = tpu.vector_load %arg15[%swap3A_490, %swap3A_491] {strides = array<i32>} : memref<16x128xf32, #tpu.memory_space<vmem>>, vector<16xf32>,
    tpu.vector_store %arg15[%swap3A_490, %swap3A_491], %broadcast_in_dim3A_85 {strides = array<i32>} : memref<16x128xf32, #tpu.memory_space<vmem>>, vector<16xf32>,
    %swap3A_493 = arith.constant 11 : i32
    %swap3A_494 = arith.index_cast %swap3A_493 : i32 to index
    %swap3A_495 = arith.constant 48 : index
    %swap3A_496 = tpu.vector_load %arg15[%swap3A_494, %swap3A_495] {strides = array<i32>} : memref<16x128xf32, #tpu.memory_space<vmem>>, vector<16xf32>,
    tpu.vector_store %arg15[%swap3A_494, %swap3A_495], %broadcast_in_dim3A_85 {strides = array<i32>} : memref<16x128xf32, #tpu.memory_space<vmem>>, vector<16xf32>,
    %swap3A_497 = arith.constant 11 : i32
    %swap3A_498 = arith.index_cast %swap3A_497 : i32 to index
    %swap3A_499 = arith.constant 64 : index
    %swap3A_500 = tpu.vector_load %arg15[%swap3A_498, %swap3A_499] {strides = array<i32>} : memref<16x128xf32, #tpu.memory_space<vmem>>, vector<16xf32>,
    tpu.vector_store %arg15[%swap3A_498, %swap3A_499], %broadcast_in_dim3A_85 {strides = array<i32>} : memref<16x128xf32, #tpu.memory_space<vmem>>, vector<16xf32>,
    %swap3A_501 = arith.constant 11 : i32
    %swap3A_502 = arith.index_cast %swap3A_501 : i32 to index
    %swap3A_503 = arith.constant 80 : index
    %swap3A_504 = tpu.vector_load %arg15[%swap3A_502, %swap3A_503] {strides = array<i32>} : memref<16x128xf32, #tpu.memory_space<vmem>>, vector<16xf32>,
    tpu.vector_store %arg15[%swap3A_502, %swap3A_503], %broadcast_in_dim3A_85 {strides = array<i32>} : memref<16x128xf32, #tpu.memory_space<vmem>>, vector<16xf32>,
    %swap3A_505 = arith.constant 11 : i32
    %swap3A_506 = arith.index_cast %swap3A_505 : i32 to index
    %swap3A_507 = arith.constant 96 : index
    %swap3A_508 = tpu.vector_load %arg15[%swap3A_506, %swap3A_507] {strides = array<i32>} : memref<16x128xf32, #tpu.memory_space<vmem>>, vector<16xf32>,
    tpu.vector_store %arg15[%swap3A_506, %swap3A_507], %broadcast_in_dim3A_85 {strides = array<i32>} : memref<16x128xf32, #tpu.memory_space<vmem>>, vector<16xf32>,
    %swap3A_509 = arith.constant 11 : i32
    %swap3A_510 = arith.index_cast %swap3A_509 : i32 to index
    %swap3A_511 = arith.constant 112 : index
    %swap3A_512 = tpu.vector_load %arg15[%swap3A_510, %swap3A_511] {strides = array<i32>} : memref<16x128xf32, #tpu.memory_space<vmem>>, vector<16xf32>,
    tpu.vector_store %arg15[%swap3A_510, %swap3A_511], %broadcast_in_dim3A_85 {strides = array<i32>} : memref<16x128xf32, #tpu.memory_space<vmem>>, vector<16xf32>,
    %swap3A_513 = arith.constant 11 : i32
    %swap3A_514 = arith.index_cast %swap3A_513 : i32 to index
    %swap3A_515 = arith.constant 0 : index
    %swap3A_516 = tpu.vector_load %arg16[%swap3A_514, %swap3A_515] {strides = array<i32>} : memref<16x16xf32, #tpu.memory_space<vmem>>, vector<16xf32>,
    tpu.vector_store %arg16[%swap3A_514, %swap3A_515], %broadcast_in_dim3A_85 {strides = array<i32>} : memref<16x16xf32, #tpu.memory_space<vmem>>, vector<16xf32>,
    %swap3A_517 = arith.constant 12 : i32
    %swap3A_518 = arith.index_cast %swap3A_517 : i32 to index
    %swap3A_519 = arith.constant 0 : index
    %swap3A_520 = tpu.vector_load %arg15[%swap3A_518, %swap3A_519] {strides = array<i32>} : memref<16x128xf32, #tpu.memory_space<vmem>>, vector<16xf32>,
    tpu.vector_store %arg15[%swap3A_518, %swap3A_519], %broadcast_in_dim3A_85 {strides = array<i32>} : memref<16x128xf32, #tpu.memory_space<vmem>>, vector<16xf32>,
    %swap3A_521 = arith.constant 12 : i32
    %swap3A_522 = arith.index_cast %swap3A_521 : i32 to index
    %swap3A_523 = arith.constant 16 : index
    %swap3A_524 = tpu.vector_load %arg15[%swap3A_522, %swap3A_523] {strides = array<i32>} : memref<16x128xf32, #tpu.memory_space<vmem>>, vector<16xf32>,
    tpu.vector_store %arg15[%swap3A_522, %swap3A_523], %broadcast_in_dim3A_85 {strides = array<i32>} : memref<16x128xf32, #tpu.memory_space<vmem>>, vector<16xf32>,
    %swap3A_525 = arith.constant 12 : i32
    %swap3A_526 = arith.index_cast %swap3A_525 : i32 to index
    %swap3A_527 = arith.constant 32 : index
    %swap3A_528 = tpu.vector_load %arg15[%swap3A_526, %swap3A_527] {strides = array<i32>} : memref<16x128xf32, #tpu.memory_space<vmem>>, vector<16xf32>,
    tpu.vector_store %arg15[%swap3A_526, %swap3A_527], %broadcast_in_dim3A_85 {strides = array<i32>} : memref<16x128xf32, #tpu.memory_space<vmem>>, vector<16xf32>,
    %swap3A_529 = arith.constant 12 : i32
    %swap3A_530 = arith.index_cast %swap3A_529 : i32 to index
    %swap3A_531 = arith.constant 48 : index
    %swap3A_532 = tpu.vector_load %arg15[%swap3A_530, %swap3A_531] {strides = array<i32>} : memref<16x128xf32, #tpu.memory_space<vmem>>, vector<16xf32>,
    tpu.vector_store %arg15[%swap3A_530, %swap3A_531], %broadcast_in_dim3A_85 {strides = array<i32>} : memref<16x128xf32, #tpu.memory_space<vmem>>, vector<16xf32>,
    %swap3A_533 = arith.constant 12 : i32
    %swap3A_534 = arith.index_cast %swap3A_533 : i32 to index
    %swap3A_535 = arith.constant 64 : index
    %swap3A_536 = tpu.vector_load %arg15[%swap3A_534, %swap3A_535] {strides = array<i32>} : memref<16x128xf32, #tpu.memory_space<vmem>>, vector<16xf32>,
    tpu.vector_store %arg15[%swap3A_534, %swap3A_535], %broadcast_in_dim3A_85 {strides = array<i32>} : memref<16x128xf32, #tpu.memory_space<vmem>>, vector<16xf32>,
    %swap3A_537 = arith.constant 12 : i32
    %swap3A_538 = arith.index_cast %swap3A_537 : i32 to index
    %swap3A_539 = arith.constant 80 : index
    %swap3A_540 = tpu.vector_load %arg15[%swap3A_538, %swap3A_539] {strides = array<i32>} : memref<16x128xf32, #tpu.memory_space<vmem>>, vector<16xf32>,
    tpu.vector_store %arg15[%swap3A_538, %swap3A_539], %broadcast_in_dim3A_85 {strides = array<i32>} : memref<16x128xf32, #tpu.memory_space<vmem>>, vector<16xf32>,
    %swap3A_541 = arith.constant 12 : i32
    %swap3A_542 = arith.index_cast %swap3A_541 : i32 to index
    %swap3A_543 = arith.constant 96 : index
    %swap3A_544 = tpu.vector_load %arg15[%swap3A_542, %swap3A_543] {strides = array<i32>} : memref<16x128xf32, #tpu.memory_space<vmem>>, vector<16xf32>,
    tpu.vector_store %arg15[%swap3A_542, %swap3A_543], %broadcast_in_dim3A_85 {strides = array<i32>} : memref<16x128xf32, #tpu.memory_space<vmem>>, vector<16xf32>,
    %swap3A_545 = arith.constant 12 : i32
    %swap3A_546 = arith.index_cast %swap3A_545 : i32 to index
    %swap3A_547 = arith.constant 112 : index
    %swap3A_548 = tpu.vector_load %arg15[%swap3A_546, %swap3A_547] {strides = array<i32>} : memref<16x128xf32, #tpu.memory_space<vmem>>, vector<16xf32>,
    tpu.vector_store %arg15[%swap3A_546, %swap3A_547], %broadcast_in_dim3A_85 {strides = array<i32>} : memref<16x128xf32, #tpu.memory_space<vmem>>, vector<16xf32>,
    %swap3A_549 = arith.constant 12 : i32
    %swap3A_550 = arith.index_cast %swap3A_549 : i32 to index
    %swap3A_551 = arith.constant 0 : index
    %swap3A_552 = tpu.vector_load %arg16[%swap3A_550, %swap3A_551] {strides = array<i32>} : memref<16x16xf32, #tpu.memory_space<vmem>>, vector<16xf32>,
    tpu.vector_store %arg16[%swap3A_550, %swap3A_551], %broadcast_in_dim3A_85 {strides = array<i32>} : memref<16x16xf32, #tpu.memory_space<vmem>>, vector<16xf32>,
    %swap3A_553 = arith.constant 13 : i32
    %swap3A_554 = arith.index_cast %swap3A_553 : i32 to index
    %swap3A_555 = arith.constant 0 : index
    %swap3A_556 = tpu.vector_load %arg15[%swap3A_554, %swap3A_555] {strides = array<i32>} : memref<16x128xf32, #tpu.memory_space<vmem>>, vector<16xf32>,
    tpu.vector_store %arg15[%swap3A_554, %swap3A_555], %broadcast_in_dim3A_85 {strides = array<i32>} : memref<16x128xf32, #tpu.memory_space<vmem>>, vector<16xf32>,
    %swap3A_557 = arith.constant 13 : i32
    %swap3A_558 = arith.index_cast %swap3A_557 : i32 to index
    %swap3A_559 = arith.constant 16 : index
    %swap3A_560 = tpu.vector_load %arg15[%swap3A_558, %swap3A_559] {strides = array<i32>} : memref<16x128xf32, #tpu.memory_space<vmem>>, vector<16xf32>,
    tpu.vector_store %arg15[%swap3A_558, %swap3A_559], %broadcast_in_dim3A_85 {strides = array<i32>} : memref<16x128xf32, #tpu.memory_space<vmem>>, vector<16xf32>,
    %swap3A_561 = arith.constant 13 : i32
    %swap3A_562 = arith.index_cast %swap3A_561 : i32 to index
    %swap3A_563 = arith.constant 32 : index
    %swap3A_564 = tpu.vector_load %arg15[%swap3A_562, %swap3A_563] {strides = array<i32>} : memref<16x128xf32, #tpu.memory_space<vmem>>, vector<16xf32>,
    tpu.vector_store %arg15[%swap3A_562, %swap3A_563], %broadcast_in_dim3A_85 {strides = array<i32>} : memref<16x128xf32, #tpu.memory_space<vmem>>, vector<16xf32>,
    %swap3A_565 = arith.constant 13 : i32
    %swap3A_566 = arith.index_cast %swap3A_565 : i32 to index
    %swap3A_567 = arith.constant 48 : index
    %swap3A_568 = tpu.vector_load %arg15[%swap3A_566, %swap3A_567] {strides = array<i32>} : memref<16x128xf32, #tpu.memory_space<vmem>>, vector<16xf32>,
    tpu.vector_store %arg15[%swap3A_566, %swap3A_567], %broadcast_in_dim3A_85 {strides = array<i32>} : memref<16x128xf32, #tpu.memory_space<vmem>>, vector<16xf32>,
    %swap3A_569 = arith.constant 13 : i32
    %swap3A_570 = arith.index_cast %swap3A_569 : i32 to index
    %swap3A_571 = arith.constant 64 : index
    %swap3A_572 = tpu.vector_load %arg15[%swap3A_570, %swap3A_571] {strides = array<i32>} : memref<16x128xf32, #tpu.memory_space<vmem>>, vector<16xf32>,
    tpu.vector_store %arg15[%swap3A_570, %swap3A_571], %broadcast_in_dim3A_85 {strides = array<i32>} : memref<16x128xf32, #tpu.memory_space<vmem>>, vector<16xf32>,
    %swap3A_573 = arith.constant 13 : i32
    %swap3A_574 = arith.index_cast %swap3A_573 : i32 to index
    %swap3A_575 = arith.constant 80 : index
    %swap3A_576 = tpu.vector_load %arg15[%swap3A_574, %swap3A_575] {strides = array<i32>} : memref<16x128xf32, #tpu.memory_space<vmem>>, vector<16xf32>,
    tpu.vector_store %arg15[%swap3A_574, %swap3A_575], %broadcast_in_dim3A_85 {strides = array<i32>} : memref<16x128xf32, #tpu.memory_space<vmem>>, vector<16xf32>,
    %swap3A_577 = arith.constant 13 : i32
    %swap3A_578 = arith.index_cast %swap3A_577 : i32 to index
    %swap3A_579 = arith.constant 96 : index
    %swap3A_580 = tpu.vector_load %arg15[%swap3A_578, %swap3A_579] {strides = array<i32>} : memref<16x128xf32, #tpu.memory_space<vmem>>, vector<16xf32>,
    tpu.vector_store %arg15[%swap3A_578, %swap3A_579], %broadcast_in_dim3A_85 {strides = array<i32>} : memref<16x128xf32, #tpu.memory_space<vmem>>, vector<16xf32>,
    %swap3A_581 = arith.constant 13 : i32
    %swap3A_582 = arith.index_cast %swap3A_581 : i32 to index
    %swap3A_583 = arith.constant 112 : index
    %swap3A_584 = tpu.vector_load %arg15[%swap3A_582, %swap3A_583] {strides = array<i32>} : memref<16x128xf32, #tpu.memory_space<vmem>>, vector<16xf32>,
    tpu.vector_store %arg15[%swap3A_582, %swap3A_583], %broadcast_in_dim3A_85 {strides = array<i32>} : memref<16x128xf32, #tpu.memory_space<vmem>>, vector<16xf32>,
    %swap3A_585 = arith.constant 13 : i32
    %swap3A_586 = arith.index_cast %swap3A_585 : i32 to index
    %swap3A_587 = arith.constant 0 : index
    %swap3A_588 = tpu.vector_load %arg16[%swap3A_586, %swap3A_587] {strides = array<i32>} : memref<16x16xf32, #tpu.memory_space<vmem>>, vector<16xf32>,
    tpu.vector_store %arg16[%swap3A_586, %swap3A_587], %broadcast_in_dim3A_85 {strides = array<i32>} : memref<16x16xf32, #tpu.memory_space<vmem>>, vector<16xf32>,
    %swap3A_589 = arith.constant 14 : i32
    %swap3A_590 = arith.index_cast %swap3A_589 : i32 to index
    %swap3A_591 = arith.constant 0 : index
    %swap3A_592 = tpu.vector_load %arg15[%swap3A_590, %swap3A_591] {strides = array<i32>} : memref<16x128xf32, #tpu.memory_space<vmem>>, vector<16xf32>,
    tpu.vector_store %arg15[%swap3A_590, %swap3A_591], %broadcast_in_dim3A_85 {strides = array<i32>} : memref<16x128xf32, #tpu.memory_space<vmem>>, vector<16xf32>,
    %swap3A_593 = arith.constant 14 : i32
    %swap3A_594 = arith.index_cast %swap3A_593 : i32 to index
    %swap3A_595 = arith.constant 16 : index
    %swap3A_596 = tpu.vector_load %arg15[%swap3A_594, %swap3A_595] {strides = array<i32>} : memref<16x128xf32, #tpu.memory_space<vmem>>, vector<16xf32>,
    tpu.vector_store %arg15[%swap3A_594, %swap3A_595], %broadcast_in_dim3A_85 {strides = array<i32>} : memref<16x128xf32, #tpu.memory_space<vmem>>, vector<16xf32>,
    %swap3A_597 = arith.constant 14 : i32
    %swap3A_598 = arith.index_cast %swap3A_597 : i32 to index
    %swap3A_599 = arith.constant 32 : index
    %swap3A_600 = tpu.vector_load %arg15[%swap3A_598, %swap3A_599] {strides = array<i32>} : memref<16x128xf32, #tpu.memory_space<vmem>>, vector<16xf32>,
    tpu.vector_store %arg15[%swap3A_598, %swap3A_599], %broadcast_in_dim3A_85 {strides = array<i32>} : memref<16x128xf32, #tpu.memory_space<vmem>>, vector<16xf32>,
    %swap3A_601 = arith.constant 14 : i32
    %swap3A_602 = arith.index_cast %swap3A_601 : i32 to index
    %swap3A_603 = arith.constant 48 : index
    %swap3A_604 = tpu.vector_load %arg15[%swap3A_602, %swap3A_603] {strides = array<i32>} : memref<16x128xf32, #tpu.memory_space<vmem>>, vector<16xf32>,
    tpu.vector_store %arg15[%swap3A_602, %swap3A_603], %broadcast_in_dim3A_85 {strides = array<i32>} : memref<16x128xf32, #tpu.memory_space<vmem>>, vector<16xf32>,
    %swap3A_605 = arith.constant 14 : i32
    %swap3A_606 = arith.index_cast %swap3A_605 : i32 to index
    %swap3A_607 = arith.constant 64 : index
    %swap3A_608 = tpu.vector_load %arg15[%swap3A_606, %swap3A_607] {strides = array<i32>} : memref<16x128xf32, #tpu.memory_space<vmem>>, vector<16xf32>,
    tpu.vector_store %arg15[%swap3A_606, %swap3A_607], %broadcast_in_dim3A_85 {strides = array<i32>} : memref<16x128xf32, #tpu.memory_space<vmem>>, vector<16xf32>,
    %swap3A_609 = arith.constant 14 : i32
    %swap3A_610 = arith.index_cast %swap3A_609 : i32 to index
    %swap3A_611 = arith.constant 80 : index
    %swap3A_612 = tpu.vector_load %arg15[%swap3A_610, %swap3A_611] {strides = array<i32>} : memref<16x128xf32, #tpu.memory_space<vmem>>, vector<16xf32>,
    tpu.vector_store %arg15[%swap3A_610, %swap3A_611], %broadcast_in_dim3A_85 {strides = array<i32>} : memref<16x128xf32, #tpu.memory_space<vmem>>, vector<16xf32>,
    %swap3A_613 = arith.constant 14 : i32
    %swap3A_614 = arith.index_cast %swap3A_613 : i32 to index
    %swap3A_615 = arith.constant 96 : index
    %swap3A_616 = tpu.vector_load %arg15[%swap3A_614, %swap3A_615] {strides = array<i32>} : memref<16x128xf32, #tpu.memory_space<vmem>>, vector<16xf32>,
    tpu.vector_store %arg15[%swap3A_614, %swap3A_615], %broadcast_in_dim3A_85 {strides = array<i32>} : memref<16x128xf32, #tpu.memory_space<vmem>>, vector<16xf32>,
    %swap3A_617 = arith.constant 14 : i32
    %swap3A_618 = arith.index_cast %swap3A_617 : i32 to index
    %swap3A_619 = arith.constant 112 : index
    %swap3A_620 = tpu.vector_load %arg15[%swap3A_618, %swap3A_619] {strides = array<i32>} : memref<16x128xf32, #tpu.memory_space<vmem>>, vector<16xf32>,
    tpu.vector_store %arg15[%swap3A_618, %swap3A_619], %broadcast_in_dim3A_85 {strides = array<i32>} : memref<16x128xf32, #tpu.memory_space<vmem>>, vector<16xf32>,
    %swap3A_621 = arith.constant 14 : i32
    %swap3A_622 = arith.index_cast %swap3A_621 : i32 to index
    %swap3A_623 = arith.constant 0 : index
    %swap3A_624 = tpu.vector_load %arg16[%swap3A_622, %swap3A_623] {strides = array<i32>} : memref<16x16xf32, #tpu.memory_space<vmem>>, vector<16xf32>,
    tpu.vector_store %arg16[%swap3A_622, %swap3A_623], %broadcast_in_dim3A_85 {strides = array<i32>} : memref<16x16xf32, #tpu.memory_space<vmem>>, vector<16xf32>,
    %swap3A_625 = arith.constant 15 : i32
    %swap3A_626 = arith.index_cast %swap3A_625 : i32 to index
    %swap3A_627 = arith.constant 0 : index
    %swap3A_628 = tpu.vector_load %arg15[%swap3A_626, %swap3A_627] {strides = array<i32>} : memref<16x128xf32, #tpu.memory_space<vmem>>, vector<16xf32>,
    tpu.vector_store %arg15[%swap3A_626, %swap3A_627], %broadcast_in_dim3A_85 {strides = array<i32>} : memref<16x128xf32, #tpu.memory_space<vmem>>, vector<16xf32>,
    %swap3A_629 = arith.constant 15 : i32
    %swap3A_630 = arith.index_cast %swap3A_629 : i32 to index
    %swap3A_631 = arith.constant 16 : index
    %swap3A_632 = tpu.vector_load %arg15[%swap3A_630, %swap3A_631] {strides = array<i32>} : memref<16x128xf32, #tpu.memory_space<vmem>>, vector<16xf32>,
    tpu.vector_store %arg15[%swap3A_630, %swap3A_631], %broadcast_in_dim3A_85 {strides = array<i32>} : memref<16x128xf32, #tpu.memory_space<vmem>>, vector<16xf32>,
    %swap3A_633 = arith.constant 15 : i32
    %swap3A_634 = arith.index_cast %swap3A_633 : i32 to index
    %swap3A_635 = arith.constant 32 : index
    %swap3A_636 = tpu.vector_load %arg15[%swap3A_634, %swap3A_635] {strides = array<i32>} : memref<16x128xf32, #tpu.memory_space<vmem>>, vector<16xf32>,
    tpu.vector_store %arg15[%swap3A_634, %swap3A_635], %broadcast_in_dim3A_85 {strides = array<i32>} : memref<16x128xf32, #tpu.memory_space<vmem>>, vector<16xf32>,
    %swap3A_637 = arith.constant 15 : i32
    %swap3A_638 = arith.index_cast %swap3A_637 : i32 to index
    %swap3A_639 = arith.constant 48 : index
    %swap3A_640 = tpu.vector_load %arg15[%swap3A_638, %swap3A_639] {strides = array<i32>} : memref<16x128xf32, #tpu.memory_space<vmem>>, vector<16xf32>,
    tpu.vector_store %arg15[%swap3A_638, %swap3A_639], %broadcast_in_dim3A_85 {strides = array<i32>} : memref<16x128xf32, #tpu.memory_space<vmem>>, vector<16xf32>,
    %swap3A_641 = arith.constant 15 : i32
    %swap3A_642 = arith.index_cast %swap3A_641 : i32 to index
    %swap3A_643 = arith.constant 64 : index
    %swap3A_644 = tpu.vector_load %arg15[%swap3A_642, %swap3A_643] {strides = array<i32>} : memref<16x128xf32, #tpu.memory_space<vmem>>, vector<16xf32>,
    tpu.vector_store %arg15[%swap3A_642, %swap3A_643], %broadcast_in_dim3A_85 {strides = array<i32>} : memref<16x128xf32, #tpu.memory_space<vmem>>, vector<16xf32>,
    %swap3A_645 = arith.constant 15 : i32
    %swap3A_646 = arith.index_cast %swap3A_645 : i32 to index
    %swap3A_647 = arith.constant 80 : index
    %swap3A_648 = tpu.vector_load %arg15[%swap3A_646, %swap3A_647] {strides = array<i32>} : memref<16x128xf32, #tpu.memory_space<vmem>>, vector<16xf32>,
    tpu.vector_store %arg15[%swap3A_646, %swap3A_647], %broadcast_in_dim3A_85 {strides = array<i32>} : memref<16x128xf32, #tpu.memory_space<vmem>>, vector<16xf32>,
    %swap3A_649 = arith.constant 15 : i32
    %swap3A_650 = arith.index_cast %swap3A_649 : i32 to index
    %swap3A_651 = arith.constant 96 : index
    %swap3A_652 = tpu.vector_load %arg15[%swap3A_650, %swap3A_651] {strides = array<i32>} : memref<16x128xf32, #tpu.memory_space<vmem>>, vector<16xf32>,
    tpu.vector_store %arg15[%swap3A_650, %swap3A_651], %broadcast_in_dim3A_85 {strides = array<i32>} : memref<16x128xf32, #tpu.memory_space<vmem>>, vector<16xf32>,
    %swap3A_653 = arith.constant 15 : i32
    %swap3A_654 = arith.index_cast %swap3A_653 : i32 to index
    %swap3A_655 = arith.constant 112 : index
    %swap3A_656 = tpu.vector_load %arg15[%swap3A_654, %swap3A_655] {strides = array<i32>} : memref<16x128xf32, #tpu.memory_space<vmem>>, vector<16xf32>,
    tpu.vector_store %arg15[%swap3A_654, %swap3A_655], %broadcast_in_dim3A_85 {strides = array<i32>} : memref<16x128xf32, #tpu.memory_space<vmem>>, vector<16xf32>,
    %swap3A_657 = arith.constant 15 : i32
    %swap3A_658 = arith.index_cast %swap3A_657 : i32 to index
    %swap3A_659 = arith.constant 0 : index
    %swap3A_660 = tpu.vector_load %arg16[%swap3A_658, %swap3A_659] {strides = array<i32>} : memref<16x16xf32, #tpu.memory_space<vmem>>, vector<16xf32>,
    tpu.vector_store %arg16[%swap3A_658, %swap3A_659], %broadcast_in_dim3A_85 {strides = array<i32>} : memref<16x16xf32, #tpu.memory_space<vmem>>, vector<16xf32>,
    %mul3A_661 = arith.constant 16 : i32
    %mul3A_662 = arith.muli %arg1, %mul3A_661 : i32
    "tpu.region"() ({
      %run_scoped3A = tpu.sem_alloc : memref<!tpu.dma_semaphore, #tpu.memory_space<semaphore_mem>>
      %dma_start3A_941 = arith.constant 0 : i32
      %dma_start3A_942 = tpu.memref_slice %arg8[%mul3A_662, %dma_start3A_941] : memref<256x128xf32, #tpu.memory_space<vmem_shared>> -> memref<16x128xf32, #tpu.memory_space<vmem_shared>>
      %dma_start3A_943 = arith.constant 0 : i32
      %dma_start3A_944 = tpu.memref_slice %arg8[%mul3A_662, %dma_start3A_943] : memref<256x128xf32, #tpu.memory_space<vmem_shared>> -> memref<16x128xf32, #tpu.memory_space<vmem_shared>>
      tpu.enqueue_dma source(%arg15 : memref<16x128xf32, #tpu.memory_space<vmem>>) target(%dma_start3A_944 : memref<16x128xf32, #tpu.memory_space<vmem_shared>>) target_semaphore(%run_scoped3A : memref<!tpu.dma_semaphore, #tpu.memory_space<semaphore_mem>>)
      %dma_wait3A_945 = arith.constant 0 : i32
      %dma_wait3A_946 = tpu.memref_slice %arg8[%mul3A_662, %dma_wait3A_945] : memref<256x128xf32, #tpu.memory_space<vmem_shared>> -> memref<16x128xf32, #tpu.memory_space<vmem_shared>>
      %dma_wait3A_947 = arith.constant 0 : i32
      %dma_wait3A_948 = tpu.memref_slice %arg8[%mul3A_662, %dma_wait3A_947] : memref<256x128xf32, #tpu.memory_space<vmem_shared>> -> memref<16x128xf32, #tpu.memory_space<vmem_shared>>
      tpu.wait_dma2 semaphore(%run_scoped3A : memref<!tpu.dma_semaphore, #tpu.memory_space<semaphore_mem>>) src(%arg15 : memref<16x128xf32, #tpu.memory_space<vmem>>) dst(%dma_wait3A_948 : memref<16x128xf32, #tpu.memory_space<vmem_shared>>)
      tpu.yield
    }) : () -> ()
    %mul3A_663 = arith.constant 16 : i32
    %mul3A_664 = arith.muli %arg1, %mul3A_663 : i32
    "tpu.region"() ({
      %run_scoped3A = tpu.sem_alloc : memref<!tpu.dma_semaphore, #tpu.memory_space<semaphore_mem>>
      %dma_start3A_941 = arith.constant 0 : i32
      %dma_start3A_942 = tpu.memref_slice %arg9[%mul3A_664, %dma_start3A_941] : memref<256x16xf32, #tpu.memory_space<vmem_shared>> -> memref<16x16xf32, #tpu.memory_space<vmem_shared>>
      %dma_start3A_943 = arith.constant 0 : i32
      %dma_start3A_944 = tpu.memref_slice %arg9[%mul3A_664, %dma_start3A_943] : memref<256x16xf32, #tpu.memory_space<vmem_shared>> -> memref<16x16xf32, #tpu.memory_space<vmem_shared>>
      tpu.enqueue_dma source(%arg16 : memref<16x16xf32, #tpu.memory_space<vmem>>) target(%dma_start3A_944 : memref<16x16xf32, #tpu.memory_space<vmem_shared>>) target_semaphore(%run_scoped3A : memref<!tpu.dma_semaphore, #tpu.memory_space<semaphore_mem>>)
      %dma_wait3A_945 = arith.constant 0 : i32
      %dma_wait3A_946 = tpu.memref_slice %arg9[%mul3A_664, %dma_wait3A_945] : memref<256x16xf32, #tpu.memory_space<vmem_shared>> -> memref<16x16xf32, #tpu.memory_space<vmem_shared>>
      %dma_wait3A_947 = arith.constant 0 : i32
      %dma_wait3A_948 = tpu.memref_slice %arg9[%mul3A_664, %dma_wait3A_947] : memref<256x16xf32, #tpu.memory_space<vmem_shared>> -> memref<16x16xf32, #tpu.memory_space<vmem_shared>>
      tpu.wait_dma2 semaphore(%run_scoped3A : memref<!tpu.dma_semaphore, #tpu.memory_space<semaphore_mem>>) src(%arg16 : memref<16x16xf32, #tpu.memory_space<vmem>>) dst(%dma_wait3A_948 : memref<16x16xf32, #tpu.memory_space<vmem_shared>>)
      tpu.yield
    }) : () -> ()
    tpu.wait_dma2 semaphore(%arg17 : memref<!tpu.dma_semaphore, #tpu.memory_space<semaphore_mem>>) src(%arg5 : memref<125x80xi32, #tpu.memory_space<hbm>>) dst(%arg10 : memref<125x80xi32, #tpu.memory_space<vmem>>)
    %mul3A_665 = arith.constant 10000 : i32
    %mul3A_666 = arith.muli %add3A, %mul3A_665 : i32
    %dma_wait3A = tpu.memref_slice %arg3[%mul3A_666] : memref<320000xi32, #tpu.memory_space<hbm>> -> memref<10000xi32, #tpu.memory_space<hbm>>
    %dma_wait3A_667 = tpu.memref_slice %arg3[%mul3A_666] : memref<320000xi32, #tpu.memory_space<hbm>> -> memref<10000xi32, #tpu.memory_space<hbm>>
    tpu.wait_dma2 semaphore(%arg18 : memref<!tpu.dma_semaphore, #tpu.memory_space<semaphore_mem>>) src(%dma_wait3A_667 : memref<10000xi32, #tpu.memory_space<hbm>>) dst(%arg11 : memref<10000xi32, #tpu.memory_space<vmem>>)
    %scan3A = arith.constant 0 : i32
    %scan3A_668 = arith.constant 0 : i32
    %scan3A_669 = arith.constant 125 : i32
    %scan3A_670 = arith.addi %scan3A_668, %scan3A_669 : i32
    %scan3A_671 = arith.constant 1 : i32
    scf.for %scan3A_941 = %scan3A_668 to %scan3A_670 step %scan3A_671  : i32 {
      %mul3A_942 = arith.constant 80 : i32
      %mul3A_943 = arith.muli %scan3A_941, %mul3A_942 : i32
      %add3A_944 = arith.constant 0 : i32
      %add3A_945 = arith.addi %mul3A_943, %add3A_944 : i32
      %multiple_of3A_946 = tpu.assume_multiple %add3A_945, 16 : i32
      %get3A = arith.index_cast %multiple_of3A_946 : i32 to index
      %get3A_947 = tpu.vector_load %arg11[%get3A] {strides = array<i32>} : memref<10000xi32, #tpu.memory_space<vmem>>, vector<16xi32>,
      %jit3A = arith.constant 80 : i32
      %div3A = vector.broadcast %jit3A : i32 to vector<16xi32>
      %div3A_948 = arith.divsi %get3A_947, %div3A : vector<16xi32>
      %sign3A = arith.constant 0 : i32
      %sign3A_949 = vector.broadcast %sign3A : i32 to vector<16xi32>
      %sign3A_950 = arith.cmpi sgt, %get3A_947, %sign3A_949 : vector<16xi32>
      %sign3A_951 = arith.extui %sign3A_950 : vector<16xi1> to vector<16xi32>
      %sign3A_952 = arith.constant 0 : i32
      %sign3A_953 = vector.broadcast %sign3A_952 : i32 to vector<16xi32>
      %sign3A_954 = arith.cmpi slt, %get3A_947, %sign3A_953 : vector<16xi32>
      %sign3A_955 = arith.extui %sign3A_954 : vector<16xi1> to vector<16xi32>
      %sign3A_956 = arith.subi %sign3A_951, %sign3A_955 : vector<16xi32>
      %sign3A_957 = arith.constant 0 : i32
      %sign3A_958 = arith.cmpi sgt, %jit3A, %sign3A_957 : i32
      %sign3A_959 = arith.extui %sign3A_958 : i1 to i32
      %sign3A_960 = arith.constant 0 : i32
      %sign3A_961 = arith.cmpi slt, %jit3A, %sign3A_960 : i32
      %sign3A_962 = arith.extui %sign3A_961 : i1 to i32
      %sign3A_963 = arith.subi %sign3A_959, %sign3A_962 : i32
      %ne3A = vector.broadcast %sign3A_963 : i32 to vector<16xi32>
      %ne3A_964 = arith.cmpi ne, %sign3A_956, %ne3A : vector<16xi32>
      %rem3A = vector.broadcast %jit3A : i32 to vector<16xi32>
      %rem3A_965 = arith.remsi %get3A_947, %rem3A : vector<16xi32>
      %ne3A_966 = arith.constant 0 : i32
      %ne3A_967 = vector.broadcast %ne3A_966 : i32 to vector<16xi32>
      %ne3A_968 = arith.cmpi ne, %rem3A_965, %ne3A_967 : vector<16xi32>
      %and3A = arith.andi %ne3A_964, %ne3A_968 : vector<16xi1>
      %sub3A = arith.constant 1 : i32
      %sub3A_969 = vector.broadcast %sub3A : i32 to vector<16xi32>
      %sub3A_970 = arith.subi %div3A_948, %sub3A_969 : vector<16xi32>
      %select_n3A = arith.select %and3A, %sub3A_970, %div3A_948 : vector<16xi1>, vector<16xi32>
      %jit3A_971 = arith.constant 80 : i32
      %eq3A = arith.constant 0 : i32
      %eq3A_972 = arith.cmpi eq, %jit3A_971, %eq3A : i32
      %jit3A_973 = arith.constant 1 : i32
      %select_n3A_974 = arith.select %eq3A_972, %jit3A_973, %jit3A_971 : i32
      %rem3A_975 = vector.broadcast %select_n3A_974 : i32 to vector<16xi32>
      %rem3A_976 = arith.remsi %get3A_947, %rem3A_975 : vector<16xi32>
      %ne3A_977 = arith.constant 0 : i32
      %ne3A_978 = vector.broadcast %ne3A_977 : i32 to vector<16xi32>
      %ne3A_979 = arith.cmpi ne, %rem3A_976, %ne3A_978 : vector<16xi32>
      %lt3A_980 = arith.constant 0 : i32
      %lt3A_981 = vector.broadcast %lt3A_980 : i32 to vector<16xi32>
      %lt3A_982 = arith.cmpi slt, %rem3A_976, %lt3A_981 : vector<16xi32>
      %lt3A_983 = arith.constant 0 : i32
      %lt3A_984 = arith.cmpi slt, %select_n3A_974, %lt3A_983 : i32
      %ne3A_985 = vector.broadcast %lt3A_984 : i1 to vector<16xi1>
      %ne3A_986 = vector.broadcast %ne3A_985 : vector<16xi1> to vector<16xi1>
      %ne3A_987 = arith.xori %lt3A_982, %ne3A_986 : vector<16xi1>
      %and3A_988 = arith.andi %ne3A_987, %ne3A_979 : vector<16xi1>
      %add3A_989 = vector.broadcast %select_n3A_974 : i32 to vector<16xi32>
      %add3A_990 = arith.addi %rem3A_976, %add3A_989 : vector<16xi32>
      %select_n3A_991 = arith.select %and3A_988, %add3A_990, %rem3A_976 : vector<16xi1>, vector<16xi32>
      %gather3A = tpu.vector_load_idx %arg10[%select_n3A, %select_n3A_991] : memref<125x80xi32, #tpu.memory_space<vmem>>[vector<16xi32>, vector<16xi32>], vector<16xi32>,
      %swap3A_992 = arith.index_cast %scan3A_941 : i32 to index
      %swap3A_993 = arith.constant 0 : index
      %swap3A_994 = tpu.vector_load %arg12[%swap3A_992, %swap3A_993] {strides = array<i32>} : memref<125x80xi32, #tpu.memory_space<vmem>>, vector<16xi32>,
      tpu.vector_store %arg12[%swap3A_992, %swap3A_993], %gather3A {strides = array<i32>} : memref<125x80xi32, #tpu.memory_space<vmem>>, vector<16xi32>,
      %mul3A_995 = arith.constant 80 : i32
      %mul3A_996 = arith.muli %scan3A_941, %mul3A_995 : i32
      %add3A_997 = arith.constant 16 : i32
      %add3A_998 = arith.addi %mul3A_996, %add3A_997 : i32
      %multiple_of3A_999 = tpu.assume_multiple %add3A_998, 16 : i32
      %get3A_1000 = arith.index_cast %multiple_of3A_999 : i32 to index
      %get3A_1001 = tpu.vector_load %arg11[%get3A_1000] {strides = array<i32>} : memref<10000xi32, #tpu.memory_space<vmem>>, vector<16xi32>,
      %jit3A_1002 = arith.constant 80 : i32
      %div3A_1003 = vector.broadcast %jit3A_1002 : i32 to vector<16xi32>
      %div3A_1004 = arith.divsi %get3A_1001, %div3A_1003 : vector<16xi32>
      %sign3A_1005 = arith.constant 0 : i32
      %sign3A_1006 = vector.broadcast %sign3A_1005 : i32 to vector<16xi32>
      %sign3A_1007 = arith.cmpi sgt, %get3A_1001, %sign3A_1006 : vector<16xi32>
      %sign3A_1008 = arith.extui %sign3A_1007 : vector<16xi1> to vector<16xi32>
      %sign3A_1009 = arith.constant 0 : i32
      %sign3A_1010 = vector.broadcast %sign3A_1009 : i32 to vector<16xi32>
      %sign3A_1011 = arith.cmpi slt, %get3A_1001, %sign3A_1010 : vector<16xi32>
      %sign3A_1012 = arith.extui %sign3A_1011 : vector<16xi1> to vector<16xi32>
      %sign3A_1013 = arith.subi %sign3A_1008, %sign3A_1012 : vector<16xi32>
      %sign3A_1014 = arith.constant 0 : i32
      %sign3A_1015 = arith.cmpi sgt, %jit3A_1002, %sign3A_1014 : i32
      %sign3A_1016 = arith.extui %sign3A_1015 : i1 to i32
      %sign3A_1017 = arith.constant 0 : i32
      %sign3A_1018 = arith.cmpi slt, %jit3A_1002, %sign3A_1017 : i32
      %sign3A_1019 = arith.extui %sign3A_1018 : i1 to i32
      %sign3A_1020 = arith.subi %sign3A_1016, %sign3A_1019 : i32
      %ne3A_1021 = vector.broadcast %sign3A_1020 : i32 to vector<16xi32>
      %ne3A_1022 = arith.cmpi ne, %sign3A_1013, %ne3A_1021 : vector<16xi32>
      %rem3A_1023 = vector.broadcast %jit3A_1002 : i32 to vector<16xi32>
      %rem3A_1024 = arith.remsi %get3A_1001, %rem3A_1023 : vector<16xi32>
      %ne3A_1025 = arith.constant 0 : i32
      %ne3A_1026 = vector.broadcast %ne3A_1025 : i32 to vector<16xi32>
      %ne3A_1027 = arith.cmpi ne, %rem3A_1024, %ne3A_1026 : vector<16xi32>
      %and3A_1028 = arith.andi %ne3A_1022, %ne3A_1027 : vector<16xi1>
      %sub3A_1029 = arith.constant 1 : i32
      %sub3A_1030 = vector.broadcast %sub3A_1029 : i32 to vector<16xi32>
      %sub3A_1031 = arith.subi %div3A_1004, %sub3A_1030 : vector<16xi32>
      %select_n3A_1032 = arith.select %and3A_1028, %sub3A_1031, %div3A_1004 : vector<16xi1>, vector<16xi32>
      %jit3A_1033 = arith.constant 80 : i32
      %eq3A_1034 = arith.constant 0 : i32
      %eq3A_1035 = arith.cmpi eq, %jit3A_1033, %eq3A_1034 : i32
      %jit3A_1036 = arith.constant 1 : i32
      %select_n3A_1037 = arith.select %eq3A_1035, %jit3A_1036, %jit3A_1033 : i32
      %rem3A_1038 = vector.broadcast %select_n3A_1037 : i32 to vector<16xi32>
      %rem3A_1039 = arith.remsi %get3A_1001, %rem3A_1038 : vector<16xi32>
      %ne3A_1040 = arith.constant 0 : i32
      %ne3A_1041 = vector.broadcast %ne3A_1040 : i32 to vector<16xi32>
      %ne3A_1042 = arith.cmpi ne, %rem3A_1039, %ne3A_1041 : vector<16xi32>
      %lt3A_1043 = arith.constant 0 : i32
      %lt3A_1044 = vector.broadcast %lt3A_1043 : i32 to vector<16xi32>
      %lt3A_1045 = arith.cmpi slt, %rem3A_1039, %lt3A_1044 : vector<16xi32>
      %lt3A_1046 = arith.constant 0 : i32
      %lt3A_1047 = arith.cmpi slt, %select_n3A_1037, %lt3A_1046 : i32
      %ne3A_1048 = vector.broadcast %lt3A_1047 : i1 to vector<16xi1>
      %ne3A_1049 = vector.broadcast %ne3A_1048 : vector<16xi1> to vector<16xi1>
      %ne3A_1050 = arith.xori %lt3A_1045, %ne3A_1049 : vector<16xi1>
      %and3A_1051 = arith.andi %ne3A_1050, %ne3A_1042 : vector<16xi1>
      %add3A_1052 = vector.broadcast %select_n3A_1037 : i32 to vector<16xi32>
      %add3A_1053 = arith.addi %rem3A_1039, %add3A_1052 : vector<16xi32>
      %select_n3A_1054 = arith.select %and3A_1051, %add3A_1053, %rem3A_1039 : vector<16xi1>, vector<16xi32>
      %gather3A_1055 = tpu.vector_load_idx %arg10[%select_n3A_1032, %select_n3A_1054] : memref<125x80xi32, #tpu.memory_space<vmem>>[vector<16xi32>, vector<16xi32>], vector<16xi32>,
      %swap3A_1056 = arith.index_cast %scan3A_941 : i32 to index
      %swap3A_1057 = arith.constant 16 : index
      %swap3A_1058 = tpu.vector_load %arg12[%swap3A_1056, %swap3A_1057] {strides = array<i32>} : memref<125x80xi32, #tpu.memory_space<vmem>>, vector<16xi32>,
      tpu.vector_store %arg12[%swap3A_1056, %swap3A_1057], %gather3A_1055 {strides = array<i32>} : memref<125x80xi32, #tpu.memory_space<vmem>>, vector<16xi32>,
      %mul3A_1059 = arith.constant 80 : i32
      %mul3A_1060 = arith.muli %scan3A_941, %mul3A_1059 : i32
      %add3A_1061 = arith.constant 32 : i32
      %add3A_1062 = arith.addi %mul3A_1060, %add3A_1061 : i32
      %multiple_of3A_1063 = tpu.assume_multiple %add3A_1062, 16 : i32
      %get3A_1064 = arith.index_cast %multiple_of3A_1063 : i32 to index
      %get3A_1065 = tpu.vector_load %arg11[%get3A_1064] {strides = array<i32>} : memref<10000xi32, #tpu.memory_space<vmem>>, vector<16xi32>,
      %jit3A_1066 = arith.constant 80 : i32
      %div3A_1067 = vector.broadcast %jit3A_1066 : i32 to vector<16xi32>
      %div3A_1068 = arith.divsi %get3A_1065, %div3A_1067 : vector<16xi32>
      %sign3A_1069 = arith.constant 0 : i32
      %sign3A_1070 = vector.broadcast %sign3A_1069 : i32 to vector<16xi32>
      %sign3A_1071 = arith.cmpi sgt, %get3A_1065, %sign3A_1070 : vector<16xi32>
      %sign3A_1072 = arith.extui %sign3A_1071 : vector<16xi1> to vector<16xi32>
      %sign3A_1073 = arith.constant 0 : i32
      %sign3A_1074 = vector.broadcast %sign3A_1073 : i32 to vector<16xi32>
      %sign3A_1075 = arith.cmpi slt, %get3A_1065, %sign3A_1074 : vector<16xi32>
      %sign3A_1076 = arith.extui %sign3A_1075 : vector<16xi1> to vector<16xi32>
      %sign3A_1077 = arith.subi %sign3A_1072, %sign3A_1076 : vector<16xi32>
      %sign3A_1078 = arith.constant 0 : i32
      %sign3A_1079 = arith.cmpi sgt, %jit3A_1066, %sign3A_1078 : i32
      %sign3A_1080 = arith.extui %sign3A_1079 : i1 to i32
      %sign3A_1081 = arith.constant 0 : i32
      %sign3A_1082 = arith.cmpi slt, %jit3A_1066, %sign3A_1081 : i32
      %sign3A_1083 = arith.extui %sign3A_1082 : i1 to i32
      %sign3A_1084 = arith.subi %sign3A_1080, %sign3A_1083 : i32
      %ne3A_1085 = vector.broadcast %sign3A_1084 : i32 to vector<16xi32>
      %ne3A_1086 = arith.cmpi ne, %sign3A_1077, %ne3A_1085 : vector<16xi32>
      %rem3A_1087 = vector.broadcast %jit3A_1066 : i32 to vector<16xi32>
      %rem3A_1088 = arith.remsi %get3A_1065, %rem3A_1087 : vector<16xi32>
      %ne3A_1089 = arith.constant 0 : i32
      %ne3A_1090 = vector.broadcast %ne3A_1089 : i32 to vector<16xi32>
      %ne3A_1091 = arith.cmpi ne, %rem3A_1088, %ne3A_1090 : vector<16xi32>
      %and3A_1092 = arith.andi %ne3A_1086, %ne3A_1091 : vector<16xi1>
      %sub3A_1093 = arith.constant 1 : i32
      %sub3A_1094 = vector.broadcast %sub3A_1093 : i32 to vector<16xi32>
      %sub3A_1095 = arith.subi %div3A_1068, %sub3A_1094 : vector<16xi32>
      %select_n3A_1096 = arith.select %and3A_1092, %sub3A_1095, %div3A_1068 : vector<16xi1>, vector<16xi32>
      %jit3A_1097 = arith.constant 80 : i32
      %eq3A_1098 = arith.constant 0 : i32
      %eq3A_1099 = arith.cmpi eq, %jit3A_1097, %eq3A_1098 : i32
      %jit3A_1100 = arith.constant 1 : i32
      %select_n3A_1101 = arith.select %eq3A_1099, %jit3A_1100, %jit3A_1097 : i32
      %rem3A_1102 = vector.broadcast %select_n3A_1101 : i32 to vector<16xi32>
      %rem3A_1103 = arith.remsi %get3A_1065, %rem3A_1102 : vector<16xi32>
      %ne3A_1104 = arith.constant 0 : i32
      %ne3A_1105 = vector.broadcast %ne3A_1104 : i32 to vector<16xi32>
      %ne3A_1106 = arith.cmpi ne, %rem3A_1103, %ne3A_1105 : vector<16xi32>
      %lt3A_1107 = arith.constant 0 : i32
      %lt3A_1108 = vector.broadcast %lt3A_1107 : i32 to vector<16xi32>
      %lt3A_1109 = arith.cmpi slt, %rem3A_1103, %lt3A_1108 : vector<16xi32>
      %lt3A_1110 = arith.constant 0 : i32
      %lt3A_1111 = arith.cmpi slt, %select_n3A_1101, %lt3A_1110 : i32
      %ne3A_1112 = vector.broadcast %lt3A_1111 : i1 to vector<16xi1>
      %ne3A_1113 = vector.broadcast %ne3A_1112 : vector<16xi1> to vector<16xi1>
      %ne3A_1114 = arith.xori %lt3A_1109, %ne3A_1113 : vector<16xi1>
      %and3A_1115 = arith.andi %ne3A_1114, %ne3A_1106 : vector<16xi1>
      %add3A_1116 = vector.broadcast %select_n3A_1101 : i32 to vector<16xi32>
      %add3A_1117 = arith.addi %rem3A_1103, %add3A_1116 : vector<16xi32>
      %select_n3A_1118 = arith.select %and3A_1115, %add3A_1117, %rem3A_1103 : vector<16xi1>, vector<16xi32>
      %gather3A_1119 = tpu.vector_load_idx %arg10[%select_n3A_1096, %select_n3A_1118] : memref<125x80xi32, #tpu.memory_space<vmem>>[vector<16xi32>, vector<16xi32>], vector<16xi32>,
      %swap3A_1120 = arith.index_cast %scan3A_941 : i32 to index
      %swap3A_1121 = arith.constant 32 : index
      %swap3A_1122 = tpu.vector_load %arg12[%swap3A_1120, %swap3A_1121] {strides = array<i32>} : memref<125x80xi32, #tpu.memory_space<vmem>>, vector<16xi32>,
      tpu.vector_store %arg12[%swap3A_1120, %swap3A_1121], %gather3A_1119 {strides = array<i32>} : memref<125x80xi32, #tpu.memory_space<vmem>>, vector<16xi32>,
      %mul3A_1123 = arith.constant 80 : i32
      %mul3A_1124 = arith.muli %scan3A_941, %mul3A_1123 : i32
      %add3A_1125 = arith.constant 48 : i32
      %add3A_1126 = arith.addi %mul3A_1124, %add3A_1125 : i32
      %multiple_of3A_1127 = tpu.assume_multiple %add3A_1126, 16 : i32
      %get3A_1128 = arith.index_cast %multiple_of3A_1127 : i32 to index
      %get3A_1129 = tpu.vector_load %arg11[%get3A_1128] {strides = array<i32>} : memref<10000xi32, #tpu.memory_space<vmem>>, vector<16xi32>,
      %jit3A_1130 = arith.constant 80 : i32
      %div3A_1131 = vector.broadcast %jit3A_1130 : i32 to vector<16xi32>
      %div3A_1132 = arith.divsi %get3A_1129, %div3A_1131 : vector<16xi32>
      %sign3A_1133 = arith.constant 0 : i32
      %sign3A_1134 = vector.broadcast %sign3A_1133 : i32 to vector<16xi32>
      %sign3A_1135 = arith.cmpi sgt, %get3A_1129, %sign3A_1134 : vector<16xi32>
      %sign3A_1136 = arith.extui %sign3A_1135 : vector<16xi1> to vector<16xi32>
      %sign3A_1137 = arith.constant 0 : i32
      %sign3A_1138 = vector.broadcast %sign3A_1137 : i32 to vector<16xi32>
      %sign3A_1139 = arith.cmpi slt, %get3A_1129, %sign3A_1138 : vector<16xi32>
      %sign3A_1140 = arith.extui %sign3A_1139 : vector<16xi1> to vector<16xi32>
      %sign3A_1141 = arith.subi %sign3A_1136, %sign3A_1140 : vector<16xi32>
      %sign3A_1142 = arith.constant 0 : i32
      %sign3A_1143 = arith.cmpi sgt, %jit3A_1130, %sign3A_1142 : i32
      %sign3A_1144 = arith.extui %sign3A_1143 : i1 to i32
      %sign3A_1145 = arith.constant 0 : i32
      %sign3A_1146 = arith.cmpi slt, %jit3A_1130, %sign3A_1145 : i32
      %sign3A_1147 = arith.extui %sign3A_1146 : i1 to i32
      %sign3A_1148 = arith.subi %sign3A_1144, %sign3A_1147 : i32
      %ne3A_1149 = vector.broadcast %sign3A_1148 : i32 to vector<16xi32>
      %ne3A_1150 = arith.cmpi ne, %sign3A_1141, %ne3A_1149 : vector<16xi32>
      %rem3A_1151 = vector.broadcast %jit3A_1130 : i32 to vector<16xi32>
      %rem3A_1152 = arith.remsi %get3A_1129, %rem3A_1151 : vector<16xi32>
      %ne3A_1153 = arith.constant 0 : i32
      %ne3A_1154 = vector.broadcast %ne3A_1153 : i32 to vector<16xi32>
      %ne3A_1155 = arith.cmpi ne, %rem3A_1152, %ne3A_1154 : vector<16xi32>
      %and3A_1156 = arith.andi %ne3A_1150, %ne3A_1155 : vector<16xi1>
      %sub3A_1157 = arith.constant 1 : i32
      %sub3A_1158 = vector.broadcast %sub3A_1157 : i32 to vector<16xi32>
      %sub3A_1159 = arith.subi %div3A_1132, %sub3A_1158 : vector<16xi32>
      %select_n3A_1160 = arith.select %and3A_1156, %sub3A_1159, %div3A_1132 : vector<16xi1>, vector<16xi32>
      %jit3A_1161 = arith.constant 80 : i32
      %eq3A_1162 = arith.constant 0 : i32
      %eq3A_1163 = arith.cmpi eq, %jit3A_1161, %eq3A_1162 : i32
      %jit3A_1164 = arith.constant 1 : i32
      %select_n3A_1165 = arith.select %eq3A_1163, %jit3A_1164, %jit3A_1161 : i32
      %rem3A_1166 = vector.broadcast %select_n3A_1165 : i32 to vector<16xi32>
      %rem3A_1167 = arith.remsi %get3A_1129, %rem3A_1166 : vector<16xi32>
      %ne3A_1168 = arith.constant 0 : i32
      %ne3A_1169 = vector.broadcast %ne3A_1168 : i32 to vector<16xi32>
      %ne3A_1170 = arith.cmpi ne, %rem3A_1167, %ne3A_1169 : vector<16xi32>
      %lt3A_1171 = arith.constant 0 : i32
      %lt3A_1172 = vector.broadcast %lt3A_1171 : i32 to vector<16xi32>
      %lt3A_1173 = arith.cmpi slt, %rem3A_1167, %lt3A_1172 : vector<16xi32>
      %lt3A_1174 = arith.constant 0 : i32
      %lt3A_1175 = arith.cmpi slt, %select_n3A_1165, %lt3A_1174 : i32
      %ne3A_1176 = vector.broadcast %lt3A_1175 : i1 to vector<16xi1>
      %ne3A_1177 = vector.broadcast %ne3A_1176 : vector<16xi1> to vector<16xi1>
      %ne3A_1178 = arith.xori %lt3A_1173, %ne3A_1177 : vector<16xi1>
      %and3A_1179 = arith.andi %ne3A_1178, %ne3A_1170 : vector<16xi1>
      %add3A_1180 = vector.broadcast %select_n3A_1165 : i32 to vector<16xi32>
      %add3A_1181 = arith.addi %rem3A_1167, %add3A_1180 : vector<16xi32>
      %select_n3A_1182 = arith.select %and3A_1179, %add3A_1181, %rem3A_1167 : vector<16xi1>, vector<16xi32>
      %gather3A_1183 = tpu.vector_load_idx %arg10[%select_n3A_1160, %select_n3A_1182] : memref<125x80xi32, #tpu.memory_space<vmem>>[vector<16xi32>, vector<16xi32>], vector<16xi32>,
      %swap3A_1184 = arith.index_cast %scan3A_941 : i32 to index
      %swap3A_1185 = arith.constant 48 : index
      %swap3A_1186 = tpu.vector_load %arg12[%swap3A_1184, %swap3A_1185] {strides = array<i32>} : memref<125x80xi32, #tpu.memory_space<vmem>>, vector<16xi32>,
      tpu.vector_store %arg12[%swap3A_1184, %swap3A_1185], %gather3A_1183 {strides = array<i32>} : memref<125x80xi32, #tpu.memory_space<vmem>>, vector<16xi32>,
      %mul3A_1187 = arith.constant 80 : i32
      %mul3A_1188 = arith.muli %scan3A_941, %mul3A_1187 : i32
      %add3A_1189 = arith.constant 64 : i32
      %add3A_1190 = arith.addi %mul3A_1188, %add3A_1189 : i32
      %multiple_of3A_1191 = tpu.assume_multiple %add3A_1190, 16 : i32
      %get3A_1192 = arith.index_cast %multiple_of3A_1191 : i32 to index
      %get3A_1193 = tpu.vector_load %arg11[%get3A_1192] {strides = array<i32>} : memref<10000xi32, #tpu.memory_space<vmem>>, vector<16xi32>,
      %jit3A_1194 = arith.constant 80 : i32
      %div3A_1195 = vector.broadcast %jit3A_1194 : i32 to vector<16xi32>
      %div3A_1196 = arith.divsi %get3A_1193, %div3A_1195 : vector<16xi32>
      %sign3A_1197 = arith.constant 0 : i32
      %sign3A_1198 = vector.broadcast %sign3A_1197 : i32 to vector<16xi32>
      %sign3A_1199 = arith.cmpi sgt, %get3A_1193, %sign3A_1198 : vector<16xi32>
      %sign3A_1200 = arith.extui %sign3A_1199 : vector<16xi1> to vector<16xi32>
      %sign3A_1201 = arith.constant 0 : i32
      %sign3A_1202 = vector.broadcast %sign3A_1201 : i32 to vector<16xi32>
      %sign3A_1203 = arith.cmpi slt, %get3A_1193, %sign3A_1202 : vector<16xi32>
      %sign3A_1204 = arith.extui %sign3A_1203 : vector<16xi1> to vector<16xi32>
      %sign3A_1205 = arith.subi %sign3A_1200, %sign3A_1204 : vector<16xi32>
      %sign3A_1206 = arith.constant 0 : i32
      %sign3A_1207 = arith.cmpi sgt, %jit3A_1194, %sign3A_1206 : i32
      %sign3A_1208 = arith.extui %sign3A_1207 : i1 to i32
      %sign3A_1209 = arith.constant 0 : i32
      %sign3A_1210 = arith.cmpi slt, %jit3A_1194, %sign3A_1209 : i32
      %sign3A_1211 = arith.extui %sign3A_1210 : i1 to i32
      %sign3A_1212 = arith.subi %sign3A_1208, %sign3A_1211 : i32
      %ne3A_1213 = vector.broadcast %sign3A_1212 : i32 to vector<16xi32>
      %ne3A_1214 = arith.cmpi ne, %sign3A_1205, %ne3A_1213 : vector<16xi32>
      %rem3A_1215 = vector.broadcast %jit3A_1194 : i32 to vector<16xi32>
      %rem3A_1216 = arith.remsi %get3A_1193, %rem3A_1215 : vector<16xi32>
      %ne3A_1217 = arith.constant 0 : i32
      %ne3A_1218 = vector.broadcast %ne3A_1217 : i32 to vector<16xi32>
      %ne3A_1219 = arith.cmpi ne, %rem3A_1216, %ne3A_1218 : vector<16xi32>
      %and3A_1220 = arith.andi %ne3A_1214, %ne3A_1219 : vector<16xi1>
      %sub3A_1221 = arith.constant 1 : i32
      %sub3A_1222 = vector.broadcast %sub3A_1221 : i32 to vector<16xi32>
      %sub3A_1223 = arith.subi %div3A_1196, %sub3A_1222 : vector<16xi32>
      %select_n3A_1224 = arith.select %and3A_1220, %sub3A_1223, %div3A_1196 : vector<16xi1>, vector<16xi32>
      %jit3A_1225 = arith.constant 80 : i32
      %eq3A_1226 = arith.constant 0 : i32
      %eq3A_1227 = arith.cmpi eq, %jit3A_1225, %eq3A_1226 : i32
      %jit3A_1228 = arith.constant 1 : i32
      %select_n3A_1229 = arith.select %eq3A_1227, %jit3A_1228, %jit3A_1225 : i32
      %rem3A_1230 = vector.broadcast %select_n3A_1229 : i32 to vector<16xi32>
      %rem3A_1231 = arith.remsi %get3A_1193, %rem3A_1230 : vector<16xi32>
      %ne3A_1232 = arith.constant 0 : i32
      %ne3A_1233 = vector.broadcast %ne3A_1232 : i32 to vector<16xi32>
      %ne3A_1234 = arith.cmpi ne, %rem3A_1231, %ne3A_1233 : vector<16xi32>
      %lt3A_1235 = arith.constant 0 : i32
      %lt3A_1236 = vector.broadcast %lt3A_1235 : i32 to vector<16xi32>
      %lt3A_1237 = arith.cmpi slt, %rem3A_1231, %lt3A_1236 : vector<16xi32>
      %lt3A_1238 = arith.constant 0 : i32
      %lt3A_1239 = arith.cmpi slt, %select_n3A_1229, %lt3A_1238 : i32
      %ne3A_1240 = vector.broadcast %lt3A_1239 : i1 to vector<16xi1>
      %ne3A_1241 = vector.broadcast %ne3A_1240 : vector<16xi1> to vector<16xi1>
      %ne3A_1242 = arith.xori %lt3A_1237, %ne3A_1241 : vector<16xi1>
      %and3A_1243 = arith.andi %ne3A_1242, %ne3A_1234 : vector<16xi1>
      %add3A_1244 = vector.broadcast %select_n3A_1229 : i32 to vector<16xi32>
      %add3A_1245 = arith.addi %rem3A_1231, %add3A_1244 : vector<16xi32>
      %select_n3A_1246 = arith.select %and3A_1243, %add3A_1245, %rem3A_1231 : vector<16xi1>, vector<16xi32>
      %gather3A_1247 = tpu.vector_load_idx %arg10[%select_n3A_1224, %select_n3A_1246] : memref<125x80xi32, #tpu.memory_space<vmem>>[vector<16xi32>, vector<16xi32>], vector<16xi32>,
      %swap3A_1248 = arith.index_cast %scan3A_941 : i32 to index
      %swap3A_1249 = arith.constant 64 : index
      %swap3A_1250 = tpu.vector_load %arg12[%swap3A_1248, %swap3A_1249] {strides = array<i32>} : memref<125x80xi32, #tpu.memory_space<vmem>>, vector<16xi32>,
      tpu.vector_store %arg12[%swap3A_1248, %swap3A_1249], %gather3A_1247 {strides = array<i32>} : memref<125x80xi32, #tpu.memory_space<vmem>>, vector<16xi32>,
    }
    %scan3A_672 = arith.constant 125 : i32
    %barrier3A = arith.constant 0 : index
    tpu.barrier barrier_id(%barrier3A)
    %mul3A_673 = arith.constant 10000 : i32
    %mul3A_674 = arith.muli %add3A, %mul3A_673 : i32
    %add3A_675 = arith.constant 0 : i32
    %add3A_676 = arith.addi %mul3A_674, %add3A_675 : i32
    %dma_wait3A_677 = arith.constant 0 : i32
    %dma_wait3A_678 = arith.constant 0 : i32
    %dma_wait3A_679 = arith.constant 0 : i32
    %dma_wait3A_680 = arith.constant 0 : i32
    %dma_wait3A_681 = tpu.memref_slice %arg13[%dma_wait3A_677, %dma_wait3A_679, %dma_wait3A_680] : memref<2x2000x16xf32, #tpu.memory_space<vmem>> -> memref<1x2000x16xf32, #tpu.memory_space<vmem>>
    %dma_wait3A_682 = tpu.memref_squeeze %dma_wait3A_681 : memref<1x2000x16xf32, #tpu.memory_space<vmem>> -> memref<2000x16xf32, #tpu.memory_space<vmem>>
    %dma_wait3A_683 = arith.constant 0 : i32
    %dma_wait3A_684 = tpu.memref_slice %arg4[%add3A_676, %dma_wait3A_683] : memref<320000x16xf32, #tpu.memory_space<hbm>> -> memref<2000x16xf32, #tpu.memory_space<hbm>>
    %dma_wait3A_685 = tpu.memref_slice %arg19[%dma_wait3A_678] : memref<2x!tpu.dma_semaphore, #tpu.memory_space<semaphore_mem>> -> memref<1x!tpu.dma_semaphore, #tpu.memory_space<semaphore_mem>>
    %dma_wait3A_686 = tpu.memref_squeeze %dma_wait3A_685 : memref<1x!tpu.dma_semaphore, #tpu.memory_space<semaphore_mem>> -> memref<!tpu.dma_semaphore, #tpu.memory_space<semaphore_mem>>
    %dma_wait3A_687 = arith.constant 0 : i32
    %dma_wait3A_688 = arith.constant 0 : i32
    %dma_wait3A_689 = tpu.memref_slice %arg13[%dma_wait3A_677, %dma_wait3A_687, %dma_wait3A_688] : memref<2x2000x16xf32, #tpu.memory_space<vmem>> -> memref<1x2000x16xf32, #tpu.memory_space<vmem>>
    %dma_wait3A_690 = tpu.memref_squeeze %dma_wait3A_689 : memref<1x2000x16xf32, #tpu.memory_space<vmem>> -> memref<2000x16xf32, #tpu.memory_space<vmem>>
    %dma_wait3A_691 = arith.constant 0 : i32
    %dma_wait3A_692 = tpu.memref_slice %arg4[%add3A_676, %dma_wait3A_691] : memref<320000x16xf32, #tpu.memory_space<hbm>> -> memref<2000x16xf32, #tpu.memory_space<hbm>>
    tpu.wait_dma2 semaphore(%dma_wait3A_686 : memref<!tpu.dma_semaphore, #tpu.memory_space<semaphore_mem>>) src(%dma_wait3A_692 : memref<2000x16xf32, #tpu.memory_space<hbm>>) dst(%dma_wait3A_690 : memref<2000x16xf32, #tpu.memory_space<vmem>>)
    %scan3A_693 = arith.constant 0 : i32
    %scan3A_694 = arith.constant 0 : i32
    %scan3A_695 = arith.constant 25 : i32
    %scan3A_696 = arith.addi %scan3A_694, %scan3A_695 : i32
    %scan3A_697 = arith.constant 1 : i32
    scf.for %scan3A_941 = %scan3A_694 to %scan3A_696 step %scan3A_697  : i32 {
      %mul3A_942 = arith.constant 80 : i32
      %mul3A_943 = arith.muli %scan3A_941, %mul3A_942 : i32
      %multiple_of3A_944 = tpu.assume_multiple %mul3A_943, 80 : i32
      %add3A_945 = arith.constant 0 : i32
      %add3A_946 = arith.addi %add3A_945, %scan3A_941 : i32
      %dma_start3A_947 = arith.constant 0 : i32
      %dma_start3A_948 = arith.constant 0 : i32
      %dma_start3A_949 = arith.constant 0 : i32
      %dma_start3A_950 = tpu.memref_slice %arg13[%dma_start3A_947, %multiple_of3A_944, %dma_start3A_949] : memref<2x2000x16xf32, #tpu.memory_space<vmem>> -> memref<1x80x16xf32, #tpu.memory_space<vmem>>
      %dma_start3A_951 = tpu.memref_squeeze %dma_start3A_950 : memref<1x80x16xf32, #tpu.memory_space<vmem>> -> memref<80x16xf32, #tpu.memory_space<vmem>>
      %dma_start3A_952 = arith.constant 0 : i32
      %dma_start3A_953 = tpu.memref_slice %arg12[%add3A_946, %dma_start3A_952] : memref<125x80xi32, #tpu.memory_space<vmem>> -> memref<1x80xi32, #tpu.memory_space<vmem>>
      %dma_start3A_954 = tpu.memref_squeeze %dma_start3A_953 : memref<1x80xi32, #tpu.memory_space<vmem>> -> memref<80xi32, #tpu.memory_space<vmem>>
      %dma_start3A_955 = arith.constant 0 : i32
      %dma_start3A_956 = arith.constant 0 : i32
      %dma_start3A_957 = tpu.memref_slice %arg9[%dma_start3A_955, %dma_start3A_956] : memref<256x16xf32, #tpu.memory_space<vmem_shared>> -> memref<256x16xf32, #tpu.memory_space<vmem_shared>>
      %dma_start3A_958 = tpu.memref_slice %arg20[%dma_start3A_948] : memref<2x!tpu.dma_semaphore, #tpu.memory_space<semaphore_mem>> -> memref<1x!tpu.dma_semaphore, #tpu.memory_space<semaphore_mem>>
      %dma_start3A_959 = tpu.memref_squeeze %dma_start3A_958 : memref<1x!tpu.dma_semaphore, #tpu.memory_space<semaphore_mem>> -> memref<!tpu.dma_semaphore, #tpu.memory_space<semaphore_mem>>
      tpu.enqueue_indirect_dma source(%dma_start3A_951 : memref<80x16xf32, #tpu.memory_space<vmem>>) target(%dma_start3A_957 : memref<256x16xf32, #tpu.memory_space<vmem_shared>>) offsets(%dma_start3A_954 : memref<80xi32, #tpu.memory_space<vmem>>) semaphore(%dma_start3A_959 : memref<!tpu.dma_semaphore, #tpu.memory_space<semaphore_mem>>) {add = true}
    }
    %scan3A_698 = arith.constant 25 : i32
    %scan3A_699 = arith.constant 0 : i32
    %scan3A_700 = arith.constant 0 : i32
    %scan3A_701 = arith.constant 25 : i32
    %scan3A_702 = arith.addi %scan3A_700, %scan3A_701 : i32
    %scan3A_703 = arith.constant 1 : i32
    scf.for %scan3A_941 = %scan3A_700 to %scan3A_702 step %scan3A_703  : i32 {
      %mul3A_942 = arith.constant 80 : i32
      %mul3A_943 = arith.muli %scan3A_941, %mul3A_942 : i32
      %multiple_of3A_944 = tpu.assume_multiple %mul3A_943, 80 : i32
      %add3A_945 = arith.constant 0 : i32
      %add3A_946 = arith.addi %add3A_945, %scan3A_941 : i32
      %dma_wait3A_947 = arith.constant 0 : i32
      %dma_wait3A_948 = arith.constant 0 : i32
      %dma_wait3A_949 = arith.constant 0 : i32
      %dma_wait3A_950 = tpu.memref_slice %arg13[%dma_wait3A_947, %multiple_of3A_944, %dma_wait3A_949] : memref<2x2000x16xf32, #tpu.memory_space<vmem>> -> memref<1x80x16xf32, #tpu.memory_space<vmem>>
      %dma_wait3A_951 = tpu.memref_squeeze %dma_wait3A_950 : memref<1x80x16xf32, #tpu.memory_space<vmem>> -> memref<80x16xf32, #tpu.memory_space<vmem>>
      %dma_wait3A_952 = arith.constant 0 : i32
      %dma_wait3A_953 = tpu.memref_slice %arg12[%add3A_946, %dma_wait3A_952] : memref<125x80xi32, #tpu.memory_space<vmem>> -> memref<1x80xi32, #tpu.memory_space<vmem>>
      %dma_wait3A_954 = tpu.memref_squeeze %dma_wait3A_953 : memref<1x80xi32, #tpu.memory_space<vmem>> -> memref<80xi32, #tpu.memory_space<vmem>>
      %dma_wait3A_955 = arith.constant 0 : i32
      %dma_wait3A_956 = arith.constant 0 : i32
      %dma_wait3A_957 = tpu.memref_slice %arg9[%dma_wait3A_955, %dma_wait3A_956] : memref<256x16xf32, #tpu.memory_space<vmem_shared>> -> memref<256x16xf32, #tpu.memory_space<vmem_shared>>
      %dma_wait3A_958 = tpu.memref_slice %arg20[%dma_wait3A_948] : memref<2x!tpu.dma_semaphore, #tpu.memory_space<semaphore_mem>> -> memref<1x!tpu.dma_semaphore, #tpu.memory_space<semaphore_mem>>
      %dma_wait3A_959 = tpu.memref_squeeze %dma_wait3A_958 : memref<1x!tpu.dma_semaphore, #tpu.memory_space<semaphore_mem>> -> memref<!tpu.dma_semaphore, #tpu.memory_space<semaphore_mem>>
      tpu.wait_indirect_dma semaphore(%dma_wait3A_959 : memref<!tpu.dma_semaphore, #tpu.memory_space<semaphore_mem>>) src(%dma_wait3A_951 : memref<80x16xf32, #tpu.memory_space<vmem>>) dst(%dma_wait3A_957 : memref<256x16xf32, #tpu.memory_space<vmem_shared>>)
    }
    %scan3A_704 = arith.constant 25 : i32
    %mul3A_705 = arith.constant 10000 : i32
    %mul3A_706 = arith.muli %add3A, %mul3A_705 : i32
    %add3A_707 = arith.constant 4000 : i32
    %add3A_708 = arith.addi %mul3A_706, %add3A_707 : i32
    %dma_start3A_709 = arith.constant 0 : i32
    %dma_start3A_710 = arith.constant 0 : i32
    %dma_start3A_711 = arith.constant 0 : i32
    %dma_start3A_712 = arith.constant 0 : i32
    %dma_start3A_713 = tpu.memref_slice %arg13[%dma_start3A_709, %dma_start3A_711, %dma_start3A_712] : memref<2x2000x16xf32, #tpu.memory_space<vmem>> -> memref<1x2000x16xf32, #tpu.memory_space<vmem>>
    %dma_start3A_714 = tpu.memref_squeeze %dma_start3A_713 : memref<1x2000x16xf32, #tpu.memory_space<vmem>> -> memref<2000x16xf32, #tpu.memory_space<vmem>>
    %dma_start3A_715 = arith.constant 0 : i32
    %dma_start3A_716 = tpu.memref_slice %arg4[%add3A_708, %dma_start3A_715] : memref<320000x16xf32, #tpu.memory_space<hbm>> -> memref<2000x16xf32, #tpu.memory_space<hbm>>
    %dma_start3A_717 = tpu.memref_slice %arg19[%dma_start3A_710] : memref<2x!tpu.dma_semaphore, #tpu.memory_space<semaphore_mem>> -> memref<1x!tpu.dma_semaphore, #tpu.memory_space<semaphore_mem>>
    %dma_start3A_718 = tpu.memref_squeeze %dma_start3A_717 : memref<1x!tpu.dma_semaphore, #tpu.memory_space<semaphore_mem>> -> memref<!tpu.dma_semaphore, #tpu.memory_space<semaphore_mem>>
    %dma_start3A_719 = arith.constant 0 : i32
    %dma_start3A_720 = arith.constant 0 : i32
    %dma_start3A_721 = tpu.memref_slice %arg13[%dma_start3A_709, %dma_start3A_719, %dma_start3A_720] : memref<2x2000x16xf32, #tpu.memory_space<vmem>> -> memref<1x2000x16xf32, #tpu.memory_space<vmem>>
    %dma_start3A_722 = tpu.memref_squeeze %dma_start3A_721 : memref<1x2000x16xf32, #tpu.memory_space<vmem>> -> memref<2000x16xf32, #tpu.memory_space<vmem>>
    %dma_start3A_723 = arith.constant 0 : i32
    %dma_start3A_724 = tpu.memref_slice %arg4[%add3A_708, %dma_start3A_723] : memref<320000x16xf32, #tpu.memory_space<hbm>> -> memref<2000x16xf32, #tpu.memory_space<hbm>>
    tpu.enqueue_dma source(%dma_start3A_724 : memref<2000x16xf32, #tpu.memory_space<hbm>>) target(%dma_start3A_722 : memref<2000x16xf32, #tpu.memory_space<vmem>>) target_semaphore(%dma_start3A_718 : memref<!tpu.dma_semaphore, #tpu.memory_space<semaphore_mem>>)
    %mul3A_725 = arith.constant 10000 : i32
    %mul3A_726 = arith.muli %add3A, %mul3A_725 : i32
    %add3A_727 = arith.constant 2000 : i32
    %add3A_728 = arith.addi %mul3A_726, %add3A_727 : i32
    %dma_wait3A_729 = arith.constant 1 : i32
    %dma_wait3A_730 = arith.constant 1 : i32
    %dma_wait3A_731 = arith.constant 0 : i32
    %dma_wait3A_732 = arith.constant 0 : i32
    %dma_wait3A_733 = tpu.memref_slice %arg13[%dma_wait3A_729, %dma_wait3A_731, %dma_wait3A_732] : memref<2x2000x16xf32, #tpu.memory_space<vmem>> -> memref<1x2000x16xf32, #tpu.memory_space<vmem>>
    %dma_wait3A_734 = tpu.memref_squeeze %dma_wait3A_733 : memref<1x2000x16xf32, #tpu.memory_space<vmem>> -> memref<2000x16xf32, #tpu.memory_space<vmem>>
    %dma_wait3A_735 = arith.constant 0 : i32
    %dma_wait3A_736 = tpu.memref_slice %arg4[%add3A_728, %dma_wait3A_735] : memref<320000x16xf32, #tpu.memory_space<hbm>> -> memref<2000x16xf32, #tpu.memory_space<hbm>>
    %dma_wait3A_737 = tpu.memref_slice %arg19[%dma_wait3A_730] : memref<2x!tpu.dma_semaphore, #tpu.memory_space<semaphore_mem>> -> memref<1x!tpu.dma_semaphore, #tpu.memory_space<semaphore_mem>>
    %dma_wait3A_738 = tpu.memref_squeeze %dma_wait3A_737 : memref<1x!tpu.dma_semaphore, #tpu.memory_space<semaphore_mem>> -> memref<!tpu.dma_semaphore, #tpu.memory_space<semaphore_mem>>
    %dma_wait3A_739 = arith.constant 0 : i32
    %dma_wait3A_740 = arith.constant 0 : i32
    %dma_wait3A_741 = tpu.memref_slice %arg13[%dma_wait3A_729, %dma_wait3A_739, %dma_wait3A_740] : memref<2x2000x16xf32, #tpu.memory_space<vmem>> -> memref<1x2000x16xf32, #tpu.memory_space<vmem>>
    %dma_wait3A_742 = tpu.memref_squeeze %dma_wait3A_741 : memref<1x2000x16xf32, #tpu.memory_space<vmem>> -> memref<2000x16xf32, #tpu.memory_space<vmem>>
    %dma_wait3A_743 = arith.constant 0 : i32
    %dma_wait3A_744 = tpu.memref_slice %arg4[%add3A_728, %dma_wait3A_743] : memref<320000x16xf32, #tpu.memory_space<hbm>> -> memref<2000x16xf32, #tpu.memory_space<hbm>>
    tpu.wait_dma2 semaphore(%dma_wait3A_738 : memref<!tpu.dma_semaphore, #tpu.memory_space<semaphore_mem>>) src(%dma_wait3A_744 : memref<2000x16xf32, #tpu.memory_space<hbm>>) dst(%dma_wait3A_742 : memref<2000x16xf32, #tpu.memory_space<vmem>>)
    %scan3A_745 = arith.constant 0 : i32
    %scan3A_746 = arith.constant 0 : i32
    %scan3A_747 = arith.constant 25 : i32
    %scan3A_748 = arith.addi %scan3A_746, %scan3A_747 : i32
    %scan3A_749 = arith.constant 1 : i32
    scf.for %scan3A_941 = %scan3A_746 to %scan3A_748 step %scan3A_749  : i32 {
      %mul3A_942 = arith.constant 80 : i32
      %mul3A_943 = arith.muli %scan3A_941, %mul3A_942 : i32
      %multiple_of3A_944 = tpu.assume_multiple %mul3A_943, 80 : i32
      %add3A_945 = arith.constant 25 : i32
      %add3A_946 = arith.addi %add3A_945, %scan3A_941 : i32
      %dma_start3A_947 = arith.constant 1 : i32
      %dma_start3A_948 = arith.constant 1 : i32
      %dma_start3A_949 = arith.constant 0 : i32
      %dma_start3A_950 = tpu.memref_slice %arg13[%dma_start3A_947, %multiple_of3A_944, %dma_start3A_949] : memref<2x2000x16xf32, #tpu.memory_space<vmem>> -> memref<1x80x16xf32, #tpu.memory_space<vmem>>
      %dma_start3A_951 = tpu.memref_squeeze %dma_start3A_950 : memref<1x80x16xf32, #tpu.memory_space<vmem>> -> memref<80x16xf32, #tpu.memory_space<vmem>>
      %dma_start3A_952 = arith.constant 0 : i32
      %dma_start3A_953 = tpu.memref_slice %arg12[%add3A_946, %dma_start3A_952] : memref<125x80xi32, #tpu.memory_space<vmem>> -> memref<1x80xi32, #tpu.memory_space<vmem>>
      %dma_start3A_954 = tpu.memref_squeeze %dma_start3A_953 : memref<1x80xi32, #tpu.memory_space<vmem>> -> memref<80xi32, #tpu.memory_space<vmem>>
      %dma_start3A_955 = arith.constant 0 : i32
      %dma_start3A_956 = arith.constant 0 : i32
      %dma_start3A_957 = tpu.memref_slice %arg9[%dma_start3A_955, %dma_start3A_956] : memref<256x16xf32, #tpu.memory_space<vmem_shared>> -> memref<256x16xf32, #tpu.memory_space<vmem_shared>>
      %dma_start3A_958 = tpu.memref_slice %arg20[%dma_start3A_948] : memref<2x!tpu.dma_semaphore, #tpu.memory_space<semaphore_mem>> -> memref<1x!tpu.dma_semaphore, #tpu.memory_space<semaphore_mem>>
      %dma_start3A_959 = tpu.memref_squeeze %dma_start3A_958 : memref<1x!tpu.dma_semaphore, #tpu.memory_space<semaphore_mem>> -> memref<!tpu.dma_semaphore, #tpu.memory_space<semaphore_mem>>
      tpu.enqueue_indirect_dma source(%dma_start3A_951 : memref<80x16xf32, #tpu.memory_space<vmem>>) target(%dma_start3A_957 : memref<256x16xf32, #tpu.memory_space<vmem_shared>>) offsets(%dma_start3A_954 : memref<80xi32, #tpu.memory_space<vmem>>) semaphore(%dma_start3A_959 : memref<!tpu.dma_semaphore, #tpu.memory_space<semaphore_mem>>) {add = true}
    }
    %scan3A_750 = arith.constant 25 : i32
    %scan3A_751 = arith.constant 0 : i32
    %scan3A_752 = arith.constant 0 : i32
    %scan3A_753 = arith.constant 25 : i32
    %scan3A_754 = arith.addi %scan3A_752, %scan3A_753 : i32
    %scan3A_755 = arith.constant 1 : i32
    scf.for %scan3A_941 = %scan3A_752 to %scan3A_754 step %scan3A_755  : i32 {
      %mul3A_942 = arith.constant 80 : i32
      %mul3A_943 = arith.muli %scan3A_941, %mul3A_942 : i32
      %multiple_of3A_944 = tpu.assume_multiple %mul3A_943, 80 : i32
      %add3A_945 = arith.constant 25 : i32
      %add3A_946 = arith.addi %add3A_945, %scan3A_941 : i32
      %dma_wait3A_947 = arith.constant 1 : i32
      %dma_wait3A_948 = arith.constant 1 : i32
      %dma_wait3A_949 = arith.constant 0 : i32
      %dma_wait3A_950 = tpu.memref_slice %arg13[%dma_wait3A_947, %multiple_of3A_944, %dma_wait3A_949] : memref<2x2000x16xf32, #tpu.memory_space<vmem>> -> memref<1x80x16xf32, #tpu.memory_space<vmem>>
      %dma_wait3A_951 = tpu.memref_squeeze %dma_wait3A_950 : memref<1x80x16xf32, #tpu.memory_space<vmem>> -> memref<80x16xf32, #tpu.memory_space<vmem>>
      %dma_wait3A_952 = arith.constant 0 : i32
      %dma_wait3A_953 = tpu.memref_slice %arg12[%add3A_946, %dma_wait3A_952] : memref<125x80xi32, #tpu.memory_space<vmem>> -> memref<1x80xi32, #tpu.memory_space<vmem>>
      %dma_wait3A_954 = tpu.memref_squeeze %dma_wait3A_953 : memref<1x80xi32, #tpu.memory_space<vmem>> -> memref<80xi32, #tpu.memory_space<vmem>>
      %dma_wait3A_955 = arith.constant 0 : i32
      %dma_wait3A_956 = arith.constant 0 : i32
      %dma_wait3A_957 = tpu.memref_slice %arg9[%dma_wait3A_955, %dma_wait3A_956] : memref<256x16xf32, #tpu.memory_space<vmem_shared>> -> memref<256x16xf32, #tpu.memory_space<vmem_shared>>
      %dma_wait3A_958 = tpu.memref_slice %arg20[%dma_wait3A_948] : memref<2x!tpu.dma_semaphore, #tpu.memory_space<semaphore_mem>> -> memref<1x!tpu.dma_semaphore, #tpu.memory_space<semaphore_mem>>
      %dma_wait3A_959 = tpu.memref_squeeze %dma_wait3A_958 : memref<1x!tpu.dma_semaphore, #tpu.memory_space<semaphore_mem>> -> memref<!tpu.dma_semaphore, #tpu.memory_space<semaphore_mem>>
      tpu.wait_indirect_dma semaphore(%dma_wait3A_959 : memref<!tpu.dma_semaphore, #tpu.memory_space<semaphore_mem>>) src(%dma_wait3A_951 : memref<80x16xf32, #tpu.memory_space<vmem>>) dst(%dma_wait3A_957 : memref<256x16xf32, #tpu.memory_space<vmem_shared>>)
    }
    %scan3A_756 = arith.constant 25 : i32
    %mul3A_757 = arith.constant 10000 : i32
    %mul3A_758 = arith.muli %add3A, %mul3A_757 : i32
    %add3A_759 = arith.constant 6000 : i32
    %add3A_760 = arith.addi %mul3A_758, %add3A_759 : i32
    %dma_start3A_761 = arith.constant 1 : i32
    %dma_start3A_762 = arith.constant 1 : i32
    %dma_start3A_763 = arith.constant 0 : i32
    %dma_start3A_764 = arith.constant 0 : i32
    %dma_start3A_765 = tpu.memref_slice %arg13[%dma_start3A_761, %dma_start3A_763, %dma_start3A_764] : memref<2x2000x16xf32, #tpu.memory_space<vmem>> -> memref<1x2000x16xf32, #tpu.memory_space<vmem>>
    %dma_start3A_766 = tpu.memref_squeeze %dma_start3A_765 : memref<1x2000x16xf32, #tpu.memory_space<vmem>> -> memref<2000x16xf32, #tpu.memory_space<vmem>>
    %dma_start3A_767 = arith.constant 0 : i32
    %dma_start3A_768 = tpu.memref_slice %arg4[%add3A_760, %dma_start3A_767] : memref<320000x16xf32, #tpu.memory_space<hbm>> -> memref<2000x16xf32, #tpu.memory_space<hbm>>
    %dma_start3A_769 = tpu.memref_slice %arg19[%dma_start3A_762] : memref<2x!tpu.dma_semaphore, #tpu.memory_space<semaphore_mem>> -> memref<1x!tpu.dma_semaphore, #tpu.memory_space<semaphore_mem>>
    %dma_start3A_770 = tpu.memref_squeeze %dma_start3A_769 : memref<1x!tpu.dma_semaphore, #tpu.memory_space<semaphore_mem>> -> memref<!tpu.dma_semaphore, #tpu.memory_space<semaphore_mem>>
    %dma_start3A_771 = arith.constant 0 : i32
    %dma_start3A_772 = arith.constant 0 : i32
    %dma_start3A_773 = tpu.memref_slice %arg13[%dma_start3A_761, %dma_start3A_771, %dma_start3A_772] : memref<2x2000x16xf32, #tpu.memory_space<vmem>> -> memref<1x2000x16xf32, #tpu.memory_space<vmem>>
    %dma_start3A_774 = tpu.memref_squeeze %dma_start3A_773 : memref<1x2000x16xf32, #tpu.memory_space<vmem>> -> memref<2000x16xf32, #tpu.memory_space<vmem>>
    %dma_start3A_775 = arith.constant 0 : i32
    %dma_start3A_776 = tpu.memref_slice %arg4[%add3A_760, %dma_start3A_775] : memref<320000x16xf32, #tpu.memory_space<hbm>> -> memref<2000x16xf32, #tpu.memory_space<hbm>>
    tpu.enqueue_dma source(%dma_start3A_776 : memref<2000x16xf32, #tpu.memory_space<hbm>>) target(%dma_start3A_774 : memref<2000x16xf32, #tpu.memory_space<vmem>>) target_semaphore(%dma_start3A_770 : memref<!tpu.dma_semaphore, #tpu.memory_space<semaphore_mem>>)
    %mul3A_777 = arith.constant 10000 : i32
    %mul3A_778 = arith.muli %add3A, %mul3A_777 : i32
    %add3A_779 = arith.constant 4000 : i32
    %add3A_780 = arith.addi %mul3A_778, %add3A_779 : i32
    %dma_wait3A_781 = arith.constant 0 : i32
    %dma_wait3A_782 = arith.constant 0 : i32
    %dma_wait3A_783 = arith.constant 0 : i32
    %dma_wait3A_784 = arith.constant 0 : i32
    %dma_wait3A_785 = tpu.memref_slice %arg13[%dma_wait3A_781, %dma_wait3A_783, %dma_wait3A_784] : memref<2x2000x16xf32, #tpu.memory_space<vmem>> -> memref<1x2000x16xf32, #tpu.memory_space<vmem>>
    %dma_wait3A_786 = tpu.memref_squeeze %dma_wait3A_785 : memref<1x2000x16xf32, #tpu.memory_space<vmem>> -> memref<2000x16xf32, #tpu.memory_space<vmem>>
    %dma_wait3A_787 = arith.constant 0 : i32
    %dma_wait3A_788 = tpu.memref_slice %arg4[%add3A_780, %dma_wait3A_787] : memref<320000x16xf32, #tpu.memory_space<hbm>> -> memref<2000x16xf32, #tpu.memory_space<hbm>>
    %dma_wait3A_789 = tpu.memref_slice %arg19[%dma_wait3A_782] : memref<2x!tpu.dma_semaphore, #tpu.memory_space<semaphore_mem>> -> memref<1x!tpu.dma_semaphore, #tpu.memory_space<semaphore_mem>>
    %dma_wait3A_790 = tpu.memref_squeeze %dma_wait3A_789 : memref<1x!tpu.dma_semaphore, #tpu.memory_space<semaphore_mem>> -> memref<!tpu.dma_semaphore, #tpu.memory_space<semaphore_mem>>
    %dma_wait3A_791 = arith.constant 0 : i32
    %dma_wait3A_792 = arith.constant 0 : i32
    %dma_wait3A_793 = tpu.memref_slice %arg13[%dma_wait3A_781, %dma_wait3A_791, %dma_wait3A_792] : memref<2x2000x16xf32, #tpu.memory_space<vmem>> -> memref<1x2000x16xf32, #tpu.memory_space<vmem>>
    %dma_wait3A_794 = tpu.memref_squeeze %dma_wait3A_793 : memref<1x2000x16xf32, #tpu.memory_space<vmem>> -> memref<2000x16xf32, #tpu.memory_space<vmem>>
    %dma_wait3A_795 = arith.constant 0 : i32
    %dma_wait3A_796 = tpu.memref_slice %arg4[%add3A_780, %dma_wait3A_795] : memref<320000x16xf32, #tpu.memory_space<hbm>> -> memref<2000x16xf32, #tpu.memory_space<hbm>>
    tpu.wait_dma2 semaphore(%dma_wait3A_790 : memref<!tpu.dma_semaphore, #tpu.memory_space<semaphore_mem>>) src(%dma_wait3A_796 : memref<2000x16xf32, #tpu.memory_space<hbm>>) dst(%dma_wait3A_794 : memref<2000x16xf32, #tpu.memory_space<vmem>>)
    %scan3A_797 = arith.constant 0 : i32
    %scan3A_798 = arith.constant 0 : i32
    %scan3A_799 = arith.constant 25 : i32
    %scan3A_800 = arith.addi %scan3A_798, %scan3A_799 : i32
    %scan3A_801 = arith.constant 1 : i32
    scf.for %scan3A_941 = %scan3A_798 to %scan3A_800 step %scan3A_801  : i32 {
      %mul3A_942 = arith.constant 80 : i32
      %mul3A_943 = arith.muli %scan3A_941, %mul3A_942 : i32
      %multiple_of3A_944 = tpu.assume_multiple %mul3A_943, 80 : i32
      %add3A_945 = arith.constant 50 : i32
      %add3A_946 = arith.addi %add3A_945, %scan3A_941 : i32
      %dma_start3A_947 = arith.constant 0 : i32
      %dma_start3A_948 = arith.constant 0 : i32
      %dma_start3A_949 = arith.constant 0 : i32
      %dma_start3A_950 = tpu.memref_slice %arg13[%dma_start3A_947, %multiple_of3A_944, %dma_start3A_949] : memref<2x2000x16xf32, #tpu.memory_space<vmem>> -> memref<1x80x16xf32, #tpu.memory_space<vmem>>
      %dma_start3A_951 = tpu.memref_squeeze %dma_start3A_950 : memref<1x80x16xf32, #tpu.memory_space<vmem>> -> memref<80x16xf32, #tpu.memory_space<vmem>>
      %dma_start3A_952 = arith.constant 0 : i32
      %dma_start3A_953 = tpu.memref_slice %arg12[%add3A_946, %dma_start3A_952] : memref<125x80xi32, #tpu.memory_space<vmem>> -> memref<1x80xi32, #tpu.memory_space<vmem>>
      %dma_start3A_954 = tpu.memref_squeeze %dma_start3A_953 : memref<1x80xi32, #tpu.memory_space<vmem>> -> memref<80xi32, #tpu.memory_space<vmem>>
      %dma_start3A_955 = arith.constant 0 : i32
      %dma_start3A_956 = arith.constant 0 : i32
      %dma_start3A_957 = tpu.memref_slice %arg9[%dma_start3A_955, %dma_start3A_956] : memref<256x16xf32, #tpu.memory_space<vmem_shared>> -> memref<256x16xf32, #tpu.memory_space<vmem_shared>>
      %dma_start3A_958 = tpu.memref_slice %arg20[%dma_start3A_948] : memref<2x!tpu.dma_semaphore, #tpu.memory_space<semaphore_mem>> -> memref<1x!tpu.dma_semaphore, #tpu.memory_space<semaphore_mem>>
      %dma_start3A_959 = tpu.memref_squeeze %dma_start3A_958 : memref<1x!tpu.dma_semaphore, #tpu.memory_space<semaphore_mem>> -> memref<!tpu.dma_semaphore, #tpu.memory_space<semaphore_mem>>
      tpu.enqueue_indirect_dma source(%dma_start3A_951 : memref<80x16xf32, #tpu.memory_space<vmem>>) target(%dma_start3A_957 : memref<256x16xf32, #tpu.memory_space<vmem_shared>>) offsets(%dma_start3A_954 : memref<80xi32, #tpu.memory_space<vmem>>) semaphore(%dma_start3A_959 : memref<!tpu.dma_semaphore, #tpu.memory_space<semaphore_mem>>) {add = true}
    }
    %scan3A_802 = arith.constant 25 : i32
    %scan3A_803 = arith.constant 0 : i32
    %scan3A_804 = arith.constant 0 : i32
    %scan3A_805 = arith.constant 25 : i32
    %scan3A_806 = arith.addi %scan3A_804, %scan3A_805 : i32
    %scan3A_807 = arith.constant 1 : i32
    scf.for %scan3A_941 = %scan3A_804 to %scan3A_806 step %scan3A_807  : i32 {
      %mul3A_942 = arith.constant 80 : i32
      %mul3A_943 = arith.muli %scan3A_941, %mul3A_942 : i32
      %multiple_of3A_944 = tpu.assume_multiple %mul3A_943, 80 : i32
      %add3A_945 = arith.constant 50 : i32
      %add3A_946 = arith.addi %add3A_945, %scan3A_941 : i32
      %dma_wait3A_947 = arith.constant 0 : i32
      %dma_wait3A_948 = arith.constant 0 : i32
      %dma_wait3A_949 = arith.constant 0 : i32
      %dma_wait3A_950 = tpu.memref_slice %arg13[%dma_wait3A_947, %multiple_of3A_944, %dma_wait3A_949] : memref<2x2000x16xf32, #tpu.memory_space<vmem>> -> memref<1x80x16xf32, #tpu.memory_space<vmem>>
      %dma_wait3A_951 = tpu.memref_squeeze %dma_wait3A_950 : memref<1x80x16xf32, #tpu.memory_space<vmem>> -> memref<80x16xf32, #tpu.memory_space<vmem>>
      %dma_wait3A_952 = arith.constant 0 : i32
      %dma_wait3A_953 = tpu.memref_slice %arg12[%add3A_946, %dma_wait3A_952] : memref<125x80xi32, #tpu.memory_space<vmem>> -> memref<1x80xi32, #tpu.memory_space<vmem>>
      %dma_wait3A_954 = tpu.memref_squeeze %dma_wait3A_953 : memref<1x80xi32, #tpu.memory_space<vmem>> -> memref<80xi32, #tpu.memory_space<vmem>>
      %dma_wait3A_955 = arith.constant 0 : i32
      %dma_wait3A_956 = arith.constant 0 : i32
      %dma_wait3A_957 = tpu.memref_slice %arg9[%dma_wait3A_955, %dma_wait3A_956] : memref<256x16xf32, #tpu.memory_space<vmem_shared>> -> memref<256x16xf32, #tpu.memory_space<vmem_shared>>
      %dma_wait3A_958 = tpu.memref_slice %arg20[%dma_wait3A_948] : memref<2x!tpu.dma_semaphore, #tpu.memory_space<semaphore_mem>> -> memref<1x!tpu.dma_semaphore, #tpu.memory_space<semaphore_mem>>
      %dma_wait3A_959 = tpu.memref_squeeze %dma_wait3A_958 : memref<1x!tpu.dma_semaphore, #tpu.memory_space<semaphore_mem>> -> memref<!tpu.dma_semaphore, #tpu.memory_space<semaphore_mem>>
      tpu.wait_indirect_dma semaphore(%dma_wait3A_959 : memref<!tpu.dma_semaphore, #tpu.memory_space<semaphore_mem>>) src(%dma_wait3A_951 : memref<80x16xf32, #tpu.memory_space<vmem>>) dst(%dma_wait3A_957 : memref<256x16xf32, #tpu.memory_space<vmem_shared>>)
    }
    %scan3A_808 = arith.constant 25 : i32
    %mul3A_809 = arith.constant 10000 : i32
    %mul3A_810 = arith.muli %add3A, %mul3A_809 : i32
    %add3A_811 = arith.constant 8000 : i32
    %add3A_812 = arith.addi %mul3A_810, %add3A_811 : i32
    %dma_start3A_813 = arith.constant 0 : i32
    %dma_start3A_814 = arith.constant 0 : i32
    %dma_start3A_815 = arith.constant 0 : i32
    %dma_start3A_816 = arith.constant 0 : i32
    %dma_start3A_817 = tpu.memref_slice %arg13[%dma_start3A_813, %dma_start3A_815, %dma_start3A_816] : memref<2x2000x16xf32, #tpu.memory_space<vmem>> -> memref<1x2000x16xf32, #tpu.memory_space<vmem>>
    %dma_start3A_818 = tpu.memref_squeeze %dma_start3A_817 : memref<1x2000x16xf32, #tpu.memory_space<vmem>> -> memref<2000x16xf32, #tpu.memory_space<vmem>>
    %dma_start3A_819 = arith.constant 0 : i32
    %dma_start3A_820 = tpu.memref_slice %arg4[%add3A_812, %dma_start3A_819] : memref<320000x16xf32, #tpu.memory_space<hbm>> -> memref<2000x16xf32, #tpu.memory_space<hbm>>
    %dma_start3A_821 = tpu.memref_slice %arg19[%dma_start3A_814] : memref<2x!tpu.dma_semaphore, #tpu.memory_space<semaphore_mem>> -> memref<1x!tpu.dma_semaphore, #tpu.memory_space<semaphore_mem>>
    %dma_start3A_822 = tpu.memref_squeeze %dma_start3A_821 : memref<1x!tpu.dma_semaphore, #tpu.memory_space<semaphore_mem>> -> memref<!tpu.dma_semaphore, #tpu.memory_space<semaphore_mem>>
    %dma_start3A_823 = arith.constant 0 : i32
    %dma_start3A_824 = arith.constant 0 : i32
    %dma_start3A_825 = tpu.memref_slice %arg13[%dma_start3A_813, %dma_start3A_823, %dma_start3A_824] : memref<2x2000x16xf32, #tpu.memory_space<vmem>> -> memref<1x2000x16xf32, #tpu.memory_space<vmem>>
    %dma_start3A_826 = tpu.memref_squeeze %dma_start3A_825 : memref<1x2000x16xf32, #tpu.memory_space<vmem>> -> memref<2000x16xf32, #tpu.memory_space<vmem>>
    %dma_start3A_827 = arith.constant 0 : i32
    %dma_start3A_828 = tpu.memref_slice %arg4[%add3A_812, %dma_start3A_827] : memref<320000x16xf32, #tpu.memory_space<hbm>> -> memref<2000x16xf32, #tpu.memory_space<hbm>>
    tpu.enqueue_dma source(%dma_start3A_828 : memref<2000x16xf32, #tpu.memory_space<hbm>>) target(%dma_start3A_826 : memref<2000x16xf32, #tpu.memory_space<vmem>>) target_semaphore(%dma_start3A_822 : memref<!tpu.dma_semaphore, #tpu.memory_space<semaphore_mem>>)
    %mul3A_829 = arith.constant 10000 : i32
    %mul3A_830 = arith.muli %add3A, %mul3A_829 : i32
    %add3A_831 = arith.constant 6000 : i32
    %add3A_832 = arith.addi %mul3A_830, %add3A_831 : i32
    %dma_wait3A_833 = arith.constant 1 : i32
    %dma_wait3A_834 = arith.constant 1 : i32
    %dma_wait3A_835 = arith.constant 0 : i32
    %dma_wait3A_836 = arith.constant 0 : i32
    %dma_wait3A_837 = tpu.memref_slice %arg13[%dma_wait3A_833, %dma_wait3A_835, %dma_wait3A_836] : memref<2x2000x16xf32, #tpu.memory_space<vmem>> -> memref<1x2000x16xf32, #tpu.memory_space<vmem>>
    %dma_wait3A_838 = tpu.memref_squeeze %dma_wait3A_837 : memref<1x2000x16xf32, #tpu.memory_space<vmem>> -> memref<2000x16xf32, #tpu.memory_space<vmem>>
    %dma_wait3A_839 = arith.constant 0 : i32
    %dma_wait3A_840 = tpu.memref_slice %arg4[%add3A_832, %dma_wait3A_839] : memref<320000x16xf32, #tpu.memory_space<hbm>> -> memref<2000x16xf32, #tpu.memory_space<hbm>>
    %dma_wait3A_841 = tpu.memref_slice %arg19[%dma_wait3A_834] : memref<2x!tpu.dma_semaphore, #tpu.memory_space<semaphore_mem>> -> memref<1x!tpu.dma_semaphore, #tpu.memory_space<semaphore_mem>>
    %dma_wait3A_842 = tpu.memref_squeeze %dma_wait3A_841 : memref<1x!tpu.dma_semaphore, #tpu.memory_space<semaphore_mem>> -> memref<!tpu.dma_semaphore, #tpu.memory_space<semaphore_mem>>
    %dma_wait3A_843 = arith.constant 0 : i32
    %dma_wait3A_844 = arith.constant 0 : i32
    %dma_wait3A_845 = tpu.memref_slice %arg13[%dma_wait3A_833, %dma_wait3A_843, %dma_wait3A_844] : memref<2x2000x16xf32, #tpu.memory_space<vmem>> -> memref<1x2000x16xf32, #tpu.memory_space<vmem>>
    %dma_wait3A_846 = tpu.memref_squeeze %dma_wait3A_845 : memref<1x2000x16xf32, #tpu.memory_space<vmem>> -> memref<2000x16xf32, #tpu.memory_space<vmem>>
    %dma_wait3A_847 = arith.constant 0 : i32
    %dma_wait3A_848 = tpu.memref_slice %arg4[%add3A_832, %dma_wait3A_847] : memref<320000x16xf32, #tpu.memory_space<hbm>> -> memref<2000x16xf32, #tpu.memory_space<hbm>>
    tpu.wait_dma2 semaphore(%dma_wait3A_842 : memref<!tpu.dma_semaphore, #tpu.memory_space<semaphore_mem>>) src(%dma_wait3A_848 : memref<2000x16xf32, #tpu.memory_space<hbm>>) dst(%dma_wait3A_846 : memref<2000x16xf32, #tpu.memory_space<vmem>>)
    %scan3A_849 = arith.constant 0 : i32
    %scan3A_850 = arith.constant 0 : i32
    %scan3A_851 = arith.constant 25 : i32
    %scan3A_852 = arith.addi %scan3A_850, %scan3A_851 : i32
    %scan3A_853 = arith.constant 1 : i32
    scf.for %scan3A_941 = %scan3A_850 to %scan3A_852 step %scan3A_853  : i32 {
      %mul3A_942 = arith.constant 80 : i32
      %mul3A_943 = arith.muli %scan3A_941, %mul3A_942 : i32
      %multiple_of3A_944 = tpu.assume_multiple %mul3A_943, 80 : i32
      %add3A_945 = arith.constant 75 : i32
      %add3A_946 = arith.addi %add3A_945, %scan3A_941 : i32
      %dma_start3A_947 = arith.constant 1 : i32
      %dma_start3A_948 = arith.constant 1 : i32
      %dma_start3A_949 = arith.constant 0 : i32
      %dma_start3A_950 = tpu.memref_slice %arg13[%dma_start3A_947, %multiple_of3A_944, %dma_start3A_949] : memref<2x2000x16xf32, #tpu.memory_space<vmem>> -> memref<1x80x16xf32, #tpu.memory_space<vmem>>
      %dma_start3A_951 = tpu.memref_squeeze %dma_start3A_950 : memref<1x80x16xf32, #tpu.memory_space<vmem>> -> memref<80x16xf32, #tpu.memory_space<vmem>>
      %dma_start3A_952 = arith.constant 0 : i32
      %dma_start3A_953 = tpu.memref_slice %arg12[%add3A_946, %dma_start3A_952] : memref<125x80xi32, #tpu.memory_space<vmem>> -> memref<1x80xi32, #tpu.memory_space<vmem>>
      %dma_start3A_954 = tpu.memref_squeeze %dma_start3A_953 : memref<1x80xi32, #tpu.memory_space<vmem>> -> memref<80xi32, #tpu.memory_space<vmem>>
      %dma_start3A_955 = arith.constant 0 : i32
      %dma_start3A_956 = arith.constant 0 : i32
      %dma_start3A_957 = tpu.memref_slice %arg9[%dma_start3A_955, %dma_start3A_956] : memref<256x16xf32, #tpu.memory_space<vmem_shared>> -> memref<256x16xf32, #tpu.memory_space<vmem_shared>>
      %dma_start3A_958 = tpu.memref_slice %arg20[%dma_start3A_948] : memref<2x!tpu.dma_semaphore, #tpu.memory_space<semaphore_mem>> -> memref<1x!tpu.dma_semaphore, #tpu.memory_space<semaphore_mem>>
      %dma_start3A_959 = tpu.memref_squeeze %dma_start3A_958 : memref<1x!tpu.dma_semaphore, #tpu.memory_space<semaphore_mem>> -> memref<!tpu.dma_semaphore, #tpu.memory_space<semaphore_mem>>
      tpu.enqueue_indirect_dma source(%dma_start3A_951 : memref<80x16xf32, #tpu.memory_space<vmem>>) target(%dma_start3A_957 : memref<256x16xf32, #tpu.memory_space<vmem_shared>>) offsets(%dma_start3A_954 : memref<80xi32, #tpu.memory_space<vmem>>) semaphore(%dma_start3A_959 : memref<!tpu.dma_semaphore, #tpu.memory_space<semaphore_mem>>) {add = true}
    }
    %scan3A_854 = arith.constant 25 : i32
    %scan3A_855 = arith.constant 0 : i32
    %scan3A_856 = arith.constant 0 : i32
    %scan3A_857 = arith.constant 25 : i32
    %scan3A_858 = arith.addi %scan3A_856, %scan3A_857 : i32
    %scan3A_859 = arith.constant 1 : i32
    scf.for %scan3A_941 = %scan3A_856 to %scan3A_858 step %scan3A_859  : i32 {
      %mul3A_942 = arith.constant 80 : i32
      %mul3A_943 = arith.muli %scan3A_941, %mul3A_942 : i32
      %multiple_of3A_944 = tpu.assume_multiple %mul3A_943, 80 : i32
      %add3A_945 = arith.constant 75 : i32
      %add3A_946 = arith.addi %add3A_945, %scan3A_941 : i32
      %dma_wait3A_947 = arith.constant 1 : i32
      %dma_wait3A_948 = arith.constant 1 : i32
      %dma_wait3A_949 = arith.constant 0 : i32
      %dma_wait3A_950 = tpu.memref_slice %arg13[%dma_wait3A_947, %multiple_of3A_944, %dma_wait3A_949] : memref<2x2000x16xf32, #tpu.memory_space<vmem>> -> memref<1x80x16xf32, #tpu.memory_space<vmem>>
      %dma_wait3A_951 = tpu.memref_squeeze %dma_wait3A_950 : memref<1x80x16xf32, #tpu.memory_space<vmem>> -> memref<80x16xf32, #tpu.memory_space<vmem>>
      %dma_wait3A_952 = arith.constant 0 : i32
      %dma_wait3A_953 = tpu.memref_slice %arg12[%add3A_946, %dma_wait3A_952] : memref<125x80xi32, #tpu.memory_space<vmem>> -> memref<1x80xi32, #tpu.memory_space<vmem>>
      %dma_wait3A_954 = tpu.memref_squeeze %dma_wait3A_953 : memref<1x80xi32, #tpu.memory_space<vmem>> -> memref<80xi32, #tpu.memory_space<vmem>>
      %dma_wait3A_955 = arith.constant 0 : i32
      %dma_wait3A_956 = arith.constant 0 : i32
      %dma_wait3A_957 = tpu.memref_slice %arg9[%dma_wait3A_955, %dma_wait3A_956] : memref<256x16xf32, #tpu.memory_space<vmem_shared>> -> memref<256x16xf32, #tpu.memory_space<vmem_shared>>
      %dma_wait3A_958 = tpu.memref_slice %arg20[%dma_wait3A_948] : memref<2x!tpu.dma_semaphore, #tpu.memory_space<semaphore_mem>> -> memref<1x!tpu.dma_semaphore, #tpu.memory_space<semaphore_mem>>
      %dma_wait3A_959 = tpu.memref_squeeze %dma_wait3A_958 : memref<1x!tpu.dma_semaphore, #tpu.memory_space<semaphore_mem>> -> memref<!tpu.dma_semaphore, #tpu.memory_space<semaphore_mem>>
      tpu.wait_indirect_dma semaphore(%dma_wait3A_959 : memref<!tpu.dma_semaphore, #tpu.memory_space<semaphore_mem>>) src(%dma_wait3A_951 : memref<80x16xf32, #tpu.memory_space<vmem>>) dst(%dma_wait3A_957 : memref<256x16xf32, #tpu.memory_space<vmem_shared>>)
    }
    %scan3A_860 = arith.constant 25 : i32
    %mul3A_861 = arith.constant 10000 : i32
    %mul3A_862 = arith.muli %add3A, %mul3A_861 : i32
    %add3A_863 = arith.constant 8000 : i32
    %add3A_864 = arith.addi %mul3A_862, %add3A_863 : i32
    %dma_wait3A_865 = arith.constant 0 : i32
    %dma_wait3A_866 = arith.constant 0 : i32
    %dma_wait3A_867 = arith.constant 0 : i32
    %dma_wait3A_868 = arith.constant 0 : i32
    %dma_wait3A_869 = tpu.memref_slice %arg13[%dma_wait3A_865, %dma_wait3A_867, %dma_wait3A_868] : memref<2x2000x16xf32, #tpu.memory_space<vmem>> -> memref<1x2000x16xf32, #tpu.memory_space<vmem>>
    %dma_wait3A_870 = tpu.memref_squeeze %dma_wait3A_869 : memref<1x2000x16xf32, #tpu.memory_space<vmem>> -> memref<2000x16xf32, #tpu.memory_space<vmem>>
    %dma_wait3A_871 = arith.constant 0 : i32
    %dma_wait3A_872 = tpu.memref_slice %arg4[%add3A_864, %dma_wait3A_871] : memref<320000x16xf32, #tpu.memory_space<hbm>> -> memref<2000x16xf32, #tpu.memory_space<hbm>>
    %dma_wait3A_873 = tpu.memref_slice %arg19[%dma_wait3A_866] : memref<2x!tpu.dma_semaphore, #tpu.memory_space<semaphore_mem>> -> memref<1x!tpu.dma_semaphore, #tpu.memory_space<semaphore_mem>>
    %dma_wait3A_874 = tpu.memref_squeeze %dma_wait3A_873 : memref<1x!tpu.dma_semaphore, #tpu.memory_space<semaphore_mem>> -> memref<!tpu.dma_semaphore, #tpu.memory_space<semaphore_mem>>
    %dma_wait3A_875 = arith.constant 0 : i32
    %dma_wait3A_876 = arith.constant 0 : i32
    %dma_wait3A_877 = tpu.memref_slice %arg13[%dma_wait3A_865, %dma_wait3A_875, %dma_wait3A_876] : memref<2x2000x16xf32, #tpu.memory_space<vmem>> -> memref<1x2000x16xf32, #tpu.memory_space<vmem>>
    %dma_wait3A_878 = tpu.memref_squeeze %dma_wait3A_877 : memref<1x2000x16xf32, #tpu.memory_space<vmem>> -> memref<2000x16xf32, #tpu.memory_space<vmem>>
    %dma_wait3A_879 = arith.constant 0 : i32
    %dma_wait3A_880 = tpu.memref_slice %arg4[%add3A_864, %dma_wait3A_879] : memref<320000x16xf32, #tpu.memory_space<hbm>> -> memref<2000x16xf32, #tpu.memory_space<hbm>>
    tpu.wait_dma2 semaphore(%dma_wait3A_874 : memref<!tpu.dma_semaphore, #tpu.memory_space<semaphore_mem>>) src(%dma_wait3A_880 : memref<2000x16xf32, #tpu.memory_space<hbm>>) dst(%dma_wait3A_878 : memref<2000x16xf32, #tpu.memory_space<vmem>>)
    %scan3A_881 = arith.constant 0 : i32
    %scan3A_882 = arith.constant 0 : i32
    %scan3A_883 = arith.constant 25 : i32
    %scan3A_884 = arith.addi %scan3A_882, %scan3A_883 : i32
    %scan3A_885 = arith.constant 1 : i32
    scf.for %scan3A_941 = %scan3A_882 to %scan3A_884 step %scan3A_885  : i32 {
      %mul3A_942 = arith.constant 80 : i32
      %mul3A_943 = arith.muli %scan3A_941, %mul3A_942 : i32
      %multiple_of3A_944 = tpu.assume_multiple %mul3A_943, 80 : i32
      %add3A_945 = arith.constant 100 : i32
      %add3A_946 = arith.addi %add3A_945, %scan3A_941 : i32
      %dma_start3A_947 = arith.constant 0 : i32
      %dma_start3A_948 = arith.constant 0 : i32
      %dma_start3A_949 = arith.constant 0 : i32
      %dma_start3A_950 = tpu.memref_slice %arg13[%dma_start3A_947, %multiple_of3A_944, %dma_start3A_949] : memref<2x2000x16xf32, #tpu.memory_space<vmem>> -> memref<1x80x16xf32, #tpu.memory_space<vmem>>
      %dma_start3A_951 = tpu.memref_squeeze %dma_start3A_950 : memref<1x80x16xf32, #tpu.memory_space<vmem>> -> memref<80x16xf32, #tpu.memory_space<vmem>>
      %dma_start3A_952 = arith.constant 0 : i32
      %dma_start3A_953 = tpu.memref_slice %arg12[%add3A_946, %dma_start3A_952] : memref<125x80xi32, #tpu.memory_space<vmem>> -> memref<1x80xi32, #tpu.memory_space<vmem>>
      %dma_start3A_954 = tpu.memref_squeeze %dma_start3A_953 : memref<1x80xi32, #tpu.memory_space<vmem>> -> memref<80xi32, #tpu.memory_space<vmem>>
      %dma_start3A_955 = arith.constant 0 : i32
      %dma_start3A_956 = arith.constant 0 : i32
      %dma_start3A_957 = tpu.memref_slice %arg9[%dma_start3A_955, %dma_start3A_956] : memref<256x16xf32, #tpu.memory_space<vmem_shared>> -> memref<256x16xf32, #tpu.memory_space<vmem_shared>>
      %dma_start3A_958 = tpu.memref_slice %arg20[%dma_start3A_948] : memref<2x!tpu.dma_semaphore, #tpu.memory_space<semaphore_mem>> -> memref<1x!tpu.dma_semaphore, #tpu.memory_space<semaphore_mem>>
      %dma_start3A_959 = tpu.memref_squeeze %dma_start3A_958 : memref<1x!tpu.dma_semaphore, #tpu.memory_space<semaphore_mem>> -> memref<!tpu.dma_semaphore, #tpu.memory_space<semaphore_mem>>
      tpu.enqueue_indirect_dma source(%dma_start3A_951 : memref<80x16xf32, #tpu.memory_space<vmem>>) target(%dma_start3A_957 : memref<256x16xf32, #tpu.memory_space<vmem_shared>>) offsets(%dma_start3A_954 : memref<80xi32, #tpu.memory_space<vmem>>) semaphore(%dma_start3A_959 : memref<!tpu.dma_semaphore, #tpu.memory_space<semaphore_mem>>) {add = true}
    }
    %scan3A_886 = arith.constant 25 : i32
    %scan3A_887 = arith.constant 0 : i32
    %scan3A_888 = arith.constant 0 : i32
    %scan3A_889 = arith.constant 25 : i32
    %scan3A_890 = arith.addi %scan3A_888, %scan3A_889 : i32
    %scan3A_891 = arith.constant 1 : i32
    scf.for %scan3A_941 = %scan3A_888 to %scan3A_890 step %scan3A_891  : i32 {
      %mul3A_942 = arith.constant 80 : i32
      %mul3A_943 = arith.muli %scan3A_941, %mul3A_942 : i32
      %multiple_of3A_944 = tpu.assume_multiple %mul3A_943, 80 : i32
      %add3A_945 = arith.constant 100 : i32
      %add3A_946 = arith.addi %add3A_945, %scan3A_941 : i32
      %dma_wait3A_947 = arith.constant 0 : i32
      %dma_wait3A_948 = arith.constant 0 : i32
      %dma_wait3A_949 = arith.constant 0 : i32
      %dma_wait3A_950 = tpu.memref_slice %arg13[%dma_wait3A_947, %multiple_of3A_944, %dma_wait3A_949] : memref<2x2000x16xf32, #tpu.memory_space<vmem>> -> memref<1x80x16xf32, #tpu.memory_space<vmem>>
      %dma_wait3A_951 = tpu.memref_squeeze %dma_wait3A_950 : memref<1x80x16xf32, #tpu.memory_space<vmem>> -> memref<80x16xf32, #tpu.memory_space<vmem>>
      %dma_wait3A_952 = arith.constant 0 : i32
      %dma_wait3A_953 = tpu.memref_slice %arg12[%add3A_946, %dma_wait3A_952] : memref<125x80xi32, #tpu.memory_space<vmem>> -> memref<1x80xi32, #tpu.memory_space<vmem>>
      %dma_wait3A_954 = tpu.memref_squeeze %dma_wait3A_953 : memref<1x80xi32, #tpu.memory_space<vmem>> -> memref<80xi32, #tpu.memory_space<vmem>>
      %dma_wait3A_955 = arith.constant 0 : i32
      %dma_wait3A_956 = arith.constant 0 : i32
      %dma_wait3A_957 = tpu.memref_slice %arg9[%dma_wait3A_955, %dma_wait3A_956] : memref<256x16xf32, #tpu.memory_space<vmem_shared>> -> memref<256x16xf32, #tpu.memory_space<vmem_shared>>
      %dma_wait3A_958 = tpu.memref_slice %arg20[%dma_wait3A_948] : memref<2x!tpu.dma_semaphore, #tpu.memory_space<semaphore_mem>> -> memref<1x!tpu.dma_semaphore, #tpu.memory_space<semaphore_mem>>
      %dma_wait3A_959 = tpu.memref_squeeze %dma_wait3A_958 : memref<1x!tpu.dma_semaphore, #tpu.memory_space<semaphore_mem>> -> memref<!tpu.dma_semaphore, #tpu.memory_space<semaphore_mem>>
      tpu.wait_indirect_dma semaphore(%dma_wait3A_959 : memref<!tpu.dma_semaphore, #tpu.memory_space<semaphore_mem>>) src(%dma_wait3A_951 : memref<80x16xf32, #tpu.memory_space<vmem>>) dst(%dma_wait3A_957 : memref<256x16xf32, #tpu.memory_space<vmem_shared>>)
    }
    %scan3A_892 = arith.constant 25 : i32
    %add3A_893 = arith.constant 0 : i32
    %add3A_894 = arith.addi %add3A, %add3A_893 : i32
    %lt3A = arith.constant 125 : i32
    %lt3A_895 = arith.cmpi slt, %add3A_894, %lt3A : i32
    %convert_element_type3A = arith.extui %lt3A_895 : i1 to i32
    %cond3A = arith.constant 0 : i32
    %cond3A_896 = arith.cmpi ne, %convert_element_type3A, %cond3A : i32
    scf.if %cond3A_896 {
      %add3A_941 = arith.constant 0 : i32
      %add3A_942 = arith.addi %add3A, %add3A_941 : i32
      %mul3A_943 = arith.constant 80 : i32
      %mul3A_944 = arith.muli %add3A_942, %mul3A_943 : i32
      %multiple_of3A_945 = tpu.assume_multiple %mul3A_944, 80 : i32
      %dma_wait3A_946 = arith.constant 0 : i32
      %dma_wait3A_947 = arith.constant 0 : i32
      %dma_wait3A_948 = arith.constant 0 : i32
      %dma_wait3A_949 = arith.constant 0 : i32
      %dma_wait3A_950 = tpu.memref_slice %arg14[%dma_wait3A_946, %dma_wait3A_948, %dma_wait3A_949] : memref<2x80x128xf32, #tpu.memory_space<vmem>> -> memref<1x80x128xf32, #tpu.memory_space<vmem>>
      %dma_wait3A_951 = tpu.memref_squeeze %dma_wait3A_950 : memref<1x80x128xf32, #tpu.memory_space<vmem>> -> memref<80x128xf32, #tpu.memory_space<vmem>>
      %dma_wait3A_952 = arith.constant 0 : i32
      %dma_wait3A_953 = tpu.memref_slice %arg2[%multiple_of3A_945, %dma_wait3A_952] : memref<10000x128xf32, #tpu.memory_space<hbm>> -> memref<80x128xf32, #tpu.memory_space<hbm>>
      %dma_wait3A_954 = tpu.memref_slice %arg21[%dma_wait3A_947] : memref<2x!tpu.dma_semaphore, #tpu.memory_space<semaphore_mem>> -> memref<1x!tpu.dma_semaphore, #tpu.memory_space<semaphore_mem>>
      %dma_wait3A_955 = tpu.memref_squeeze %dma_wait3A_954 : memref<1x!tpu.dma_semaphore, #tpu.memory_space<semaphore_mem>> -> memref<!tpu.dma_semaphore, #tpu.memory_space<semaphore_mem>>
      %dma_wait3A_956 = arith.constant 0 : i32
      %dma_wait3A_957 = arith.constant 0 : i32
      %dma_wait3A_958 = tpu.memref_slice %arg14[%dma_wait3A_946, %dma_wait3A_956, %dma_wait3A_957] : memref<2x80x128xf32, #tpu.memory_space<vmem>> -> memref<1x80x128xf32, #tpu.memory_space<vmem>>
      %dma_wait3A_959 = tpu.memref_squeeze %dma_wait3A_958 : memref<1x80x128xf32, #tpu.memory_space<vmem>> -> memref<80x128xf32, #tpu.memory_space<vmem>>
      %dma_wait3A_960 = arith.constant 0 : i32
      %dma_wait3A_961 = tpu.memref_slice %arg2[%multiple_of3A_945, %dma_wait3A_960] : memref<10000x128xf32, #tpu.memory_space<hbm>> -> memref<80x128xf32, #tpu.memory_space<hbm>>
      tpu.wait_dma2 semaphore(%dma_wait3A_955 : memref<!tpu.dma_semaphore, #tpu.memory_space<semaphore_mem>>) src(%dma_wait3A_961 : memref<80x128xf32, #tpu.memory_space<hbm>>) dst(%dma_wait3A_959 : memref<80x128xf32, #tpu.memory_space<vmem>>)
      %dma_start3A_962 = arith.constant 0 : i32
      %dma_start3A_963 = arith.constant 0 : i32
      %dma_start3A_964 = arith.constant 0 : i32
      %dma_start3A_965 = arith.constant 0 : i32
      %dma_start3A_966 = tpu.memref_slice %arg14[%dma_start3A_962, %dma_start3A_964, %dma_start3A_965] : memref<2x80x128xf32, #tpu.memory_space<vmem>> -> memref<1x80x128xf32, #tpu.memory_space<vmem>>
      %dma_start3A_967 = tpu.memref_squeeze %dma_start3A_966 : memref<1x80x128xf32, #tpu.memory_space<vmem>> -> memref<80x128xf32, #tpu.memory_space<vmem>>
      %dma_start3A_968 = arith.constant 0 : i32
      %dma_start3A_969 = tpu.memref_slice %arg10[%add3A_894, %dma_start3A_968] : memref<125x80xi32, #tpu.memory_space<vmem>> -> memref<1x80xi32, #tpu.memory_space<vmem>>
      %dma_start3A_970 = tpu.memref_squeeze %dma_start3A_969 : memref<1x80xi32, #tpu.memory_space<vmem>> -> memref<80xi32, #tpu.memory_space<vmem>>
      %dma_start3A_971 = arith.constant 0 : i32
      %dma_start3A_972 = arith.constant 0 : i32
      %dma_start3A_973 = tpu.memref_slice %arg8[%dma_start3A_971, %dma_start3A_972] : memref<256x128xf32, #tpu.memory_space<vmem_shared>> -> memref<256x128xf32, #tpu.memory_space<vmem_shared>>
      %dma_start3A_974 = tpu.memref_slice %arg22[%dma_start3A_963] : memref<2x!tpu.dma_semaphore, #tpu.memory_space<semaphore_mem>> -> memref<1x!tpu.dma_semaphore, #tpu.memory_space<semaphore_mem>>
      %dma_start3A_975 = tpu.memref_squeeze %dma_start3A_974 : memref<1x!tpu.dma_semaphore, #tpu.memory_space<semaphore_mem>> -> memref<!tpu.dma_semaphore, #tpu.memory_space<semaphore_mem>>
      tpu.enqueue_indirect_dma source(%dma_start3A_967 : memref<80x128xf32, #tpu.memory_space<vmem>>) target(%dma_start3A_973 : memref<256x128xf32, #tpu.memory_space<vmem_shared>>) offsets(%dma_start3A_970 : memref<80xi32, #tpu.memory_space<vmem>>) semaphore(%dma_start3A_975 : memref<!tpu.dma_semaphore, #tpu.memory_space<semaphore_mem>>) {add = true}
      %dma_wait3A_976 = arith.constant 0 : i32
      %dma_wait3A_977 = arith.constant 0 : i32
      %dma_wait3A_978 = arith.constant 0 : i32
      %dma_wait3A_979 = arith.constant 0 : i32
      %dma_wait3A_980 = tpu.memref_slice %arg14[%dma_wait3A_976, %dma_wait3A_978, %dma_wait3A_979] : memref<2x80x128xf32, #tpu.memory_space<vmem>> -> memref<1x80x128xf32, #tpu.memory_space<vmem>>
      %dma_wait3A_981 = tpu.memref_squeeze %dma_wait3A_980 : memref<1x80x128xf32, #tpu.memory_space<vmem>> -> memref<80x128xf32, #tpu.memory_space<vmem>>
      %dma_wait3A_982 = arith.constant 0 : i32
      %dma_wait3A_983 = tpu.memref_slice %arg10[%add3A_894, %dma_wait3A_982] : memref<125x80xi32, #tpu.memory_space<vmem>> -> memref<1x80xi32, #tpu.memory_space<vmem>>
      %dma_wait3A_984 = tpu.memref_squeeze %dma_wait3A_983 : memref<1x80xi32, #tpu.memory_space<vmem>> -> memref<80xi32, #tpu.memory_space<vmem>>
      %dma_wait3A_985 = arith.constant 0 : i32
      %dma_wait3A_986 = arith.constant 0 : i32
      %dma_wait3A_987 = tpu.memref_slice %arg8[%dma_wait3A_985, %dma_wait3A_986] : memref<256x128xf32, #tpu.memory_space<vmem_shared>> -> memref<256x128xf32, #tpu.memory_space<vmem_shared>>
      %dma_wait3A_988 = tpu.memref_slice %arg22[%dma_wait3A_977] : memref<2x!tpu.dma_semaphore, #tpu.memory_space<semaphore_mem>> -> memref<1x!tpu.dma_semaphore, #tpu.memory_space<semaphore_mem>>
      %dma_wait3A_989 = tpu.memref_squeeze %dma_wait3A_988 : memref<1x!tpu.dma_semaphore, #tpu.memory_space<semaphore_mem>> -> memref<!tpu.dma_semaphore, #tpu.memory_space<semaphore_mem>>
      tpu.wait_indirect_dma semaphore(%dma_wait3A_989 : memref<!tpu.dma_semaphore, #tpu.memory_space<semaphore_mem>>) src(%dma_wait3A_981 : memref<80x128xf32, #tpu.memory_space<vmem>>) dst(%dma_wait3A_987 : memref<256x128xf32, #tpu.memory_space<vmem_shared>>)
    } else {
    }
    %add3A_897 = arith.constant 64 : i32
    %add3A_898 = arith.addi %add3A, %add3A_897 : i32
    %lt3A_899 = arith.constant 125 : i32
    %lt3A_900 = arith.cmpi slt, %add3A_898, %lt3A_899 : i32
    %convert_element_type3A_901 = arith.extui %lt3A_900 : i1 to i32
    %cond3A_902 = arith.constant 0 : i32
    %cond3A_903 = arith.cmpi ne, %convert_element_type3A_901, %cond3A_902 : i32
    scf.if %cond3A_903 {
      %add3A_941 = arith.constant 64 : i32
      %add3A_942 = arith.addi %add3A, %add3A_941 : i32
      %mul3A_943 = arith.constant 80 : i32
      %mul3A_944 = arith.muli %add3A_942, %mul3A_943 : i32
      %multiple_of3A_945 = tpu.assume_multiple %mul3A_944, 80 : i32
      %dma_start3A_946 = arith.constant 0 : i32
      %dma_start3A_947 = arith.constant 0 : i32
      %dma_start3A_948 = arith.constant 0 : i32
      %dma_start3A_949 = arith.constant 0 : i32
      %dma_start3A_950 = tpu.memref_slice %arg14[%dma_start3A_946, %dma_start3A_948, %dma_start3A_949] : memref<2x80x128xf32, #tpu.memory_space<vmem>> -> memref<1x80x128xf32, #tpu.memory_space<vmem>>
      %dma_start3A_951 = tpu.memref_squeeze %dma_start3A_950 : memref<1x80x128xf32, #tpu.memory_space<vmem>> -> memref<80x128xf32, #tpu.memory_space<vmem>>
      %dma_start3A_952 = arith.constant 0 : i32
      %dma_start3A_953 = tpu.memref_slice %arg2[%multiple_of3A_945, %dma_start3A_952] : memref<10000x128xf32, #tpu.memory_space<hbm>> -> memref<80x128xf32, #tpu.memory_space<hbm>>
      %dma_start3A_954 = tpu.memref_slice %arg21[%dma_start3A_947] : memref<2x!tpu.dma_semaphore, #tpu.memory_space<semaphore_mem>> -> memref<1x!tpu.dma_semaphore, #tpu.memory_space<semaphore_mem>>
      %dma_start3A_955 = tpu.memref_squeeze %dma_start3A_954 : memref<1x!tpu.dma_semaphore, #tpu.memory_space<semaphore_mem>> -> memref<!tpu.dma_semaphore, #tpu.memory_space<semaphore_mem>>
      %dma_start3A_956 = arith.constant 0 : i32
      %dma_start3A_957 = arith.constant 0 : i32
      %dma_start3A_958 = tpu.memref_slice %arg14[%dma_start3A_946, %dma_start3A_956, %dma_start3A_957] : memref<2x80x128xf32, #tpu.memory_space<vmem>> -> memref<1x80x128xf32, #tpu.memory_space<vmem>>
      %dma_start3A_959 = tpu.memref_squeeze %dma_start3A_958 : memref<1x80x128xf32, #tpu.memory_space<vmem>> -> memref<80x128xf32, #tpu.memory_space<vmem>>
      %dma_start3A_960 = arith.constant 0 : i32
      %dma_start3A_961 = tpu.memref_slice %arg2[%multiple_of3A_945, %dma_start3A_960] : memref<10000x128xf32, #tpu.memory_space<hbm>> -> memref<80x128xf32, #tpu.memory_space<hbm>>
      tpu.enqueue_dma source(%dma_start3A_961 : memref<80x128xf32, #tpu.memory_space<hbm>>) target(%dma_start3A_959 : memref<80x128xf32, #tpu.memory_space<vmem>>) target_semaphore(%dma_start3A_955 : memref<!tpu.dma_semaphore, #tpu.memory_space<semaphore_mem>>)
    } else {
    }
    %add3A_904 = arith.constant 32 : i32
    %add3A_905 = arith.addi %add3A, %add3A_904 : i32
    %lt3A_906 = arith.constant 125 : i32
    %lt3A_907 = arith.cmpi slt, %add3A_905, %lt3A_906 : i32
    %convert_element_type3A_908 = arith.extui %lt3A_907 : i1 to i32
    %cond3A_909 = arith.constant 0 : i32
    %cond3A_910 = arith.cmpi ne, %convert_element_type3A_908, %cond3A_909 : i32
    scf.if %cond3A_910 {
      %add3A_941 = arith.constant 32 : i32
      %add3A_942 = arith.addi %add3A, %add3A_941 : i32
      %mul3A_943 = arith.constant 80 : i32
      %mul3A_944 = arith.muli %add3A_942, %mul3A_943 : i32
      %multiple_of3A_945 = tpu.assume_multiple %mul3A_944, 80 : i32
      %dma_wait3A_946 = arith.constant 1 : i32
      %dma_wait3A_947 = arith.constant 1 : i32
      %dma_wait3A_948 = arith.constant 0 : i32
      %dma_wait3A_949 = arith.constant 0 : i32
      %dma_wait3A_950 = tpu.memref_slice %arg14[%dma_wait3A_946, %dma_wait3A_948, %dma_wait3A_949] : memref<2x80x128xf32, #tpu.memory_space<vmem>> -> memref<1x80x128xf32, #tpu.memory_space<vmem>>
      %dma_wait3A_951 = tpu.memref_squeeze %dma_wait3A_950 : memref<1x80x128xf32, #tpu.memory_space<vmem>> -> memref<80x128xf32, #tpu.memory_space<vmem>>
      %dma_wait3A_952 = arith.constant 0 : i32
      %dma_wait3A_953 = tpu.memref_slice %arg2[%multiple_of3A_945, %dma_wait3A_952] : memref<10000x128xf32, #tpu.memory_space<hbm>> -> memref<80x128xf32, #tpu.memory_space<hbm>>
      %dma_wait3A_954 = tpu.memref_slice %arg21[%dma_wait3A_947] : memref<2x!tpu.dma_semaphore, #tpu.memory_space<semaphore_mem>> -> memref<1x!tpu.dma_semaphore, #tpu.memory_space<semaphore_mem>>
      %dma_wait3A_955 = tpu.memref_squeeze %dma_wait3A_954 : memref<1x!tpu.dma_semaphore, #tpu.memory_space<semaphore_mem>> -> memref<!tpu.dma_semaphore, #tpu.memory_space<semaphore_mem>>
      %dma_wait3A_956 = arith.constant 0 : i32
      %dma_wait3A_957 = arith.constant 0 : i32
      %dma_wait3A_958 = tpu.memref_slice %arg14[%dma_wait3A_946, %dma_wait3A_956, %dma_wait3A_957] : memref<2x80x128xf32, #tpu.memory_space<vmem>> -> memref<1x80x128xf32, #tpu.memory_space<vmem>>
      %dma_wait3A_959 = tpu.memref_squeeze %dma_wait3A_958 : memref<1x80x128xf32, #tpu.memory_space<vmem>> -> memref<80x128xf32, #tpu.memory_space<vmem>>
      %dma_wait3A_960 = arith.constant 0 : i32
      %dma_wait3A_961 = tpu.memref_slice %arg2[%multiple_of3A_945, %dma_wait3A_960] : memref<10000x128xf32, #tpu.memory_space<hbm>> -> memref<80x128xf32, #tpu.memory_space<hbm>>
      tpu.wait_dma2 semaphore(%dma_wait3A_955 : memref<!tpu.dma_semaphore, #tpu.memory_space<semaphore_mem>>) src(%dma_wait3A_961 : memref<80x128xf32, #tpu.memory_space<hbm>>) dst(%dma_wait3A_959 : memref<80x128xf32, #tpu.memory_space<vmem>>)
      %dma_start3A_962 = arith.constant 1 : i32
      %dma_start3A_963 = arith.constant 1 : i32
      %dma_start3A_964 = arith.constant 0 : i32
      %dma_start3A_965 = arith.constant 0 : i32
      %dma_start3A_966 = tpu.memref_slice %arg14[%dma_start3A_962, %dma_start3A_964, %dma_start3A_965] : memref<2x80x128xf32, #tpu.memory_space<vmem>> -> memref<1x80x128xf32, #tpu.memory_space<vmem>>
      %dma_start3A_967 = tpu.memref_squeeze %dma_start3A_966 : memref<1x80x128xf32, #tpu.memory_space<vmem>> -> memref<80x128xf32, #tpu.memory_space<vmem>>
      %dma_start3A_968 = arith.constant 0 : i32
      %dma_start3A_969 = tpu.memref_slice %arg10[%add3A_905, %dma_start3A_968] : memref<125x80xi32, #tpu.memory_space<vmem>> -> memref<1x80xi32, #tpu.memory_space<vmem>>
      %dma_start3A_970 = tpu.memref_squeeze %dma_start3A_969 : memref<1x80xi32, #tpu.memory_space<vmem>> -> memref<80xi32, #tpu.memory_space<vmem>>
      %dma_start3A_971 = arith.constant 0 : i32
      %dma_start3A_972 = arith.constant 0 : i32
      %dma_start3A_973 = tpu.memref_slice %arg8[%dma_start3A_971, %dma_start3A_972] : memref<256x128xf32, #tpu.memory_space<vmem_shared>> -> memref<256x128xf32, #tpu.memory_space<vmem_shared>>
      %dma_start3A_974 = tpu.memref_slice %arg22[%dma_start3A_963] : memref<2x!tpu.dma_semaphore, #tpu.memory_space<semaphore_mem>> -> memref<1x!tpu.dma_semaphore, #tpu.memory_space<semaphore_mem>>
      %dma_start3A_975 = tpu.memref_squeeze %dma_start3A_974 : memref<1x!tpu.dma_semaphore, #tpu.memory_space<semaphore_mem>> -> memref<!tpu.dma_semaphore, #tpu.memory_space<semaphore_mem>>
      tpu.enqueue_indirect_dma source(%dma_start3A_967 : memref<80x128xf32, #tpu.memory_space<vmem>>) target(%dma_start3A_973 : memref<256x128xf32, #tpu.memory_space<vmem_shared>>) offsets(%dma_start3A_970 : memref<80xi32, #tpu.memory_space<vmem>>) semaphore(%dma_start3A_975 : memref<!tpu.dma_semaphore, #tpu.memory_space<semaphore_mem>>) {add = true}
      %dma_wait3A_976 = arith.constant 1 : i32
      %dma_wait3A_977 = arith.constant 1 : i32
      %dma_wait3A_978 = arith.constant 0 : i32
      %dma_wait3A_979 = arith.constant 0 : i32
      %dma_wait3A_980 = tpu.memref_slice %arg14[%dma_wait3A_976, %dma_wait3A_978, %dma_wait3A_979] : memref<2x80x128xf32, #tpu.memory_space<vmem>> -> memref<1x80x128xf32, #tpu.memory_space<vmem>>
      %dma_wait3A_981 = tpu.memref_squeeze %dma_wait3A_980 : memref<1x80x128xf32, #tpu.memory_space<vmem>> -> memref<80x128xf32, #tpu.memory_space<vmem>>
      %dma_wait3A_982 = arith.constant 0 : i32
      %dma_wait3A_983 = tpu.memref_slice %arg10[%add3A_905, %dma_wait3A_982] : memref<125x80xi32, #tpu.memory_space<vmem>> -> memref<1x80xi32, #tpu.memory_space<vmem>>
      %dma_wait3A_984 = tpu.memref_squeeze %dma_wait3A_983 : memref<1x80xi32, #tpu.memory_space<vmem>> -> memref<80xi32, #tpu.memory_space<vmem>>
      %dma_wait3A_985 = arith.constant 0 : i32
      %dma_wait3A_986 = arith.constant 0 : i32
      %dma_wait3A_987 = tpu.memref_slice %arg8[%dma_wait3A_985, %dma_wait3A_986] : memref<256x128xf32, #tpu.memory_space<vmem_shared>> -> memref<256x128xf32, #tpu.memory_space<vmem_shared>>
      %dma_wait3A_988 = tpu.memref_slice %arg22[%dma_wait3A_977] : memref<2x!tpu.dma_semaphore, #tpu.memory_space<semaphore_mem>> -> memref<1x!tpu.dma_semaphore, #tpu.memory_space<semaphore_mem>>
      %dma_wait3A_989 = tpu.memref_squeeze %dma_wait3A_988 : memref<1x!tpu.dma_semaphore, #tpu.memory_space<semaphore_mem>> -> memref<!tpu.dma_semaphore, #tpu.memory_space<semaphore_mem>>
      tpu.wait_indirect_dma semaphore(%dma_wait3A_989 : memref<!tpu.dma_semaphore, #tpu.memory_space<semaphore_mem>>) src(%dma_wait3A_981 : memref<80x128xf32, #tpu.memory_space<vmem>>) dst(%dma_wait3A_987 : memref<256x128xf32, #tpu.memory_space<vmem_shared>>)
    } else {
    }
    %add3A_911 = arith.constant 96 : i32
    %add3A_912 = arith.addi %add3A, %add3A_911 : i32
    %lt3A_913 = arith.constant 125 : i32
    %lt3A_914 = arith.cmpi slt, %add3A_912, %lt3A_913 : i32
    %convert_element_type3A_915 = arith.extui %lt3A_914 : i1 to i32
    %cond3A_916 = arith.constant 0 : i32
    %cond3A_917 = arith.cmpi ne, %convert_element_type3A_915, %cond3A_916 : i32
    scf.if %cond3A_917 {
      %add3A_941 = arith.constant 96 : i32
      %add3A_942 = arith.addi %add3A, %add3A_941 : i32
      %mul3A_943 = arith.constant 80 : i32
      %mul3A_944 = arith.muli %add3A_942, %mul3A_943 : i32
      %multiple_of3A_945 = tpu.assume_multiple %mul3A_944, 80 : i32
      %dma_start3A_946 = arith.constant 1 : i32
      %dma_start3A_947 = arith.constant 1 : i32
      %dma_start3A_948 = arith.constant 0 : i32
      %dma_start3A_949 = arith.constant 0 : i32
      %dma_start3A_950 = tpu.memref_slice %arg14[%dma_start3A_946, %dma_start3A_948, %dma_start3A_949] : memref<2x80x128xf32, #tpu.memory_space<vmem>> -> memref<1x80x128xf32, #tpu.memory_space<vmem>>
      %dma_start3A_951 = tpu.memref_squeeze %dma_start3A_950 : memref<1x80x128xf32, #tpu.memory_space<vmem>> -> memref<80x128xf32, #tpu.memory_space<vmem>>
      %dma_start3A_952 = arith.constant 0 : i32
      %dma_start3A_953 = tpu.memref_slice %arg2[%multiple_of3A_945, %dma_start3A_952] : memref<10000x128xf32, #tpu.memory_space<hbm>> -> memref<80x128xf32, #tpu.memory_space<hbm>>
      %dma_start3A_954 = tpu.memref_slice %arg21[%dma_start3A_947] : memref<2x!tpu.dma_semaphore, #tpu.memory_space<semaphore_mem>> -> memref<1x!tpu.dma_semaphore, #tpu.memory_space<semaphore_mem>>
      %dma_start3A_955 = tpu.memref_squeeze %dma_start3A_954 : memref<1x!tpu.dma_semaphore, #tpu.memory_space<semaphore_mem>> -> memref<!tpu.dma_semaphore, #tpu.memory_space<semaphore_mem>>
      %dma_start3A_956 = arith.constant 0 : i32
      %dma_start3A_957 = arith.constant 0 : i32
      %dma_start3A_958 = tpu.memref_slice %arg14[%dma_start3A_946, %dma_start3A_956, %dma_start3A_957] : memref<2x80x128xf32, #tpu.memory_space<vmem>> -> memref<1x80x128xf32, #tpu.memory_space<vmem>>
      %dma_start3A_959 = tpu.memref_squeeze %dma_start3A_958 : memref<1x80x128xf32, #tpu.memory_space<vmem>> -> memref<80x128xf32, #tpu.memory_space<vmem>>
      %dma_start3A_960 = arith.constant 0 : i32
      %dma_start3A_961 = tpu.memref_slice %arg2[%multiple_of3A_945, %dma_start3A_960] : memref<10000x128xf32, #tpu.memory_space<hbm>> -> memref<80x128xf32, #tpu.memory_space<hbm>>
      tpu.enqueue_dma source(%dma_start3A_961 : memref<80x128xf32, #tpu.memory_space<hbm>>) target(%dma_start3A_959 : memref<80x128xf32, #tpu.memory_space<vmem>>) target_semaphore(%dma_start3A_955 : memref<!tpu.dma_semaphore, #tpu.memory_space<semaphore_mem>>)
    } else {
    }
    %add3A_918 = arith.constant 64 : i32
    %add3A_919 = arith.addi %add3A, %add3A_918 : i32
    %lt3A_920 = arith.constant 125 : i32
    %lt3A_921 = arith.cmpi slt, %add3A_919, %lt3A_920 : i32
    %convert_element_type3A_922 = arith.extui %lt3A_921 : i1 to i32
    %cond3A_923 = arith.constant 0 : i32
    %cond3A_924 = arith.cmpi ne, %convert_element_type3A_922, %cond3A_923 : i32
    scf.if %cond3A_924 {
      %add3A_941 = arith.constant 64 : i32
      %add3A_942 = arith.addi %add3A, %add3A_941 : i32
      %mul3A_943 = arith.constant 80 : i32
      %mul3A_944 = arith.muli %add3A_942, %mul3A_943 : i32
      %multiple_of3A_945 = tpu.assume_multiple %mul3A_944, 80 : i32
      %dma_wait3A_946 = arith.constant 0 : i32
      %dma_wait3A_947 = arith.constant 0 : i32
      %dma_wait3A_948 = arith.constant 0 : i32
      %dma_wait3A_949 = arith.constant 0 : i32
      %dma_wait3A_950 = tpu.memref_slice %arg14[%dma_wait3A_946, %dma_wait3A_948, %dma_wait3A_949] : memref<2x80x128xf32, #tpu.memory_space<vmem>> -> memref<1x80x128xf32, #tpu.memory_space<vmem>>
      %dma_wait3A_951 = tpu.memref_squeeze %dma_wait3A_950 : memref<1x80x128xf32, #tpu.memory_space<vmem>> -> memref<80x128xf32, #tpu.memory_space<vmem>>
      %dma_wait3A_952 = arith.constant 0 : i32
      %dma_wait3A_953 = tpu.memref_slice %arg2[%multiple_of3A_945, %dma_wait3A_952] : memref<10000x128xf32, #tpu.memory_space<hbm>> -> memref<80x128xf32, #tpu.memory_space<hbm>>
      %dma_wait3A_954 = tpu.memref_slice %arg21[%dma_wait3A_947] : memref<2x!tpu.dma_semaphore, #tpu.memory_space<semaphore_mem>> -> memref<1x!tpu.dma_semaphore, #tpu.memory_space<semaphore_mem>>
      %dma_wait3A_955 = tpu.memref_squeeze %dma_wait3A_954 : memref<1x!tpu.dma_semaphore, #tpu.memory_space<semaphore_mem>> -> memref<!tpu.dma_semaphore, #tpu.memory_space<semaphore_mem>>
      %dma_wait3A_956 = arith.constant 0 : i32
      %dma_wait3A_957 = arith.constant 0 : i32
      %dma_wait3A_958 = tpu.memref_slice %arg14[%dma_wait3A_946, %dma_wait3A_956, %dma_wait3A_957] : memref<2x80x128xf32, #tpu.memory_space<vmem>> -> memref<1x80x128xf32, #tpu.memory_space<vmem>>
      %dma_wait3A_959 = tpu.memref_squeeze %dma_wait3A_958 : memref<1x80x128xf32, #tpu.memory_space<vmem>> -> memref<80x128xf32, #tpu.memory_space<vmem>>
      %dma_wait3A_960 = arith.constant 0 : i32
      %dma_wait3A_961 = tpu.memref_slice %arg2[%multiple_of3A_945, %dma_wait3A_960] : memref<10000x128xf32, #tpu.memory_space<hbm>> -> memref<80x128xf32, #tpu.memory_space<hbm>>
      tpu.wait_dma2 semaphore(%dma_wait3A_955 : memref<!tpu.dma_semaphore, #tpu.memory_space<semaphore_mem>>) src(%dma_wait3A_961 : memref<80x128xf32, #tpu.memory_space<hbm>>) dst(%dma_wait3A_959 : memref<80x128xf32, #tpu.memory_space<vmem>>)
      %dma_start3A_962 = arith.constant 0 : i32
      %dma_start3A_963 = arith.constant 0 : i32
      %dma_start3A_964 = arith.constant 0 : i32
      %dma_start3A_965 = arith.constant 0 : i32
      %dma_start3A_966 = tpu.memref_slice %arg14[%dma_start3A_962, %dma_start3A_964, %dma_start3A_965] : memref<2x80x128xf32, #tpu.memory_space<vmem>> -> memref<1x80x128xf32, #tpu.memory_space<vmem>>
      %dma_start3A_967 = tpu.memref_squeeze %dma_start3A_966 : memref<1x80x128xf32, #tpu.memory_space<vmem>> -> memref<80x128xf32, #tpu.memory_space<vmem>>
      %dma_start3A_968 = arith.constant 0 : i32
      %dma_start3A_969 = tpu.memref_slice %arg10[%add3A_919, %dma_start3A_968] : memref<125x80xi32, #tpu.memory_space<vmem>> -> memref<1x80xi32, #tpu.memory_space<vmem>>
      %dma_start3A_970 = tpu.memref_squeeze %dma_start3A_969 : memref<1x80xi32, #tpu.memory_space<vmem>> -> memref<80xi32, #tpu.memory_space<vmem>>
      %dma_start3A_971 = arith.constant 0 : i32
      %dma_start3A_972 = arith.constant 0 : i32
      %dma_start3A_973 = tpu.memref_slice %arg8[%dma_start3A_971, %dma_start3A_972] : memref<256x128xf32, #tpu.memory_space<vmem_shared>> -> memref<256x128xf32, #tpu.memory_space<vmem_shared>>
      %dma_start3A_974 = tpu.memref_slice %arg22[%dma_start3A_963] : memref<2x!tpu.dma_semaphore, #tpu.memory_space<semaphore_mem>> -> memref<1x!tpu.dma_semaphore, #tpu.memory_space<semaphore_mem>>
      %dma_start3A_975 = tpu.memref_squeeze %dma_start3A_974 : memref<1x!tpu.dma_semaphore, #tpu.memory_space<semaphore_mem>> -> memref<!tpu.dma_semaphore, #tpu.memory_space<semaphore_mem>>
      tpu.enqueue_indirect_dma source(%dma_start3A_967 : memref<80x128xf32, #tpu.memory_space<vmem>>) target(%dma_start3A_973 : memref<256x128xf32, #tpu.memory_space<vmem_shared>>) offsets(%dma_start3A_970 : memref<80xi32, #tpu.memory_space<vmem>>) semaphore(%dma_start3A_975 : memref<!tpu.dma_semaphore, #tpu.memory_space<semaphore_mem>>) {add = true}
      %dma_wait3A_976 = arith.constant 0 : i32
      %dma_wait3A_977 = arith.constant 0 : i32
      %dma_wait3A_978 = arith.constant 0 : i32
      %dma_wait3A_979 = arith.constant 0 : i32
      %dma_wait3A_980 = tpu.memref_slice %arg14[%dma_wait3A_976, %dma_wait3A_978, %dma_wait3A_979] : memref<2x80x128xf32, #tpu.memory_space<vmem>> -> memref<1x80x128xf32, #tpu.memory_space<vmem>>
      %dma_wait3A_981 = tpu.memref_squeeze %dma_wait3A_980 : memref<1x80x128xf32, #tpu.memory_space<vmem>> -> memref<80x128xf32, #tpu.memory_space<vmem>>
      %dma_wait3A_982 = arith.constant 0 : i32
      %dma_wait3A_983 = tpu.memref_slice %arg10[%add3A_919, %dma_wait3A_982] : memref<125x80xi32, #tpu.memory_space<vmem>> -> memref<1x80xi32, #tpu.memory_space<vmem>>
      %dma_wait3A_984 = tpu.memref_squeeze %dma_wait3A_983 : memref<1x80xi32, #tpu.memory_space<vmem>> -> memref<80xi32, #tpu.memory_space<vmem>>
      %dma_wait3A_985 = arith.constant 0 : i32
      %dma_wait3A_986 = arith.constant 0 : i32
      %dma_wait3A_987 = tpu.memref_slice %arg8[%dma_wait3A_985, %dma_wait3A_986] : memref<256x128xf32, #tpu.memory_space<vmem_shared>> -> memref<256x128xf32, #tpu.memory_space<vmem_shared>>
      %dma_wait3A_988 = tpu.memref_slice %arg22[%dma_wait3A_977] : memref<2x!tpu.dma_semaphore, #tpu.memory_space<semaphore_mem>> -> memref<1x!tpu.dma_semaphore, #tpu.memory_space<semaphore_mem>>
      %dma_wait3A_989 = tpu.memref_squeeze %dma_wait3A_988 : memref<1x!tpu.dma_semaphore, #tpu.memory_space<semaphore_mem>> -> memref<!tpu.dma_semaphore, #tpu.memory_space<semaphore_mem>>
      tpu.wait_indirect_dma semaphore(%dma_wait3A_989 : memref<!tpu.dma_semaphore, #tpu.memory_space<semaphore_mem>>) src(%dma_wait3A_981 : memref<80x128xf32, #tpu.memory_space<vmem>>) dst(%dma_wait3A_987 : memref<256x128xf32, #tpu.memory_space<vmem_shared>>)
    } else {
    }
    %add3A_925 = arith.constant 96 : i32
    %add3A_926 = arith.addi %add3A, %add3A_925 : i32
    %lt3A_927 = arith.constant 125 : i32
    %lt3A_928 = arith.cmpi slt, %add3A_926, %lt3A_927 : i32
    %convert_element_type3A_929 = arith.extui %lt3A_928 : i1 to i32
    %cond3A_930 = arith.constant 0 : i32
    %cond3A_931 = arith.cmpi ne, %convert_element_type3A_929, %cond3A_930 : i32
    scf.if %cond3A_931 {
      %add3A_941 = arith.constant 96 : i32
      %add3A_942 = arith.addi %add3A, %add3A_941 : i32
      %mul3A_943 = arith.constant 80 : i32
      %mul3A_944 = arith.muli %add3A_942, %mul3A_943 : i32
      %multiple_of3A_945 = tpu.assume_multiple %mul3A_944, 80 : i32
      %dma_wait3A_946 = arith.constant 1 : i32
      %dma_wait3A_947 = arith.constant 1 : i32
      %dma_wait3A_948 = arith.constant 0 : i32
      %dma_wait3A_949 = arith.constant 0 : i32
      %dma_wait3A_950 = tpu.memref_slice %arg14[%dma_wait3A_946, %dma_wait3A_948, %dma_wait3A_949] : memref<2x80x128xf32, #tpu.memory_space<vmem>> -> memref<1x80x128xf32, #tpu.memory_space<vmem>>
      %dma_wait3A_951 = tpu.memref_squeeze %dma_wait3A_950 : memref<1x80x128xf32, #tpu.memory_space<vmem>> -> memref<80x128xf32, #tpu.memory_space<vmem>>
      %dma_wait3A_952 = arith.constant 0 : i32
      %dma_wait3A_953 = tpu.memref_slice %arg2[%multiple_of3A_945, %dma_wait3A_952] : memref<10000x128xf32, #tpu.memory_space<hbm>> -> memref<80x128xf32, #tpu.memory_space<hbm>>
      %dma_wait3A_954 = tpu.memref_slice %arg21[%dma_wait3A_947] : memref<2x!tpu.dma_semaphore, #tpu.memory_space<semaphore_mem>> -> memref<1x!tpu.dma_semaphore, #tpu.memory_space<semaphore_mem>>
      %dma_wait3A_955 = tpu.memref_squeeze %dma_wait3A_954 : memref<1x!tpu.dma_semaphore, #tpu.memory_space<semaphore_mem>> -> memref<!tpu.dma_semaphore, #tpu.memory_space<semaphore_mem>>
      %dma_wait3A_956 = arith.constant 0 : i32
      %dma_wait3A_957 = arith.constant 0 : i32
      %dma_wait3A_958 = tpu.memref_slice %arg14[%dma_wait3A_946, %dma_wait3A_956, %dma_wait3A_957] : memref<2x80x128xf32, #tpu.memory_space<vmem>> -> memref<1x80x128xf32, #tpu.memory_space<vmem>>
      %dma_wait3A_959 = tpu.memref_squeeze %dma_wait3A_958 : memref<1x80x128xf32, #tpu.memory_space<vmem>> -> memref<80x128xf32, #tpu.memory_space<vmem>>
      %dma_wait3A_960 = arith.constant 0 : i32
      %dma_wait3A_961 = tpu.memref_slice %arg2[%multiple_of3A_945, %dma_wait3A_960] : memref<10000x128xf32, #tpu.memory_space<hbm>> -> memref<80x128xf32, #tpu.memory_space<hbm>>
      tpu.wait_dma2 semaphore(%dma_wait3A_955 : memref<!tpu.dma_semaphore, #tpu.memory_space<semaphore_mem>>) src(%dma_wait3A_961 : memref<80x128xf32, #tpu.memory_space<hbm>>) dst(%dma_wait3A_959 : memref<80x128xf32, #tpu.memory_space<vmem>>)
      %dma_start3A_962 = arith.constant 1 : i32
      %dma_start3A_963 = arith.constant 1 : i32
      %dma_start3A_964 = arith.constant 0 : i32
      %dma_start3A_965 = arith.constant 0 : i32
      %dma_start3A_966 = tpu.memref_slice %arg14[%dma_start3A_962, %dma_start3A_964, %dma_start3A_965] : memref<2x80x128xf32, #tpu.memory_space<vmem>> -> memref<1x80x128xf32, #tpu.memory_space<vmem>>
      %dma_start3A_967 = tpu.memref_squeeze %dma_start3A_966 : memref<1x80x128xf32, #tpu.memory_space<vmem>> -> memref<80x128xf32, #tpu.memory_space<vmem>>
      %dma_start3A_968 = arith.constant 0 : i32
      %dma_start3A_969 = tpu.memref_slice %arg10[%add3A_926, %dma_start3A_968] : memref<125x80xi32, #tpu.memory_space<vmem>> -> memref<1x80xi32, #tpu.memory_space<vmem>>
      %dma_start3A_970 = tpu.memref_squeeze %dma_start3A_969 : memref<1x80xi32, #tpu.memory_space<vmem>> -> memref<80xi32, #tpu.memory_space<vmem>>
      %dma_start3A_971 = arith.constant 0 : i32
      %dma_start3A_972 = arith.constant 0 : i32
      %dma_start3A_973 = tpu.memref_slice %arg8[%dma_start3A_971, %dma_start3A_972] : memref<256x128xf32, #tpu.memory_space<vmem_shared>> -> memref<256x128xf32, #tpu.memory_space<vmem_shared>>
      %dma_start3A_974 = tpu.memref_slice %arg22[%dma_start3A_963] : memref<2x!tpu.dma_semaphore, #tpu.memory_space<semaphore_mem>> -> memref<1x!tpu.dma_semaphore, #tpu.memory_space<semaphore_mem>>
      %dma_start3A_975 = tpu.memref_squeeze %dma_start3A_974 : memref<1x!tpu.dma_semaphore, #tpu.memory_space<semaphore_mem>> -> memref<!tpu.dma_semaphore, #tpu.memory_space<semaphore_mem>>
      tpu.enqueue_indirect_dma source(%dma_start3A_967 : memref<80x128xf32, #tpu.memory_space<vmem>>) target(%dma_start3A_973 : memref<256x128xf32, #tpu.memory_space<vmem_shared>>) offsets(%dma_start3A_970 : memref<80xi32, #tpu.memory_space<vmem>>) semaphore(%dma_start3A_975 : memref<!tpu.dma_semaphore, #tpu.memory_space<semaphore_mem>>) {add = true}
      %dma_wait3A_976 = arith.constant 1 : i32
      %dma_wait3A_977 = arith.constant 1 : i32
      %dma_wait3A_978 = arith.constant 0 : i32
      %dma_wait3A_979 = arith.constant 0 : i32
      %dma_wait3A_980 = tpu.memref_slice %arg14[%dma_wait3A_976, %dma_wait3A_978, %dma_wait3A_979] : memref<2x80x128xf32, #tpu.memory_space<vmem>> -> memref<1x80x128xf32, #tpu.memory_space<vmem>>
      %dma_wait3A_981 = tpu.memref_squeeze %dma_wait3A_980 : memref<1x80x128xf32, #tpu.memory_space<vmem>> -> memref<80x128xf32, #tpu.memory_space<vmem>>
      %dma_wait3A_982 = arith.constant 0 : i32
      %dma_wait3A_983 = tpu.memref_slice %arg10[%add3A_926, %dma_wait3A_982] : memref<125x80xi32, #tpu.memory_space<vmem>> -> memref<1x80xi32, #tpu.memory_space<vmem>>
      %dma_wait3A_984 = tpu.memref_squeeze %dma_wait3A_983 : memref<1x80xi32, #tpu.memory_space<vmem>> -> memref<80xi32, #tpu.memory_space<vmem>>
      %dma_wait3A_985 = arith.constant 0 : i32
      %dma_wait3A_986 = arith.constant 0 : i32
      %dma_wait3A_987 = tpu.memref_slice %arg8[%dma_wait3A_985, %dma_wait3A_986] : memref<256x128xf32, #tpu.memory_space<vmem_shared>> -> memref<256x128xf32, #tpu.memory_space<vmem_shared>>
      %dma_wait3A_988 = tpu.memref_slice %arg22[%dma_wait3A_977] : memref<2x!tpu.dma_semaphore, #tpu.memory_space<semaphore_mem>> -> memref<1x!tpu.dma_semaphore, #tpu.memory_space<semaphore_mem>>
      %dma_wait3A_989 = tpu.memref_squeeze %dma_wait3A_988 : memref<1x!tpu.dma_semaphore, #tpu.memory_space<semaphore_mem>> -> memref<!tpu.dma_semaphore, #tpu.memory_space<semaphore_mem>>
      tpu.wait_indirect_dma semaphore(%dma_wait3A_989 : memref<!tpu.dma_semaphore, #tpu.memory_space<semaphore_mem>>) src(%dma_wait3A_981 : memref<80x128xf32, #tpu.memory_space<vmem>>) dst(%dma_wait3A_987 : memref<256x128xf32, #tpu.memory_space<vmem_shared>>)
    } else {
    }
    %barrier3A_932 = arith.constant 0 : index
    tpu.barrier barrier_id(%barrier3A_932)
    %mul3A_933 = arith.constant 16 : i32
    %mul3A_934 = arith.muli %arg1, %mul3A_933 : i32
    %mul3A_935 = arith.constant 16 : i32
    %mul3A_936 = arith.muli %arg1, %mul3A_935 : i32
    "tpu.region"() ({
      %run_scoped3A = tpu.sem_alloc : memref<!tpu.dma_semaphore, #tpu.memory_space<semaphore_mem>>
      %dma_start3A_941 = arith.constant 0 : i32
      %dma_start3A_942 = tpu.memref_slice %arg6[%arg0, %mul3A_936, %dma_start3A_941] : memref<2x256x128xf32, #tpu.memory_space<hbm>> -> memref<1x16x128xf32, #tpu.memory_space<hbm>>
      %dma_start3A_943 = tpu.memref_squeeze %dma_start3A_942 : memref<1x16x128xf32, #tpu.memory_space<hbm>> -> memref<16x128xf32, #tpu.memory_space<hbm>>
      %dma_start3A_944 = arith.constant 0 : i32
      %dma_start3A_945 = tpu.memref_slice %arg8[%mul3A_934, %dma_start3A_944] : memref<256x128xf32, #tpu.memory_space<vmem_shared>> -> memref<16x128xf32, #tpu.memory_space<vmem_shared>>
      tpu.enqueue_dma source(%dma_start3A_945 : memref<16x128xf32, #tpu.memory_space<vmem_shared>>) target(%dma_start3A_943 : memref<16x128xf32, #tpu.memory_space<hbm>>) target_semaphore(%run_scoped3A : memref<!tpu.dma_semaphore, #tpu.memory_space<semaphore_mem>>)
      %dma_wait3A_946 = arith.constant 0 : i32
      %dma_wait3A_947 = tpu.memref_slice %arg6[%arg0, %mul3A_936, %dma_wait3A_946] : memref<2x256x128xf32, #tpu.memory_space<hbm>> -> memref<1x16x128xf32, #tpu.memory_space<hbm>>
      %dma_wait3A_948 = tpu.memref_squeeze %dma_wait3A_947 : memref<1x16x128xf32, #tpu.memory_space<hbm>> -> memref<16x128xf32, #tpu.memory_space<hbm>>
      %dma_wait3A_949 = arith.constant 0 : i32
      %dma_wait3A_950 = tpu.memref_slice %arg8[%mul3A_934, %dma_wait3A_949] : memref<256x128xf32, #tpu.memory_space<vmem_shared>> -> memref<16x128xf32, #tpu.memory_space<vmem_shared>>
      tpu.wait_dma2 semaphore(%run_scoped3A : memref<!tpu.dma_semaphore, #tpu.memory_space<semaphore_mem>>) src(%dma_wait3A_950 : memref<16x128xf32, #tpu.memory_space<vmem_shared>>) dst(%dma_wait3A_948 : memref<16x128xf32, #tpu.memory_space<hbm>>)
      tpu.yield
    }) : () -> ()
    %mul3A_937 = arith.constant 16 : i32
    %mul3A_938 = arith.muli %arg1, %mul3A_937 : i32
    %mul3A_939 = arith.constant 16 : i32
    %mul3A_940 = arith.muli %arg1, %mul3A_939 : i32
    "tpu.region"() ({
      %run_scoped3A = tpu.sem_alloc : memref<!tpu.dma_semaphore, #tpu.memory_space<semaphore_mem>>
      %dma_start3A_941 = arith.constant 0 : i32
      %dma_start3A_942 = tpu.memref_slice %arg7[%arg0, %mul3A_940, %dma_start3A_941] : memref<2x256x16xf32, #tpu.memory_space<hbm>> -> memref<1x16x16xf32, #tpu.memory_space<hbm>>
      %dma_start3A_943 = tpu.memref_squeeze %dma_start3A_942 : memref<1x16x16xf32, #tpu.memory_space<hbm>> -> memref<16x16xf32, #tpu.memory_space<hbm>>
      %dma_start3A_944 = arith.constant 0 : i32
      %dma_start3A_945 = tpu.memref_slice %arg9[%mul3A_938, %dma_start3A_944] : memref<256x16xf32, #tpu.memory_space<vmem_shared>> -> memref<16x16xf32, #tpu.memory_space<vmem_shared>>
      tpu.enqueue_dma source(%dma_start3A_945 : memref<16x16xf32, #tpu.memory_space<vmem_shared>>) target(%dma_start3A_943 : memref<16x16xf32, #tpu.memory_space<hbm>>) target_semaphore(%run_scoped3A : memref<!tpu.dma_semaphore, #tpu.memory_space<semaphore_mem>>)
      %dma_wait3A_946 = arith.constant 0 : i32
      %dma_wait3A_947 = tpu.memref_slice %arg7[%arg0, %mul3A_940, %dma_wait3A_946] : memref<2x256x16xf32, #tpu.memory_space<hbm>> -> memref<1x16x16xf32, #tpu.memory_space<hbm>>
      %dma_wait3A_948 = tpu.memref_squeeze %dma_wait3A_947 : memref<1x16x16xf32, #tpu.memory_space<hbm>> -> memref<16x16xf32, #tpu.memory_space<hbm>>
      %dma_wait3A_949 = arith.constant 0 : i32
      %dma_wait3A_950 = tpu.memref_slice %arg9[%mul3A_938, %dma_wait3A_949] : memref<256x16xf32, #tpu.memory_space<vmem_shared>> -> memref<16x16xf32, #tpu.memory_space<vmem_shared>>
      tpu.wait_dma2 semaphore(%run_scoped3A : memref<!tpu.dma_semaphore, #tpu.memory_space<semaphore_mem>>) src(%dma_wait3A_950 : memref<16x16xf32, #tpu.memory_space<vmem_shared>>) dst(%dma_wait3A_948 : memref<16x16xf32, #tpu.memory_space<hbm>>)
      tpu.yield
    }) : () -> ()
    return
  }
}

module attributes {stable_mosaic.version = 14 : i64} {
  func.func @body(%arg0: memref<2x256x128xf32, #tpu.memory_space<vmem>>, %arg1: memref<2x256x16xf32, #tpu.memory_space<vmem>>, %arg2: memref<128x128xf32, #tpu.memory_space<vmem>>, %arg3: memref<16x128xf32, #tpu.memory_space<vmem>>, %arg4: memref<1x128xf32, #tpu.memory_space<vmem>>, %arg5: memref<1x128xf32, #tpu.memory_space<vmem>>, %arg6: memref<1x128xf32, #tpu.memory_space<vmem>>, %arg7: memref<128x128xf32, #tpu.memory_space<vmem>>, %arg8: memref<1x128xf32, #tpu.memory_space<vmem>>, %arg9: memref<1x128xf32, #tpu.memory_space<vmem>>, %arg10: memref<1x128xf32, #tpu.memory_space<vmem>>, %arg11: memref<128x128xf32, #tpu.memory_space<vmem>>, %arg12: memref<1x128xf32, #tpu.memory_space<vmem>>, %arg13: memref<256x128xf32, #tpu.memory_space<vmem>>) attributes {dimension_semantics = [], scalar_prefetch = 0 : i64, scratch_operands = 0 : i64, tpu.core_type = #tpu.core_type<tc>} {
    %get3A = arith.constant 0 : index
    %get3A_0 = arith.constant 0 : index
    %get3A_1 = arith.constant 0 : index
    %get3A_2 = vector.load %arg0[%get3A, %get3A_0, %get3A_1] : memref<2x256x128xf32, #tpu.memory_space<vmem>>, vector<1x256x128xf32>
    %get3A_3 = vector.shape_cast %get3A_2 : vector<1x256x128xf32> to vector<256x128xf32>
    %get3A_4 = arith.constant 1 : index
    %get3A_5 = arith.constant 0 : index
    %get3A_6 = arith.constant 0 : index
    %get3A_7 = vector.load %arg0[%get3A_4, %get3A_5, %get3A_6] : memref<2x256x128xf32, #tpu.memory_space<vmem>>, vector<1x256x128xf32>
    %get3A_8 = vector.shape_cast %get3A_7 : vector<1x256x128xf32> to vector<256x128xf32>
    %add3A = arith.addf %get3A_3, %get3A_8 : vector<256x128xf32>
    %get3A_9 = arith.constant 0 : index
    %get3A_10 = arith.constant 0 : index
    %get3A_11 = arith.constant 0 : index
    %get3A_12 = vector.load %arg1[%get3A_9, %get3A_10, %get3A_11] : memref<2x256x16xf32, #tpu.memory_space<vmem>>, vector<1x256x16xf32>
    %get3A_13 = vector.shape_cast %get3A_12 : vector<1x256x16xf32> to vector<256x16xf32>
    %get3A_14 = arith.constant 1 : index
    %get3A_15 = arith.constant 0 : index
    %get3A_16 = arith.constant 0 : index
    %get3A_17 = vector.load %arg1[%get3A_14, %get3A_15, %get3A_16] : memref<2x256x16xf32, #tpu.memory_space<vmem>>, vector<1x256x16xf32>
    %get3A_18 = vector.shape_cast %get3A_17 : vector<1x256x16xf32> to vector<256x16xf32>
    %add3A_19 = arith.addf %get3A_13, %get3A_18 : vector<256x16xf32>
    %get3A_20 = arith.constant 0 : index
    %get3A_21 = arith.constant 0 : index
    %get3A_22 = vector.load %arg2[%get3A_20, %get3A_21] : memref<128x128xf32, #tpu.memory_space<vmem>>, vector<128x128xf32>
    %dot_general3A = arith.constant dense<0.000000e+00> : vector<256x128xf32>
    %dot_general3A_23 = tpu.matmul %add3A, %get3A_22, %dot_general3A {dimension_numbers = #tpu.dot_dimension_numbers<[1], [0], [0], [1], [0, 0, 1, 1], [], []>, transpose_lhs_hint = false} : vector<256x128xf32>, vector<128x128xf32>, vector<256x128xf32> -> vector<256x128xf32>
    %get3A_24 = arith.constant 0 : index
    %get3A_25 = arith.constant 0 : index
    %get3A_26 = vector.load %arg3[%get3A_24, %get3A_25] : memref<16x128xf32, #tpu.memory_space<vmem>>, vector<16x128xf32>
    %dot_general3A_27 = arith.constant dense<0.000000e+00> : vector<256x128xf32>
    %dot_general3A_28 = tpu.matmul %add3A_19, %get3A_26, %dot_general3A_27 {dimension_numbers = #tpu.dot_dimension_numbers<[1], [0], [0], [1], [0, 0, 1, 1], [], []>, transpose_lhs_hint = false} : vector<256x16xf32>, vector<16x128xf32>, vector<256x128xf32> -> vector<256x128xf32>
    %add3A_29 = arith.addf %dot_general3A_23, %dot_general3A_28 : vector<256x128xf32>
    %get3A_30 = arith.constant 0 : index
    %get3A_31 = arith.constant 0 : index
    %get3A_32 = vector.load %arg4[%get3A_30, %get3A_31] : memref<1x128xf32, #tpu.memory_space<vmem>>, vector<1x128xf32>
    %add3A_33 = vector.broadcast %get3A_32 : vector<1x128xf32> to vector<256x128xf32>
    %add3A_34 = arith.addf %add3A_29, %add3A_33 : vector<256x128xf32>
    %ge3A = arith.constant 0.000000e+00 : f32
    %ge3A_35 = vector.broadcast %ge3A : f32 to vector<256x128xf32>
    %ge3A_36 = arith.cmpf oge, %add3A_34, %ge3A_35 : vector<256x128xf32>
    %mul3A = arith.constant 0.00999999977 : f32
    %mul3A_37 = vector.broadcast %mul3A : f32 to vector<256x128xf32>
    %mul3A_38 = arith.mulf %mul3A_37, %add3A_34 : vector<256x128xf32>
    %select_n3A = arith.select %ge3A_36, %add3A_34, %mul3A_38 : vector<256x128xi1>, vector<256x128xf32>
    %reduce_sum3A = arith.constant dense<0.000000e+00> : vector<128xf32>
    %reduce_sum3A_39 = vector.multi_reduction <add>, %select_n3A, %reduce_sum3A [0] : vector<256x128xf32> to vector<128xf32>
    %broadcast_in_dim3A = vector.shape_cast %reduce_sum3A_39 : vector<128xf32> to vector<1x128xf32>
    %div3A = arith.constant 2.560000e+02 : f32
    %div3A_40 = vector.broadcast %div3A : f32 to vector<1x128xf32>
    %div3A_41 = arith.divf %broadcast_in_dim3A, %div3A_40 : vector<1x128xf32>
    %sub3A = vector.broadcast %div3A_41 : vector<1x128xf32> to vector<256x128xf32>
    %sub3A_42 = arith.subf %select_n3A, %sub3A : vector<256x128xf32>
    %integer_pow3A = arith.mulf %sub3A_42, %sub3A_42 : vector<256x128xf32>
    %reduce_sum3A_43 = arith.constant dense<0.000000e+00> : vector<128xf32>
    %reduce_sum3A_44 = vector.multi_reduction <add>, %integer_pow3A, %reduce_sum3A_43 [0] : vector<256x128xf32> to vector<128xf32>
    %broadcast_in_dim3A_45 = vector.shape_cast %reduce_sum3A_44 : vector<128xf32> to vector<1x128xf32>
    %div3A_46 = arith.constant 2.560000e+02 : f32
    %div3A_47 = vector.broadcast %div3A_46 : f32 to vector<1x128xf32>
    %div3A_48 = arith.divf %broadcast_in_dim3A_45, %div3A_47 : vector<1x128xf32>
    %sub3A_49 = vector.broadcast %div3A_41 : vector<1x128xf32> to vector<256x128xf32>
    %sub3A_50 = arith.subf %select_n3A, %sub3A_49 : vector<256x128xf32>
    %add3A_51 = arith.constant 9.99999974E-6 : f32
    %add3A_52 = vector.broadcast %add3A_51 : f32 to vector<1x128xf32>
    %add3A_53 = arith.addf %div3A_48, %add3A_52 : vector<1x128xf32>
    %sqrt3A = math.sqrt %add3A_53 : vector<1x128xf32>
    %div3A_54 = vector.broadcast %sqrt3A : vector<1x128xf32> to vector<256x128xf32>
    %div3A_55 = arith.divf %sub3A_50, %div3A_54 : vector<256x128xf32>
    %get3A_56 = arith.constant 0 : index
    %get3A_57 = arith.constant 0 : index
    %get3A_58 = vector.load %arg5[%get3A_56, %get3A_57] : memref<1x128xf32, #tpu.memory_space<vmem>>, vector<1x128xf32>
    %mul3A_59 = vector.broadcast %get3A_58 : vector<1x128xf32> to vector<256x128xf32>
    %mul3A_60 = arith.mulf %div3A_55, %mul3A_59 : vector<256x128xf32>
    %get3A_61 = arith.constant 0 : index
    %get3A_62 = arith.constant 0 : index
    %get3A_63 = vector.load %arg6[%get3A_61, %get3A_62] : memref<1x128xf32, #tpu.memory_space<vmem>>, vector<1x128xf32>
    %add3A_64 = vector.broadcast %get3A_63 : vector<1x128xf32> to vector<256x128xf32>
    %add3A_65 = arith.addf %mul3A_60, %add3A_64 : vector<256x128xf32>
    %get3A_66 = arith.constant 0 : index
    %get3A_67 = arith.constant 0 : index
    %get3A_68 = vector.load %arg7[%get3A_66, %get3A_67] : memref<128x128xf32, #tpu.memory_space<vmem>>, vector<128x128xf32>
    %dot_general3A_69 = arith.constant dense<0.000000e+00> : vector<256x128xf32>
    %dot_general3A_70 = tpu.matmul %add3A_65, %get3A_68, %dot_general3A_69 {dimension_numbers = #tpu.dot_dimension_numbers<[1], [0], [0], [1], [0, 0, 1, 1], [], []>, transpose_lhs_hint = false} : vector<256x128xf32>, vector<128x128xf32>, vector<256x128xf32> -> vector<256x128xf32>
    %get3A_71 = arith.constant 0 : index
    %get3A_72 = arith.constant 0 : index
    %get3A_73 = vector.load %arg8[%get3A_71, %get3A_72] : memref<1x128xf32, #tpu.memory_space<vmem>>, vector<1x128xf32>
    %add3A_74 = vector.broadcast %get3A_73 : vector<1x128xf32> to vector<256x128xf32>
    %add3A_75 = arith.addf %dot_general3A_70, %add3A_74 : vector<256x128xf32>
    %ge3A_76 = arith.constant 0.000000e+00 : f32
    %ge3A_77 = vector.broadcast %ge3A_76 : f32 to vector<256x128xf32>
    %ge3A_78 = arith.cmpf oge, %add3A_75, %ge3A_77 : vector<256x128xf32>
    %mul3A_79 = arith.constant 0.00999999977 : f32
    %mul3A_80 = vector.broadcast %mul3A_79 : f32 to vector<256x128xf32>
    %mul3A_81 = arith.mulf %mul3A_80, %add3A_75 : vector<256x128xf32>
    %select_n3A_82 = arith.select %ge3A_78, %add3A_75, %mul3A_81 : vector<256x128xi1>, vector<256x128xf32>
    %reduce_sum3A_83 = arith.constant dense<0.000000e+00> : vector<128xf32>
    %reduce_sum3A_84 = vector.multi_reduction <add>, %select_n3A_82, %reduce_sum3A_83 [0] : vector<256x128xf32> to vector<128xf32>
    %broadcast_in_dim3A_85 = vector.shape_cast %reduce_sum3A_84 : vector<128xf32> to vector<1x128xf32>
    %div3A_86 = arith.constant 2.560000e+02 : f32
    %div3A_87 = vector.broadcast %div3A_86 : f32 to vector<1x128xf32>
    %div3A_88 = arith.divf %broadcast_in_dim3A_85, %div3A_87 : vector<1x128xf32>
    %sub3A_89 = vector.broadcast %div3A_88 : vector<1x128xf32> to vector<256x128xf32>
    %sub3A_90 = arith.subf %select_n3A_82, %sub3A_89 : vector<256x128xf32>
    %integer_pow3A_91 = arith.mulf %sub3A_90, %sub3A_90 : vector<256x128xf32>
    %reduce_sum3A_92 = arith.constant dense<0.000000e+00> : vector<128xf32>
    %reduce_sum3A_93 = vector.multi_reduction <add>, %integer_pow3A_91, %reduce_sum3A_92 [0] : vector<256x128xf32> to vector<128xf32>
    %broadcast_in_dim3A_94 = vector.shape_cast %reduce_sum3A_93 : vector<128xf32> to vector<1x128xf32>
    %div3A_95 = arith.constant 2.560000e+02 : f32
    %div3A_96 = vector.broadcast %div3A_95 : f32 to vector<1x128xf32>
    %div3A_97 = arith.divf %broadcast_in_dim3A_94, %div3A_96 : vector<1x128xf32>
    %sub3A_98 = vector.broadcast %div3A_88 : vector<1x128xf32> to vector<256x128xf32>
    %sub3A_99 = arith.subf %select_n3A_82, %sub3A_98 : vector<256x128xf32>
    %add3A_100 = arith.constant 9.99999974E-6 : f32
    %add3A_101 = vector.broadcast %add3A_100 : f32 to vector<1x128xf32>
    %add3A_102 = arith.addf %div3A_97, %add3A_101 : vector<1x128xf32>
    %sqrt3A_103 = math.sqrt %add3A_102 : vector<1x128xf32>
    %div3A_104 = vector.broadcast %sqrt3A_103 : vector<1x128xf32> to vector<256x128xf32>
    %div3A_105 = arith.divf %sub3A_99, %div3A_104 : vector<256x128xf32>
    %get3A_106 = arith.constant 0 : index
    %get3A_107 = arith.constant 0 : index
    %get3A_108 = vector.load %arg9[%get3A_106, %get3A_107] : memref<1x128xf32, #tpu.memory_space<vmem>>, vector<1x128xf32>
    %mul3A_109 = vector.broadcast %get3A_108 : vector<1x128xf32> to vector<256x128xf32>
    %mul3A_110 = arith.mulf %div3A_105, %mul3A_109 : vector<256x128xf32>
    %get3A_111 = arith.constant 0 : index
    %get3A_112 = arith.constant 0 : index
    %get3A_113 = vector.load %arg10[%get3A_111, %get3A_112] : memref<1x128xf32, #tpu.memory_space<vmem>>, vector<1x128xf32>
    %add3A_114 = vector.broadcast %get3A_113 : vector<1x128xf32> to vector<256x128xf32>
    %add3A_115 = arith.addf %mul3A_110, %add3A_114 : vector<256x128xf32>
    %get3A_116 = arith.constant 0 : index
    %get3A_117 = arith.constant 0 : index
    %get3A_118 = vector.load %arg11[%get3A_116, %get3A_117] : memref<128x128xf32, #tpu.memory_space<vmem>>, vector<128x128xf32>
    %dot_general3A_119 = arith.constant dense<0.000000e+00> : vector<256x128xf32>
    %dot_general3A_120 = tpu.matmul %add3A_115, %get3A_118, %dot_general3A_119 {dimension_numbers = #tpu.dot_dimension_numbers<[1], [0], [0], [1], [0, 0, 1, 1], [], []>, transpose_lhs_hint = false} : vector<256x128xf32>, vector<128x128xf32>, vector<256x128xf32> -> vector<256x128xf32>
    %get3A_121 = arith.constant 0 : index
    %get3A_122 = arith.constant 0 : index
    %get3A_123 = vector.load %arg12[%get3A_121, %get3A_122] : memref<1x128xf32, #tpu.memory_space<vmem>>, vector<1x128xf32>
    %add3A_124 = vector.broadcast %get3A_123 : vector<1x128xf32> to vector<256x128xf32>
    %add3A_125 = arith.addf %dot_general3A_120, %add3A_124 : vector<256x128xf32>
    %swap3A = arith.constant 0 : index
    %swap3A_126 = arith.constant 0 : index
    %swap3A_127 = vector.load %arg13[%swap3A, %swap3A_126] : memref<256x128xf32, #tpu.memory_space<vmem>>, vector<256x128xf32>
    tpu.vector_store %arg13[%swap3A, %swap3A_126], %add3A_125 {strides = array<i32>} : memref<256x128xf32, #tpu.memory_space<vmem>>, vector<256x128xf32>,
    return
  }
}

</mosaic_0001>

<sc_bundles>
// kernel: kernel.4.cloned.1.call-start
scs
__scs_entry_jumppad:
0x0: {  	(pc) =	sbr.rel $0x88, $3  }
0x1: {  	(tag) =	ssettag $0x0;
	lr =	simm.s32 $0x1  }
0x2: {  	[smem:$0x3F93] =	sst lr;
	_ =	strace $0xD0000000  }
0x3: {  	_ = 	snop  }
0x4: {  	_ = 	snop  }
0x5: {  	_ = 	snop  }
0x6: {  	_ = 	snop  }
0x7: {  	_ = 	snop  }
__scs_overlays_trampoline_lowered:
0x8: {  	[smem:$0x3FA2] =	sst s0  }
0x9: {  	[smem:$0x3FA3] =	sst s1  }
0xa: {  	[smem:$0x3FA4] =	sst s2  }
0xb: {  	[smem:$0x3FA5] =	sst s3  }
0xc: {  	[smem:$0x3FA6] =	sst s4  }
0xd: {  	[smem:$0x3FA7] =	sst s5  }
0xe: {  	[smem:$0x3FA8] =	sst s6  }
0xf: {  	[smem:$0x3FA9] =	sst s7  }
0x10: {  	[smem:$0x3FAA] =	sst s8  }
0x11: {  	[smem:$0x3FAB] =	sst s9;
	s0 =	simm.s32 @!p0 $0x0  }
0x12: {  	s1 =	sld [smem:$0x3F91];
	s0 =	simm.s32 @p0 $0x1  }
0x13: {  	[smem:$0x3FAC] =	sst s0;
	s0 =	simm.s32 @!p1 $0x0  }
0x14: {  	s2 =	sld [smem:$0x3F90];
	s0 =	simm.s32 @p1 $0x1  }
0x15: {  	[smem:$0x3FAD] =	sst s0;
	s0 =	simm.s32 @!p2 $0x0  }
0x16: {  	s3 =	sld [smem:$0x3FDB];
	s0 =	simm.s32 @p2 $0x1  }
0x17: {  	s4 =	simm.s32 $0x1BF5;
	[smem:$0x3FAF] =	sst s0  }
0x18: {  	s0 =	sld [smem:$0x3F92];
	_ =	swait.ge [sflag:s4], $0x0  }
0x19: {  	s7 =	sld [smem:$0x3F93]  }
0x1a: {  	s8 =	sadd.s32 $0xFFFFE003, lr  }
0x1b: {  	s9 =	sadd.s32 $0xFFFFFEF7, lr;
	s5 =	simm.s32 $0xFFFFFFFF;
	p2 =	slt.u32 s8, $0xFFFFF086  }
0x1c: {  	p1 =	slt.u32 s9, $0xF7A;
	s5 =	simm.s32 @!p2 $0x0  }
0x1d: {  	s5 =	simm.s32 @p1 $0x1;
	p0 =	seq.s32 s7, s2  }
0x1e: {  	s7 =	smul.u32 @!p0 $0xF7A, s2;
	p2 =	seq.s32 @!p0 s5, $0x0  }
0x1f: {  	s9 =	smul.u32 $0xF7A, s1;
	s8 =	simm.s32 @!p0 $0x1BF5;
	p2 =	por !p2, p0  }
0x20: {  	[sflag:s8] =	ssyncset.s32 @!p0 $0xFFFFF086;
	s6 =	sadd.s32 @!p0 s3, s7;
	s7 =	simm.s32 @!p0 $0x108  }
0x21: {  	s3 =	sadd.s32 s3, s9;
	s6 =	sadd.s32 @!p0 $0x88, s6;
	s7 =	simm.s32 @p2 $0x1082  }
0x22: {  	[simem:s7], [sflag:s8] =	dma.local @!p0 [hbm:s6], $0xF7A  }
0x23: {  	s9 =	sor.u32 $0xD0000000, s2;
	s6 =	simm.s32 $0x108;
	_ =	swait.ge @!p0 [sflag:s8], $0x0  }
0x24: {  	s3 =	sadd.s32 $0x88, s3;
	s6 =	simm.s32 @!p1 $0x1082;
	[sflag:s4] =	ssyncset.s32 $0xFFFFF086  }
0x25: {  	[simem:s6], [sflag:s4] =	dma.local [hbm:s3], $0xF7A  }
0x26: {  	[smem:$0x3F93] =	sst s1;
	(tag) =	ssettag s2;
	_ =	strace s9  }
0x27: {  	s1 =	sld [smem:$0x3FA3]  }
0x28: {  	s2 =	sld [smem:$0x3FA4]  }
0x29: {  	s4 =	sld [smem:$0x3FA6]  }
0x2a: {  	p0 =	seq.s32 s5, $0x0;
	s5 =	sld [smem:$0x3FA7]  }
0x2b: {  	s6 =	sld [smem:$0x3FA8]  }
0x2c: {  	s7 =	sld [smem:$0x3FA9]  }
0x2d: {  	s3 =	simm.s32 $0x108;
	s8 =	sld [smem:$0x3FAA]  }
0x2e: {  	s3 =	simm.s32 @!p0 $0x1082;
	s9 =	sld [smem:$0x3FAB]  }
0x2f: {  	lr =	sadd.s32 s0, s3;
	s0 =	sld [smem:$0x3FA2]  }
0x30: {  	s3 =	sld [smem:$0x3FA5]  }
0x31: {  	[smem:$0x3FAE] =	sst s10  }
0x32: {  	s10 =	sld [smem:$0x3FAC];
	_ =	sdelay $0x3  }
0x33: {  	p0 =	seq.s32 s10, $0x1;
	s10 =	sld [smem:$0x3FAE];
	_ =	sdelay $0x3  }
0x34: {  	[smem:$0x3FAE] =	sst s10  }
0x35: {  	s10 =	sld [smem:$0x3FAD];
	_ =	sdelay $0x3  }
0x36: {  	p1 =	seq.s32 s10, $0x1;
	s10 =	sld [smem:$0x3FAE];
	_ =	sdelay $0x3  }
0x37: {  	[smem:$0x3FAE] =	sst s10  }
0x38: {  	s10 =	sld [smem:$0x3FAF]  }
0x39: {  	_ = 	snop;
	(pc) =	sbr.ind lr, $3  }
0x3a: {  	_ = 	snop  }
0x3b: {  	_ = 	snop  }
0x3c: {  	p2 =	seq.s32 s10, $0x1;
	s10 =	sld [smem:$0x3FAE]  }
0x3d: {  	_ =	shalt  }
0x3e: {  	_ =	shalt  }
0x3f: {  	_ =	shalt  }
0x40: {  	_ =	shalt  }
0x41: {  	_ =	shalt  }
0x42: {  	_ =	shalt  }
0x43: {  	_ =	shalt  }
0x44: {  	_ =	shalt  }
0x45: {  	_ =	shalt  }
0x46: {  	_ =	shalt  }
0x47: {  	_ =	shalt  }
0x48: {  	_ =	shalt  }
0x49: {  	_ =	shalt  }
0x4a: {  	_ =	shalt  }
0x4b: {  	_ =	shalt  }
0x4c: {  	_ =	shalt  }
0x4d: {  	_ =	shalt  }
0x4e: {  	_ =	shalt  }
0x4f: {  	_ =	shalt  }
0x50: {  	_ =	shalt  }
0x51: {  	_ =	shalt  }
0x52: {  	_ =	shalt  }
0x53: {  	_ =	shalt  }
0x54: {  	_ =	shalt  }
0x55: {  	_ =	shalt  }
0x56: {  	_ =	shalt  }
0x57: {  	_ =	shalt  }
0x58: {  	_ =	shalt  }
0x59: {  	_ =	shalt  }
0x5a: {  	_ =	shalt  }
0x5b: {  	_ =	shalt  }
0x5c: {  	_ =	shalt  }
0x5d: {  	_ =	shalt  }
0x5e: {  	_ =	shalt  }
0x5f: {  	_ =	shalt  }
0x60: {  	_ =	shalt  }
0x61: {  	_ =	shalt  }
0x62: {  	_ =	shalt  }
0x63: {  	_ =	shalt  }
0x64: {  	_ =	shalt  }
0x65: {  	_ =	shalt  }
0x66: {  	_ =	shalt  }
0x67: {  	_ =	shalt  }
0x68: {  	_ =	shalt  }
0x69: {  	_ =	shalt  }
0x6a: {  	_ =	shalt  }
0x6b: {  	_ =	shalt  }
0x6c: {  	_ =	shalt  }
0x6d: {  	_ =	shalt  }
0x6e: {  	_ =	shalt  }
0x6f: {  	_ =	shalt  }
0x70: {  	_ =	shalt  }
0x71: {  	_ =	shalt  }
0x72: {  	_ =	shalt  }
0x73: {  	_ =	shalt  }
0x74: {  	_ =	shalt  }
0x75: {  	_ =	shalt  }
0x76: {  	_ =	shalt  }
0x77: {  	_ =	shalt  }
0x78: {  	_ =	shalt  }
0x79: {  	_ =	shalt  }
0x7a: {  	_ =	shalt  }
0x7b: {  	_ =	shalt  }
0x7c: {  	_ =	shalt  }
0x7d: {  	_ =	shalt  }
0x7e: {  	_ =	shalt  }
0x7f: {  	_ =	shalt  }
0x80: {  	_ =	shalt  }
0x81: {  	_ =	shalt  }
0x82: {  	_ =	shalt  }
0x83: {  	_ =	shalt  }
0x84: {  	_ =	shalt  }
0x85: {  	_ =	shalt  }
0x86: {  	_ =	shalt  }
0x87: {  	_ =	shalt  }
.Lfunc_end0:
.L_simem_size_0:
called_computation_lowered:
.L_overlay_start_0:
0x88: {  	s2 =	sld [smem:$0x3FD9]  }
0x89: {  	s3 =	sld [smem:$0x3FFE];
	_ =	sdelay $0x1  }
0x8a: {  	s1 =	srdreg.scid  }
0x8b: {  	s0 =	sand.u32 $0x1, s1  }
0x8c: {  	s17 =	sshll.u32 s0, $0xA;
	s2 =	sadd.s32 s3, s2  }
0x8d: {  	s2 =	sadd.s32 s2, s17  }
0x8e: {  	[smem:$0x3FBA] =	sst s2  }
0x8f: {  	_ = 	snop  }
0x90: {  	s2 =	sld [smem:$0x3FC9]  }
0x91: {  	s18 =	sld [smem:$0x3FC6]  }
0x92: {  	s4 =	sld [smem:$0x3FD0];
	(tm) =	ssettm $0x1  }
0x93: {  	s5 =	sld [smem:$0x3FFB];
	_ =	sdelay $0x3  }
0x94: {  	_ =	strace s5  }
0x95: {  	s5 =	sld [smem:$0x3FFC];
	_ =	sdelay $0x3  }
0x96: {  	_ =	strace s5  }
0x97: {  	s5 =	sld [smem:$0x3FFD];
	_ =	sdelay $0x3  }
0x98: {  	_ =	strace s5  }
0x99: {  	_ =	strace $0x8FFFFFFF  }
0x9a: {  	s19 =	sld [smem:$0x3FDB];
	_ =	sdelay $0x1  }
0x9b: {  	s6 =	simm.s32 $_scs_section_size  }
0x9c: {  	s7 =	simm.s32 $_size__tile_overlayer_lowered;
	s8 =	simm.s32 $_tile_overlayer_lowered  }
0x9d: {  	s22 =	simm.s32 $0x1BFF;
	s21 =	sshll.u32 s8, $0x1;
	s5 =	sadd.s32 s6, s19  }
0x9e: {  	s9 =	simm.s32 $0x0;
	s20 =	sshll.u32 s7, $0x1;
	s7 =	sadd.s32 s21, s5  }
0x9f: {  	[timem:s9], [sflag:s22] =	dma.local [hbm:s7], s20  }
0xa0: {  	_ =	swait.ge [sflag:s22], s20  }
0xa1: {  	s6 =	ssub.s32 $0x0, s20;
	[sflag:s22] =	ssyncset.done $0x0  }
0xa2: {  	[sflag:s22] =	ssyncadd.s32 s6;
	_ =	sdelay $0x1  }
0xa3: {  	s23 =	simm.s32 $0x1B8B  }
0xa4: {  	_ =	swait.ge [sflag:s23], $0x1  }
0xa5: {  	[sflag:s23] =	ssyncset.done $0x0  }
0xa6: {  	s25 =	simm.s32 $0x1B8E;
	s24 =	sld [smem:$0x3FFE];
	[sflag:s23] =	ssyncadd.s32 $0xFFFFFFFF  }
0xa7: {  	s26 =	simm.s32 $execute0_lowered;
	[smem:$0x3FD2] =	sst s25  }
0xa8: {  	s7 =	sshll.u32 s26, $0x1;
	_ =	strace $0x80000046;
	[dreg:$0x1] =	wrdreg $0xFFFFFFFF  }
0xa9: {  	s28 =	simm.s32 $_size_execute0_lowered;
	s5 =	sadd.s32 s5, s7;
	[dreg:$0x0] =	wrdreg $0x0  }
0xaa: {  	s7 =	sshll.u32 s28, $0x1;
	[dreg:$0x2] =	wrdreg s5  }
0xab: {  	[dreg:$0x3] =	wrdreg s7  }
0xac: {  	[dreg:$0x4] =	wrdreg $0xC0  }
0xad: {  	_ =	task [dreg:s9], $0x5FFFF  }
0xae: {  	[dreg:$0x1] =	wrdreg $0xFFFFFFFF  }
0xaf: {  	[dreg:$0x0] =	wrdreg $0x60  }
0xb0: {  	[dreg:$0x2] =	wrdreg s2  }
0xb1: {  	[dreg:$0x3] =	wrdreg s24  }
0xb2: {  	[dreg:$0x4] =	wrdreg s18  }
0xb3: {  	[dreg:$0x5] =	wrdreg s4  }
0xb4: {  	[dreg:$0x6] =	wrdreg $0x0  }
0xb5: {  	[dreg:$0x7] =	wrdreg $0x8000  }
0xb6: {  	[dreg:$0x8] =	wrdreg $0x9  }
0xb7: {  	_ =	task.clear_ibuf [dreg:s9], $0x9FFFF;
	_ =	strace $0x90000046  }
0xb8: {  	s29 =	simm.s32 $0x9;
	_ =	strace $0x80000048  }
0xb9: {  	_ =	swait.ge [sflag:s29], $0x1  }
0xba: {  	[sflag:s29] =	ssyncadd.s32 $0xFFFFFFFF  }
0xbb: {  	_ =	strace $0x90000048  }
0xbc: {  	_ =	sfence  }
0xbd: {  	s30 =	sld [smem:$0x0];
	_ =	sdelay $0x2  }
0xbe: {  	s31 =	sshll.u32 s1, $0xD;
	s1 =	sshrl.u32 s1, $0x2  }
0xbf: {  	s3 =	sand.u32 $0x4000, s31;
	s1 =	sadd.s32 s1, s30  }
0xc0: {  	s0 =	sor.u32 s3, s0;
	s1 =	sshll.u32 s1, $0x11  }
0xc1: {  	s0 =	sor.u32 s1, s0  }
0xc2: {  	s0 =	sadd.s32 $0x8F2B, s0  }
0xc3: {  	[sflag:s0] =	ssyncadd.remote.s32 $0x1  }
0xc4: {  	_ =	sfence.sel $0xFFFF  }
0xc5: {  	[dreg:$0x0] =	wrdreg $0xFFFFFFFF;
	(pc) =	sbr.abs _section_cstart, $3  }
0xc6: {  	[dreg:$0x1] =	wrdreg $0xFFFFFFFF  }
0xc7: {  	_ =	task.clear_ibuf [dreg:s9], $0x2FFFF;
	_ =	strace $0x9FFFFFFF  }
0xc8: {  	(tm) =	ssettm $0x7FFFFFFF  }
0xc9: {  	_ =	shalt  }
tec
execute0_lowered:
.L_overlay_start_1:
0x0: {  	(tag) =	ssettag $0x1  }
0x1: {  	s0 =	rddreg [dreg:$0x0]  }
0x2: {  	s1 =	rddreg [dreg:$0x1]  }
0x3: {  	s2 =	srdreg.scid;
	s3 =	rddreg [dreg:$0x3]  }
0x4: {  	s13 =	rddreg [dreg:$0x4];
	s12 =	stileid.u32  }
0x5: {  	s14 =	rddreg [dreg:$0x5];
	s15 =	simm.s32 $0x0;
	s2 =	sand.u32 $0x1, s2  }
0x6: {  	[smem:$0x7FF] =	sst s15;
	s6 =	sshll.u32 s12, $0xB;
	s8 =	sadd.s32 $0x4E3C00, s1  }
0x7: {  	s17 =	sshll.u32 s12, $0x8;
	s4 =	sshll.u32 s2, $0x4;
	s7 =	sshll.u32 s2, $0xF  }
0x8: {  	_ =	strace $0x80000047;
	s9 =	ssub.s32 $0x2, s2;
	s13 =	sadd.s32 s6, s13  }
0x9: {  	s14 =	sadd.s32 s17, s14;
	s2 =	sshll.u32 s2, $0xC;
	s4 =	sor.u32 s12, s4  }
0xa: {  	s7 =	sor.u32 s6, s7;
	s23 =	sshrl.u32 s9, $0x1;
	s5 =	smul.u32 $0x4E2, s4  }
0xb: {  	s2 =	sor.u32 s17, s2;
	[dreg:$0xc] =	wrdreg s13;
	s10 =	smul.u32 $0x27100, s4  }
0xc: {  	s12 =	simm.s32 $0xFB30;
	[dreg:$0xd] =	wrdreg s14;
	s24 =	smul.u32 $0x4E20, s4  }
0xd: {  	s7 =	sshrl.u32 s7, $0x3;
	s26 =	smul.u32 $0x500, s4;
	s11 =	sor.u32 $0x20, s4  }
0xe: {  	s31 =	sor.u32 $0x40, s4;
	s16 =	sor.u32 $0x60, s4;
	s19 =	smul.u32 $0x140, s4  }
0xf: {  	s2 =	sshrl.u32 s2, $0x3;
	p0 =	sgt.u32 s4, $0x1C;
	s29 =	smul.u32 $0x500, s11  }
0x10: {  	s2 =	sadd.s32 s3, s2;
	s5 =	sadd.s32 s5, s1;
	s1 =	sadd.s32 s7, s1  }
0x11: {  	s7 =	ssub.s32 s9, s23;
	s30 =	sadd.s32 s0, s26;
	[dreg:$0x11] =	wrdreg s2  }
0x12: {  	s25 =	sshrl.u32 s10, $0x3;
	s5 =	sadd.s32 $0x1C00, s5;
	[dreg:$0xa] =	wrdreg s30  }
0x13: {  	s10 =	smul.u32 $0x500, s31;
	s30 =	sadd.s32 $0xBA00, s1;
	[dreg:$0x7] =	wrdreg s5  }
0x14: {  	s23 =	smul.u32 $0x140, s31;
	s31 =	smax.u32 s7, $0x1;
	[dreg:$0x18] =	wrdreg s30  }
0x15: {  	s28 =	sadd.s32 s8, s25;
	s5 =	sadd.s32 s8, s24;
	[dreg:$0x19] =	wrdreg s31  }
0x16: {  	s18 =	smul.u32 $0x500, s16;
	s9 =	sadd.s32 $0xFA0, s28;
	[dreg:$0x8] =	wrdreg s5  }
0x17: {  	s21 =	smul.u32 $0x140, s11;
	s8 =	sadd.s32 s0, s29;
	[dreg:$0x9] =	wrdreg s9  }
0x18: {  	s3 =	simm.s32 $0xB;
	s20 =	sadd.s32 $0x1F40, s28;
	[dreg:$0xb] =	wrdreg s8  }
0x19: {  	s25 =	smul.u32 $0x140, s16;
	s22 =	sadd.s32 $0x2EE0, s28;
	[dreg:$0x10] =	wrdreg s20  }
0x1a: {  	v0 =	vimm.s32 $0xECA86420;
	vm0 =	vcmask $0xB08;
	s26 =	sshrl.u32 s21, $0x2;
	s24 =	sadd.s32 $0x3E80, s28;
	[dreg:$0x12] =	wrdreg s22  }
0x1b: {  	vm1 =	vcmask $0x1310;
	vm2 =	vcmask $0x1B18;
	vm3 =	vcmask $0x300;
	s7 =	simm.s32 $0x17830;
	s8 =	sadd.s32 s0, s10;
	[dreg:$0x13] =	wrdreg s24  }
0x1c: {  	vm4 =	vcmask $0x2320;
	vm5 =	vcmask $0x2B28;
	v2 =	vlaneseq.u32;
	s2 =	sshrl.u32 s23, $0x2;
	s0 =	sadd.s32 s0, s18;
	[dreg:$0xe] =	wrdreg s8  }
0x1d: {  	vm6 =	vcmask $0x3330;
	vm7 =	vcmask $0x3B38;
	vm8 =	vmmov $0xff;
	s28 =	sadd.s32 $0x900, s2;
	[dreg:$0xf] =	wrdreg s0;
	s0 =	sshrl.u32 s19, $0x2  }
0x1e: {  	vm9 =	vcmask $0x704;
	vm10 =	vcmask $0xF0C;
	vm11 =	vcmask $0x1714;
	s1 =	simm.s32 $0x0;
	[dreg:$0x16] =	wrdreg s28;
	s0 =	sadd.s32 $0x900, s0  }
0x1f: {  	vm12 =	vcmask $0x1F1C;
	vm13 =	vcmask $0x2724;
	v1 =	vunpack.c.l.s4.s8 v0;
	s29 =	sshrl.u32 s25, $0x2;
	[dreg:$0x14] =	wrdreg s0;
	s0 =	sadd.s32 $0x900, s26  }
0x20: {  	vm14 =	vcmask $0x2F2C;
	vm15 =	vcmask $0x3734;
	v3 =	vimm.s32 $0x0;
	s5 =	simm.s32 $0x7E30;
	[dreg:$0x15] =	wrdreg s0;
	s0 =	sadd.s32 $0x900, s29  }
0x21: {  	v0 =	vimm.f32 $0.0e+00;
	v2 =	vmul.u32 $0x2, v2;
	v1 =	vunpack.c.0.s8.s32 v1;
	s9 =	simm.s32 $0x1A030;
	s8 =	simm.s32 $0x900;
	[dreg:$0x17] =	wrdreg s0  }
.LBB2_1:
0x22: {  	s0 =	rddreg [dreg:$0x2]  }
0x23: {  	[tilespmem:s8], [sflag:$0x1] =	stream.linear.gather [hbm4b:s0+s15], $0x2710, $0x38;
	[tilespmem:$0x1D130] =	vst v63  }
0x24: {  	s21 =	rddreg [dreg:$0x7];
	s22 =	simm.s32 $0x3010  }
0x25: {  	[tilespmem:s22], [sflag:$0x2] =	stream.linear.gather [hbm4b:s21+s15], $0x2710, $0x38;
	[tilespmem:$0x1D130] =	vst v63  }
0x26: {  	s23 =	rddreg [dreg:$0x8]  }
0x27: {  	[tilespmem:s5], [sflag:$0x3] =	stream.linear.gather [hbm4b:s23+s15], $0x7D00, $0x38;
	[tilespmem:$0x1D130] =	vst v63  }
0x28: {  	s24 =	rddreg [dreg:$0x9]  }
0x29: {  	[tilespmem:s12], [sflag:$0x4] =	stream.linear.gather [hbm4b:s24+s15], $0x7D00, $0x38;
	[tilespmem:$0x1D130] =	vst v63  }
0x2a: {  	s25 =	rddreg [dreg:$0xa]  }
0x2b: {  	[tilespmem:s7], [sflag:$0x7] =	stream.linear.gather [hbm4b:s25+s15], $0x2800, $0x38;
	[tilespmem:$0x1D130] =	vst v63  }
0x2c: {  	s26 =	rddreg [dreg:$0xb]  }
0x2d: {  	[tilespmem:s9], [sflag:$0x8] =	stream.linear.gather [hbm4b:s26+s15], $0x2800, $0x38;
	[tilespmem:$0x1D130] =	vst v63  }
0x2e: {  	[tilespmem:$0x1C830] =	vst v0  }
0x2f: {  	[tilespmem:$0x1C840] =	vst v0  }
0x30: {  	[tilespmem:$0x1C850] =	vst v0  }
0x31: {  	[tilespmem:$0x1C860] =	vst v0  }
0x32: {  	[tilespmem:$0x1C870] =	vst v0  }
0x33: {  	[tilespmem:$0x1C880] =	vst v0  }
0x34: {  	[tilespmem:$0x1C890] =	vst v0  }
0x35: {  	[tilespmem:$0x1C8A0] =	vst v0  }
0x36: {  	[tilespmem:$0x1D030] =	vst v0  }
0x37: {  	[tilespmem:$0x1C8B0] =	vst v0  }
0x38: {  	[tilespmem:$0x1C8C0] =	vst v0  }
0x39: {  	[tilespmem:$0x1C8D0] =	vst v0  }
0x3a: {  	[tilespmem:$0x1C8E0] =	vst v0  }
0x3b: {  	[tilespmem:$0x1C8F0] =	vst v0  }
0x3c: {  	[tilespmem:$0x1C900] =	vst v0  }
0x3d: {  	[tilespmem:$0x1C910] =	vst v0  }
0x3e: {  	[tilespmem:$0x1C920] =	vst v0  }
0x3f: {  	[tilespmem:$0x1D040] =	vst v0  }
0x40: {  	[tilespmem:$0x1C930] =	vst v0  }
0x41: {  	[tilespmem:$0x1C940] =	vst v0  }
0x42: {  	[tilespmem:$0x1C950] =	vst v0  }
0x43: {  	[tilespmem:$0x1C960] =	vst v0  }
0x44: {  	[tilespmem:$0x1C970] =	vst v0  }
0x45: {  	[tilespmem:$0x1C980] =	vst v0  }
0x46: {  	[tilespmem:$0x1C990] =	vst v0  }
0x47: {  	[tilespmem:$0x1C9A0] =	vst v0  }
0x48: {  	[tilespmem:$0x1D050] =	vst v0  }
0x49: {  	[tilespmem:$0x1C9B0] =	vst v0  }
0x4a: {  	[tilespmem:$0x1C9C0] =	vst v0  }
0x4b: {  	[tilespmem:$0x1C9D0] =	vst v0  }
0x4c: {  	[tilespmem:$0x1C9E0] =	vst v0  }
0x4d: {  	[tilespmem:$0x1C9F0] =	vst v0  }
0x4e: {  	[tilespmem:$0x1CA00] =	vst v0  }
0x4f: {  	[tilespmem:$0x1CA10] =	vst v0  }
0x50: {  	[tilespmem:$0x1CA20] =	vst v0  }
0x51: {  	[tilespmem:$0x1D060] =	vst v0  }
0x52: {  	[tilespmem:$0x1CA30] =	vst v0  }
0x53: {  	[tilespmem:$0x1CA40] =	vst v0  }
0x54: {  	[tilespmem:$0x1CA50] =	vst v0  }
0x55: {  	[tilespmem:$0x1CA60] =	vst v0  }
0x56: {  	[tilespmem:$0x1CA70] =	vst v0  }
0x57: {  	[tilespmem:$0x1CA80] =	vst v0  }
0x58: {  	[tilespmem:$0x1CA90] =	vst v0  }
0x59: {  	[tilespmem:$0x1CAA0] =	vst v0  }
0x5a: {  	[tilespmem:$0x1D070] =	vst v0  }
0x5b: {  	[tilespmem:$0x1CAB0] =	vst v0  }
0x5c: {  	[tilespmem:$0x1CAC0] =	vst v0  }
0x5d: {  	[tilespmem:$0x1CAD0] =	vst v0  }
0x5e: {  	[tilespmem:$0x1CAE0] =	vst v0  }
0x5f: {  	[tilespmem:$0x1CAF0] =	vst v0  }
0x60: {  	[tilespmem:$0x1CB00] =	vst v0  }
0x61: {  	[tilespmem:$0x1CB10] =	vst v0  }
0x62: {  	[tilespmem:$0x1CB20] =	vst v0  }
0x63: {  	[tilespmem:$0x1D080] =	vst v0  }
0x64: {  	[tilespmem:$0x1CB30] =	vst v0  }
0x65: {  	[tilespmem:$0x1CB40] =	vst v0  }
0x66: {  	[tilespmem:$0x1CB50] =	vst v0  }
0x67: {  	[tilespmem:$0x1CB60] =	vst v0  }
0x68: {  	[tilespmem:$0x1CB70] =	vst v0  }
0x69: {  	[tilespmem:$0x1CB80] =	vst v0  }
0x6a: {  	[tilespmem:$0x1CB90] =	vst v0  }
0x6b: {  	[tilespmem:$0x1CBA0] =	vst v0  }
0x6c: {  	[tilespmem:$0x1D090] =	vst v0  }
0x6d: {  	[tilespmem:$0x1CBB0] =	vst v0  }
0x6e: {  	[tilespmem:$0x1CBC0] =	vst v0  }
0x6f: {  	[tilespmem:$0x1CBD0] =	vst v0  }
0x70: {  	[tilespmem:$0x1CBE0] =	vst v0  }
0x71: {  	[tilespmem:$0x1CBF0] =	vst v0  }
0x72: {  	[tilespmem:$0x1CC00] =	vst v0  }
0x73: {  	[tilespmem:$0x1CC10] =	vst v0  }
0x74: {  	[tilespmem:$0x1CC20] =	vst v0  }
0x75: {  	[tilespmem:$0x1D0A0] =	vst v0  }
0x76: {  	[tilespmem:$0x1CC30] =	vst v0  }
0x77: {  	[tilespmem:$0x1CC40] =	vst v0  }
0x78: {  	[tilespmem:$0x1CC50] =	vst v0  }
0x79: {  	[tilespmem:$0x1CC60] =	vst v0  }
0x7a: {  	[tilespmem:$0x1CC70] =	vst v0  }
0x7b: {  	[tilespmem:$0x1CC80] =	vst v0  }
0x7c: {  	[tilespmem:$0x1CC90] =	vst v0  }
0x7d: {  	[tilespmem:$0x1CCA0] =	vst v0  }
0x7e: {  	[tilespmem:$0x1D0B0] =	vst v0  }
0x7f: {  	[tilespmem:$0x1CCB0] =	vst v0  }
0x80: {  	[tilespmem:$0x1CCC0] =	vst v0  }
0x81: {  	[tilespmem:$0x1CCD0] =	vst v0  }
0x82: {  	[tilespmem:$0x1CCE0] =	vst v0  }
0x83: {  	[tilespmem:$0x1CCF0] =	vst v0  }
0x84: {  	[tilespmem:$0x1CD00] =	vst v0  }
0x85: {  	[tilespmem:$0x1CD10] =	vst v0  }
0x86: {  	[tilespmem:$0x1CD20] =	vst v0  }
0x87: {  	[tilespmem:$0x1D0C0] =	vst v0  }
0x88: {  	[tilespmem:$0x1CD30] =	vst v0  }
0x89: {  	[tilespmem:$0x1CD40] =	vst v0  }
0x8a: {  	[tilespmem:$0x1CD50] =	vst v0  }
0x8b: {  	[tilespmem:$0x1CD60] =	vst v0  }
0x8c: {  	[tilespmem:$0x1CD70] =	vst v0  }
0x8d: {  	[tilespmem:$0x1CD80] =	vst v0  }
0x8e: {  	[tilespmem:$0x1CD90] =	vst v0  }
0x8f: {  	[tilespmem:$0x1CDA0] =	vst v0  }
0x90: {  	[tilespmem:$0x1D0D0] =	vst v0  }
0x91: {  	[tilespmem:$0x1CDB0] =	vst v0  }
0x92: {  	[tilespmem:$0x1CDC0] =	vst v0  }
0x93: {  	[tilespmem:$0x1CDD0] =	vst v0  }
0x94: {  	[tilespmem:$0x1CDE0] =	vst v0  }
0x95: {  	[tilespmem:$0x1CDF0] =	vst v0  }
0x96: {  	[tilespmem:$0x1CE00] =	vst v0  }
0x97: {  	[tilespmem:$0x1CE10] =	vst v0  }
0x98: {  	[tilespmem:$0x1CE20] =	vst v0  }
0x99: {  	[tilespmem:$0x1D0E0] =	vst v0  }
0x9a: {  	[tilespmem:$0x1CE30] =	vst v0  }
0x9b: {  	[tilespmem:$0x1CE40] =	vst v0  }
0x9c: {  	[tilespmem:$0x1CE50] =	vst v0  }
0x9d: {  	[tilespmem:$0x1CE60] =	vst v0  }
0x9e: {  	[tilespmem:$0x1CE70] =	vst v0  }
0x9f: {  	[tilespmem:$0x1CE80] =	vst v0  }
0xa0: {  	[tilespmem:$0x1CE90] =	vst v0  }
0xa1: {  	[tilespmem:$0x1CEA0] =	vst v0  }
0xa2: {  	[tilespmem:$0x1D0F0] =	vst v0  }
0xa3: {  	[tilespmem:$0x1CEB0] =	vst v0  }
0xa4: {  	[tilespmem:$0x1CEC0] =	vst v0  }
0xa5: {  	[tilespmem:$0x1CED0] =	vst v0  }
0xa6: {  	[tilespmem:$0x1CEE0] =	vst v0  }
0xa7: {  	[tilespmem:$0x1CEF0] =	vst v0  }
0xa8: {  	[tilespmem:$0x1CF00] =	vst v0  }
0xa9: {  	[tilespmem:$0x1CF10] =	vst v0  }
0xaa: {  	[tilespmem:$0x1CF20] =	vst v0  }
0xab: {  	[tilespmem:$0x1D100] =	vst v0  }
0xac: {  	[tilespmem:$0x1CF30] =	vst v0  }
0xad: {  	[tilespmem:$0x1CF40] =	vst v0  }
0xae: {  	[tilespmem:$0x1CF50] =	vst v0  }
0xaf: {  	[tilespmem:$0x1CF60] =	vst v0  }
0xb0: {  	[tilespmem:$0x1CF70] =	vst v0  }
0xb1: {  	[tilespmem:$0x1CF80] =	vst v0  }
0xb2: {  	[tilespmem:$0x1CF90] =	vst v0  }
0xb3: {  	[tilespmem:$0x1CFA0] =	vst v0  }
0xb4: {  	[tilespmem:$0x1D110] =	vst v0  }
0xb5: {  	[tilespmem:$0x1CFB0] =	vst v0  }
0xb6: {  	[tilespmem:$0x1CFC0] =	vst v0  }
0xb7: {  	[tilespmem:$0x1CFD0] =	vst v0  }
0xb8: {  	[tilespmem:$0x1CFE0] =	vst v0  }
0xb9: {  	[tilespmem:$0x1CFF0] =	vst v0  }
0xba: {  	[tilespmem:$0x1D000] =	vst v0  }
0xbb: {  	[tilespmem:$0x1D010] =	vst v0  }
0xbc: {  	[tilespmem:$0x1D020] =	vst v0  }
0xbd: {  	[dreg:$0x1a] =	wrdreg s1;
	s28 =	simm.s32 $0x1C830;
	[tilespmem:$0x1D120] =	vst v0  }
0xbe: {  	[spmem:s13] =	stream.linear.scatter [tilespmem:s28], [sflag:$0xB], $0x800, $0x38;
	[tilespmem:$0x1D130] =	vst v63  }
0xbf: {  	_ =	swait.ge [sflag:s3], $0x800  }
0xc0: {  	[sflag:s3] =	ssyncset.done $0x0  }
0xc1: {  	s29 =	simm.s32 $0x1D030;
	[sflag:s3] =	ssyncadd.s32 $0xFFFFF800  }
0xc2: {  	[spmem:s14] =	stream.linear.scatter [tilespmem:s29], [sflag:$0xB], $0x100, $0x38;
	[tilespmem:$0x1D130] =	vst v63  }
0xc3: {  	_ =	swait.ge [sflag:s3], $0x100  }
0xc4: {  	[sflag:s3] =	ssyncset.done $0x0  }
0xc5: {  	s30 =	simm.s32 $0x1;
	[sflag:s3] =	ssyncadd.s32 $0xFFFFFF00  }
0xc6: {  	_ =	swait.ge [sflag:s30], $0x2710  }
0xc7: {  	[sflag:s30] =	ssyncset.done $0x0  }
0xc8: {  	s31 =	simm.s32 $0x2;
	[sflag:s30] =	ssyncadd.s32 $0xFFFFD8F0  }
0xc9: {  	_ =	swait.ge [sflag:s31], $0x2710  }
0xca: {  	[sflag:s31] =	ssyncset.done $0x0  }
0xcb: {  	s0 =	simm.s32 $0x0;
	[sflag:s31] =	ssyncadd.s32 $0xFFFFD8F0  }
.LBB2_2:
0xcc: {  	s1 =	sshra.s32 s0, $0x2  }
0xcd: {  	v5 =	vld [tilespmem:s1+$0x3010];
	_ =	sdelay $0x4  }
0xce: {  	(v2sf) =	vpush v5, $0xD;
	_ =	sdelay $0x1  }
0xcf: {  	(v2sf) =	vpush v5, $0xC;
	_ =	sdelay $0x1  }
0xd0: {  	(v2sf) =	vpush v5, $0xE;
	_ =	sdelay $0x1  }
0xd1: {  	(v2sf) =	vpush v5, $0xF  }
0xd2: {  	(v2sf) =	vpush v5, $0x9  }
0xd3: {  	(v2sf) =	vpush v5, $0x8;
	_ =	sdelay $0x1  }
0xd4: {  	(v2sf) =	vpush v5, $0xA;
	_ =	sdelay $0x2  }
0xd5: {  	(v2sf) =	vpush v5, $0xB;
	_ =	sdelay $0x1  }
0xd6: {  	s23 =	spop (v2sf);
	(v2sf) =	vpush v5, $0x0  }
0xd7: {  	[dreg:$0x1b] =	wrdreg s0;
	s2 =	smulhi.u32 $0x66666667, s23;
	s0 =	sshra.s32 s23, $0x1F  }
0xd8: {  	s24 =	spop (v2sf);
	(v2sf) =	vpush v5, $0x1;
	s8 =	smul.u32 $0x66666667, s0  }
0xd9: {  	s18 =	smulhi.u32 $0x66666667, s24;
	s0 =	sshra.s32 s24, $0x1F  }
0xda: {  	s25 =	spop (v2sf);
	(v2sf) =	vpush v5, $0x2;
	s4 =	smul.u32 $0x66666667, s0  }
0xdb: {  	s19 =	smulhi.u32 $0x66666667, s25;
	s0 =	sshra.s32 s25, $0x1F  }
0xdc: {  	s26 =	spop (v2sf);
	(v2sf) =	vpush v5, $0x3;
	s6 =	smul.u32 $0x66666667, s0  }
0xdd: {  	s20 =	smulhi.u32 $0x66666667, s26;
	s0 =	sshra.s32 s26, $0x1F;
	s28 =	spop (v2sf);
	(v2sf) =	vpush v5, $0x4  }
0xde: {  	s12 =	smul.u32 $0x66666667, s0;
	s29 =	spop (v2sf);
	(v2sf) =	vpush v5, $0x5  }
0xdf: {  	s21 =	smulhi.u32 $0x66666667, s28;
	s0 =	sshra.s32 s28, $0x1F  }
0xe0: {  	v4 =	vld [tilespmem:s1+$0x3020];
	s23 =	smul.u32 $0x66666667, s0;
	s30 =	spop (v2sf);
	(v2sf) =	vpush v5, $0x6  }
0xe1: {  	s22 =	smulhi.u32 $0x66666667, s29;
	s0 =	sshra.s32 s29, $0x1F  }
0xe2: {  	s25 =	smul.u32 $0x66666667, s0  }
0xe3: {  	s24 =	smulhi.u32 $0x66666667, s30;
	s0 =	sshra.s32 s30, $0x1F;
	s31 =	spop (v2sf);
	(v2sf) =	vpush v5, $0x7  }
0xe4: {  	[smem:$0x79D] =	sst s2;
	s2 =	smov.u32 s1;
	s28 =	smul.u32 $0x66666667, s0  }
0xe5: {  	s26 =	smulhi.u32 $0x66666667, s31;
	s0 =	sshra.s32 s31, $0x1F;
	s1 =	spop (v2sf);
	(v2sf) =	vpush v4, $0xD  }
0xe6: {  	s31 =	smul.u32 $0x66666667, s0  }
0xe7: {  	s29 =	smulhi.u32 $0x66666667, s1;
	s3 =	spop (v2sf)  }
0xe8: {  	s0 =	sshra.s32 s1, $0x1F;
	(v2sf) =	vpush v4, $0xC;
	s30 =	smulhi.u32 $0x66666667, s3;
	s1 =	sshra.s32 s3, $0x1F  }
0xe9: {  	s5 =	spop (v2sf);
	s14 =	smul.u32 $0x66666667, s1  }
0xea: {  	s3 =	smulhi.u32 $0x66666667, s5;
	s1 =	sshra.s32 s5, $0x1F  }
0xeb: {  	(v2sf) =	vpush v4, $0xE;
	s7 =	spop (v2sf);
	s11 =	smul.u32 $0x66666667, s1  }
0xec: {  	s9 =	smulhi.u32 $0x66666667, s7;
	s10 =	spop (v2sf)  }
0xed: {  	s1 =	sshra.s32 s7, $0x1F;
	s13 =	smulhi.u32 $0x66666667, s10;
	s15 =	spop (v2sf)  }
0xee: {  	(v2sf) =	vpush v4, $0xF;
	[smem:$0x79F] =	sst s9;
	s9 =	smul.u32 $0x66666667, s1  }
0xef: {  	s1 =	sshra.s32 s10, $0x1F;
	s16 =	smulhi.u32 $0x66666667, s15;
	s17 =	spop (v2sf)  }
0xf0: {  	[smem:$0x7A0] =	sst s13;
	s13 =	smul.u32 $0x66666667, s1  }
0xf1: {  	(v2sf) =	vpush v4, $0x9;
	[smem:$0x79E] =	sst s3;
	s1 =	sshra.s32 s15, $0x1F;
	s5 =	smulhi.u32 $0x66666667, s17  }
0xf2: {  	s7 =	spop (v2sf);
	s3 =	smul.u32 $0x66666667, s1  }
0xf3: {  	[smem:$0x7A1] =	sst s16;
	s1 =	sshra.s32 s17, $0x1F;
	s10 =	smulhi.u32 $0x66666667, s7  }
0xf4: {  	(v2sf) =	vpush v4, $0x8;
	s15 =	smul.u32 $0x66666667, s1;
	s1 =	sshra.s32 s7, $0x1F;
	s16 =	spop (v2sf)  }
0xf5: {  	[smem:$0x7A2] =	sst s5;
	s5 =	smul.u32 $0x66666667, s1;
	s1 =	sshra.s32 s16, $0x1F  }
0xf6: {  	[smem:$0x7A3] =	sst s10;
	s1 =	smul.u32 $0x66666667, s1  }
0xf7: {  	(v2sf) =	vpush v4, $0xA;
	s7 =	smulhi.u32 $0x66666667, s16;
	s17 =	spop (v2sf)  }
0xf8: {  	s10 =	smulhi.u32 $0x66666667, s17;
	[smem:$0x7A5] =	sst s1;
	s1 =	sshra.s32 s17, $0x1F  }
0xf9: {  	(v2sf) =	vpush v4, $0xB;
	s1 =	smul.u32 $0x66666667, s1  }
0xfa: {  	s16 =	spop (v2sf);
	[smem:$0x7A4] =	sst s7  }
0xfb: {  	(v2sf) =	vpush v4, $0x0;
	[smem:$0x7A7] =	sst s1;
	s1 =	sshra.s32 s16, $0x1F  }
0xfc: {  	[smem:$0x7A6] =	sst s10;
	s1 =	smul.u32 $0x66666667, s1  }
0xfd: {  	(v2sf) =	vpush v4, $0x1;
	s17 =	smulhi.u32 $0x66666667, s16;
	s10 =	spop (v2sf)  }
0xfe: {  	[smem:$0x7A9] =	sst s1;
	s1 =	sshra.s32 s10, $0x1F  }
0xff: {  	[smem:$0x7A8] =	sst s17;
	s1 =	smul.u32 $0x66666667, s1  }
0x100: {  	(v2sf) =	vpush v4, $0x2;
	s17 =	spop (v2sf);
	s16 =	smulhi.u32 $0x66666667, s10  }
0x101: {  	[smem:$0x7AB] =	sst s1;
	s1 =	sshra.s32 s17, $0x1F  }
0x102: {  	(v2sf) =	vpush v4, $0x3;
	[smem:$0x7AA] =	sst s16;
	s1 =	smul.u32 $0x66666667, s1  }
0x103: {  	s16 =	spop (v2sf);
	s10 =	smulhi.u32 $0x66666667, s17  }
0x104: {  	s17 =	smulhi.u32 $0x66666667, s16;
	[smem:$0x7AD] =	sst s1;
	s1 =	sshra.s32 s16, $0x1F  }
0x105: {  	(v2sf) =	vpush v4, $0x4;
	[smem:$0x7AC] =	sst s10;
	s1 =	smul.u32 $0x66666667, s1  }
0x106: {  	s7 =	spop (v2sf);
	[smem:$0x7AE] =	sst s17  }
0x107: {  	s10 =	smulhi.u32 $0x66666667, s7;
	[smem:$0x7AF] =	sst s1;
	s1 =	sshra.s32 s7, $0x1F  }
0x108: {  	s17 =	spop (v2sf);
	s1 =	smul.u32 $0x66666667, s1  }
0x109: {  	(v2sf) =	vpush v4, $0x5;
	[smem:$0x7B0] =	sst s10;
	s7 =	smulhi.u32 $0x66666667, s17  }
0x10a: {  	s10 =	spop (v2sf);
	[smem:$0x7B1] =	sst s1;
	s1 =	sshra.s32 s17, $0x1F  }
0x10b: {  	[smem:$0x7B2] =	sst s7;
	s1 =	smul.u32 $0x66666667, s1  }
0x10c: {  	s7 =	spop (v2sf);
	s17 =	smulhi.u32 $0x66666667, s10  }
0x10d: {  	(v2sf) =	vpush v4, $0x6;
	[smem:$0x7B3] =	sst s1;
	s1 =	sshra.s32 s10, $0x1F;
	s10 =	smulhi.u32 $0x66666667, s7  }
0x10e: {  	[smem:$0x7B4] =	sst s17;
	s1 =	smul.u32 $0x66666667, s1  }
0x10f: {  	s17 =	spop (v2sf);
	[smem:$0x7B6] =	sst s10  }
0x110: {  	v6 =	vld [tilespmem:s2+$0x3030];
	s10 =	smulhi.u32 $0x66666667, s17;
	[smem:$0x7B5] =	sst s1;
	s1 =	sshra.s32 s7, $0x1F  }
0x111: {  	(v2sf) =	vpush v4, $0x7;
	s7 =	smul.u32 $0x66666667, s1;
	s1 =	sshra.s32 s17, $0x1F;
	s17 =	spop (v2sf)  }
0x112: {  	[smem:$0x7B7] =	sst s10;
	s10 =	smulhi.u32 $0x66666667, s17  }
0x113: {  	[smem:$0x7F0] =	sst s2;
	s16 =	smov.u32 s2;
	s2 =	smul.u32 $0x66666667, s1  }
0x114: {  	[smem:$0x7B8] =	sst s10;
	s10 =	spop (v2sf)  }
0x115: {  	(v2sf) =	vpush v6, $0xD;
	s1 =	sshra.s32 s17, $0x1F;
	s17 =	smulhi.u32 $0x66666667, s10;
	s10 =	sshra.s32 s10, $0x1F  }
0x116: {  	s10 =	smul.u32 $0x66666667, s10;
	_ =	sdelay $0x1  }
0x117: {  	[smem:$0x7BA] =	sst s10;
	s10 =	spop (v2sf)  }
0x118: {  	(v2sf) =	vpush v6, $0xC;
	[smem:$0x7B9] =	sst s17;
	s17 =	smulhi.u32 $0x66666667, s10;
	s10 =	sshra.s32 s10, $0x1F  }
0x119: {  	s10 =	smul.u32 $0x66666667, s10;
	_ =	sdelay $0x1  }
0x11a: {  	[smem:$0x7BC] =	sst s10;
	s10 =	spop (v2sf)  }
0x11b: {  	[smem:$0x7BB] =	sst s17;
	s17 =	smulhi.u32 $0x66666667, s10;
	s10 =	sshra.s32 s10, $0x1F  }
0x11c: {  	s10 =	smul.u32 $0x66666667, s10;
	_ =	sdelay $0x1  }
0x11d: {  	(v2sf) =	vpush v6, $0xE;
	[smem:$0x7BE] =	sst s10;
	s10 =	spop (v2sf)  }
0x11e: {  	[smem:$0x7BD] =	sst s17;
	s17 =	smulhi.u32 $0x66666667, s10;
	s10 =	sshra.s32 s10, $0x1F  }
0x11f: {  	s4 =	sadd.s32 s4, s18;
	s10 =	smul.u32 $0x66666667, s10  }
0x120: {  	[smem:$0x7D6] =	sst s4;
	(v2sf) =	vpush v6, $0xF  }
0x121: {  	s6 =	sadd.s32 s6, s19;
	[smem:$0x7C0] =	sst s10;
	s10 =	spop (v2sf)  }
0x122: {  	[smem:$0x7BF] =	sst s17;
	s17 =	smulhi.u32 $0x66666667, s10;
	s10 =	sshra.s32 s10, $0x1F  }
0x123: {  	[smem:$0x7D7] =	sst s6;
	s22 =	sadd.s32 s25, s22;
	s10 =	smul.u32 $0x66666667, s10  }
0x124: {  	[smem:$0x7D9] =	sst s22;
	(v2sf) =	vpush v6, $0x9  }
0x125: {  	[smem:$0x7C2] =	sst s10;
	s10 =	spop (v2sf)  }
0x126: {  	s25 =	sadd.s32 s28, s24;
	(v2sf) =	vpush v6, $0x8;
	[smem:$0x7C1] =	sst s17;
	s17 =	smulhi.u32 $0x66666667, s10  }
0x127: {  	[smem:$0x7DD] =	sst s25  }
0x128: {  	[smem:$0x7C3] =	sst s17  }
0x129: {  	s31 =	sadd.s32 s31, s26;
	s17 =	sld [smem:$0x79D]  }
0x12a: {  	[smem:$0x7DF] =	sst s31;
	s10 =	sshra.s32 s10, $0x1F  }
0x12b: {  	s24 =	sld [smem:$0x79F];
	s10 =	smul.u32 $0x66666667, s10  }
0x12c: {  	v7 =	vld [tilespmem:s16+$0x3040];
	s16 =	sld [smem:$0x7A9];
	s8 =	sadd.s32 s8, s17;
	s17 =	spop (v2sf)  }
0x12d: {  	(v2sf) =	vpush v6, $0xA;
	[smem:$0x7C4] =	sst s10;
	s18 =	smulhi.u32 $0x66666667, s17;
	s10 =	sshra.s32 s17, $0x1F  }
0x12e: {  	[smem:$0x7D4] =	sst s8;
	s4 =	smul.u32 $0x66666667, s10  }
0x12f: {  	s17 =	spop (v2sf);
	[smem:$0x7C5] =	sst s18  }
0x130: {  	(v2sf) =	vpush v6, $0xB;
	s19 =	smulhi.u32 $0x66666667, s17;
	s18 =	sadd.s32 s12, s20;
	[smem:$0x7C6] =	sst s4  }
0x131: {  	[smem:$0x7D8] =	sst s18  }
0x132: {  	s20 =	sadd.s32 s23, s21;
	[smem:$0x7C7] =	sst s19  }
0x133: {  	(v2sf) =	vpush v6, $0x0;
	s21 =	spop (v2sf);
	[smem:$0x7DB] =	sst s20  }
0x134: {  	s23 =	smulhi.u32 $0x66666667, s21;
	s20 =	sadd.s32 s14, s30;
	s30 =	sld [smem:$0x7A1]  }
0x135: {  	s4 =	sshra.s32 s17, $0x1F;
	s28 =	spop (v2sf);
	s14 =	sld [smem:$0x7A7]  }
0x136: {  	s8 =	smulhi.u32 $0x66666667, s28;
	s10 =	sshra.s32 s28, $0x1F;
	s28 =	sld [smem:$0x7A0]  }
0x137: {  	s4 =	smul.u32 $0x66666667, s4;
	[smem:$0x7C9] =	sst s23  }
0x138: {  	s12 =	smul.u32 $0x66666667, s10;
	s10 =	sld [smem:$0x7A4]  }
0x139: {  	[smem:$0x7C8] =	sst s4  }
0x13a: {  	(v2sf) =	vpush v6, $0x1;
	[smem:$0x7CB] =	sst s8  }
0x13b: {  	s0 =	smul.u32 $0x66666667, s0;
	s4 =	sshra.s32 s21, $0x1F;
	s21 =	sld [smem:$0x79E]  }
0x13c: {  	s17 =	spop (v2sf);
	s8 =	sld [smem:$0x7A3]  }
0x13d: {  	s19 =	smulhi.u32 $0x66666667, s17;
	s3 =	sadd.s32 s3, s30;
	s30 =	sld [smem:$0x7AD]  }
0x13e: {  	s18 =	sadd.s32 s0, s29;
	[smem:$0x7CC] =	sst s12  }
0x13f: {  	s0 =	sshra.s32 s17, $0x1F;
	s22 =	spop (v2sf);
	[smem:$0x7CD] =	sst s19  }
0x140: {  	s0 =	smul.u32 $0x66666667, s0;
	[smem:$0x7DC] =	sst s3  }
0x141: {  	s25 =	smulhi.u32 $0x66666667, s22;
	s19 =	sld [smem:$0x7AA]  }
0x142: {  	s29 =	spop (v2sf);
	[smem:$0x7CE] =	sst s0  }
0x143: {  	s4 =	smul.u32 $0x66666667, s4;
	[smem:$0x7CF] =	sst s25  }
0x144: {  	s31 =	smulhi.u32 $0x66666667, s29;
	s0 =	sshra.s32 s22, $0x1F;
	s22 =	sld [smem:$0x7AC]  }
0x145: {  	[smem:$0x7CA] =	sst s4  }
0x146: {  	[smem:$0x7D1] =	sst s31  }
0x147: {  	(v2sf) =	vpush v6, $0x2;
	s23 =	sadd.s32 s11, s21;
	s11 =	sld [smem:$0x7A5]  }
0x148: {  	s4 =	sadd.s32 s13, s28;
	s13 =	sld [smem:$0x7A6]  }
0x149: {  	s6 =	spop (v2sf);
	s21 =	sld [smem:$0x7AB]  }
0x14a: {  	s0 =	smul.u32 $0x66666667, s0;
	[smem:$0x7DA] =	sst s4  }
0x14b: {  	s26 =	sadd.s32 s9, s24;
	s9 =	smulhi.u32 $0x66666667, s6;
	s4 =	sld [smem:$0x7A2]  }
0x14c: {  	(v2sf) =	vpush v6, $0x3;
	[smem:$0x7D0] =	sst s0  }
0x14d: {  	[smem:$0x7D3] =	sst s9  }
0x14e: {  	(v2sf) =	vpush v6, $0x4;
	s0 =	sshra.s32 s29, $0x1F;
	s3 =	sadd.s32 s15, s4;
	s15 =	sld [smem:$0x7A8]  }
0x14f: {  	s0 =	smul.u32 $0x66666667, s0;
	s4 =	sld [smem:$0x7AE]  }
0x150: {  	[smem:$0x7DE] =	sst s3  }
0x151: {  	[smem:$0x7D2] =	sst s0  }
0x152: {  	(v2sf) =	vpush v6, $0x5;
	s3 =	sadd.s32 s5, s8;
	s5 =	sld [smem:$0x7AF]  }
0x153: {  	s0 =	sshra.s32 s6, $0x1F;
	s6 =	sld [smem:$0x7B0]  }
0x154: {  	s8 =	sld [smem:$0x7B1]  }
0x155: {  	[smem:$0x7D5] =	sst s3  }
0x156: {  	s12 =	spop (v2sf);
	s3 =	sadd.s32 s11, s10;
	s10 =	sld [smem:$0x7B2]  }
0x157: {  	s29 =	smul.u32 $0x66666667, s0;
	s11 =	sld [smem:$0x7B3]  }
0x158: {  	s28 =	smulhi.u32 $0x66666667, s12;
	s0 =	sshra.s32 s12, $0x1F;
	s12 =	sld [smem:$0x7B4]  }
0x159: {  	[smem:$0x7E2] =	sst s3  }
0x15a: {  	s3 =	sadd.s32 s14, s13;
	s13 =	sld [smem:$0x7B5]  }
0x15b: {  	s17 =	spop (v2sf);
	[smem:$0x7E0] =	sst s3;
	s3 =	sadd.s32 s16, s15  }
0x15c: {  	(v2sf) =	vpush v6, $0x6;
	s25 =	smul.u32 $0x66666667, s0;
	[smem:$0x7E3] =	sst s3;
	s3 =	sadd.s32 s21, s19  }
0x15d: {  	s0 =	sshra.s32 s17, $0x1F;
	s31 =	spop (v2sf);
	[smem:$0x7E6] =	sst s3  }
0x15e: {  	s21 =	smulhi.u32 $0x66666667, s31;
	s3 =	sadd.s32 s30, s22;
	s30 =	sld [smem:$0x7B6]  }
0x15f: {  	s22 =	smul.u32 $0x66666667, s0;
	s0 =	sshra.s32 s31, $0x1F;
	s31 =	sld [smem:$0x7B7]  }
0x160: {  	s24 =	smulhi.u32 $0x66666667, s17;
	[smem:$0x7EA] =	sst s3  }
0x161: {  	s9 =	spop (v2sf);
	s3 =	sadd.s32 s5, s4;
	s4 =	sld [smem:$0x7B8]  }
0x162: {  	(v2sf) =	vpush v6, $0x7;
	s17 =	smulhi.u32 $0x66666667, s9;
	s5 =	sld [smem:$0x7B9]  }
0x163: {  	s19 =	smul.u32 $0x66666667, s0;
	s0 =	sshra.s32 s9, $0x1F;
	s9 =	sld [smem:$0x7BC]  }
0x164: {  	(v2sf) =	vpush v7, $0xD;
	[smem:$0x7E8] =	sst s3  }
0x165: {  	s3 =	sadd.s32 s8, s6;
	s6 =	sld [smem:$0x7BA]  }
0x166: {  	(v2sf) =	vpush v7, $0xC;
	s8 =	sld [smem:$0x7BB]  }
0x167: {  	[smem:$0x7EC] =	sst s3  }
0x168: {  	s3 =	sadd.s32 s11, s10;
	s10 =	sld [smem:$0x7BD]  }
0x169: {  	s2 =	sadd.s32 s2, s31;
	[smem:$0x7EE] =	sst s3  }
0x16a: {  	s1 =	smul.u32 $0x66666667, s1;
	[smem:$0x7E7] =	sst s2  }
0x16b: {  	(v2sf) =	vpush v7, $0xE;
	s14 =	spop (v2sf);
	s2 =	sld [smem:$0x7BF]  }
0x16c: {  	s3 =	sadd.s32 s13, s12;
	s1 =	sadd.s32 s1, s4;
	s4 =	sld [smem:$0x7C1]  }
0x16d: {  	(v2sf) =	vpush v7, $0xF;
	s15 =	smulhi.u32 $0x66666667, s14;
	[smem:$0x7E1] =	sst s3  }
0x16e: {  	s16 =	smul.u32 $0x66666667, s0;
	[smem:$0x7E9] =	sst s1  }
0x16f: {  	s0 =	sshra.s32 s14, $0x1F;
	s3 =	sadd.s32 s7, s30;
	s30 =	sld [smem:$0x7BE]  }
0x170: {  	s14 =	smul.u32 $0x66666667, s0;
	s1 =	sadd.s32 s6, s5;
	s5 =	sld [smem:$0x7C2]  }
0x171: {  	[smem:$0x7E4] =	sst s3;
	s3 =	spop (v2sf)  }
0x172: {  	[smem:$0x7EB] =	sst s1;
	s1 =	sadd.s32 s9, s8;
	s13 =	smulhi.u32 $0x66666667, s3  }
0x173: {  	s0 =	sshra.s32 s3, $0x1F;
	s7 =	spop (v2sf);
	[smem:$0x7ED] =	sst s1  }
0x174: {  	s3 =	sld [smem:$0x7C0];
	s11 =	smul.u32 $0x66666667, s0;
	s0 =	sshra.s32 s7, $0x1F  }
0x175: {  	s1 =	sadd.s32 s30, s10;
	s31 =	spop (v2sf);
	s30 =	sld [smem:$0x7C3]  }
0x176: {  	[smem:$0x7EF] =	sst s1;
	s9 =	smul.u32 $0x66666667, s0  }
0x177: {  	s10 =	smulhi.u32 $0x66666667, s31;
	s0 =	sshra.s32 s31, $0x1F;
	s31 =	sld [smem:$0x7C4]  }
0x178: {  	s12 =	smulhi.u32 $0x66666667, s7;
	s1 =	sadd.s32 s3, s2;
	s2 =	sld [smem:$0x7C5]  }
0x179: {  	s7 =	smul.u32 $0x66666667, s0;
	s3 =	sld [smem:$0x7C6]  }
0x17a: {  	s6 =	spop (v2sf);
	[smem:$0x7E5] =	sst s1;
	s1 =	sadd.s32 s5, s4  }
0x17b: {  	s8 =	smulhi.u32 $0x66666667, s6;
	s0 =	sshra.s32 s6, $0x1F;
	[smem:$0x7F1] =	sst s1  }
0x17c: {  	s4 =	spop (v2sf);
	s1 =	sadd.s32 s31, s30;
	s30 =	sld [smem:$0x7C7]  }
0x17d: {  	(v2sf) =	vpush v7, $0x9;
	s9 =	sadd.s32 s9, s12;
	s5 =	smul.u32 $0x66666667, s0;
	s31 =	sld [smem:$0x7C8]  }
0x17e: {  	s6 =	smulhi.u32 $0x66666667, s4;
	s0 =	sshra.s32 s4, $0x1F;
	s4 =	sld [smem:$0x7CA]  }
0x17f: {  	[smem:$0x7FA] =	sst s9  }
0x180: {  	[smem:$0x7F2] =	sst s1  }
0x181: {  	s1 =	sadd.s32 s3, s2;
	s3 =	sld [smem:$0x7C9]  }
0x182: {  	(v2sf) =	vpush v7, $0x8;
	s2 =	sld [smem:$0x7CD]  }
0x183: {  	[smem:$0x7F3] =	sst s1  }
0x184: {  	s1 =	sadd.s32 s31, s30;
	s30 =	sld [smem:$0x7CB]  }
0x185: {  	s31 =	sld [smem:$0x7CC]  }
0x186: {  	(v2sf) =	vpush v7, $0xA;
	[smem:$0x7F4] =	sst s1;
	s1 =	sadd.s32 s4, s3  }
0x187: {  	(v2sf) =	vpush v7, $0xB;
	[smem:$0x7F5] =	sst s1  }
0x188: {  	s7 =	sadd.s32 s7, s10;
	s1 =	sadd.s32 s31, s30;
	s30 =	sld [smem:$0x7CE]  }
0x189: {  	[dreg:$0x1e] =	wrdreg s7  }
0x18a: {  	(v2sf) =	vpush v7, $0x0;
	s31 =	sld [smem:$0x7D0]  }
0x18b: {  	s3 =	smul.u32 $0x66666667, s0;
	[smem:$0x7F6] =	sst s1;
	s1 =	sadd.s32 s30, s2  }
0x18c: {  	(v2sf) =	vpush v7, $0x1;
	s5 =	sadd.s32 s5, s8;
	s0 =	spop (v2sf);
	[smem:$0x7F8] =	sst s1  }
0x18d: {  	s4 =	smulhi.u32 $0x66666667, s0;
	s0 =	sshra.s32 s0, $0x1F;
	s1 =	sld [smem:$0x7CF]  }
0x18e: {  	s28 =	sadd.s32 s25, s28;
	(v2sf) =	vpush v7, $0x2;
	[smem:$0x7FB] =	sst s5;
	s2 =	smul.u32 $0x66666667, s0  }
0x18f: {  	s22 =	sadd.s32 s22, s24;
	s19 =	sadd.s32 s19, s21;
	(v2sf) =	vpush v7, $0x3;
	s30 =	sld [smem:$0x7D1]  }
0x190: {  	s2 =	sadd.s32 s2, s4;
	s1 =	sadd.s32 s31, s1;
	s31 =	sld [smem:$0x7D2]  }
0x191: {  	s17 =	sadd.s32 s16, s17;
	s0 =	spop (v2sf);
	[dreg:$0x1d] =	wrdreg s2  }
0x192: {  	s15 =	sadd.s32 s14, s15;
	[smem:$0x7F9] =	sst s1;
	s1 =	smulhi.u32 $0x66666667, s0  }
0x193: {  	s0 =	sshra.s32 s0, $0x1F;
	s30 =	sadd.s32 s31, s30;
	s31 =	sld [smem:$0x7D3]  }
0x194: {  	s11 =	sadd.s32 s11, s13;
	s2 =	sld [smem:$0x7D6];
	s0 =	smul.u32 $0x66666667, s0  }
0x195: {  	s3 =	sadd.s32 s3, s6;
	[smem:$0x7F7] =	sst s30;
	s30 =	spop (v2sf)  }
0x196: {  	s25 =	spop (v2sf);
	s29 =	sadd.s32 s29, s31;
	s31 =	smulhi.u32 $0x66666667, s30  }
0x197: {  	[dreg:$0x1f] =	wrdreg s3;
	s30 =	sshra.s32 s30, $0x1F;
	s24 =	smulhi.u32 $0x66666667, s25  }
0x198: {  	s4 =	sld [smem:$0x7E2];
	s25 =	sshra.s32 s25, $0x1F;
	s30 =	smul.u32 $0x66666667, s30  }
0x199: {  	s6 =	sshrl.u32 s2, $0x1F;
	s21 =	smul.u32 $0x66666667, s25;
	s25 =	spop (v2sf)  }
0x19a: {  	v10 =	vmov s6;
	s6 =	sld [smem:$0x7E3];
	s16 =	smulhi.u32 $0x66666667, s25;
	s25 =	sshra.s32 s25, $0x1F  }
0x19b: {  	s0 =	sadd.s32 s0, s1;
	s14 =	smul.u32 $0x66666667, s25;
	s25 =	spop (v2sf)  }
0x19c: {  	[smem:$0x7FC] =	sst s0;
	s13 =	smulhi.u32 $0x66666667, s25;
	s25 =	sshra.s32 s25, $0x1F  }
0x19d: {  	s10 =	sadd.s32 s30, s31;
	s9 =	smul.u32 $0x66666667, s25;
	s25 =	spop (v2sf)  }
0x19e: {  	s7 =	smulhi.u32 $0x66666667, s25;
	s25 =	sshra.s32 s25, $0x1F;
	s12 =	spop (v2sf)  }
0x19f: {  	[smem:$0x7FD] =	sst s10;
	s5 =	smul.u32 $0x66666667, s25;
	s25 =	sshra.s32 s12, $0x1F  }
0x1a0: {  	s8 =	smul.u32 $0x66666667, s25;
	s25 =	sadd.s32 s9, s13;
	s13 =	sld [smem:$0x7D5]  }
0x1a1: {  	s10 =	sld [smem:$0x7D7];
	s3 =	smulhi.u32 $0x66666667, s12  }
0x1a2: {  	s12 =	sadd.s32 s21, s24;
	s24 =	sadd.s32 s14, s16;
	s16 =	sld [smem:$0x7D4]  }
0x1a3: {  	s14 =	sshrl.u32 s20, $0x1F;
	[dreg:$0x1c] =	wrdreg s12;
	s21 =	sshra.s32 s13, $0x1F  }
0x1a4: {  	(v2sf) =	vpush v7, $0x4;
	s9 =	sshra.s32 s18, $0x1F;
	s30 =	sadd.s32 s8, s3;
	s8 =	sshra.s32 s18, $0x5;
	v8 =	vmov s21  }
0x1a5: {  	s12 =	sshrl.u32 s10, $0x1F;
	s31 =	sadd.s32 s5, s7;
	s7 =	sshrl.u32 s18, $0x1F;
	v8 =	vsel vm3, s8, v8  }
0x1a6: {  	s1 =	sshrl.u32 s16, $0x1F;
	s0 =	sshra.s32 s16, $0x5;
	v9 =	vmov s7;
	s16 =	sshra.s32 s20, $0x5;
	v8 =	vsel vm9, s9, v8  }
0x1a7: {  	s3 =	sshra.s32 s2, $0x5;
	s18 =	sshra.s32 s20, $0x1F;
	s20 =	sld [smem:$0x7D8];
	v9 =	vnsel vm3, $0x0, v9;
	v8 =	vsel vm0, s16, v8  }
0x1a8: {  	s2 =	sshra.s32 s10, $0x5;
	v10 =	vsel vm0, s1, v10;
	v9 =	vsel vm0, s14, v9;
	s8 =	sshrl.u32 s23, $0x1F;
	v8 =	vsel vm10, s18, v8;
	s18 =	sld [smem:$0x7DA]  }
0x1a9: {  	s10 =	sshra.s32 s23, $0x5;
	v10 =	vsel vm1, s12, v10;
	s12 =	sshra.s32 s23, $0x1F;
	v11 =	vsel vm1, s8, v9;
	s8 =	sld [smem:$0x7DB]  }
0x1aa: {  	s21 =	sshrl.u32 s20, $0x1F;
	s9 =	sshrl.u32 s26, $0x1F;
	v8 =	vsel vm1, s10, v8;
	s10 =	sld [smem:$0x7D9]  }
0x1ab: {  	s23 =	sshra.s32 s26, $0x5;
	v28 =	vsel vm2, s9, v11;
	s9 =	sld [smem:$0x7DD];
	v8 =	vsel vm11, s12, v8;
	s16 =	sshrl.u32 s18, $0x1F  }
0x1ac: {  	s7 =	sshra.s32 s26, $0x1F;
	s1 =	sshra.s32 s20, $0x5;
	v63 =	vsel vm2, s21, v10;
	v8 =	vsel vm2, s23, v8;
	v10 =	vsel vm4, s16, v28;
	s16 =	sld [smem:$0x7DC]  }
0x1ad: {  	s20 =	sshrl.u32 s8, $0x1F;
	s14 =	sshrl.u32 s10, $0x1F;
	v8 =	vsel vm12, s7, v8;
	s7 =	sld [smem:$0x7DF]  }
0x1ae: {  	s8 =	sshra.s32 s8, $0x5;
	s12 =	sshrl.u32 s9, $0x1F;
	v29 =	vmov s14;
	s14 =	sld [smem:$0x7DE]  }
0x1af: {  	s23 =	sshrl.u32 s13, $0x1F;
	s26 =	sshra.s32 s18, $0x5;
	s10 =	sshra.s32 s10, $0x5;
	v11 =	vsel vm0, s20, v29  }
0x1b0: {  	s21 =	sshrl.u32 s16, $0x1F;
	v11 =	vsel vm1, s12, v11;
	s12 =	sshra.s32 s18, $0x1F;
	s18 =	sshra.s32 s9, $0x5  }
0x1b1: {  	v8 =	vsel vm4, s26, v8;
	s9 =	sshra.s32 s7, $0x5;
	v10 =	vsel vm5, s21, v10;
	s20 =	sshrl.u32 s14, $0x1F;
	s21 =	sshrl.u32 s7, $0x1F  }
0x1b2: {  	v13 =	vmov s10;
	v8 =	vsel vm13, s12, v8;
	s12 =	sshra.s32 s14, $0x5;
	s7 =	sld [smem:$0x7E8];
	v10 =	vsel vm6, s20, v10;
	s20 =	sshra.s32 s16, $0x5  }
0x1b3: {  	v12 =	vsel vm2, s21, v11;
	s21 =	spop (v2sf);
	v10 =	vsel vm7, s23, v10;
	v8 =	vsel vm5, s20, v8;
	s23 =	sshra.s32 s16, $0x1F;
	s20 =	sld [smem:$0x7E1]  }
0x1b4: {  	v13 =	vsel vm0, s8, v13;
	s8 =	sshra.s32 s21, $0x1F;
	s16 =	sshra.s32 s14, $0x1F;
	s14 =	sld [smem:$0x7E5]  }
0x1b5: {  	v8 =	vsel vm14, s23, v8;
	s10 =	smul.u32 $0x66666667, s8;
	s8 =	sld [smem:$0x7E4]  }
0x1b6: {  	s26 =	smulhi.u32 $0x66666667, s21;
	v8 =	vsel vm6, s12, v8;
	s12 =	sld [smem:$0x7E0];
	s21 =	sshrl.u32 s20, $0x1F  }
0x1b7: {  	v30 =	vmov s3;
	v13 =	vsel vm1, s18, v13;
	s23 =	sshra.s32 s13, $0x5;
	v32 =	vmov s21;
	s21 =	sld [smem:$0x7E7]  }
0x1b8: {  	v11 =	vsel vm0, s0, v30;
	v15 =	vsel vm2, s9, v13;
	s0 =	sadd.s32 s10, s26;
	s9 =	sshra.s32 s14, $0x1F;
	s5 =	sshrl.u32 s8, $0x1F;
	v34 =	vnsel vm3, $0x0, v32  }
0x1b9: {  	v8 =	vsel vm15, s16, v8;
	s16 =	sshra.s32 s20, $0x5;
	v17 =	vmov s9;
	s18 =	sshrl.u32 s12, $0x1F;
	v13 =	vsel vm0, s5, v34;
	s5 =	sld [smem:$0x7E6]  }
0x1ba: {  	v37 =	vsel vm3, s16, v17;
	v31 =	vmov s18;
	s18 =	sshra.s32 s20, $0x1F;
	s20 =	sld [smem:$0x7E9];
	s13 =	sshrl.u32 s21, $0x1F  }
0x1bb: {  	s26 =	sshrl.u32 s4, $0x1F;
	v36 =	vsel vm1, s13, v13;
	v13 =	vsel vm9, s18, v37;
	s18 =	sld [smem:$0x7EB];
	s13 =	sshra.s32 s8, $0x5  }
0x1bc: {  	s3 =	sshrl.u32 s6, $0x1F;
	v16 =	vsel vm7, s23, v8;
	s23 =	sshrl.u32 s7, $0x1F;
	v33 =	vsel vm0, s26, v31;
	v13 =	vsel vm0, s13, v13;
	s13 =	sld [smem:$0x7ED]  }
0x1bd: {  	s9 =	sld [smem:$0x7EA];
	v8 =	vsel vm1, s3, v33;
	s10 =	sshrl.u32 s5, $0x1F;
	s26 =	sshrl.u32 s20, $0x1F  }
0x1be: {  	s16 =	sshra.s32 s8, $0x1F;
	s8 =	sld [smem:$0x7EE];
	v35 =	vsel vm2, s10, v8;
	v8 =	vsel vm2, s26, v36;
	s10 =	sshrl.u32 s18, $0x1F  }
0x1bf: {  	v11 =	vsel vm1, s2, v11;
	s2 =	sshra.s32 s12, $0x5;
	v8 =	vsel vm4, s10, v8;
	s10 =	sld [smem:$0x7EC];
	s26 =	sshrl.u32 s13, $0x1F  }
0x1c0: {  	v38 =	vmov s23;
	s3 =	sshrl.u32 s9, $0x1F;
	v13 =	vsel vm10, s16, v13;
	s16 =	sld [smem:$0x7EF];
	v8 =	vsel vm5, s26, v8;
	s26 =	sshra.s32 s21, $0x5  }
0x1c1: {  	s12 =	sshrl.u32 s14, $0x1F;
	v17 =	vsel vm0, s3, v38;
	s3 =	sshrl.u32 s8, $0x1F;
	v19 =	vsel vm1, s26, v13;
	s26 =	sshra.s32 s21, $0x1F  }
0x1c2: {  	s23 =	sshrl.u32 s10, $0x1F;
	v19 =	vsel vm11, s26, v19;
	s26 =	sshra.s32 s6, $0x5;
	s6 =	sshra.s32 s5, $0x5  }
0x1c3: {  	s5 =	sshra.s32 s10, $0x5;
	s10 =	sld [smem:$0x7F5];
	v17 =	vsel vm1, s23, v17;
	s23 =	sshrl.u32 s16, $0x1F  }
0x1c4: {  	v41 =	vmov s2;
	s21 =	sshra.s32 s4, $0x5;
	s4 =	sshra.s32 s20, $0x5;
	v39 =	vsel vm6, s23, v8;
	s23 =	sld [smem:$0x7F0]  }
0x1c5: {  	(v2sf) =	vpush v7, $0x5;
	v18 =	vsel vm2, s3, v17;
	v17 =	vsel vm0, s21, v41;
	s3 =	sshra.s32 s9, $0x5;
	s9 =	sshra.s32 s20, $0x1F;
	s20 =	sshra.s32 s18, $0x5  }
0x1c6: {  	v19 =	vsel vm2, s4, v19;
	s21 =	sshra.s32 s18, $0x1F;
	s18 =	sld [smem:$0x7F3];
	v40 =	vsel vm7, s12, v39;
	v17 =	vsel vm1, s26, v17;
	s12 =	sshra.s32 s7, $0x5  }
0x1c7: {  	(v2sf) =	vpush v7, $0x6;
	v20 =	vsel vm12, s9, v19;
	v42 =	vsel vm2, s6, v17;
	s6 =	sshra.s32 s8, $0x5;
	s8 =	sshra.s32 s14, $0x5;
	s14 =	sld [smem:$0x7F2]  }
0x1c8: {  	v12 =	vcombine.low v12, v63;
	s2 =	sshra.s32 s13, $0x1F;
	s26 =	sshra.s32 s13, $0x5;
	v43 =	vsel vm4, s20, v20;
	v44 =	vmov s12;
	s12 =	sld [smem:$0x7F1]  }
0x1c9: {  	v14 =	vsel vm2, s1, v11;
	s9 =	sshra.s32 s16, $0x5;
	s7 =	sshra.s32 s16, $0x1F;
	v17 =	vsel vm13, s21, v43;
	v20 =	vsel vm0, s3, v44;
	s21 =	sld [smem:$0x7F4]  }
0x1ca: {  	(v2sf) =	vpush v7, $0x7;
	v14 =	vcombine.low v15, v14;
	v8 =	vld [tilespmem:s23+$0x3050];
	s20 =	sshrl.u32 s18, $0x1F;
	v20 =	vsel vm1, s5, v20;
	s5 =	sshrl.u32 s10, $0x1F;
	s16 =	sshrl.u32 s14, $0x1F  }
0x1cb: {  	v10 =	vperm.xlane v10, v2;
	v12 =	vperm.xlane v12, v1;
	s13 =	sshrl.u32 s12, $0x1F;
	s3 =	sshra.s32 s12, $0x5;
	v21 =	vmov s16;
	s16 =	sld [smem:$0x7F7]  }
0x1cc: {  	v14 =	vperm.xlane v14, v1;
	v17 =	vsel vm5, s26, v17;
	s26 =	sshrl.u32 s21, $0x1F;
	s1 =	sshra.s32 s21, $0x5;
	s21 =	sld [smem:$0x7F8]  }
0x1cd: {  	v10 =	vsel vm8, v10, v12;
	v17 =	vsel vm14, s2, v17;
	s4 =	sshra.s32 s14, $0x5;
	s2 =	sshra.s32 s18, $0x5;
	v21 =	vsel vm0, s13, v21;
	s13 =	sld [smem:$0x7F6]  }
0x1ce: {  	v16 =	vperm.xlane v16, v2;
	s12 =	sshra.s32 s29, $0x1F;
	v17 =	vsel vm6, s9, v17;
	s9 =	sshra.s32 s10, $0x5;
	v21 =	vsel vm1, s20, v21;
	s20 =	sshra.s32 s11, $0x1F  }
0x1cf: {  	v24 =	vsel vm2, s6, v20;
	(v2sf) =	vpush v8, $0xD;
	v45 =	vsel vm2, s26, v21;
	s18 =	sshrl.u32 s16, $0x1F;
	s26 =	sshrl.u32 s21, $0x1F;
	s10 =	sshra.s32 s21, $0x5  }
0x1d0: {  	(v2sf) =	vpush v8, $0xC;
	v22 =	vmov s20;
	s14 =	sshrl.u32 s13, $0x1F;
	s6 =	sshra.s32 s13, $0x5;
	v47 =	vmov s18;
	s13 =	sshra.s32 s16, $0x5  }
0x1d1: {  	s20 =	sshrl.u32 s29, $0x1F;
	v46 =	vmov s14;
	v22 =	vsel vm3, s13, v22;
	v21 =	vnsel vm3, $0x0, v47;
	s14 =	sshra.s32 s16, $0x1F;
	s16 =	sld [smem:$0x7F9]  }
0x1d2: {  	s21 =	sshrl.u32 s28, $0x1F;
	v20 =	vsel vm0, s5, v46;
	v21 =	vsel vm0, s20, v21;
	v22 =	vsel vm9, s14, v22;
	s14 =	sshrl.u32 s22, $0x1F;
	s20 =	sshrl.u32 s19, $0x1F  }
0x1d3: {  	(v2sf) =	vpush v8, $0xE;
	s5 =	sshra.s32 s19, $0x1F;
	v20 =	vsel vm1, s26, v20;
	s26 =	sshra.s32 s29, $0x5;
	v21 =	vsel vm1, s21, v21;
	s21 =	sshra.s32 s22, $0x5  }
0x1d4: {  	v14 =	vsel vm8, v16, v14;
	(v2sf) =	vpush v8, $0xF;
	s29 =	sshra.s32 s19, $0x5;
	s19 =	sshrl.u32 s11, $0x1F;
	s18 =	sshrl.u32 s16, $0x1F;
	v22 =	vsel vm0, s26, v22  }
0x1d5: {  	v14 =	vadd.s32 v10, v14;
	s13 =	sshra.s32 s16, $0x5;
	s16 =	sshra.s32 s28, $0x5;
	v21 =	vsel vm2, s14, v21;
	s26 =	sshra.s32 s22, $0x1F;
	v22 =	vsel vm10, s12, v22  }
0x1d6: {  	s22 =	sshra.s32 s17, $0x1F;
	v20 =	vsel vm2, s18, v20;
	s18 =	sshra.s32 s28, $0x1F;
	v21 =	vsel vm4, s20, v21;
	s28 =	sshrl.u32 s17, $0x1F;
	v22 =	vsel vm1, s16, v22  }
0x1d7: {  	v58 =	vmul.u32 $0xFFFFFFB0, v14;
	s20 =	sshra.s32 s17, $0x5;
	v21 =	vsel vm5, s28, v21;
	s16 =	sshrl.u32 s15, $0x1F;
	v22 =	vsel vm11, s18, v22;
	s18 =	spop (v2sf)  }
0x1d8: {  	(v2sf) =	vpush v8, $0x9;
	v21 =	vsel vm6, s16, v21;
	v25 =	vsel vm2, s21, v22;
	s21 =	spop (v2sf);
	s17 =	smulhi.u32 $0x66666667, s18;
	s28 =	sshra.s32 s18, $0x1F  }
0x1d9: {  	v63 =	vadd.s32 v5, v58;
	v50 =	vmov s4;
	v48 =	vsel vm7, s19, v21;
	s18 =	sshra.s32 s11, $0x5;
	s19 =	sld [smem:$0x7FC];
	s4 =	smul.u32 $0x66666667, s28  }
0x1da: {  	v11 =	vcombine.low v18, v35;
	v26 =	vmov s6;
	v49 =	vsel vm12, s26, v25;
	s26 =	spop (v2sf);
	s6 =	smulhi.u32 $0x66666667, s21;
	s16 =	sshra.s32 s21, $0x1F  }
0x1db: {  	v32 =	vadd.s32 $0x50, v63;
	v26 =	vsel vm0, s9, v26;
	s21 =	sld [smem:$0x7FB];
	v21 =	vsel vm4, s29, v49;
	s29 =	sshra.s32 s15, $0x5;
	s9 =	smul.u32 $0x66666667, s16  }
0x1dc: {  	v13 =	vperm.xlane v40, v2;
	v11 =	vperm.xlane v11, v1;
	(v2sf) =	vpush v8, $0x8;
	s15 =	sshra.s32 s15, $0x1F;
	s16 =	sld [smem:$0x7FA];
	s12 =	smulhi.u32 $0x66666667, s26  }
0x1dd: {  	v17 =	vsel vm15, s7, v17;
	v26 =	vsel vm1, s10, v26;
	(v2sf) =	vpush v8, $0xA;
	s10 =	sshra.s32 s26, $0x1F;
	s28 =	sshrl.u32 s19, $0x1F;
	s11 =	sadd.s32 s4, s17  }
0x1de: {  	(v2sf) =	vpush v8, $0xB;
	v27 =	vsel vm2, s13, v26;
	v21 =	vsel vm13, s5, v21;
	s4 =	sshrl.u32 s30, $0x1F;
	s10 =	smul.u32 $0x66666667, s10;
	s17 =	sshrl.u32 s0, $0x1F  }
0x1df: {  	(v2sf) =	vpush v8, $0x0;
	s19 =	sshra.s32 s19, $0x5;
	v21 =	vsel vm5, s20, v21;
	s13 =	sshrl.u32 s21, $0x1F;
	v29 =	vmov s28;
	s28 =	sld [smem:$0x7FD]  }
0x1e0: {  	v23 =	vsel vm7, s8, v17;
	(v2sf) =	vpush v8, $0x1;
	s7 =	spop (v2sf);
	v21 =	vsel vm14, s22, v21;
	s20 =	sshrl.u32 s16, $0x1F;
	s22 =	sshrl.u32 s24, $0x1F  }
0x1e1: {  	v25 =	vsel vm0, s3, v50;
	s16 =	sshra.s32 s16, $0x5;
	s5 =	spop (v2sf);
	v21 =	vsel vm6, s29, v21;
	v28 =	vmov s22;
	s22 =	rddreg [dreg:$0x1e]  }
0x1e2: {  	(v2sf) =	vpush v8, $0x2;
	v25 =	vsel vm1, s2, v25;
	s29 =	sshrl.u32 s25, $0x1F;
	s3 =	spop (v2sf);
	v21 =	vsel vm15, s15, v21;
	s26 =	sshrl.u32 s22, $0x1F  }
0x1e3: {  	v28 =	vnsel vm3, $0x0, v28;
	s2 =	spop (v2sf);
	v51 =	vsel vm7, s18, v21;
	v52 =	vmov s26;
	s18 =	rddreg [dreg:$0x1f];
	s26 =	sshrl.u32 s28, $0x1F  }
0x1e4: {  	v17 =	vcombine.low v20, v45;
	(v2sf) =	vpush v8, $0x3;
	v28 =	vsel vm0, s29, v28;
	s29 =	sshrl.u32 s31, $0x1F;
	s28 =	sshra.s32 s28, $0x5;
	s8 =	sshrl.u32 s18, $0x1F  }
0x1e5: {  	(v2sf) =	vpush v8, $0x4;
	v21 =	vsel vm0, s20, v52;
	s20 =	rddreg [dreg:$0x1d];
	v28 =	vsel vm1, s29, v28;
	s29 =	sshrl.u32 s11, $0x1F;
	s18 =	sshra.s32 s18, $0x5  }
0x1e6: {  	v11 =	vsel vm8, v13, v11;
	s15 =	sshrl.u32 s20, $0x1F;
	v21 =	vsel vm1, s13, v21;
	v28 =	vsel vm2, s4, v28;
	s13 =	sadd.s32 s9, s6;
	s4 =	sadd.s32 s10, s12  }
0x1e7: {  	v17 =	vperm.xlane v17, v1;
	v36 =	vperm.xlane v48, v2;
	s6 =	sshra.s32 s24, $0x1F;
	v29 =	vsel vm0, s15, v29;
	s15 =	spop (v2sf);
	s12 =	sshrl.u32 s13, $0x1F  }
0x1e8: {  	v21 =	vsel vm2, s8, v21;
	v28 =	vsel vm4, s17, v28;
	s17 =	sshra.s32 s4, $0x1F;
	s8 =	sshra.s32 s25, $0x5;
	v29 =	vsel vm1, s26, v29;
	s26 =	rddreg [dreg:$0x1c]  }
0x1e9: {  	v24 =	vcombine.low v24, v42;
	v28 =	vsel vm5, s29, v28;
	s29 =	sshra.s32 s24, $0x5;
	v55 =	vmov s17;
	s17 =	sshra.s32 s22, $0x5;
	s22 =	sshra.s32 s25, $0x1F  }
0x1ea: {  	v25 =	vsel vm2, s1, v25;
	v17 =	vsel vm8, v36, v17;
	(v2sf) =	vpush v8, $0x5;
	s24 =	sshra.s32 s31, $0x5;
	s25 =	sshra.s32 s21, $0x5;
	s21 =	sshra.s32 s30, $0x5  }
0x1eb: {  	s14 =	sshrl.u32 s26, $0x1F;
	v54 =	vsel vm6, s12, v28;
	v28 =	vsel vm3, s29, v55;
	v57 =	vmov s17;
	s17 =	smulhi.u32 $0x66666667, s7;
	s7 =	sshra.s32 s7, $0x1F  }
0x1ec: {  	v38 =	vperm.xlane v51, v2;
	s29 =	sshra.s32 s31, $0x1F;
	s31 =	sshrl.u32 s4, $0x1F;
	v53 =	vsel vm2, s14, v29;
	v28 =	vsel vm9, s6, v28;
	s7 =	smul.u32 $0x66666667, s7  }
0x1ed: {  	s14 =	spop (v2sf);
	v16 =	vsel vm0, s16, v57;
	v60 =	vsel vm7, s31, v54;
	vm9 =	vlt.s32 v5, $0x1;
	s16 =	smulhi.u32 $0x66666667, s5;
	s5 =	sshra.s32 s5, $0x1F  }
0x1ee: {  	s9 =	spop (v2sf);
	v56 =	vsel vm0, s8, v28;
	v16 =	vsel vm1, s25, v16;
	s25 =	sshra.s32 s0, $0x5;
	v28 =	vmov s19;
	s19 =	smulhi.u32 $0x66666667, s3  }
0x1ef: {  	v29 =	vperm.xlane v23, v2;
	s3 =	sshra.s32 s3, $0x1F;
	v9 =	vcombine.low v53, v21;
	s12 =	spop (v2sf);
	v12 =	vsel vm10, s22, v56;
	s22 =	sshra.s32 s30, $0x1F  }
0x1f0: {  	v10 =	vperm.xlane v60, v2;
	v61 =	vsel vm2, s18, v16;
	s30 =	sshra.s32 s11, $0x1F;
	s3 =	smul.u32 $0x66666667, s3;
	s10 =	spop (v2sf);
	v12 =	vsel vm1, s24, v12  }
0x1f1: {  	s18 =	smulhi.u32 $0x66666667, s2;
	s24 =	sshra.s32 s20, $0x5;
	v9 =	vperm.xlane v9, v1;
	s8 =	spop (v2sf);
	(v2sf) =	vpush v8, $0x6;
	v59 =	vsel vm11, s29, v12  }
0x1f2: {  	vm11 =	vmmov vm12;
	v18 =	vsel vm0, s24, v28;
	s3 =	sadd.s32 s3, s19;
	s19 =	smulhi.u32 $0x66666667, s9;
	s6 =	spop (v2sf);
	v62 =	vsel vm2, s21, v59  }
0x1f3: {  	s29 =	sshra.s32 s11, $0x5;
	s21 =	smul.u32 $0x66666667, s5;
	v18 =	vsel vm1, s28, v18;
	v9 =	vsel vm8, v10, v9;
	s1 =	spop (v2sf);
	v15 =	vsel vm12, s22, v62  }
0x1f4: {  	s20 =	smulhi.u32 $0x66666667, s8;
	s8 =	sshra.s32 s8, $0x1F;
	vm12 =	vmmov vm10;
	vm10 =	vne.s32 v63, $0x0;
	s11 =	spop (v2sf);
	(v2sf) =	vpush v8, $0x7  }
0x1f5: {  	s31 =	sshra.s32 s13, $0x5;
	s0 =	sshra.s32 s0, $0x1F;
	s8 =	smul.u32 $0x66666667, s8;
	v5 =	vsel vm4, s25, v15;
	vm9 =	vmand vm9, vm10;
	v15 =	vperm.xlane v24, v1  }
0x1f6: {  	s13 =	sshra.s32 s13, $0x1F;
	s28 =	sshra.s32 s15, $0x1F;
	s25 =	smulhi.u32 $0x66666667, s15;
	v5 =	vsel vm13, s0, v5;
	v30 =	vsel vm9, $0xFFFFFFFF, v3;
	vm9 =	vlt.s32 v63, $0x0  }
0x1f7: {  	s9 =	sshra.s32 s9, $0x1F;
	s22 =	sshra.s32 s2, $0x1F;
	s15 =	smul.u32 $0x66666667, s28;
	v5 =	vsel vm5, s29, v5;
	v14 =	vadd.s32 v30, v14;
	v31 =	vsel vm8, v29, v15  }
0x1f8: {  	s24 =	smul.u32 $0x66666667, s22;
	s2 =	sadd.s32 s21, s16;
	s29 =	sshra.s32 s26, $0x5;
	v13 =	vsel vm9, v32, v63;
	vm9 =	vlt.s32 v4, $0x1;
	v5 =	vsel vm14, s30, v5  }
0x1f9: {  	s22 =	smul.u32 $0x66666667, s9;
	s9 =	sadd.s32 s15, s25;
	s25 =	sshrl.u32 s2, $0x1F;
	v11 =	vadd.s32 v11, v31;
	v14 =	vmul.u32 $0x50, v14;
	v34 =	vsel vm2, s29, v18  }
0x1fa: {  	s28 =	smulhi.u32 $0x66666667, s10;
	s0 =	sadd.s32 s7, s17;
	s2 =	sshra.s32 s2, $0x5;
	v35 =	vand.u32 $0xFFFFFFF8, v13;
	v39 =	vmov s25;
	v13 =	vand.u32 $0x7, v13  }
0x1fb: {  	s21 =	sshrl.u32 s0, $0x1F;
	s30 =	smulhi.u32 $0x66666667, s14;
	s14 =	sshra.s32 s14, $0x1F;
	v55 =	vmov s2;
	v5 =	vsel vm6, s31, v5;
	v33 =	vmul.u32 $0xFFFFFFB0, v11  }
0x1fc: {  	s29 =	sshrl.u32 s3, $0x1F;
	s31 =	sshra.s32 s4, $0x5;
	s4 =	sadd.s32 s24, s18;
	v18 =	vsel vm0, s21, v39;
	v12 =	vcombine.low v34, v61;
	v5 =	vsel vm15, s13, v5  }
0x1fd: {  	s10 =	sshra.s32 s10, $0x1F;
	s14 =	smul.u32 $0x66666667, s14;
	v14 =	vadd.s32 v35, v14;
	v18 =	vsel vm1, s29, v18;
	s21 =	sshrl.u32 s4, $0x1F;
	v15 =	vadd.s32 v4, v33  }
0x1fe: {  	s5 =	spop (v2sf);
	s15 =	smulhi.u32 $0x66666667, s12;
	s24 =	sshra.s32 s12, $0x1F;
	v4 =	vcombine.low v27, v25;
	v5 =	vsel vm7, s31, v5;
	v18 =	vsel vm2, s21, v18  }
0x1ff: {  	s0 =	sshra.s32 s0, $0x5;
	s16 =	smul.u32 $0x66666667, s24;
	s12 =	sadd.s32 s14, s30;
	v13 =	vor.u32 v13, v14;
	v12 =	vperm.xlane v12, v1;
	vm10 =	vne.s32 v15, $0x0  }
0x200: {  	s24 =	smulhi.u32 $0x66666667, s6;
	s26 =	sshrl.u32 s12, $0x1F;
	v41 =	vadd.s32 $0x50, v15;
	v5 =	vperm.xlane v5, v2;
	s12 =	sshra.s32 s12, $0x5;
	v4 =	vperm.xlane v4, v1  }
0x201: {  	s6 =	sshra.s32 s6, $0x1F;
	s30 =	sshrl.u32 s9, $0x1F;
	s31 =	smul.u32 $0x66666667, s10;
	vm9 =	vmand vm9, vm10;
	v40 =	vmov s26;
	v56 =	vmov s12  }
0x202: {  	s10 =	sadd.s32 s22, s19;
	s6 =	smul.u32 $0x66666667, s6;
	v37 =	vsel vm9, $0xFFFFFFFF, v3;
	vm9 =	vlt.s32 v15, $0x0;
	v4 =	vsel vm8, v38, v4;
	s7 =	spop (v2sf)  }
0x203: {  	s9 =	sshra.s32 s9, $0x5;
	s22 =	sshrl.u32 s10, $0x1F;
	v20 =	vsel vm0, s30, v40;
	v5 =	vsel vm8, v5, v12;
	v4 =	vadd.s32 v17, v4;
	s26 =	spop (v2sf)  }
0x204: {  	s14 =	sadd.s32 s31, s28;
	v12 =	vsel vm0, s0, v55;
	v14 =	vsel vm0, s9, v56;
	v17 =	vmul.u32 $0xFFFFFFB0, v4;
	s28 =	smulhi.u32 $0x66666667, s26;
	s17 =	sshra.s32 s26, $0x1F  }
0x205: {  	s19 =	sadd.s32 s8, s20;
	s25 =	sshrl.u32 s14, $0x1F;
	v11 =	vadd.s32 v37, v11;
	v15 =	vsel vm9, v41, v15;
	v42 =	vsel vm1, s22, v20;
	s17 =	smul.u32 $0x66666667, s17  }
0x206: {  	s18 =	sshra.s32 s14, $0x5;
	s21 =	sshra.s32 s14, $0x1F;
	s14 =	sshra.s32 s3, $0x5;
	vm9 =	vlt.s32 v6, $0x1;
	v43 =	vmov s25;
	v17 =	vadd.s32 v6, v17  }
0x207: {  	s8 =	sadd.s32 s16, s15;
	s15 =	sadd.s32 s6, s24;
	v5 =	vadd.s32 v9, v5;
	v12 =	vsel vm1, s14, v12;
	vm10 =	vne.s32 v17, $0x0;
	s6 =	sadd.s32 s17, s28  }
0x208: {  	s20 =	smulhi.u32 $0x66666667, s11;
	s11 =	sshra.s32 s11, $0x1F;
	v11 =	vmul.u32 $0x50, v11;
	v48 =	vadd.s32 $0x50, v17;
	vm9 =	vmand vm9, vm10;
	s17 =	sshra.s32 s6, $0x1F  }
0x209: {  	s11 =	smul.u32 $0x66666667, s11;
	v45 =	vsel vm9, $0xFFFFFFFF, v3;
	vm9 =	vlt.s32 v17, $0x0;
	v47 =	vmov s17  }
0x20a: {  	s29 =	sshrl.u32 s19, $0x1F;
	s16 =	sshrl.u32 s8, $0x1F;
	s31 =	smulhi.u32 $0x66666667, s1;
	v17 =	vsel vm9, v48, v17;
	vm9 =	vcmask $0x704;
	v16 =	vsel vm3, s18, v47  }
0x20b: {  	s1 =	sshra.s32 s1, $0x1F;
	s24 =	sshra.s32 s19, $0x5;
	s30 =	sshrl.u32 s15, $0x1F;
	v44 =	vand.u32 $0xFFFFFFF8, v15;
	v46 =	vsel vm2, s16, v42;
	v51 =	vsel vm9, s21, v16  }
0x20c: {  	s1 =	smul.u32 $0x66666667, s1;
	s11 =	sadd.s32 s11, s20;
	v49 =	vand.u32 $0x7, v15;
	v6 =	vnsel vm3, $0x0, v43;
	s26 =	sshra.s32 s19, $0x1F;
	v52 =	vsel vm0, s24, v51  }
0x20d: {  	s25 =	smulhi.u32 $0x66666667, s5;
	s5 =	sshra.s32 s5, $0x1F;
	v54 =	vcombine.low v46, v18;
	v6 =	vsel vm0, s29, v6;
	s29 =	sshra.s32 s15, $0x5;
	v9 =	vsel vm12, s26, v52  }
0x20e: {  	s1 =	sadd.s32 s1, s31;
	s5 =	smul.u32 $0x66666667, s5;
	v11 =	vadd.s32 v44, v11;
	s15 =	sshra.s32 s15, $0x1F;
	vm10 =	vcmask $0x1714;
	v9 =	vsel vm1, s29, v9  }
0x20f: {  	v53 =	vmul.u32 $0xFFFFFFB0, v5;
	s22 =	sshrl.u32 s1, $0x1F;
	s31 =	sshra.s32 s1, $0x5;
	s1 =	sshra.s32 s1, $0x1F;
	v10 =	vor.u32 v49, v11;
	v9 =	vsel vm10, s15, v9  }
0x210: {  	s5 =	sadd.s32 s5, s25;
	v11 =	vperm.xlane v54, v1;
	v6 =	vsel vm1, s30, v6;
	s30 =	smulhi.u32 $0x66666667, s7;
	s7 =	sshra.s32 s7, $0x1F;
	v9 =	vsel vm2, s31, v9  }
0x211: {  	s13 =	sshra.s32 s11, $0x5;
	s20 =	sshra.s32 s5, $0x5;
	v6 =	vsel vm2, s22, v6;
	s7 =	smul.u32 $0x66666667, s7;
	v4 =	vadd.s32 v45, v4;
	v9 =	vsel vm11, s1, v9  }
0x212: {  	s19 =	sshra.s32 s8, $0x5;
	v50 =	vand.u32 $0xFFFFFFF8, v17;
	v4 =	vmul.u32 $0x50, v4;
	s28 =	sshrl.u32 s11, $0x1F;
	s17 =	sshra.s32 s11, $0x1F;
	v9 =	vsel vm4, s13, v9  }
0x213: {  	s8 =	simm.s32 $0x900;
	s22 =	sadd.s32 s7, s30;
	v57 =	vand.u32 $0x7, v17;
	v6 =	vsel vm4, s28, v6;
	s18 =	sshra.s32 s4, $0x5;
	v9 =	vsel vm13, s17, v9  }
0x214: {  	v13 =	vld.idx.msk [tilespmem:v13+s8+$0x0], $0xffff;
	v4 =	vadd.s32 v50, v4;
	s21 =	sshrl.u32 s5, $0x1F;
	v12 =	vsel vm2, s18, v12;
	s24 =	sshra.s32 s5, $0x1F;
	s15 =	sshra.s32 s10, $0x5;
	v9 =	vsel vm5, s20, v9  }
0x215: {  	s25 =	sshrl.u32 s22, $0x1F;
	v6 =	vsel vm5, s21, v6;
	s26 =	sshra.s32 s22, $0x5;
	v14 =	vsel vm1, s15, v14;
	v9 =	vsel vm14, s24, v9  }
0x216: {  	s28 =	sshrl.u32 s6, $0x1F;
	v6 =	vsel vm6, s25, v6;
	s29 =	sshra.s32 s22, $0x1F;
	v14 =	vsel vm2, s19, v14;
	v9 =	vsel vm6, s26, v9  }
0x217: {  	s30 =	sshra.s32 s6, $0x5;
	v6 =	vsel vm7, s28, v6;
	v12 =	vcombine.low v14, v12;
	v9 =	vsel vm15, s29, v9  }
0x218: {  	vm9 =	vlt.s32 v7, $0x1;
	v6 =	vperm.xlane v6, v2;
	v9 =	vsel vm7, s30, v9  }
0x219: {  	[tilespmem:s23+$0x5720] =	vst v13;
	v7 =	vadd.s32 v7, v53;
	v12 =	vperm.xlane v12, v1;
	v9 =	vperm.xlane v9, v2  }
0x21a: {  	v4 =	vor.u32 v57, v4;
	v10 =	vld.idx.msk [tilespmem:v10+s8+$0x0], $0xffff;
	vm10 =	vne.s32 v7, $0x0  }
0x21b: {  	vm9 =	vmand vm9, vm10;
	v6 =	vsel vm8, v6, v11;
	v9 =	vsel vm8, v9, v12  }
0x21c: {  	v59 =	vadd.s32 $0x50, v7;
	v58 =	vsel vm9, $0xFFFFFFFF, v3;
	v6 =	vadd.s32 v6, v9  }
0x21d: {  	vm9 =	vlt.s32 v7, $0x0;
	v5 =	vadd.s32 v58, v5;
	v60 =	vmul.u32 $0xFFFFFFB0, v6  }
0x21e: {  	v7 =	vsel vm9, v59, v7;
	v5 =	vmul.u32 $0x50, v5  }
0x21f: {  	[tilespmem:s23+$0x5730] =	vst v10;
	vm9 =	vlt.s32 v8, $0x1;
	v61 =	vand.u32 $0xFFFFFFF8, v7;
	v9 =	vadd.s32 v8, v60  }
0x220: {  	v4 =	vld.idx.msk [tilespmem:v4+s8+$0x0], $0xffff;
	v7 =	vand.u32 $0x7, v7;
	v5 =	vadd.s32 v61, v5;
	vm10 =	vne.s32 v9, $0x0  }
0x221: {  	v5 =	vor.u32 v7, v5;
	vm9 =	vmand vm9, vm10  }
0x222: {  	v62 =	vsel vm9, $0xFFFFFFFF, v3  }
0x223: {  	v63 =	vadd.s32 $0x50, v9;
	vm9 =	vlt.s32 v9, $0x0;
	v6 =	vadd.s32 v62, v6  }
0x224: {  	v7 =	vsel vm9, v63, v9;
	v6 =	vmul.u32 $0x50, v6  }
0x225: {  	[tilespmem:s23+$0x5740] =	vst v4;
	v4 =	vand.u32 $0xFFFFFFF8, v7  }
0x226: {  	v5 =	vld.idx.msk [tilespmem:v5+s8+$0x0], $0xffff;
	v7 =	vand.u32 $0x7, v7;
	v4 =	vadd.s32 v4, v6  }
0x227: {  	v4 =	vor.u32 v7, v4;
	_ =	sdelay $0x3  }
0x228: {  	s31 =	rddreg [dreg:$0x1b];
	[tilespmem:s23+$0x5750] =	vst v5  }
0x229: {  	p1 =	sne.s32 s31, $0x9B00;
	v4 =	vld.idx.msk [tilespmem:v4+s8+$0x0], $0xffff  }
.Ltmp0:
0x22a: {  	_ = 	snop;
	(pc) =	sbr.rel @p1 .LBB2_2-.Ltmp0, $3  }
0x22b: {  	_ =	sdelay $0x1  }
0x22c: {  	vm10 =	vmmov vm12  }
0x22d: {  	s0 =	sadd.s32 $0x140, s31;
	vm12 =	vmmov vm11;
	vm11 =	vcmask $0x1714;
	vm9 =	vcmask $0x704;
	[tilespmem:s23+$0x5760] =	vst v4  }
0x22e: {  	[bflag:$0x0] =	sbarrier.arrive $0xFFFF;
	s2 =	simm.s32 $0x3  }
0x22f: {  	_ =	swait.ge [sflag:s2], $0x7D00  }
0x230: {  	[sflag:s2] =	ssyncset.done $0x0  }
0x231: {  	s5 =	simm.s32 $0x7E30;
	[sflag:s2] =	ssyncadd.s32 $0xFFFF8300  }
0x232: {  	s4 =	simm.s32 $0x50;
	s1 =	simm.s32 $0x5720;
	s0 =	rddreg [dreg:$0x5]  }
0x233: {  	[spmem:s0] =	stream.indirect.scatter.add.f32 [tilespmem:s5], [sflag:$0x5], $0x10, s1, s4, $0xb8;
	[tilespmem:$0x1D130] =	vst v63  }
0x234: {  	s31 =	simm.s32 $0x5770;
	s3 =	simm.s32 $0x8330  }
0x235: {  	[spmem:s0] =	stream.indirect.scatter.add.f32 [tilespmem:s3], [sflag:$0x5], $0x10, s31, s4, $0xb8;
	[tilespmem:$0x1D130] =	vst v63  }
0x236: {  	s6 =	simm.s32 $0x57C0;
	s7 =	simm.s32 $0x8830  }
0x237: {  	[spmem:s0] =	stream.indirect.scatter.add.f32 [tilespmem:s7], [sflag:$0x5], $0x10, s6, s4, $0xb8;
	[tilespmem:$0x1D130] =	vst v63  }
0x238: {  	s9 =	simm.s32 $0x5810;
	s10 =	simm.s32 $0x8D30  }
0x239: {  	[spmem:s0] =	stream.indirect.scatter.add.f32 [tilespmem:s10], [sflag:$0x5], $0x10, s9, s4, $0xb8;
	[tilespmem:$0x1D130] =	vst v63  }
0x23a: {  	s11 =	simm.s32 $0x5860;
	s12 =	simm.s32 $0x9230  }
0x23b: {  	[spmem:s0] =	stream.indirect.scatter.add.f32 [tilespmem:s12], [sflag:$0x5], $0x10, s11, s4, $0xb8;
	[tilespmem:$0x1D130] =	vst v63  }
0x23c: {  	s13 =	simm.s32 $0x58B0;
	s14 =	simm.s32 $0x9730  }
0x23d: {  	[spmem:s0] =	stream.indirect.scatter.add.f32 [tilespmem:s14], [sflag:$0x5], $0x10, s13, s4, $0xb8;
	[tilespmem:$0x1D130] =	vst v63  }
0x23e: {  	s15 =	simm.s32 $0x5900;
	s16 =	simm.s32 $0x9C30  }
0x23f: {  	[spmem:s0] =	stream.indirect.scatter.add.f32 [tilespmem:s16], [sflag:$0x5], $0x10, s15, s4, $0xb8;
	[tilespmem:$0x1D130] =	vst v63  }
0x240: {  	s17 =	simm.s32 $0x5950;
	s18 =	simm.s32 $0xA130  }
0x241: {  	[spmem:s0] =	stream.indirect.scatter.add.f32 [tilespmem:s18], [sflag:$0x5], $0x10, s17, s4, $0xb8;
	[tilespmem:$0x1D130] =	vst v63  }
0x242: {  	s19 =	simm.s32 $0x59A0;
	s20 =	simm.s32 $0xA630  }
0x243: {  	[spmem:s0] =	stream.indirect.scatter.add.f32 [tilespmem:s20], [sflag:$0x5], $0x10, s19, s4, $0xb8;
	[tilespmem:$0x1D130] =	vst v63  }
0x244: {  	s21 =	simm.s32 $0x59F0;
	s22 =	simm.s32 $0xAB30  }
0x245: {  	[spmem:s0] =	stream.indirect.scatter.add.f32 [tilespmem:s22], [sflag:$0x5], $0x10, s21, s4, $0xb8;
	[tilespmem:$0x1D130] =	vst v63  }
0x246: {  	s23 =	simm.s32 $0x5A40;
	s24 =	simm.s32 $0xB030  }
0x247: {  	[spmem:s0] =	stream.indirect.scatter.add.f32 [tilespmem:s24], [sflag:$0x5], $0x10, s23, s4, $0xb8;
	[tilespmem:$0x1D130] =	vst v63  }
0x248: {  	s25 =	simm.s32 $0x5A90;
	s26 =	simm.s32 $0xB530  }
0x249: {  	[spmem:s0] =	stream.indirect.scatter.add.f32 [tilespmem:s26], [sflag:$0x5], $0x10, s25, s4, $0xb8;
	[tilespmem:$0x1D130] =	vst v63  }
0x24a: {  	s28 =	simm.s32 $0x5AE0;
	s29 =	simm.s32 $0xBA30  }
0x24b: {  	[spmem:s0] =	stream.indirect.scatter.add.f32 [tilespmem:s29], [sflag:$0x5], $0x10, s28, s4, $0xb8;
	[tilespmem:$0x1D130] =	vst v63  }
0x24c: {  	s30 =	simm.s32 $0x5B30;
	s31 =	simm.s32 $0xBF30  }
0x24d: {  	[spmem:s0] =	stream.indirect.scatter.add.f32 [tilespmem:s31], [sflag:$0x5], $0x10, s30, s4, $0xb8;
	[tilespmem:$0x1D130] =	vst v63  }
0x24e: {  	s6 =	simm.s32 $0x5B80;
	s7 =	simm.s32 $0xC430  }
0x24f: {  	[spmem:s0] =	stream.indirect.scatter.add.f32 [tilespmem:s7], [sflag:$0x5], $0x10, s6, s4, $0xb8;
	[tilespmem:$0x1D130] =	vst v63  }
0x250: {  	s9 =	simm.s32 $0x5BD0;
	s10 =	simm.s32 $0xC930  }
0x251: {  	[spmem:s0] =	stream.indirect.scatter.add.f32 [tilespmem:s10], [sflag:$0x5], $0x10, s9, s4, $0xb8;
	[tilespmem:$0x1D130] =	vst v63  }
0x252: {  	s11 =	simm.s32 $0x5C20;
	s12 =	simm.s32 $0xCE30  }
0x253: {  	[spmem:s0] =	stream.indirect.scatter.add.f32 [tilespmem:s12], [sflag:$0x5], $0x10, s11, s4, $0xb8;
	[tilespmem:$0x1D130] =	vst v63  }
0x254: {  	s13 =	simm.s32 $0x5C70;
	s14 =	simm.s32 $0xD330  }
0x255: {  	[spmem:s0] =	stream.indirect.scatter.add.f32 [tilespmem:s14], [sflag:$0x5], $0x10, s13, s4, $0xb8;
	[tilespmem:$0x1D130] =	vst v63  }
0x256: {  	s15 =	simm.s32 $0x5CC0;
	s16 =	simm.s32 $0xD830  }
0x257: {  	[spmem:s0] =	stream.indirect.scatter.add.f32 [tilespmem:s16], [sflag:$0x5], $0x10, s15, s4, $0xb8;
	[tilespmem:$0x1D130] =	vst v63  }
0x258: {  	s17 =	simm.s32 $0x5D10;
	s18 =	simm.s32 $0xDD30  }
0x259: {  	[spmem:s0] =	stream.indirect.scatter.add.f32 [tilespmem:s18], [sflag:$0x5], $0x10, s17, s4, $0xb8;
	[tilespmem:$0x1D130] =	vst v63  }
0x25a: {  	s19 =	simm.s32 $0x5D60;
	s20 =	simm.s32 $0xE230  }
0x25b: {  	[spmem:s0] =	stream.indirect.scatter.add.f32 [tilespmem:s20], [sflag:$0x5], $0x10, s19, s4, $0xb8;
	[tilespmem:$0x1D130] =	vst v63  }
0x25c: {  	s21 =	simm.s32 $0x5DB0;
	s22 =	simm.s32 $0xE730  }
0x25d: {  	[spmem:s0] =	stream.indirect.scatter.add.f32 [tilespmem:s22], [sflag:$0x5], $0x10, s21, s4, $0xb8;
	[tilespmem:$0x1D130] =	vst v63  }
0x25e: {  	s23 =	simm.s32 $0x5E00;
	s24 =	simm.s32 $0xEC30  }
0x25f: {  	[spmem:s0] =	stream.indirect.scatter.add.f32 [tilespmem:s24], [sflag:$0x5], $0x10, s23, s4, $0xb8;
	[tilespmem:$0x1D130] =	vst v63  }
0x260: {  	s25 =	simm.s32 $0x5E50;
	s26 =	simm.s32 $0xF130  }
0x261: {  	[spmem:s0] =	stream.indirect.scatter.add.f32 [tilespmem:s26], [sflag:$0x5], $0x10, s25, s4, $0xb8;
	[tilespmem:$0x1D130] =	vst v63  }
0x262: {  	s28 =	simm.s32 $0x5EA0;
	s29 =	simm.s32 $0xF630;
	s6 =	simm.s32 $0x5  }
0x263: {  	[spmem:s0] =	stream.indirect.scatter.add.f32 [tilespmem:s29], [sflag:$0x5], $0x10, s28, s4, $0xb8;
	[tilespmem:$0x1D130] =	vst v63  }
0x264: {  	_ =	swait.ge [sflag:s6], $0x500  }
0x265: {  	[sflag:s6] =	ssyncset.done $0x0  }
0x266: {  	[sflag:s6] =	ssyncadd.s32 $0xFFFFFB00  }
0x267: {  	_ =	swait.ge [sflag:s6], $0x500  }
0x268: {  	[sflag:s6] =	ssyncset.done $0x0  }
0x269: {  	[sflag:s6] =	ssyncadd.s32 $0xFFFFFB00  }
0x26a: {  	_ =	swait.ge [sflag:s6], $0x500  }
0x26b: {  	[sflag:s6] =	ssyncset.done $0x0  }
0x26c: {  	[sflag:s6] =	ssyncadd.s32 $0xFFFFFB00  }
0x26d: {  	_ =	swait.ge [sflag:s6], $0x500  }
0x26e: {  	[sflag:s6] =	ssyncset.done $0x0  }
0x26f: {  	[sflag:s6] =	ssyncadd.s32 $0xFFFFFB00  }
0x270: {  	_ =	swait.ge [sflag:s6], $0x500  }
0x271: {  	[sflag:s6] =	ssyncset.done $0x0  }
0x272: {  	[sflag:s6] =	ssyncadd.s32 $0xFFFFFB00  }
0x273: {  	_ =	swait.ge [sflag:s6], $0x500  }
0x274: {  	[sflag:s6] =	ssyncset.done $0x0  }
0x275: {  	[sflag:s6] =	ssyncadd.s32 $0xFFFFFB00  }
0x276: {  	_ =	swait.ge [sflag:s6], $0x500  }
0x277: {  	[sflag:s6] =	ssyncset.done $0x0  }
0x278: {  	[sflag:s6] =	ssyncadd.s32 $0xFFFFFB00  }
0x279: {  	_ =	swait.ge [sflag:s6], $0x500  }
0x27a: {  	[sflag:s6] =	ssyncset.done $0x0  }
0x27b: {  	[sflag:s6] =	ssyncadd.s32 $0xFFFFFB00  }
0x27c: {  	_ =	swait.ge [sflag:s6], $0x500  }
0x27d: {  	[sflag:s6] =	ssyncset.done $0x0  }
0x27e: {  	[sflag:s6] =	ssyncadd.s32 $0xFFFFFB00  }
0x27f: {  	_ =	swait.ge [sflag:s6], $0x500  }
0x280: {  	[sflag:s6] =	ssyncset.done $0x0  }
0x281: {  	[sflag:s6] =	ssyncadd.s32 $0xFFFFFB00  }
0x282: {  	_ =	swait.ge [sflag:s6], $0x500  }
0x283: {  	[sflag:s6] =	ssyncset.done $0x0  }
0x284: {  	[sflag:s6] =	ssyncadd.s32 $0xFFFFFB00  }
0x285: {  	_ =	swait.ge [sflag:s6], $0x500  }
0x286: {  	[sflag:s6] =	ssyncset.done $0x0  }
0x287: {  	[sflag:s6] =	ssyncadd.s32 $0xFFFFFB00  }
0x288: {  	_ =	swait.ge [sflag:s6], $0x500  }
0x289: {  	[sflag:s6] =	ssyncset.done $0x0  }
0x28a: {  	[sflag:s6] =	ssyncadd.s32 $0xFFFFFB00  }
0x28b: {  	_ =	swait.ge [sflag:s6], $0x500  }
0x28c: {  	[sflag:s6] =	ssyncset.done $0x0  }
0x28d: {  	[sflag:s6] =	ssyncadd.s32 $0xFFFFFB00  }
0x28e: {  	_ =	swait.ge [sflag:s6], $0x500  }
0x28f: {  	[sflag:s6] =	ssyncset.done $0x0  }
0x290: {  	[sflag:s6] =	ssyncadd.s32 $0xFFFFFB00  }
0x291: {  	_ =	swait.ge [sflag:s6], $0x500  }
0x292: {  	[sflag:s6] =	ssyncset.done $0x0  }
0x293: {  	[sflag:s6] =	ssyncadd.s32 $0xFFFFFB00  }
0x294: {  	_ =	swait.ge [sflag:s6], $0x500  }
0x295: {  	[sflag:s6] =	ssyncset.done $0x0  }
0x296: {  	[sflag:s6] =	ssyncadd.s32 $0xFFFFFB00  }
0x297: {  	_ =	swait.ge [sflag:s6], $0x500  }
0x298: {  	[sflag:s6] =	ssyncset.done $0x0  }
0x299: {  	[sflag:s6] =	ssyncadd.s32 $0xFFFFFB00  }
0x29a: {  	_ =	swait.ge [sflag:s6], $0x500  }
0x29b: {  	[sflag:s6] =	ssyncset.done $0x0  }
0x29c: {  	[sflag:s6] =	ssyncadd.s32 $0xFFFFFB00  }
0x29d: {  	_ =	swait.ge [sflag:s6], $0x500  }
0x29e: {  	[sflag:s6] =	ssyncset.done $0x0  }
0x29f: {  	[sflag:s6] =	ssyncadd.s32 $0xFFFFFB00  }
0x2a0: {  	_ =	swait.ge [sflag:s6], $0x500  }
0x2a1: {  	[sflag:s6] =	ssyncset.done $0x0  }
0x2a2: {  	[sflag:s6] =	ssyncadd.s32 $0xFFFFFB00  }
0x2a3: {  	_ =	swait.ge [sflag:s6], $0x500  }
0x2a4: {  	[sflag:s6] =	ssyncset.done $0x0  }
0x2a5: {  	[sflag:s6] =	ssyncadd.s32 $0xFFFFFB00  }
0x2a6: {  	_ =	swait.ge [sflag:s6], $0x500  }
0x2a7: {  	[sflag:s6] =	ssyncset.done $0x0  }
0x2a8: {  	[sflag:s6] =	ssyncadd.s32 $0xFFFFFB00  }
0x2a9: {  	_ =	swait.ge [sflag:s6], $0x500  }
0x2aa: {  	[sflag:s6] =	ssyncset.done $0x0  }
0x2ab: {  	[sflag:s6] =	ssyncadd.s32 $0xFFFFFB00  }
0x2ac: {  	_ =	swait.ge [sflag:s6], $0x500  }
0x2ad: {  	s10 =	simm.s32 $0x4;
	[sflag:s6] =	ssyncset.done $0x0  }
0x2ae: {  	s15 =	simm.s32 $0x0;
	s30 =	rddreg [dreg:$0x10];
	[sflag:s6] =	ssyncadd.s32 $0xFFFFFB00  }
0x2af: {  	[tilespmem:s5], [sflag:$0x3] =	stream.linear.gather [hbm4b:s30+s15], $0x7D00, $0x38;
	[tilespmem:$0x1D130] =	vst v63  }
0x2b0: {  	_ =	swait.ge [sflag:s10], $0x7D00  }
0x2b1: {  	[sflag:s10] =	ssyncset.done $0x0  }
0x2b2: {  	s31 =	simm.s32 $0x5EF0;
	s12 =	simm.s32 $0xFB30;
	[sflag:s10] =	ssyncadd.s32 $0xFFFF8300  }
0x2b3: {  	[spmem:s0] =	stream.indirect.scatter.add.f32 [tilespmem:s12], [sflag:$0x6], $0x10, s31, s4, $0xb8;
	[tilespmem:$0x1D130] =	vst v63  }
0x2b4: {  	s3 =	simm.s32 $0x5F40;
	s7 =	simm.s32 $0x10030  }
0x2b5: {  	[spmem:s0] =	stream.indirect.scatter.add.f32 [tilespmem:s7], [sflag:$0x6], $0x10, s3, s4, $0xb8;
	[tilespmem:$0x1D130] =	vst v63  }
0x2b6: {  	s9 =	simm.s32 $0x5F90;
	s7 =	simm.s32 $0x10530  }
0x2b7: {  	[spmem:s0] =	stream.indirect.scatter.add.f32 [tilespmem:s7], [sflag:$0x6], $0x10, s9, s4, $0xb8;
	[tilespmem:$0x1D130] =	vst v63  }
0x2b8: {  	s11 =	simm.s32 $0x5FE0;
	s9 =	simm.s32 $0x10A30  }
0x2b9: {  	[spmem:s0] =	stream.indirect.scatter.add.f32 [tilespmem:s9], [sflag:$0x6], $0x10, s11, s4, $0xb8;
	[tilespmem:$0x1D130] =	vst v63  }
0x2ba: {  	s13 =	simm.s32 $0x6030;
	s14 =	simm.s32 $0x10F30  }
0x2bb: {  	[spmem:s0] =	stream.indirect.scatter.add.f32 [tilespmem:s14], [sflag:$0x6], $0x10, s13, s4, $0xb8;
	[tilespmem:$0x1D130] =	vst v63  }
0x2bc: {  	s16 =	simm.s32 $0x6080;
	s13 =	simm.s32 $0x11430  }
0x2bd: {  	[spmem:s0] =	stream.indirect.scatter.add.f32 [tilespmem:s13], [sflag:$0x6], $0x10, s16, s4, $0xb8;
	[tilespmem:$0x1D130] =	vst v63  }
0x2be: {  	s17 =	simm.s32 $0x60D0;
	s14 =	simm.s32 $0x11930  }
0x2bf: {  	[spmem:s0] =	stream.indirect.scatter.add.f32 [tilespmem:s14], [sflag:$0x6], $0x10, s17, s4, $0xb8;
	[tilespmem:$0x1D130] =	vst v63  }
0x2c0: {  	s18 =	simm.s32 $0x6120;
	s16 =	simm.s32 $0x11E30  }
0x2c1: {  	[spmem:s0] =	stream.indirect.scatter.add.f32 [tilespmem:s16], [sflag:$0x6], $0x10, s18, s4, $0xb8;
	[tilespmem:$0x1D130] =	vst v63  }
0x2c2: {  	s19 =	simm.s32 $0x6170;
	s17 =	simm.s32 $0x12330  }
0x2c3: {  	[spmem:s0] =	stream.indirect.scatter.add.f32 [tilespmem:s17], [sflag:$0x6], $0x10, s19, s4, $0xb8;
	[tilespmem:$0x1D130] =	vst v63  }
0x2c4: {  	s20 =	simm.s32 $0x61C0;
	s18 =	simm.s32 $0x12830  }
0x2c5: {  	[spmem:s0] =	stream.indirect.scatter.add.f32 [tilespmem:s18], [sflag:$0x6], $0x10, s20, s4, $0xb8;
	[tilespmem:$0x1D130] =	vst v63  }
0x2c6: {  	s21 =	simm.s32 $0x6210;
	s19 =	simm.s32 $0x12D30  }
0x2c7: {  	[spmem:s0] =	stream.indirect.scatter.add.f32 [tilespmem:s19], [sflag:$0x6], $0x10, s21, s4, $0xb8;
	[tilespmem:$0x1D130] =	vst v63  }
0x2c8: {  	s22 =	simm.s32 $0x6260;
	s20 =	simm.s32 $0x13230  }
0x2c9: {  	[spmem:s0] =	stream.indirect.scatter.add.f32 [tilespmem:s20], [sflag:$0x6], $0x10, s22, s4, $0xb8;
	[tilespmem:$0x1D130] =	vst v63  }
0x2ca: {  	s23 =	simm.s32 $0x62B0;
	s21 =	simm.s32 $0x13730  }
0x2cb: {  	[spmem:s0] =	stream.indirect.scatter.add.f32 [tilespmem:s21], [sflag:$0x6], $0x10, s23, s4, $0xb8;
	[tilespmem:$0x1D130] =	vst v63  }
0x2cc: {  	s24 =	simm.s32 $0x6300;
	s22 =	simm.s32 $0x13C30  }
0x2cd: {  	[spmem:s0] =	stream.indirect.scatter.add.f32 [tilespmem:s22], [sflag:$0x6], $0x10, s24, s4, $0xb8;
	[tilespmem:$0x1D130] =	vst v63  }
0x2ce: {  	s25 =	simm.s32 $0x6350;
	s23 =	simm.s32 $0x14130  }
0x2cf: {  	[spmem:s0] =	stream.indirect.scatter.add.f32 [tilespmem:s23], [sflag:$0x6], $0x10, s25, s4, $0xb8;
	[tilespmem:$0x1D130] =	vst v63  }
0x2d0: {  	s26 =	simm.s32 $0x63A0;
	s24 =	simm.s32 $0x14630  }
0x2d1: {  	[spmem:s0] =	stream.indirect.scatter.add.f32 [tilespmem:s24], [sflag:$0x6], $0x10, s26, s4, $0xb8;
	[tilespmem:$0x1D130] =	vst v63  }
0x2d2: {  	s28 =	simm.s32 $0x63F0;
	s25 =	simm.s32 $0x14B30  }
0x2d3: {  	[spmem:s0] =	stream.indirect.scatter.add.f32 [tilespmem:s25], [sflag:$0x6], $0x10, s28, s4, $0xb8;
	[tilespmem:$0x1D130] =	vst v63  }
0x2d4: {  	s29 =	simm.s32 $0x6440;
	s26 =	simm.s32 $0x15030  }
0x2d5: {  	[spmem:s0] =	stream.indirect.scatter.add.f32 [tilespmem:s26], [sflag:$0x6], $0x10, s29, s4, $0xb8;
	[tilespmem:$0x1D130] =	vst v63  }
0x2d6: {  	s30 =	simm.s32 $0x6490;
	s28 =	simm.s32 $0x15530  }
0x2d7: {  	[spmem:s0] =	stream.indirect.scatter.add.f32 [tilespmem:s28], [sflag:$0x6], $0x10, s30, s4, $0xb8;
	[tilespmem:$0x1D130] =	vst v63  }
0x2d8: {  	s31 =	simm.s32 $0x64E0;
	s29 =	simm.s32 $0x15A30  }
0x2d9: {  	[spmem:s0] =	stream.indirect.scatter.add.f32 [tilespmem:s29], [sflag:$0x6], $0x10, s31, s4, $0xb8;
	[tilespmem:$0x1D130] =	vst v63  }
0x2da: {  	s3 =	simm.s32 $0x6530;
	s30 =	simm.s32 $0x15F30  }
0x2db: {  	[spmem:s0] =	stream.indirect.scatter.add.f32 [tilespmem:s30], [sflag:$0x6], $0x10, s3, s4, $0xb8;
	[tilespmem:$0x1D130] =	vst v63  }
0x2dc: {  	s11 =	simm.s32 $0x6580;
	s31 =	simm.s32 $0x16430  }
0x2dd: {  	[spmem:s0] =	stream.indirect.scatter.add.f32 [tilespmem:s31], [sflag:$0x6], $0x10, s11, s4, $0xb8;
	[tilespmem:$0x1D130] =	vst v63  }
0x2de: {  	s3 =	simm.s32 $0x65D0;
	s11 =	simm.s32 $0x16930  }
0x2df: {  	[spmem:s0] =	stream.indirect.scatter.add.f32 [tilespmem:s11], [sflag:$0x6], $0x10, s3, s4, $0xb8;
	[tilespmem:$0x1D130] =	vst v63  }
0x2e0: {  	s3 =	simm.s32 $0x6620;
	s11 =	simm.s32 $0x16E30  }
0x2e1: {  	[spmem:s0] =	stream.indirect.scatter.add.f32 [tilespmem:s11], [sflag:$0x6], $0x10, s3, s4, $0xb8;
	[tilespmem:$0x1D130] =	vst v63  }
0x2e2: {  	s3 =	simm.s32 $0x6670;
	s11 =	simm.s32 $0x17330  }
0x2e3: {  	[spmem:s0] =	stream.indirect.scatter.add.f32 [tilespmem:s11], [sflag:$0x6], $0x10, s3, s4, $0xb8;
	[tilespmem:$0x1D130] =	vst v63  }
0x2e4: {  	s11 =	simm.s32 $0x6  }
0x2e5: {  	_ =	swait.ge [sflag:s11], $0x500  }
0x2e6: {  	[sflag:s11] =	ssyncset.done $0x0  }
0x2e7: {  	[sflag:s11] =	ssyncadd.s32 $0xFFFFFB00  }
0x2e8: {  	_ =	swait.ge [sflag:s11], $0x500  }
0x2e9: {  	[sflag:s11] =	ssyncset.done $0x0  }
0x2ea: {  	[sflag:s11] =	ssyncadd.s32 $0xFFFFFB00  }
0x2eb: {  	_ =	swait.ge [sflag:s11], $0x500  }
0x2ec: {  	[sflag:s11] =	ssyncset.done $0x0  }
0x2ed: {  	[sflag:s11] =	ssyncadd.s32 $0xFFFFFB00  }
0x2ee: {  	_ =	swait.ge [sflag:s11], $0x500  }
0x2ef: {  	[sflag:s11] =	ssyncset.done $0x0  }
0x2f0: {  	[sflag:s11] =	ssyncadd.s32 $0xFFFFFB00  }
0x2f1: {  	_ =	swait.ge [sflag:s11], $0x500  }
0x2f2: {  	[sflag:s11] =	ssyncset.done $0x0  }
0x2f3: {  	[sflag:s11] =	ssyncadd.s32 $0xFFFFFB00  }
0x2f4: {  	_ =	swait.ge [sflag:s11], $0x500  }
0x2f5: {  	[sflag:s11] =	ssyncset.done $0x0  }
0x2f6: {  	[sflag:s11] =	ssyncadd.s32 $0xFFFFFB00  }
0x2f7: {  	_ =	swait.ge [sflag:s11], $0x500  }
0x2f8: {  	[sflag:s11] =	ssyncset.done $0x0  }
0x2f9: {  	[sflag:s11] =	ssyncadd.s32 $0xFFFFFB00  }
0x2fa: {  	_ =	swait.ge [sflag:s11], $0x500  }
0x2fb: {  	[sflag:s11] =	ssyncset.done $0x0  }
0x2fc: {  	[sflag:s11] =	ssyncadd.s32 $0xFFFFFB00  }
0x2fd: {  	_ =	swait.ge [sflag:s11], $0x500  }
0x2fe: {  	[sflag:s11] =	ssyncset.done $0x0  }
0x2ff: {  	[sflag:s11] =	ssyncadd.s32 $0xFFFFFB00  }
0x300: {  	_ =	swait.ge [sflag:s11], $0x500  }
0x301: {  	[sflag:s11] =	ssyncset.done $0x0  }
0x302: {  	[sflag:s11] =	ssyncadd.s32 $0xFFFFFB00  }
0x303: {  	_ =	swait.ge [sflag:s11], $0x500  }
0x304: {  	[sflag:s11] =	ssyncset.done $0x0  }
0x305: {  	[sflag:s11] =	ssyncadd.s32 $0xFFFFFB00  }
0x306: {  	_ =	swait.ge [sflag:s11], $0x500  }
0x307: {  	[sflag:s11] =	ssyncset.done $0x0  }
0x308: {  	[sflag:s11] =	ssyncadd.s32 $0xFFFFFB00  }
0x309: {  	_ =	swait.ge [sflag:s11], $0x500  }
0x30a: {  	[sflag:s11] =	ssyncset.done $0x0  }
0x30b: {  	[sflag:s11] =	ssyncadd.s32 $0xFFFFFB00  }
0x30c: {  	_ =	swait.ge [sflag:s11], $0x500  }
0x30d: {  	[sflag:s11] =	ssyncset.done $0x0  }
0x30e: {  	[sflag:s11] =	ssyncadd.s32 $0xFFFFFB00  }
0x30f: {  	_ =	swait.ge [sflag:s11], $0x500  }
0x310: {  	[sflag:s11] =	ssyncset.done $0x0  }
0x311: {  	[sflag:s11] =	ssyncadd.s32 $0xFFFFFB00  }
0x312: {  	_ =	swait.ge [sflag:s11], $0x500  }
0x313: {  	[sflag:s11] =	ssyncset.done $0x0  }
0x314: {  	[sflag:s11] =	ssyncadd.s32 $0xFFFFFB00  }
0x315: {  	_ =	swait.ge [sflag:s11], $0x500  }
0x316: {  	[sflag:s11] =	ssyncset.done $0x0  }
0x317: {  	[sflag:s11] =	ssyncadd.s32 $0xFFFFFB00  }
0x318: {  	_ =	swait.ge [sflag:s11], $0x500  }
0x319: {  	[sflag:s11] =	ssyncset.done $0x0  }
0x31a: {  	[sflag:s11] =	ssyncadd.s32 $0xFFFFFB00  }
0x31b: {  	_ =	swait.ge [sflag:s11], $0x500  }
0x31c: {  	[sflag:s11] =	ssyncset.done $0x0  }
0x31d: {  	[sflag:s11] =	ssyncadd.s32 $0xFFFFFB00  }
0x31e: {  	_ =	swait.ge [sflag:s11], $0x500  }
0x31f: {  	[sflag:s11] =	ssyncset.done $0x0  }
0x320: {  	[sflag:s11] =	ssyncadd.s32 $0xFFFFFB00  }
0x321: {  	_ =	swait.ge [sflag:s11], $0x500  }
0x322: {  	[sflag:s11] =	ssyncset.done $0x0  }
0x323: {  	[sflag:s11] =	ssyncadd.s32 $0xFFFFFB00  }
0x324: {  	_ =	swait.ge [sflag:s11], $0x500  }
0x325: {  	[sflag:s11] =	ssyncset.done $0x0  }
0x326: {  	[sflag:s11] =	ssyncadd.s32 $0xFFFFFB00  }
0x327: {  	_ =	swait.ge [sflag:s11], $0x500  }
0x328: {  	[sflag:s11] =	ssyncset.done $0x0  }
0x329: {  	[sflag:s11] =	ssyncadd.s32 $0xFFFFFB00  }
0x32a: {  	_ =	swait.ge [sflag:s11], $0x500  }
0x32b: {  	[sflag:s11] =	ssyncset.done $0x0  }
0x32c: {  	[sflag:s11] =	ssyncadd.s32 $0xFFFFFB00  }
0x32d: {  	_ =	swait.ge [sflag:s11], $0x500  }
0x32e: {  	[sflag:s11] =	ssyncset.done $0x0  }
0x32f: {  	s3 =	rddreg [dreg:$0x12];
	[sflag:s11] =	ssyncadd.s32 $0xFFFFFB00  }
0x330: {  	[tilespmem:s12], [sflag:$0x4] =	stream.linear.gather [hbm4b:s3+s15], $0x7D00, $0x38;
	[tilespmem:$0x1D130] =	vst v63  }
0x331: {  	_ =	swait.ge [sflag:s2], $0x7D00  }
0x332: {  	[sflag:s2] =	ssyncset.done $0x0  }
0x333: {  	s3 =	simm.s32 $0x66C0;
	[sflag:s2] =	ssyncadd.s32 $0xFFFF8300  }
0x334: {  	[spmem:s0] =	stream.indirect.scatter.add.f32 [tilespmem:s5], [sflag:$0x5], $0x10, s3, s4, $0xb8;
	[tilespmem:$0x1D130] =	vst v63  }
0x335: {  	s1 =	simm.s32 $0x6710;
	s3 =	simm.s32 $0x8330  }
0x336: {  	[spmem:s0] =	stream.indirect.scatter.add.f32 [tilespmem:s3], [sflag:$0x5], $0x10, s1, s4, $0xb8;
	[tilespmem:$0x1D130] =	vst v63  }
0x337: {  	s1 =	simm.s32 $0x6760;
	s3 =	simm.s32 $0x8830  }
0x338: {  	[spmem:s0] =	stream.indirect.scatter.add.f32 [tilespmem:s3], [sflag:$0x5], $0x10, s1, s4, $0xb8;
	[tilespmem:$0x1D130] =	vst v63  }
0x339: {  	s1 =	simm.s32 $0x67B0;
	s3 =	simm.s32 $0x8D30  }
0x33a: {  	[spmem:s0] =	stream.indirect.scatter.add.f32 [tilespmem:s3], [sflag:$0x5], $0x10, s1, s4, $0xb8;
	[tilespmem:$0x1D130] =	vst v63  }
0x33b: {  	s1 =	simm.s32 $0x6800;
	s3 =	simm.s32 $0x9230  }
0x33c: {  	[spmem:s0] =	stream.indirect.scatter.add.f32 [tilespmem:s3], [sflag:$0x5], $0x10, s1, s4, $0xb8;
	[tilespmem:$0x1D130] =	vst v63  }
0x33d: {  	s1 =	simm.s32 $0x6850;
	s3 =	simm.s32 $0x9730  }
0x33e: {  	[spmem:s0] =	stream.indirect.scatter.add.f32 [tilespmem:s3], [sflag:$0x5], $0x10, s1, s4, $0xb8;
	[tilespmem:$0x1D130] =	vst v63  }
0x33f: {  	s1 =	simm.s32 $0x68A0;
	s3 =	simm.s32 $0x9C30  }
0x340: {  	[spmem:s0] =	stream.indirect.scatter.add.f32 [tilespmem:s3], [sflag:$0x5], $0x10, s1, s4, $0xb8;
	[tilespmem:$0x1D130] =	vst v63  }
0x341: {  	s1 =	simm.s32 $0x68F0;
	s3 =	simm.s32 $0xA130  }
0x342: {  	[spmem:s0] =	stream.indirect.scatter.add.f32 [tilespmem:s3], [sflag:$0x5], $0x10, s1, s4, $0xb8;
	[tilespmem:$0x1D130] =	vst v63  }
0x343: {  	s1 =	simm.s32 $0x6940;
	s3 =	simm.s32 $0xA630  }
0x344: {  	[spmem:s0] =	stream.indirect.scatter.add.f32 [tilespmem:s3], [sflag:$0x5], $0x10, s1, s4, $0xb8;
	[tilespmem:$0x1D130] =	vst v63  }
0x345: {  	s1 =	simm.s32 $0x6990;
	s3 =	simm.s32 $0xAB30  }
0x346: {  	[spmem:s0] =	stream.indirect.scatter.add.f32 [tilespmem:s3], [sflag:$0x5], $0x10, s1, s4, $0xb8;
	[tilespmem:$0x1D130] =	vst v63  }
0x347: {  	s1 =	simm.s32 $0x69E0;
	s3 =	simm.s32 $0xB030  }
0x348: {  	[spmem:s0] =	stream.indirect.scatter.add.f32 [tilespmem:s3], [sflag:$0x5], $0x10, s1, s4, $0xb8;
	[tilespmem:$0x1D130] =	vst v63  }
0x349: {  	s1 =	simm.s32 $0x6A30;
	s3 =	simm.s32 $0xB530  }
0x34a: {  	[spmem:s0] =	stream.indirect.scatter.add.f32 [tilespmem:s3], [sflag:$0x5], $0x10, s1, s4, $0xb8;
	[tilespmem:$0x1D130] =	vst v63  }
0x34b: {  	s1 =	simm.s32 $0x6A80;
	s3 =	simm.s32 $0xBA30  }
0x34c: {  	[spmem:s0] =	stream.indirect.scatter.add.f32 [tilespmem:s3], [sflag:$0x5], $0x10, s1, s4, $0xb8;
	[tilespmem:$0x1D130] =	vst v63  }
0x34d: {  	s1 =	simm.s32 $0x6AD0;
	s3 =	simm.s32 $0xBF30  }
0x34e: {  	[spmem:s0] =	stream.indirect.scatter.add.f32 [tilespmem:s3], [sflag:$0x5], $0x10, s1, s4, $0xb8;
	[tilespmem:$0x1D130] =	vst v63  }
0x34f: {  	s1 =	simm.s32 $0x6B20;
	s3 =	simm.s32 $0xC430  }
0x350: {  	[spmem:s0] =	stream.indirect.scatter.add.f32 [tilespmem:s3], [sflag:$0x5], $0x10, s1, s4, $0xb8;
	[tilespmem:$0x1D130] =	vst v63  }
0x351: {  	s1 =	simm.s32 $0x6B70;
	s3 =	simm.s32 $0xC930  }
0x352: {  	[spmem:s0] =	stream.indirect.scatter.add.f32 [tilespmem:s3], [sflag:$0x5], $0x10, s1, s4, $0xb8;
	[tilespmem:$0x1D130] =	vst v63  }
0x353: {  	s1 =	simm.s32 $0x6BC0;
	s3 =	simm.s32 $0xCE30  }
0x354: {  	[spmem:s0] =	stream.indirect.scatter.add.f32 [tilespmem:s3], [sflag:$0x5], $0x10, s1, s4, $0xb8;
	[tilespmem:$0x1D130] =	vst v63  }
0x355: {  	s1 =	simm.s32 $0x6C10;
	s3 =	simm.s32 $0xD330  }
0x356: {  	[spmem:s0] =	stream.indirect.scatter.add.f32 [tilespmem:s3], [sflag:$0x5], $0x10, s1, s4, $0xb8;
	[tilespmem:$0x1D130] =	vst v63  }
0x357: {  	s1 =	simm.s32 $0x6C60;
	s3 =	simm.s32 $0xD830  }
0x358: {  	[spmem:s0] =	stream.indirect.scatter.add.f32 [tilespmem:s3], [sflag:$0x5], $0x10, s1, s4, $0xb8;
	[tilespmem:$0x1D130] =	vst v63  }
0x359: {  	s1 =	simm.s32 $0x6CB0;
	s3 =	simm.s32 $0xDD30  }
0x35a: {  	[spmem:s0] =	stream.indirect.scatter.add.f32 [tilespmem:s3], [sflag:$0x5], $0x10, s1, s4, $0xb8;
	[tilespmem:$0x1D130] =	vst v63  }
0x35b: {  	s1 =	simm.s32 $0x6D00;
	s3 =	simm.s32 $0xE230  }
0x35c: {  	[spmem:s0] =	stream.indirect.scatter.add.f32 [tilespmem:s3], [sflag:$0x5], $0x10, s1, s4, $0xb8;
	[tilespmem:$0x1D130] =	vst v63  }
0x35d: {  	s1 =	simm.s32 $0x6D50;
	s3 =	simm.s32 $0xE730  }
0x35e: {  	[spmem:s0] =	stream.indirect.scatter.add.f32 [tilespmem:s3], [sflag:$0x5], $0x10, s1, s4, $0xb8;
	[tilespmem:$0x1D130] =	vst v63  }
0x35f: {  	s1 =	simm.s32 $0x6DA0;
	s3 =	simm.s32 $0xEC30  }
0x360: {  	[spmem:s0] =	stream.indirect.scatter.add.f32 [tilespmem:s3], [sflag:$0x5], $0x10, s1, s4, $0xb8;
	[tilespmem:$0x1D130] =	vst v63  }
0x361: {  	s1 =	simm.s32 $0x6DF0;
	s3 =	simm.s32 $0xF130  }
0x362: {  	[spmem:s0] =	stream.indirect.scatter.add.f32 [tilespmem:s3], [sflag:$0x5], $0x10, s1, s4, $0xb8;
	[tilespmem:$0x1D130] =	vst v63  }
0x363: {  	s1 =	simm.s32 $0x6E40;
	s3 =	simm.s32 $0xF630  }
0x364: {  	[spmem:s0] =	stream.indirect.scatter.add.f32 [tilespmem:s3], [sflag:$0x5], $0x10, s1, s4, $0xb8;
	[tilespmem:$0x1D130] =	vst v63  }
0x365: {  	_ =	swait.ge [sflag:s6], $0x500  }
0x366: {  	[sflag:s6] =	ssyncset.done $0x0  }
0x367: {  	[sflag:s6] =	ssyncadd.s32 $0xFFFFFB00  }
0x368: {  	_ =	swait.ge [sflag:s6], $0x500  }
0x369: {  	[sflag:s6] =	ssyncset.done $0x0  }
0x36a: {  	[sflag:s6] =	ssyncadd.s32 $0xFFFFFB00  }
0x36b: {  	_ =	swait.ge [sflag:s6], $0x500  }
0x36c: {  	[sflag:s6] =	ssyncset.done $0x0  }
0x36d: {  	[sflag:s6] =	ssyncadd.s32 $0xFFFFFB00  }
0x36e: {  	_ =	swait.ge [sflag:s6], $0x500  }
0x36f: {  	[sflag:s6] =	ssyncset.done $0x0  }
0x370: {  	[sflag:s6] =	ssyncadd.s32 $0xFFFFFB00  }
0x371: {  	_ =	swait.ge [sflag:s6], $0x500  }
0x372: {  	[sflag:s6] =	ssyncset.done $0x0  }
0x373: {  	[sflag:s6] =	ssyncadd.s32 $0xFFFFFB00  }
0x374: {  	_ =	swait.ge [sflag:s6], $0x500  }
0x375: {  	[sflag:s6] =	ssyncset.done $0x0  }
0x376: {  	[sflag:s6] =	ssyncadd.s32 $0xFFFFFB00  }
0x377: {  	_ =	swait.ge [sflag:s6], $0x500  }
0x378: {  	[sflag:s6] =	ssyncset.done $0x0  }
0x379: {  	[sflag:s6] =	ssyncadd.s32 $0xFFFFFB00  }
0x37a: {  	_ =	swait.ge [sflag:s6], $0x500  }
0x37b: {  	[sflag:s6] =	ssyncset.done $0x0  }
0x37c: {  	[sflag:s6] =	ssyncadd.s32 $0xFFFFFB00  }
0x37d: {  	_ =	swait.ge [sflag:s6], $0x500  }
0x37e: {  	[sflag:s6] =	ssyncset.done $0x0  }
0x37f: {  	[sflag:s6] =	ssyncadd.s32 $0xFFFFFB00  }
0x380: {  	_ =	swait.ge [sflag:s6], $0x500  }
0x381: {  	[sflag:s6] =	ssyncset.done $0x0  }
0x382: {  	[sflag:s6] =	ssyncadd.s32 $0xFFFFFB00  }
0x383: {  	_ =	swait.ge [sflag:s6], $0x500  }
0x384: {  	[sflag:s6] =	ssyncset.done $0x0  }
0x385: {  	[sflag:s6] =	ssyncadd.s32 $0xFFFFFB00  }
0x386: {  	_ =	swait.ge [sflag:s6], $0x500  }
0x387: {  	[sflag:s6] =	ssyncset.done $0x0  }
0x388: {  	[sflag:s6] =	ssyncadd.s32 $0xFFFFFB00  }
0x389: {  	_ =	swait.ge [sflag:s6], $0x500  }
0x38a: {  	[sflag:s6] =	ssyncset.done $0x0  }
0x38b: {  	[sflag:s6] =	ssyncadd.s32 $0xFFFFFB00  }
0x38c: {  	_ =	swait.ge [sflag:s6], $0x500  }
0x38d: {  	[sflag:s6] =	ssyncset.done $0x0  }
0x38e: {  	[sflag:s6] =	ssyncadd.s32 $0xFFFFFB00  }
0x38f: {  	_ =	swait.ge [sflag:s6], $0x500  }
0x390: {  	[sflag:s6] =	ssyncset.done $0x0  }
0x391: {  	[sflag:s6] =	ssyncadd.s32 $0xFFFFFB00  }
0x392: {  	_ =	swait.ge [sflag:s6], $0x500  }
0x393: {  	[sflag:s6] =	ssyncset.done $0x0  }
0x394: {  	[sflag:s6] =	ssyncadd.s32 $0xFFFFFB00  }
0x395: {  	_ =	swait.ge [sflag:s6], $0x500  }
0x396: {  	[sflag:s6] =	ssyncset.done $0x0  }
0x397: {  	[sflag:s6] =	ssyncadd.s32 $0xFFFFFB00  }
0x398: {  	_ =	swait.ge [sflag:s6], $0x500  }
0x399: {  	[sflag:s6] =	ssyncset.done $0x0  }
0x39a: {  	[sflag:s6] =	ssyncadd.s32 $0xFFFFFB00  }
0x39b: {  	_ =	swait.ge [sflag:s6], $0x500  }
0x39c: {  	[sflag:s6] =	ssyncset.done $0x0  }
0x39d: {  	[sflag:s6] =	ssyncadd.s32 $0xFFFFFB00  }
0x39e: {  	_ =	swait.ge [sflag:s6], $0x500  }
0x39f: {  	[sflag:s6] =	ssyncset.done $0x0  }
0x3a0: {  	[sflag:s6] =	ssyncadd.s32 $0xFFFFFB00  }
0x3a1: {  	_ =	swait.ge [sflag:s6], $0x500  }
0x3a2: {  	[sflag:s6] =	ssyncset.done $0x0  }
0x3a3: {  	[sflag:s6] =	ssyncadd.s32 $0xFFFFFB00  }
0x3a4: {  	_ =	swait.ge [sflag:s6], $0x500  }
0x3a5: {  	[sflag:s6] =	ssyncset.done $0x0  }
0x3a6: {  	[sflag:s6] =	ssyncadd.s32 $0xFFFFFB00  }
0x3a7: {  	_ =	swait.ge [sflag:s6], $0x500  }
0x3a8: {  	[sflag:s6] =	ssyncset.done $0x0  }
0x3a9: {  	[sflag:s6] =	ssyncadd.s32 $0xFFFFFB00  }
0x3aa: {  	_ =	swait.ge [sflag:s6], $0x500  }
0x3ab: {  	[sflag:s6] =	ssyncset.done $0x0  }
0x3ac: {  	[sflag:s6] =	ssyncadd.s32 $0xFFFFFB00  }
0x3ad: {  	_ =	swait.ge [sflag:s6], $0x500  }
0x3ae: {  	[sflag:s6] =	ssyncset.done $0x0  }
0x3af: {  	s3 =	rddreg [dreg:$0x13];
	[sflag:s6] =	ssyncadd.s32 $0xFFFFFB00  }
0x3b0: {  	[tilespmem:s5], [sflag:$0x3] =	stream.linear.gather [hbm4b:s3+s15], $0x7D00, $0x38;
	[tilespmem:$0x1D130] =	vst v63  }
0x3b1: {  	_ =	swait.ge [sflag:s10], $0x7D00  }
0x3b2: {  	[sflag:s10] =	ssyncset.done $0x0  }
0x3b3: {  	[sflag:s10] =	ssyncadd.s32 $0xFFFF8300;
	s10 =	simm.s32 $0x6E90  }
0x3b4: {  	[spmem:s0] =	stream.indirect.scatter.add.f32 [tilespmem:s12], [sflag:$0x6], $0x10, s10, s4, $0xb8;
	[tilespmem:$0x1D130] =	vst v63  }
0x3b5: {  	s3 =	simm.s32 $0x6EE0;
	s10 =	simm.s32 $0x10030  }
0x3b6: {  	[spmem:s0] =	stream.indirect.scatter.add.f32 [tilespmem:s10], [sflag:$0x6], $0x10, s3, s4, $0xb8;
	[tilespmem:$0x1D130] =	vst v63  }
0x3b7: {  	s3 =	simm.s32 $0x6F30  }
0x3b8: {  	[spmem:s0] =	stream.indirect.scatter.add.f32 [tilespmem:s7], [sflag:$0x6], $0x10, s3, s4, $0xb8;
	[tilespmem:$0x1D130] =	vst v63  }
0x3b9: {  	s7 =	simm.s32 $0x6F80  }
0x3ba: {  	[spmem:s0] =	stream.indirect.scatter.add.f32 [tilespmem:s9], [sflag:$0x6], $0x10, s7, s4, $0xb8;
	[tilespmem:$0x1D130] =	vst v63  }
0x3bb: {  	s10 =	simm.s32 $0x10F30;
	s9 =	simm.s32 $0x6FD0  }
0x3bc: {  	[spmem:s0] =	stream.indirect.scatter.add.f32 [tilespmem:s10], [sflag:$0x6], $0x10, s9, s4, $0xb8;
	[tilespmem:$0x1D130] =	vst v63  }
0x3bd: {  	s3 =	simm.s32 $0x7020  }
0x3be: {  	[spmem:s0] =	stream.indirect.scatter.add.f32 [tilespmem:s13], [sflag:$0x6], $0x10, s3, s4, $0xb8;
	[tilespmem:$0x1D130] =	vst v63  }
0x3bf: {  	s7 =	simm.s32 $0x7070  }
0x3c0: {  	[spmem:s0] =	stream.indirect.scatter.add.f32 [tilespmem:s14], [sflag:$0x6], $0x10, s7, s4, $0xb8;
	[tilespmem:$0x1D130] =	vst v63  }
0x3c1: {  	s9 =	simm.s32 $0x70C0  }
0x3c2: {  	[spmem:s0] =	stream.indirect.scatter.add.f32 [tilespmem:s16], [sflag:$0x6], $0x10, s9, s4, $0xb8;
	[tilespmem:$0x1D130] =	vst v63  }
0x3c3: {  	s10 =	simm.s32 $0x7110  }
0x3c4: {  	[spmem:s0] =	stream.indirect.scatter.add.f32 [tilespmem:s17], [sflag:$0x6], $0x10, s10, s4, $0xb8;
	[tilespmem:$0x1D130] =	vst v63  }
0x3c5: {  	s13 =	simm.s32 $0x7160  }
0x3c6: {  	[spmem:s0] =	stream.indirect.scatter.add.f32 [tilespmem:s18], [sflag:$0x6], $0x10, s13, s4, $0xb8;
	[tilespmem:$0x1D130] =	vst v63  }
0x3c7: {  	s14 =	simm.s32 $0x71B0  }
0x3c8: {  	[spmem:s0] =	stream.indirect.scatter.add.f32 [tilespmem:s19], [sflag:$0x6], $0x10, s14, s4, $0xb8;
	[tilespmem:$0x1D130] =	vst v63  }
0x3c9: {  	s16 =	simm.s32 $0x7200  }
0x3ca: {  	[spmem:s0] =	stream.indirect.scatter.add.f32 [tilespmem:s20], [sflag:$0x6], $0x10, s16, s4, $0xb8;
	[tilespmem:$0x1D130] =	vst v63  }
0x3cb: {  	s17 =	simm.s32 $0x7250  }
0x3cc: {  	[spmem:s0] =	stream.indirect.scatter.add.f32 [tilespmem:s21], [sflag:$0x6], $0x10, s17, s4, $0xb8;
	[tilespmem:$0x1D130] =	vst v63  }
0x3cd: {  	s18 =	simm.s32 $0x72A0  }
0x3ce: {  	[spmem:s0] =	stream.indirect.scatter.add.f32 [tilespmem:s22], [sflag:$0x6], $0x10, s18, s4, $0xb8;
	[tilespmem:$0x1D130] =	vst v63  }
0x3cf: {  	s19 =	simm.s32 $0x72F0  }
0x3d0: {  	[spmem:s0] =	stream.indirect.scatter.add.f32 [tilespmem:s23], [sflag:$0x6], $0x10, s19, s4, $0xb8;
	[tilespmem:$0x1D130] =	vst v63  }
0x3d1: {  	s20 =	simm.s32 $0x7340  }
0x3d2: {  	[spmem:s0] =	stream.indirect.scatter.add.f32 [tilespmem:s24], [sflag:$0x6], $0x10, s20, s4, $0xb8;
	[tilespmem:$0x1D130] =	vst v63  }
0x3d3: {  	s21 =	simm.s32 $0x7390  }
0x3d4: {  	[spmem:s0] =	stream.indirect.scatter.add.f32 [tilespmem:s25], [sflag:$0x6], $0x10, s21, s4, $0xb8;
	[tilespmem:$0x1D130] =	vst v63  }
0x3d5: {  	s22 =	simm.s32 $0x73E0  }
0x3d6: {  	[spmem:s0] =	stream.indirect.scatter.add.f32 [tilespmem:s26], [sflag:$0x6], $0x10, s22, s4, $0xb8;
	[tilespmem:$0x1D130] =	vst v63  }
0x3d7: {  	s23 =	simm.s32 $0x7430  }
0x3d8: {  	[spmem:s0] =	stream.indirect.scatter.add.f32 [tilespmem:s28], [sflag:$0x6], $0x10, s23, s4, $0xb8;
	[tilespmem:$0x1D130] =	vst v63  }
0x3d9: {  	s24 =	simm.s32 $0x7480  }
0x3da: {  	[spmem:s0] =	stream.indirect.scatter.add.f32 [tilespmem:s29], [sflag:$0x6], $0x10, s24, s4, $0xb8;
	[tilespmem:$0x1D130] =	vst v63  }
0x3db: {  	s25 =	simm.s32 $0x74D0  }
0x3dc: {  	[spmem:s0] =	stream.indirect.scatter.add.f32 [tilespmem:s30], [sflag:$0x6], $0x10, s25, s4, $0xb8;
	[tilespmem:$0x1D130] =	vst v63  }
0x3dd: {  	s26 =	simm.s32 $0x7520  }
0x3de: {  	[spmem:s0] =	stream.indirect.scatter.add.f32 [tilespmem:s31], [sflag:$0x6], $0x10, s26, s4, $0xb8;
	[tilespmem:$0x1D130] =	vst v63  }
0x3df: {  	s28 =	simm.s32 $0x7570;
	s29 =	simm.s32 $0x16930  }
0x3e0: {  	[spmem:s0] =	stream.indirect.scatter.add.f32 [tilespmem:s29], [sflag:$0x6], $0x10, s28, s4, $0xb8;
	[tilespmem:$0x1D130] =	vst v63  }
0x3e1: {  	s30 =	simm.s32 $0x75C0;
	s31 =	simm.s32 $0x16E30  }
0x3e2: {  	[spmem:s0] =	stream.indirect.scatter.add.f32 [tilespmem:s31], [sflag:$0x6], $0x10, s30, s4, $0xb8;
	[tilespmem:$0x1D130] =	vst v63  }
0x3e3: {  	s7 =	simm.s32 $0x7610;
	s9 =	simm.s32 $0x17330  }
0x3e4: {  	[spmem:s0] =	stream.indirect.scatter.add.f32 [tilespmem:s9], [sflag:$0x6], $0x10, s7, s4, $0xb8;
	[tilespmem:$0x1D130] =	vst v63  }
0x3e5: {  	_ =	swait.ge [sflag:s11], $0x500  }
0x3e6: {  	[sflag:s11] =	ssyncset.done $0x0  }
0x3e7: {  	[sflag:s11] =	ssyncadd.s32 $0xFFFFFB00  }
0x3e8: {  	_ =	swait.ge [sflag:s11], $0x500  }
0x3e9: {  	[sflag:s11] =	ssyncset.done $0x0  }
0x3ea: {  	[sflag:s11] =	ssyncadd.s32 $0xFFFFFB00  }
0x3eb: {  	_ =	swait.ge [sflag:s11], $0x500  }
0x3ec: {  	[sflag:s11] =	ssyncset.done $0x0  }
0x3ed: {  	[sflag:s11] =	ssyncadd.s32 $0xFFFFFB00  }
0x3ee: {  	_ =	swait.ge [sflag:s11], $0x500  }
0x3ef: {  	[sflag:s11] =	ssyncset.done $0x0  }
0x3f0: {  	[sflag:s11] =	ssyncadd.s32 $0xFFFFFB00  }
0x3f1: {  	_ =	swait.ge [sflag:s11], $0x500  }
0x3f2: {  	[sflag:s11] =	ssyncset.done $0x0  }
0x3f3: {  	[sflag:s11] =	ssyncadd.s32 $0xFFFFFB00  }
0x3f4: {  	_ =	swait.ge [sflag:s11], $0x500  }
0x3f5: {  	[sflag:s11] =	ssyncset.done $0x0  }
0x3f6: {  	[sflag:s11] =	ssyncadd.s32 $0xFFFFFB00  }
0x3f7: {  	_ =	swait.ge [sflag:s11], $0x500  }
0x3f8: {  	[sflag:s11] =	ssyncset.done $0x0  }
0x3f9: {  	[sflag:s11] =	ssyncadd.s32 $0xFFFFFB00  }
0x3fa: {  	_ =	swait.ge [sflag:s11], $0x500  }
0x3fb: {  	[sflag:s11] =	ssyncset.done $0x0  }
0x3fc: {  	[sflag:s11] =	ssyncadd.s32 $0xFFFFFB00  }
0x3fd: {  	_ =	swait.ge [sflag:s11], $0x500  }
0x3fe: {  	[sflag:s11] =	ssyncset.done $0x0  }
0x3ff: {  	[sflag:s11] =	ssyncadd.s32 $0xFFFFFB00  }
0x400: {  	_ =	swait.ge [sflag:s11], $0x500  }
0x401: {  	[sflag:s11] =	ssyncset.done $0x0  }
0x402: {  	[sflag:s11] =	ssyncadd.s32 $0xFFFFFB00  }
0x403: {  	_ =	swait.ge [sflag:s11], $0x500  }
0x404: {  	[sflag:s11] =	ssyncset.done $0x0  }
0x405: {  	[sflag:s11] =	ssyncadd.s32 $0xFFFFFB00  }
0x406: {  	_ =	swait.ge [sflag:s11], $0x500  }
0x407: {  	[sflag:s11] =	ssyncset.done $0x0  }
0x408: {  	[sflag:s11] =	ssyncadd.s32 $0xFFFFFB00  }
0x409: {  	_ =	swait.ge [sflag:s11], $0x500  }
0x40a: {  	[sflag:s11] =	ssyncset.done $0x0  }
0x40b: {  	[sflag:s11] =	ssyncadd.s32 $0xFFFFFB00  }
0x40c: {  	_ =	swait.ge [sflag:s11], $0x500  }
0x40d: {  	[sflag:s11] =	ssyncset.done $0x0  }
0x40e: {  	[sflag:s11] =	ssyncadd.s32 $0xFFFFFB00  }
0x40f: {  	_ =	swait.ge [sflag:s11], $0x500  }
0x410: {  	[sflag:s11] =	ssyncset.done $0x0  }
0x411: {  	[sflag:s11] =	ssyncadd.s32 $0xFFFFFB00  }
0x412: {  	_ =	swait.ge [sflag:s11], $0x500  }
0x413: {  	[sflag:s11] =	ssyncset.done $0x0  }
0x414: {  	[sflag:s11] =	ssyncadd.s32 $0xFFFFFB00  }
0x415: {  	_ =	swait.ge [sflag:s11], $0x500  }
0x416: {  	[sflag:s11] =	ssyncset.done $0x0  }
0x417: {  	[sflag:s11] =	ssyncadd.s32 $0xFFFFFB00  }
0x418: {  	_ =	swait.ge [sflag:s11], $0x500  }
0x419: {  	[sflag:s11] =	ssyncset.done $0x0  }
0x41a: {  	[sflag:s11] =	ssyncadd.s32 $0xFFFFFB00  }
0x41b: {  	_ =	swait.ge [sflag:s11], $0x500  }
0x41c: {  	[sflag:s11] =	ssyncset.done $0x0  }
0x41d: {  	[sflag:s11] =	ssyncadd.s32 $0xFFFFFB00  }
0x41e: {  	_ =	swait.ge [sflag:s11], $0x500  }
0x41f: {  	[sflag:s11] =	ssyncset.done $0x0  }
0x420: {  	[sflag:s11] =	ssyncadd.s32 $0xFFFFFB00  }
0x421: {  	_ =	swait.ge [sflag:s11], $0x500  }
0x422: {  	[sflag:s11] =	ssyncset.done $0x0  }
0x423: {  	[sflag:s11] =	ssyncadd.s32 $0xFFFFFB00  }
0x424: {  	_ =	swait.ge [sflag:s11], $0x500  }
0x425: {  	[sflag:s11] =	ssyncset.done $0x0  }
0x426: {  	[sflag:s11] =	ssyncadd.s32 $0xFFFFFB00  }
0x427: {  	_ =	swait.ge [sflag:s11], $0x500  }
0x428: {  	[sflag:s11] =	ssyncset.done $0x0  }
0x429: {  	[sflag:s11] =	ssyncadd.s32 $0xFFFFFB00  }
0x42a: {  	_ =	swait.ge [sflag:s11], $0x500  }
0x42b: {  	[sflag:s11] =	ssyncset.done $0x0  }
0x42c: {  	[sflag:s11] =	ssyncadd.s32 $0xFFFFFB00  }
0x42d: {  	_ =	swait.ge [sflag:s11], $0x500  }
0x42e: {  	[sflag:s11] =	ssyncset.done $0x0  }
0x42f: {  	[sflag:s11] =	ssyncadd.s32 $0xFFFFFB00  }
0x430: {  	_ =	swait.ge [sflag:s2], $0x7D00  }
0x431: {  	[sflag:s2] =	ssyncset.done $0x0  }
0x432: {  	s10 =	simm.s32 $0x7660;
	[sflag:s2] =	ssyncadd.s32 $0xFFFF8300  }
0x433: {  	[spmem:s0] =	stream.indirect.scatter.add.f32 [tilespmem:s5], [sflag:$0x5], $0x10, s10, s4, $0xb8;
	[tilespmem:$0x1D130] =	vst v63  }
0x434: {  	s13 =	simm.s32 $0x8330;
	s11 =	simm.s32 $0x76B0  }
0x435: {  	[spmem:s0] =	stream.indirect.scatter.add.f32 [tilespmem:s13], [sflag:$0x5], $0x10, s11, s4, $0xb8;
	[tilespmem:$0x1D130] =	vst v63  }
0x436: {  	s14 =	simm.s32 $0x7700;
	s16 =	simm.s32 $0x8830  }
0x437: {  	[spmem:s0] =	stream.indirect.scatter.add.f32 [tilespmem:s16], [sflag:$0x5], $0x10, s14, s4, $0xb8;
	[tilespmem:$0x1D130] =	vst v63  }
0x438: {  	s17 =	simm.s32 $0x7750;
	s18 =	simm.s32 $0x8D30  }
0x439: {  	[spmem:s0] =	stream.indirect.scatter.add.f32 [tilespmem:s18], [sflag:$0x5], $0x10, s17, s4, $0xb8;
	[tilespmem:$0x1D130] =	vst v63  }
0x43a: {  	s19 =	simm.s32 $0x77A0;
	s20 =	simm.s32 $0x9230  }
0x43b: {  	[spmem:s0] =	stream.indirect.scatter.add.f32 [tilespmem:s20], [sflag:$0x5], $0x10, s19, s4, $0xb8;
	[tilespmem:$0x1D130] =	vst v63  }
0x43c: {  	s21 =	simm.s32 $0x77F0;
	s22 =	simm.s32 $0x9730  }
0x43d: {  	[spmem:s0] =	stream.indirect.scatter.add.f32 [tilespmem:s22], [sflag:$0x5], $0x10, s21, s4, $0xb8;
	[tilespmem:$0x1D130] =	vst v63  }
0x43e: {  	s23 =	simm.s32 $0x7840;
	s24 =	simm.s32 $0x9C30  }
0x43f: {  	[spmem:s0] =	stream.indirect.scatter.add.f32 [tilespmem:s24], [sflag:$0x5], $0x10, s23, s4, $0xb8;
	[tilespmem:$0x1D130] =	vst v63  }
0x440: {  	s25 =	simm.s32 $0x7890;
	s26 =	simm.s32 $0xA130  }
0x441: {  	[spmem:s0] =	stream.indirect.scatter.add.f32 [tilespmem:s26], [sflag:$0x5], $0x10, s25, s4, $0xb8;
	[tilespmem:$0x1D130] =	vst v63  }
0x442: {  	s28 =	simm.s32 $0x78E0;
	s29 =	simm.s32 $0xA630  }
0x443: {  	[spmem:s0] =	stream.indirect.scatter.add.f32 [tilespmem:s29], [sflag:$0x5], $0x10, s28, s4, $0xb8;
	[tilespmem:$0x1D130] =	vst v63  }
0x444: {  	s30 =	simm.s32 $0x7930;
	s31 =	simm.s32 $0xAB30  }
0x445: {  	[spmem:s0] =	stream.indirect.scatter.add.f32 [tilespmem:s31], [sflag:$0x5], $0x10, s30, s4, $0xb8;
	[tilespmem:$0x1D130] =	vst v63  }
0x446: {  	s3 =	simm.s32 $0x7980;
	s7 =	simm.s32 $0xB030  }
0x447: {  	[spmem:s0] =	stream.indirect.scatter.add.f32 [tilespmem:s7], [sflag:$0x5], $0x10, s3, s4, $0xb8;
	[tilespmem:$0x1D130] =	vst v63  }
0x448: {  	s9 =	simm.s32 $0x79D0;
	s10 =	simm.s32 $0xB530  }
0x449: {  	[spmem:s0] =	stream.indirect.scatter.add.f32 [tilespmem:s10], [sflag:$0x5], $0x10, s9, s4, $0xb8;
	[tilespmem:$0x1D130] =	vst v63  }
0x44a: {  	s11 =	simm.s32 $0x7A20;
	s13 =	simm.s32 $0xBA30  }
0x44b: {  	[spmem:s0] =	stream.indirect.scatter.add.f32 [tilespmem:s13], [sflag:$0x5], $0x10, s11, s4, $0xb8;
	[tilespmem:$0x1D130] =	vst v63  }
0x44c: {  	s14 =	simm.s32 $0x7A70;
	s16 =	simm.s32 $0xBF30  }
0x44d: {  	[spmem:s0] =	stream.indirect.scatter.add.f32 [tilespmem:s16], [sflag:$0x5], $0x10, s14, s4, $0xb8;
	[tilespmem:$0x1D130] =	vst v63  }
0x44e: {  	s17 =	simm.s32 $0x7AC0;
	s18 =	simm.s32 $0xC430  }
0x44f: {  	[spmem:s0] =	stream.indirect.scatter.add.f32 [tilespmem:s18], [sflag:$0x5], $0x10, s17, s4, $0xb8;
	[tilespmem:$0x1D130] =	vst v63  }
0x450: {  	s19 =	simm.s32 $0x7B10;
	s20 =	simm.s32 $0xC930  }
0x451: {  	[spmem:s0] =	stream.indirect.scatter.add.f32 [tilespmem:s20], [sflag:$0x5], $0x10, s19, s4, $0xb8;
	[tilespmem:$0x1D130] =	vst v63  }
0x452: {  	s21 =	simm.s32 $0x7B60;
	s22 =	simm.s32 $0xCE30  }
0x453: {  	[spmem:s0] =	stream.indirect.scatter.add.f32 [tilespmem:s22], [sflag:$0x5], $0x10, s21, s4, $0xb8;
	[tilespmem:$0x1D130] =	vst v63  }
0x454: {  	s23 =	simm.s32 $0x7BB0;
	s24 =	simm.s32 $0xD330  }
0x455: {  	[spmem:s0] =	stream.indirect.scatter.add.f32 [tilespmem:s24], [sflag:$0x5], $0x10, s23, s4, $0xb8;
	[tilespmem:$0x1D130] =	vst v63  }
0x456: {  	s25 =	simm.s32 $0x7C00;
	s26 =	simm.s32 $0xD830  }
0x457: {  	[spmem:s0] =	stream.indirect.scatter.add.f32 [tilespmem:s26], [sflag:$0x5], $0x10, s25, s4, $0xb8;
	[tilespmem:$0x1D130] =	vst v63  }
0x458: {  	s28 =	simm.s32 $0x7C50;
	s29 =	simm.s32 $0xDD30  }
0x459: {  	[spmem:s0] =	stream.indirect.scatter.add.f32 [tilespmem:s29], [sflag:$0x5], $0x10, s28, s4, $0xb8;
	[tilespmem:$0x1D130] =	vst v63  }
0x45a: {  	s30 =	simm.s32 $0x7CA0;
	s31 =	simm.s32 $0xE230  }
0x45b: {  	[spmem:s0] =	stream.indirect.scatter.add.f32 [tilespmem:s31], [sflag:$0x5], $0x10, s30, s4, $0xb8;
	[tilespmem:$0x1D130] =	vst v63  }
0x45c: {  	s3 =	simm.s32 $0x7CF0;
	s7 =	simm.s32 $0xE730  }
0x45d: {  	[spmem:s0] =	stream.indirect.scatter.add.f32 [tilespmem:s7], [sflag:$0x5], $0x10, s3, s4, $0xb8;
	[tilespmem:$0x1D130] =	vst v63  }
0x45e: {  	s9 =	simm.s32 $0x7D40;
	s10 =	simm.s32 $0xEC30  }
0x45f: {  	[spmem:s0] =	stream.indirect.scatter.add.f32 [tilespmem:s10], [sflag:$0x5], $0x10, s9, s4, $0xb8;
	[tilespmem:$0x1D130] =	vst v63  }
0x460: {  	s11 =	simm.s32 $0x7D90;
	s13 =	simm.s32 $0xF130  }
0x461: {  	[spmem:s0] =	stream.indirect.scatter.add.f32 [tilespmem:s13], [sflag:$0x5], $0x10, s11, s4, $0xb8;
	[tilespmem:$0x1D130] =	vst v63  }
0x462: {  	s14 =	simm.s32 $0x7DE0;
	s16 =	simm.s32 $0xF630  }
0x463: {  	[spmem:s0] =	stream.indirect.scatter.add.f32 [tilespmem:s16], [sflag:$0x5], $0x10, s14, s4, $0xb8;
	[tilespmem:$0x1D130] =	vst v63  }
0x464: {  	_ =	swait.ge [sflag:s6], $0x500  }
0x465: {  	[sflag:s6] =	ssyncset.done $0x0  }
0x466: {  	[sflag:s6] =	ssyncadd.s32 $0xFFFFFB00  }
0x467: {  	_ =	swait.ge [sflag:s6], $0x500  }
0x468: {  	[sflag:s6] =	ssyncset.done $0x0  }
0x469: {  	[sflag:s6] =	ssyncadd.s32 $0xFFFFFB00  }
0x46a: {  	_ =	swait.ge [sflag:s6], $0x500  }
0x46b: {  	[sflag:s6] =	ssyncset.done $0x0  }
0x46c: {  	[sflag:s6] =	ssyncadd.s32 $0xFFFFFB00  }
0x46d: {  	_ =	swait.ge [sflag:s6], $0x500  }
0x46e: {  	[sflag:s6] =	ssyncset.done $0x0  }
0x46f: {  	[sflag:s6] =	ssyncadd.s32 $0xFFFFFB00  }
0x470: {  	_ =	swait.ge [sflag:s6], $0x500  }
0x471: {  	[sflag:s6] =	ssyncset.done $0x0  }
0x472: {  	[sflag:s6] =	ssyncadd.s32 $0xFFFFFB00  }
0x473: {  	_ =	swait.ge [sflag:s6], $0x500  }
0x474: {  	[sflag:s6] =	ssyncset.done $0x0  }
0x475: {  	[sflag:s6] =	ssyncadd.s32 $0xFFFFFB00  }
0x476: {  	_ =	swait.ge [sflag:s6], $0x500  }
0x477: {  	[sflag:s6] =	ssyncset.done $0x0  }
0x478: {  	[sflag:s6] =	ssyncadd.s32 $0xFFFFFB00  }
0x479: {  	_ =	swait.ge [sflag:s6], $0x500  }
0x47a: {  	[sflag:s6] =	ssyncset.done $0x0  }
0x47b: {  	[sflag:s6] =	ssyncadd.s32 $0xFFFFFB00  }
0x47c: {  	_ =	swait.ge [sflag:s6], $0x500  }
0x47d: {  	[sflag:s6] =	ssyncset.done $0x0  }
0x47e: {  	[sflag:s6] =	ssyncadd.s32 $0xFFFFFB00  }
0x47f: {  	_ =	swait.ge [sflag:s6], $0x500  }
0x480: {  	[sflag:s6] =	ssyncset.done $0x0  }
0x481: {  	[sflag:s6] =	ssyncadd.s32 $0xFFFFFB00  }
0x482: {  	_ =	swait.ge [sflag:s6], $0x500  }
0x483: {  	[sflag:s6] =	ssyncset.done $0x0  }
0x484: {  	[sflag:s6] =	ssyncadd.s32 $0xFFFFFB00  }
0x485: {  	_ =	swait.ge [sflag:s6], $0x500  }
0x486: {  	[sflag:s6] =	ssyncset.done $0x0  }
0x487: {  	[sflag:s6] =	ssyncadd.s32 $0xFFFFFB00  }
0x488: {  	_ =	swait.ge [sflag:s6], $0x500  }
0x489: {  	[sflag:s6] =	ssyncset.done $0x0  }
0x48a: {  	[sflag:s6] =	ssyncadd.s32 $0xFFFFFB00  }
0x48b: {  	_ =	swait.ge [sflag:s6], $0x500  }
0x48c: {  	[sflag:s6] =	ssyncset.done $0x0  }
0x48d: {  	[sflag:s6] =	ssyncadd.s32 $0xFFFFFB00  }
0x48e: {  	_ =	swait.ge [sflag:s6], $0x500  }
0x48f: {  	[sflag:s6] =	ssyncset.done $0x0  }
0x490: {  	[sflag:s6] =	ssyncadd.s32 $0xFFFFFB00  }
0x491: {  	_ =	swait.ge [sflag:s6], $0x500  }
0x492: {  	[sflag:s6] =	ssyncset.done $0x0  }
0x493: {  	[sflag:s6] =	ssyncadd.s32 $0xFFFFFB00  }
0x494: {  	_ =	swait.ge [sflag:s6], $0x500  }
0x495: {  	[sflag:s6] =	ssyncset.done $0x0  }
0x496: {  	[sflag:s6] =	ssyncadd.s32 $0xFFFFFB00  }
0x497: {  	_ =	swait.ge [sflag:s6], $0x500  }
0x498: {  	[sflag:s6] =	ssyncset.done $0x0  }
0x499: {  	[sflag:s6] =	ssyncadd.s32 $0xFFFFFB00  }
0x49a: {  	_ =	swait.ge [sflag:s6], $0x500  }
0x49b: {  	[sflag:s6] =	ssyncset.done $0x0  }
0x49c: {  	[sflag:s6] =	ssyncadd.s32 $0xFFFFFB00  }
0x49d: {  	_ =	swait.ge [sflag:s6], $0x500  }
0x49e: {  	[sflag:s6] =	ssyncset.done $0x0  }
0x49f: {  	[sflag:s6] =	ssyncadd.s32 $0xFFFFFB00  }
0x4a0: {  	_ =	swait.ge [sflag:s6], $0x500  }
0x4a1: {  	[sflag:s6] =	ssyncset.done $0x0  }
0x4a2: {  	[sflag:s6] =	ssyncadd.s32 $0xFFFFFB00  }
0x4a3: {  	_ =	swait.ge [sflag:s6], $0x500  }
0x4a4: {  	[sflag:s6] =	ssyncset.done $0x0  }
0x4a5: {  	[sflag:s6] =	ssyncadd.s32 $0xFFFFFB00  }
0x4a6: {  	_ =	swait.ge [sflag:s6], $0x500  }
0x4a7: {  	[sflag:s6] =	ssyncset.done $0x0  }
0x4a8: {  	[sflag:s6] =	ssyncadd.s32 $0xFFFFFB00  }
0x4a9: {  	_ =	swait.ge [sflag:s6], $0x500  }
0x4aa: {  	[sflag:s6] =	ssyncset.done $0x0  }
0x4ab: {  	[sflag:s6] =	ssyncadd.s32 $0xFFFFFB00  }
0x4ac: {  	_ =	swait.ge [sflag:s6], $0x500  }
0x4ad: {  	[sflag:s6] =	ssyncset.done $0x0  }
0x4ae: {  	s17 =	simm.s32 $0x7;
	[sflag:s6] =	ssyncadd.s32 $0xFFFFFB00  }
0x4af: {  	_ =	swait.ge [sflag:s17], $0x2800  }
0x4b0: {  	[sflag:s17] =	ssyncset.done $0x0  }
0x4b1: {  	s18 =	rddreg [dreg:$0x14];
	[sflag:s17] =	ssyncadd.s32 $0xFFFFD800  }
0x4b2: {  	s19 =	simm.s32 $0x9;
	s7 =	simm.s32 $0x17830;
	s3 =	rddreg [dreg:$0x4]  }
0x4b3: {  	[spmem:s3] =	stream.indirect.scatter.add.f32 [tilespmem:s7], [sflag:$0x9], $0x80, s18, s4, $0xb8;
	[tilespmem:$0x1D130] =	vst v63  }
0x4b4: {  	_ =	swait.ge [sflag:s19], $0x2800  }
0x4b5: {  	[sflag:s19] =	ssyncset.done $0x0  }
0x4b6: {  	s21 =	simm.s32 $0x8;
	s20 =	rddreg [dreg:$0xe];
	[sflag:s19] =	ssyncadd.s32 $0xFFFFD800  }
0x4b7: {  	[tilespmem:s7], [sflag:$0x7] =	stream.linear.gather [hbm4b:s20+s15], $0x2800, $0x38;
	[tilespmem:$0x1D130] =	vst v63  }
0x4b8: {  	_ =	swait.ge [sflag:s21], $0x2800  }
0x4b9: {  	s23 =	simm.s32 $0xA;
	[sflag:s21] =	ssyncset.done $0x0  }
0x4ba: {  	s9 =	simm.s32 $0x1A030;
	s22 =	rddreg [dreg:$0x15];
	[sflag:s21] =	ssyncadd.s32 $0xFFFFD800  }
0x4bb: {  	[spmem:s3] =	stream.indirect.scatter.add.f32 [tilespmem:s9], [sflag:$0xA], $0x80, s22, s4, $0xb8;
	[tilespmem:$0x1D130] =	vst v63  }
0x4bc: {  	_ =	swait.ge [sflag:s23], $0x2800  }
0x4bd: {  	[sflag:s23] =	ssyncset.done $0x0  }
0x4be: {  	s0 =	simm.s32 @p0 $0x7;
	[sflag:s23] =	ssyncadd.s32 $0xFFFFD800  }
0x4bf: {  	_ =	swait.ge @p0 [sflag:s0], $0x2800  }
0x4c0: {  	s1 =	simm.s32 @p0 $0x17830;
	[sflag:s0] =	ssyncset.done @p0 $0x0  }
0x4c1: {  	s4 =	rddreg [dreg:$0x16];
	[sflag:s0] =	ssyncadd.s32 @p0 $0xFFFFD800;
	s0 =	simm.s32 @p0 $0x50  }
0x4c2: {  	[spmem:s3] =	stream.indirect.scatter.add.f32 @p0 [tilespmem:s1], [sflag:$0x9], $0x80, s4, s0, $0xb8;
	[tilespmem:$0x1D130] =	vst v63  }
0x4c3: {  	s2 =	rddreg [dreg:$0xf];
	s0 =	simm.s32 @!p0 $0x0;
	s1 =	simm.s32 @!p0 $0x1A030  }
0x4c4: {  	[tilespmem:s1], [sflag:$0x8] =	stream.linear.gather @!p0 [hbm4b:s2+s0], $0x2800, $0x38;
	[tilespmem:$0x1D130] =	vst v63  }
0x4c5: {  	s0 =	simm.s32 @!p0 $0x7  }
0x4c6: {  	_ =	swait.ge @!p0 [sflag:s0], $0x2800  }
0x4c7: {  	[sflag:s0] =	ssyncset.done @!p0 $0x0  }
0x4c8: {  	s2 =	simm.s32 @!p0 $0x17830;
	[sflag:s0] =	ssyncadd.s32 @!p0 $0xFFFFD800;
	s0 =	simm.s32 @!p0 $0x50  }
0x4c9: {  	[spmem:s3] =	stream.indirect.scatter.add.f32 @!p0 [tilespmem:s2], [sflag:$0x9], $0x80, s4, s0, $0xb8;
	[tilespmem:$0x1D130] =	vst v63  }
0x4ca: {  	s2 =	simm.s32 @!p0 $0x9  }
0x4cb: {  	_ =	swait.ge @!p0 [sflag:s2], $0x2800  }
0x4cc: {  	[sflag:s2] =	ssyncset.done @!p0 $0x0  }
0x4cd: {  	[sflag:s2] =	ssyncadd.s32 @!p0 $0xFFFFD800;
	s2 =	simm.s32 @!p0 $0x8  }
0x4ce: {  	_ =	swait.ge @!p0 [sflag:s2], $0x2800  }
0x4cf: {  	[sflag:s2] =	ssyncset.done @!p0 $0x0  }
0x4d0: {  	[sflag:s2] =	ssyncadd.s32 @!p0 $0xFFFFD800;
	s2 =	rddreg [dreg:$0x17]  }
0x4d1: {  	[spmem:s3] =	stream.indirect.scatter.add.f32 @!p0 [tilespmem:s1], [sflag:$0xA], $0x80, s2, s0, $0xb8;
	[tilespmem:$0x1D130] =	vst v63  }
0x4d2: {  	s0 =	simm.s32 @!p0 $0xA  }
0x4d3: {  	s0 =	simm.s32 @p0 $0x9  }
0x4d4: {  	_ =	swait.ge [sflag:s0], $0x2800  }
0x4d5: {  	[sflag:s0] =	ssyncset.done $0x0  }
0x4d6: {  	[sflag:s0] =	ssyncadd.s32 $0xFFFFD800  }
0x4d7: {  	s24 =	stileid.u32;
	[bflag:$0x0] =	sbarrier.arrive $0xFFFF  }
0x4d8: {  	s3 =	simm.s32 $0xB;
	s0 =	sshll.u32 s24, $0x6;
	s13 =	rddreg [dreg:$0xc]  }
0x4d9: {  	s0 =	sor.u32 $0x1C0B, s0;
	s26 =	rddreg [dreg:$0x18];
	s25 =	sshrl.u32 s13, $0x3  }
0x4da: {  	[hbm:s26], [sflag:s0] =	dma.local [spmem:s25], $0x100  }
0x4db: {  	_ =	swait.ge [sflag:s3], $0x100  }
0x4dc: {  	[sflag:s3] =	ssyncset.done $0x0;
	s14 =	rddreg [dreg:$0xd]  }
0x4dd: {  	s29 =	rddreg [dreg:$0x11];
	[sflag:s3] =	ssyncadd.s32 $0xFFFFFF00;
	s28 =	sshrl.u32 s14, $0x3  }
0x4de: {  	[hbm:s29], [sflag:s0] =	dma.local [spmem:s28], $0x20  }
0x4df: {  	_ =	swait.ge [sflag:s3], $0x20  }
0x4e0: {  	s30 =	rddreg [dreg:$0x1a]  }
0x4e1: {  	s31 =	rddreg [dreg:$0x19];
	s1 =	sadd.s32 $0x1, s30  }
0x4e2: {  	p1 =	sne.s32 s1, s31  }
.Ltmp1:
0x4e3: {  	_ = 	snop;
	(pc) =	sbr.rel @p1 .LBB2_1-.Ltmp1, $3  }
0x4e4: {  	_ =	sdelay $0x1  }
0x4e5: {  	[sflag:s3] =	ssyncset.done $0x0  }
0x4e6: {  	[sflag:s3] =	ssyncadd.s32 $0xFFFFFFE0  }
0x4e7: {  	_ =	sfence.sel $0x180000  }
0x4e8: {  	[bflag:$0x0] =	sbarrier.arrive $0xFFFF  }
0x4e9: {  	_ =	strace $0x90000047  }
0x4ea: {  	s0 =	stileid.u32;
	[bflag:$0x2] =	sbarrier.arrive $0xFFFF  }
0x4eb: {  	p0 =	sne.s32 s0, $0x0;
	s0 =	rddreg [dreg:$0x6]  }
0x4ec: {  	s0 =	sadd.s32 @!p0 $0x100000, s0  }
0x4ed: {  	[sflag:s0] =	ssyncadd.tile.s32 @!p0 $0x1;
	_ =	shalt  }
.Lfunc_end2:
_tile_overlayer_lowered:
.L_overlay_start_2:
0x4ee: {  	(tag) =	ssettag $0x2  }
0x4ef: {  	s0 =	rddreg [dreg:$0x0];
	s2 =	stileid.u32  }
0x4f0: {  	s1 =	rddreg [dreg:$0x1];
	p0 =	sne.s32 s2, $0x0  }
0x4f1: {  	s3 =	rddreg [dreg:$0x2];
	[bflag:$0x3] =	sbarrier.arrive $0xFFFF;
	s2 =	simm.s32 @!p0 $0x1C0B  }
0x4f2: {  	[timem:s3], [sflag:s2] =	dma.local @!p0 [hbm:s0], s1  }
0x4f3: {  	s0 =	simm.s32 @!p0 $0xB  }
0x4f4: {  	_ =	swait.ge @!p0 [sflag:s0], s1  }
0x4f5: {  	s1 =	ssub.s32 @!p0 $0x0, s1;
	[sflag:s0] =	ssyncset.done @!p0 $0x0  }
0x4f6: {  	[sflag:s0] =	ssyncadd.s32 @!p0 s1  }
0x4f7: {  	[bflag:$0x3] =	sbarrier.arrive $0xFFFF  }
0x4f8: {  	_ =	shalt  }

</sc_bundles>
